<compile_context>
chip_gen: v7x
topology: tpu7x:2x2x1
jax: 0.10.2.dev20260603
libtpu: 0.0.44.dev20260713+nightly
codegen_flags: <defaults>
</compile_context>

<pallas_src>
import functools

import jax
import jax.numpy as jnp
from jax import lax
from jax.experimental import pallas as pl
from jax.experimental.pallas import tpu as pltpu
from jax.experimental.pallas import tpu_sc as plsc

HIDDEN = 64
SCALE = float(HIDDEN) ** 0.5

NC = 2
NS = 16
NW = NC * NS
LANES = 16

BLK = 4096
BB = 128
DEPTH = 4


def _prep_body(nfull, tail_h, lo_ref, hi_ref, out_ref):
    lo = jnp.transpose(lo_ref[...], (1, 0))
    hi = jnp.transpose(hi_ref[...], (1, 0))
    out_ref[...] = jnp.concatenate([lo, hi], axis=1) * SCALE

    @pl.when(pl.program_id(0) == nfull)
    def _():
        out_ref[pl.ds(0, tail_h)] = jnp.concatenate(
            [lo[:tail_h], lo[tail_h:2 * tail_h]], axis=1
        ) * SCALE


def _gather_body(tokt_hbm, table_hbm, out_hbm,
                 idx0, idx1, idx2, idx3,
                 rows0, rows1, rows2, rows3, t0, t1,
                 gsem0, gsem1, gsem2, gsem3, osem0, osem1):
    wid = lax.axis_index("s") * NC + lax.axis_index("c")
    n_s = tokt_hbm.shape[0]
    nbt = tokt_hbm.shape[1] // BB
    per_worker = (n_s * nbt) // NW
    base = wid * per_worker

    idx = (idx0, idx1, idx2, idx3)
    rows = (rows0, rows1, rows2, rows3)
    tbuf = (t0, t1)
    gsem = (gsem0, gsem1, gsem2, gsem3)
    osem = (osem0, osem1)

    iota = lax.iota(jnp.int32, LANES)
    h_q = [iota + LANES * q for q in range(HIDDEN // LANES)]

    vocab = table_hbm.shape[0]
    kk = (vocab // 2 // BLK) * BLK
    k2 = 2 * kk
    tail_h = (vocab - k2) // 2
    c_k = jnp.full((LANES,), kk, jnp.int32)
    c_k2 = jnp.full((LANES,), k2, jnp.int32)
    c_kt = jnp.full((LANES,), k2 + tail_h, jnp.int32)
    c_a = jnp.full((LANES,), k2 - 1, jnp.int32)
    c_ta = jnp.full((LANES,), k2, jnp.int32)
    c_tb = jnp.full((LANES,), k2 + 2 * tail_h - 1, jnp.int32)
    c_zero = jnp.zeros((LANES,), jnp.int32)

    def start(u, buf):
        s = u // nbt
        bt = lax.rem(u, nbt)
        pltpu.sync_copy(tokt_hbm.at[s, pl.ds(bt * BB, BB)], idx[buf])

        def fix(i, carry):
            sl = pl.ds(i * LANES, LANES)
            v = idx[buf][sl]
            adj_m = jnp.where(v >= c_k, c_a, c_zero)
            adj_t = jnp.where(v >= c_kt, c_tb, c_ta)
            idx[buf][sl] = v + v - jnp.where(v >= c_k2, adj_t, adj_m)
            return carry

        lax.fori_loop(0, BB // LANES, fix, 0, unroll=4)
        pltpu.async_copy(table_hbm.at[idx[buf]], rows[buf], gsem[buf])

    def wait_gather(buf):
        pltpu.make_async_copy(table_hbm.at[pl.ds(0, BB)], rows[buf],
                              gsem[buf]).wait()

    def wait_store(tb):
        for ht in range(8):
            pltpu.make_async_copy(out_hbm.at[0, 0, 0],
                                  tbuf[tb].at[pl.ds(0, 8), pl.ds(0, BB)],
                                  osem[tb]).wait()

    def transpose_unit(buf, tb):
        def row_body(r, carry):
            rs = jnp.full((LANES,), r, jnp.int32)
            for q in range(HIDDEN // LANES):
                v = rows[buf][r, pl.ds(q * LANES, LANES)]
                plsc.store_scatter(tbuf[tb], [h_q[q], rs], v)
            return carry

        lax.fori_loop(0, BB, row_body, 0, unroll=8)

    def store(u, tb):
        s = u // nbt
        bt = lax.rem(u, nbt)
        for ht in range(8):
            pltpu.async_copy(tbuf[tb].at[pl.ds(8 * ht, 8), pl.ds(0, BB)],
                             out_hbm.at[s, ht, bt], osem[tb])

    for w in range(DEPTH - 1):
        start(base + w, w)

    def quad_body(p, carry):
        for buf in range(DEPTH):
            t = p * DEPTH + buf
            u = base + t
            tb = buf % 2

            @pl.when(t + DEPTH - 1 < per_worker)
            def _():
                start(u + DEPTH - 1, (buf + DEPTH - 1) % DEPTH)

            @pl.when(t >= 2)
            def _():
                wait_store(tb)

            wait_gather(buf)
            transpose_unit(buf, tb)
            store(u, tb)
        return carry

    lax.fori_loop(0, per_worker // DEPTH, quad_body, 0)
    wait_store(0)
    wait_store(1)


def kernel(token, table):
    nb, ns = token.shape
    vocab = table.shape[0]
    n_ht = HIDDEN // 8
    nbt = nb // BB

    half = vocab // 2
    nfull = half // BLK
    kk = nfull * BLK
    tail_h = (vocab - 2 * kk) // 2
    table_p = pl.pallas_call(
        functools.partial(_prep_body, nfull, tail_h),
        grid=(nfull + 1,),
        in_specs=[
            pl.BlockSpec((HIDDEN, BLK),
                         lambda j: (0, jnp.where(j == nfull, 2 * nfull, j))),
            pl.BlockSpec(
                (HIDDEN, BLK),
                lambda j: (0, jnp.where(j == nfull, 2 * nfull, j + nfull))),
        ],
        out_specs=pl.BlockSpec((BLK, 2 * HIDDEN), lambda j: (j, 0)),
        out_shape=jax.ShapeDtypeStruct((half, 2 * HIDDEN), jnp.float32),
    )(table.T, table.T)
    table_v = table_p.reshape(vocab, HIDDEN)

    mesh = plsc.VectorSubcoreMesh(core_axis_name="c", subcore_axis_name="s")
    out5d = pl.kernel(
        _gather_body,
        out_type=jax.ShapeDtypeStruct((ns, n_ht, nbt, 8, BB), jnp.float32),
        mesh=mesh,
        scratch_types=[
            pltpu.VMEM((BB,), jnp.int32),
            pltpu.VMEM((BB,), jnp.int32),
            pltpu.VMEM((BB,), jnp.int32),
            pltpu.VMEM((BB,), jnp.int32),
            pltpu.VMEM((BB, HIDDEN), jnp.float32),
            pltpu.VMEM((BB, HIDDEN), jnp.float32),
            pltpu.VMEM((BB, HIDDEN), jnp.float32),
            pltpu.VMEM((BB, HIDDEN), jnp.float32),
            pltpu.VMEM((HIDDEN, BB + 1), jnp.float32),
            pltpu.VMEM((HIDDEN, BB + 1), jnp.float32),
            pltpu.SemaphoreType.DMA,
            pltpu.SemaphoreType.DMA,
            pltpu.SemaphoreType.DMA,
            pltpu.SemaphoreType.DMA,
            pltpu.SemaphoreType.DMA,
            pltpu.SemaphoreType.DMA,
        ],
        compiler_params=pltpu.CompilerParams(use_tc_tiling_on_sc=False, needs_layout_passes=False),
    )(token.T, table_v)
    return out5d.transpose(2, 4, 0, 1, 3).reshape(nb, ns, HIDDEN)

# --- scband reference (transcript-rebuilt; emitter-appended) ---
"""Pipeline reference for scband-token-embedding-5093831213698 (READ-ONLY COPY).

The authoritative reference and input builder live on the scoring server;
editing this copy changes nothing except your own understanding.
"""

import jax, jax.numpy as jnp
import numpy as np

VOCAB = 1000000
HIDDEN = 64

def setup_inputs(seed: int = 0) -> dict:
    key = jax.random.key(seed)
    k1, k2 = jax.random.split(key)
    token = jax.random.randint(k1, (4096, 200), 0, VOCAB, dtype=jnp.int64 if jax.config.jax_enable_x64 else jnp.int32)
    table = jax.random.normal(k2, (VOCAB, HIDDEN), dtype=jnp.float32)
    return {"token": token, "table": table}

def reference(token, table):
    scaling = HIDDEN ** 0.5
    embedded = jnp.take(table, token, axis=0) * scaling
    return embedded

if __name__ == "__main__":
    import jax
    _d = setup_inputs()
    print(jax.jit(kernel)(*tuple(_d.values())))

</pallas_src>

<mosaic_0001>
#map = affine_map<(d0, d1) -> (0, 0)>
#map1 = affine_map<(d0, d1) -> (0, 0, 0, 0, 0)>
module attributes {stable_mosaic.version = 14 : i64} {
  func.func @_gather_body(%arg0: i32, %arg1: i32, %arg2: memref<200x4096xi32, #tpu.memory_space<hbm>>, %arg3: memref<1000000x64xf32, #tpu.memory_space<hbm>>, %arg4: memref<200x8x32x8x128xf32, #tpu.memory_space<hbm>>, %arg5: memref<128xi32, #tpu.memory_space<vmem>>, %arg6: memref<128xi32, #tpu.memory_space<vmem>>, %arg7: memref<128xi32, #tpu.memory_space<vmem>>, %arg8: memref<128xi32, #tpu.memory_space<vmem>>, %arg9: memref<128x64xf32, #tpu.memory_space<vmem>>, %arg10: memref<128x64xf32, #tpu.memory_space<vmem>>, %arg11: memref<128x64xf32, #tpu.memory_space<vmem>>, %arg12: memref<128x64xf32, #tpu.memory_space<vmem>>, %arg13: memref<64x129xf32, #tpu.memory_space<vmem>>, %arg14: memref<64x129xf32, #tpu.memory_space<vmem>>, %arg15: memref<!tpu.dma_semaphore, #tpu.memory_space<semaphore_mem>>, %arg16: memref<!tpu.dma_semaphore, #tpu.memory_space<semaphore_mem>>, %arg17: memref<!tpu.dma_semaphore, #tpu.memory_space<semaphore_mem>>, %arg18: memref<!tpu.dma_semaphore, #tpu.memory_space<semaphore_mem>>, %arg19: memref<!tpu.dma_semaphore, #tpu.memory_space<semaphore_mem>>, %arg20: memref<!tpu.dma_semaphore, #tpu.memory_space<semaphore_mem>>) attributes {dimension_semantics = [#tpu.dimension_semantics<core_parallel>, #tpu.dimension_semantics<subcore_parallel>], iteration_bounds = array<i64: 2, 16>, scalar_prefetch = 0 : i64, scratch_operands = 16 : i64, tpu.core_type = #tpu.core_type<sc_vector_subcore>, window_params = [{transform_indices = #map}, {transform_indices = #map}, {transform_indices = #map1}]} {
    %mul3A = arith.constant 2 : i32
    %mul3A_0 = arith.muli %arg1, %mul3A : i32
    %add3A = arith.addi %mul3A_0, %arg0 : i32
    %mul3A_1 = arith.constant 200 : i32
    %mul3A_2 = arith.muli %add3A, %mul3A_1 : i32
    %iota3A = tpu.iota {dimensions = array<i32: 0>} : vector<16xi32>
    %add3A_3 = arith.constant 0 : i32
    %add3A_4 = vector.broadcast %add3A_3 : i32 to vector<16xi32>
    %add3A_5 = arith.addi %iota3A, %add3A_4 : vector<16xi32>
    %add3A_6 = arith.constant 16 : i32
    %add3A_7 = vector.broadcast %add3A_6 : i32 to vector<16xi32>
    %add3A_8 = arith.addi %iota3A, %add3A_7 : vector<16xi32>
    %add3A_9 = arith.constant 32 : i32
    %add3A_10 = vector.broadcast %add3A_9 : i32 to vector<16xi32>
    %add3A_11 = arith.addi %iota3A, %add3A_10 : vector<16xi32>
    %add3A_12 = arith.constant 48 : i32
    %add3A_13 = vector.broadcast %add3A_12 : i32 to vector<16xi32>
    %add3A_14 = arith.addi %iota3A, %add3A_13 : vector<16xi32>
    %broadcast_in_dim3A = arith.constant 499712 : i32
    %broadcast_in_dim3A_15 = vector.broadcast %broadcast_in_dim3A : i32 to vector<16xi32>
    %broadcast_in_dim3A_16 = arith.constant 999424 : i32
    %broadcast_in_dim3A_17 = vector.broadcast %broadcast_in_dim3A_16 : i32 to vector<16xi32>
    %broadcast_in_dim3A_18 = arith.constant 999712 : i32
    %broadcast_in_dim3A_19 = vector.broadcast %broadcast_in_dim3A_18 : i32 to vector<16xi32>
    %broadcast_in_dim3A_20 = arith.constant 999423 : i32
    %broadcast_in_dim3A_21 = vector.broadcast %broadcast_in_dim3A_20 : i32 to vector<16xi32>
    %broadcast_in_dim3A_22 = arith.constant 999424 : i32
    %broadcast_in_dim3A_23 = vector.broadcast %broadcast_in_dim3A_22 : i32 to vector<16xi32>
    %broadcast_in_dim3A_24 = arith.constant 999999 : i32
    %broadcast_in_dim3A_25 = vector.broadcast %broadcast_in_dim3A_24 : i32 to vector<16xi32>
    %broadcast_in_dim3A_26 = arith.constant 0 : i32
    %broadcast_in_dim3A_27 = vector.broadcast %broadcast_in_dim3A_26 : i32 to vector<16xi32>
    %add3A_28 = arith.constant 0 : i32
    %add3A_29 = arith.addi %mul3A_2, %add3A_28 : i32
    %jit3A = arith.constant 32 : i32
    %div3A = arith.divsi %add3A_29, %jit3A : i32
    %sign3A = arith.constant 0 : i32
    %sign3A_30 = arith.cmpi sgt, %add3A_29, %sign3A : i32
    %sign3A_31 = arith.extui %sign3A_30 : i1 to i32
    %sign3A_32 = arith.constant 0 : i32
    %sign3A_33 = arith.cmpi slt, %add3A_29, %sign3A_32 : i32
    %sign3A_34 = arith.extui %sign3A_33 : i1 to i32
    %sign3A_35 = arith.subi %sign3A_31, %sign3A_34 : i32
    %sign3A_36 = arith.constant 0 : i32
    %sign3A_37 = arith.cmpi sgt, %jit3A, %sign3A_36 : i32
    %sign3A_38 = arith.extui %sign3A_37 : i1 to i32
    %sign3A_39 = arith.constant 0 : i32
    %sign3A_40 = arith.cmpi slt, %jit3A, %sign3A_39 : i32
    %sign3A_41 = arith.extui %sign3A_40 : i1 to i32
    %sign3A_42 = arith.subi %sign3A_38, %sign3A_41 : i32
    %ne3A = arith.cmpi ne, %sign3A_35, %sign3A_42 : i32
    %rem3A = arith.remsi %add3A_29, %jit3A : i32
    %ne3A_43 = arith.constant 0 : i32
    %ne3A_44 = arith.cmpi ne, %rem3A, %ne3A_43 : i32
    %and3A = arith.andi %ne3A, %ne3A_44 : i1
    %sub3A = arith.constant 1 : i32
    %sub3A_45 = arith.subi %div3A, %sub3A : i32
    %select_n3A = arith.select %and3A, %sub3A_45, %div3A : i32
    %rem3A_46 = arith.constant 32 : i32
    %rem3A_47 = arith.remsi %add3A_29, %rem3A_46 : i32
    %mul3A_48 = arith.constant 128 : i32
    %mul3A_49 = arith.muli %rem3A_47, %mul3A_48 : i32
    "tpu.region"() ({
      %run_scoped3A = tpu.sem_alloc : memref<!tpu.dma_semaphore, #tpu.memory_space<semaphore_mem>>
      %dma_start3A_412 = tpu.memref_slice %arg2[%select_n3A, %mul3A_49] : memref<200x4096xi32, #tpu.memory_space<hbm>> -> memref<1x128xi32, #tpu.memory_space<hbm>>
      %dma_start3A_413 = tpu.memref_squeeze %dma_start3A_412 : memref<1x128xi32, #tpu.memory_space<hbm>> -> memref<128xi32, #tpu.memory_space<hbm>>
      %dma_start3A_414 = tpu.memref_slice %arg2[%select_n3A, %mul3A_49] : memref<200x4096xi32, #tpu.memory_space<hbm>> -> memref<1x128xi32, #tpu.memory_space<hbm>>
      %dma_start3A_415 = tpu.memref_squeeze %dma_start3A_414 : memref<1x128xi32, #tpu.memory_space<hbm>> -> memref<128xi32, #tpu.memory_space<hbm>>
      tpu.enqueue_dma source(%dma_start3A_415 : memref<128xi32, #tpu.memory_space<hbm>>) target(%arg5 : memref<128xi32, #tpu.memory_space<vmem>>) target_semaphore(%run_scoped3A : memref<!tpu.dma_semaphore, #tpu.memory_space<semaphore_mem>>)
      %dma_wait3A_416 = tpu.memref_slice %arg2[%select_n3A, %mul3A_49] : memref<200x4096xi32, #tpu.memory_space<hbm>> -> memref<1x128xi32, #tpu.memory_space<hbm>>
      %dma_wait3A_417 = tpu.memref_squeeze %dma_wait3A_416 : memref<1x128xi32, #tpu.memory_space<hbm>> -> memref<128xi32, #tpu.memory_space<hbm>>
      %dma_wait3A_418 = tpu.memref_slice %arg2[%select_n3A, %mul3A_49] : memref<200x4096xi32, #tpu.memory_space<hbm>> -> memref<1x128xi32, #tpu.memory_space<hbm>>
      %dma_wait3A_419 = tpu.memref_squeeze %dma_wait3A_418 : memref<1x128xi32, #tpu.memory_space<hbm>> -> memref<128xi32, #tpu.memory_space<hbm>>
      tpu.wait_dma2 semaphore(%run_scoped3A : memref<!tpu.dma_semaphore, #tpu.memory_space<semaphore_mem>>) src(%dma_wait3A_419 : memref<128xi32, #tpu.memory_space<hbm>>) dst(%arg5 : memref<128xi32, #tpu.memory_space<vmem>>)
      tpu.yield
    }) : () -> ()
    %scan3A = arith.constant 0 : i32
    %scan3A_50 = arith.constant 0 : i32
    %scan3A_51 = arith.constant 8 : i32
    %scan3A_52 = arith.addi %scan3A_50, %scan3A_51 : i32
    %scan3A_53 = arith.constant 4 : i32
    scf.for %scan3A_412 = %scan3A_50 to %scan3A_52 step %scan3A_53  : i32 {
      %mul3A_413 = arith.constant 16 : i32
      %mul3A_414 = arith.muli %scan3A_412, %mul3A_413 : i32
      %get3A = arith.index_cast %mul3A_414 : i32 to index
      %get3A_415 = tpu.vector_load %arg5[%get3A] {strides = array<i32>} : memref<128xi32, #tpu.memory_space<vmem>>, vector<16xi32>,
      %ge3A = arith.cmpi sge, %get3A_415, %broadcast_in_dim3A_15 : vector<16xi32>
      %select_n3A_416 = arith.select %ge3A, %broadcast_in_dim3A_21, %broadcast_in_dim3A_27 : vector<16xi1>, vector<16xi32>
      %ge3A_417 = arith.cmpi sge, %get3A_415, %broadcast_in_dim3A_19 : vector<16xi32>
      %select_n3A_418 = arith.select %ge3A_417, %broadcast_in_dim3A_25, %broadcast_in_dim3A_23 : vector<16xi1>, vector<16xi32>
      %add3A_419 = arith.addi %get3A_415, %get3A_415 : vector<16xi32>
      %ge3A_420 = arith.cmpi sge, %get3A_415, %broadcast_in_dim3A_17 : vector<16xi32>
      %select_n3A_421 = arith.select %ge3A_420, %select_n3A_418, %select_n3A_416 : vector<16xi1>, vector<16xi32>
      %sub3A_422 = arith.subi %add3A_419, %select_n3A_421 : vector<16xi32>
      %swap3A = arith.index_cast %mul3A_414 : i32 to index
      %swap3A_423 = tpu.vector_load %arg5[%swap3A] {strides = array<i32>} : memref<128xi32, #tpu.memory_space<vmem>>, vector<16xi32>,
      tpu.vector_store %arg5[%swap3A], %sub3A_422 {strides = array<i32>} : memref<128xi32, #tpu.memory_space<vmem>>, vector<16xi32>,
      %scan3A_424 = arith.constant 1 : i32
      %scan3A_425 = arith.addi %scan3A_412, %scan3A_424 : i32
      %mul3A_426 = arith.constant 16 : i32
      %mul3A_427 = arith.muli %scan3A_425, %mul3A_426 : i32
      %get3A_428 = arith.index_cast %mul3A_427 : i32 to index
      %get3A_429 = tpu.vector_load %arg5[%get3A_428] {strides = array<i32>} : memref<128xi32, #tpu.memory_space<vmem>>, vector<16xi32>,
      %ge3A_430 = arith.cmpi sge, %get3A_429, %broadcast_in_dim3A_15 : vector<16xi32>
      %select_n3A_431 = arith.select %ge3A_430, %broadcast_in_dim3A_21, %broadcast_in_dim3A_27 : vector<16xi1>, vector<16xi32>
      %ge3A_432 = arith.cmpi sge, %get3A_429, %broadcast_in_dim3A_19 : vector<16xi32>
      %select_n3A_433 = arith.select %ge3A_432, %broadcast_in_dim3A_25, %broadcast_in_dim3A_23 : vector<16xi1>, vector<16xi32>
      %add3A_434 = arith.addi %get3A_429, %get3A_429 : vector<16xi32>
      %ge3A_435 = arith.cmpi sge, %get3A_429, %broadcast_in_dim3A_17 : vector<16xi32>
      %select_n3A_436 = arith.select %ge3A_435, %select_n3A_433, %select_n3A_431 : vector<16xi1>, vector<16xi32>
      %sub3A_437 = arith.subi %add3A_434, %select_n3A_436 : vector<16xi32>
      %swap3A_438 = arith.index_cast %mul3A_427 : i32 to index
      %swap3A_439 = tpu.vector_load %arg5[%swap3A_438] {strides = array<i32>} : memref<128xi32, #tpu.memory_space<vmem>>, vector<16xi32>,
      tpu.vector_store %arg5[%swap3A_438], %sub3A_437 {strides = array<i32>} : memref<128xi32, #tpu.memory_space<vmem>>, vector<16xi32>,
      %scan3A_440 = arith.constant 2 : i32
      %scan3A_441 = arith.addi %scan3A_412, %scan3A_440 : i32
      %mul3A_442 = arith.constant 16 : i32
      %mul3A_443 = arith.muli %scan3A_441, %mul3A_442 : i32
      %get3A_444 = arith.index_cast %mul3A_443 : i32 to index
      %get3A_445 = tpu.vector_load %arg5[%get3A_444] {strides = array<i32>} : memref<128xi32, #tpu.memory_space<vmem>>, vector<16xi32>,
      %ge3A_446 = arith.cmpi sge, %get3A_445, %broadcast_in_dim3A_15 : vector<16xi32>
      %select_n3A_447 = arith.select %ge3A_446, %broadcast_in_dim3A_21, %broadcast_in_dim3A_27 : vector<16xi1>, vector<16xi32>
      %ge3A_448 = arith.cmpi sge, %get3A_445, %broadcast_in_dim3A_19 : vector<16xi32>
      %select_n3A_449 = arith.select %ge3A_448, %broadcast_in_dim3A_25, %broadcast_in_dim3A_23 : vector<16xi1>, vector<16xi32>
      %add3A_450 = arith.addi %get3A_445, %get3A_445 : vector<16xi32>
      %ge3A_451 = arith.cmpi sge, %get3A_445, %broadcast_in_dim3A_17 : vector<16xi32>
      %select_n3A_452 = arith.select %ge3A_451, %select_n3A_449, %select_n3A_447 : vector<16xi1>, vector<16xi32>
      %sub3A_453 = arith.subi %add3A_450, %select_n3A_452 : vector<16xi32>
      %swap3A_454 = arith.index_cast %mul3A_443 : i32 to index
      %swap3A_455 = tpu.vector_load %arg5[%swap3A_454] {strides = array<i32>} : memref<128xi32, #tpu.memory_space<vmem>>, vector<16xi32>,
      tpu.vector_store %arg5[%swap3A_454], %sub3A_453 {strides = array<i32>} : memref<128xi32, #tpu.memory_space<vmem>>, vector<16xi32>,
      %scan3A_456 = arith.constant 3 : i32
      %scan3A_457 = arith.addi %scan3A_412, %scan3A_456 : i32
      %mul3A_458 = arith.constant 16 : i32
      %mul3A_459 = arith.muli %scan3A_457, %mul3A_458 : i32
      %get3A_460 = arith.index_cast %mul3A_459 : i32 to index
      %get3A_461 = tpu.vector_load %arg5[%get3A_460] {strides = array<i32>} : memref<128xi32, #tpu.memory_space<vmem>>, vector<16xi32>,
      %ge3A_462 = arith.cmpi sge, %get3A_461, %broadcast_in_dim3A_15 : vector<16xi32>
      %select_n3A_463 = arith.select %ge3A_462, %broadcast_in_dim3A_21, %broadcast_in_dim3A_27 : vector<16xi1>, vector<16xi32>
      %ge3A_464 = arith.cmpi sge, %get3A_461, %broadcast_in_dim3A_19 : vector<16xi32>
      %select_n3A_465 = arith.select %ge3A_464, %broadcast_in_dim3A_25, %broadcast_in_dim3A_23 : vector<16xi1>, vector<16xi32>
      %add3A_466 = arith.addi %get3A_461, %get3A_461 : vector<16xi32>
      %ge3A_467 = arith.cmpi sge, %get3A_461, %broadcast_in_dim3A_17 : vector<16xi32>
      %select_n3A_468 = arith.select %ge3A_467, %select_n3A_465, %select_n3A_463 : vector<16xi1>, vector<16xi32>
      %sub3A_469 = arith.subi %add3A_466, %select_n3A_468 : vector<16xi32>
      %swap3A_470 = arith.index_cast %mul3A_459 : i32 to index
      %swap3A_471 = tpu.vector_load %arg5[%swap3A_470] {strides = array<i32>} : memref<128xi32, #tpu.memory_space<vmem>>, vector<16xi32>,
      tpu.vector_store %arg5[%swap3A_470], %sub3A_469 {strides = array<i32>} : memref<128xi32, #tpu.memory_space<vmem>>, vector<16xi32>,
    }
    %scan3A_54 = arith.constant 8 : i32
    %dma_start3A = arith.constant 0 : i32
    %dma_start3A_55 = arith.constant 0 : i32
    %dma_start3A_56 = tpu.memref_slice %arg3[%dma_start3A, %dma_start3A_55] : memref<1000000x64xf32, #tpu.memory_space<hbm>> -> memref<1000000x64xf32, #tpu.memory_space<hbm>>
    tpu.enqueue_indirect_dma source(%dma_start3A_56 : memref<1000000x64xf32, #tpu.memory_space<hbm>>) target(%arg9 : memref<128x64xf32, #tpu.memory_space<vmem>>) offsets(%arg5 : memref<128xi32, #tpu.memory_space<vmem>>) semaphore(%arg15 : memref<!tpu.dma_semaphore, #tpu.memory_space<semaphore_mem>>)
    %add3A_57 = arith.constant 1 : i32
    %add3A_58 = arith.addi %mul3A_2, %add3A_57 : i32
    %jit3A_59 = arith.constant 32 : i32
    %div3A_60 = arith.divsi %add3A_58, %jit3A_59 : i32
    %sign3A_61 = arith.constant 0 : i32
    %sign3A_62 = arith.cmpi sgt, %add3A_58, %sign3A_61 : i32
    %sign3A_63 = arith.extui %sign3A_62 : i1 to i32
    %sign3A_64 = arith.constant 0 : i32
    %sign3A_65 = arith.cmpi slt, %add3A_58, %sign3A_64 : i32
    %sign3A_66 = arith.extui %sign3A_65 : i1 to i32
    %sign3A_67 = arith.subi %sign3A_63, %sign3A_66 : i32
    %sign3A_68 = arith.constant 0 : i32
    %sign3A_69 = arith.cmpi sgt, %jit3A_59, %sign3A_68 : i32
    %sign3A_70 = arith.extui %sign3A_69 : i1 to i32
    %sign3A_71 = arith.constant 0 : i32
    %sign3A_72 = arith.cmpi slt, %jit3A_59, %sign3A_71 : i32
    %sign3A_73 = arith.extui %sign3A_72 : i1 to i32
    %sign3A_74 = arith.subi %sign3A_70, %sign3A_73 : i32
    %ne3A_75 = arith.cmpi ne, %sign3A_67, %sign3A_74 : i32
    %rem3A_76 = arith.remsi %add3A_58, %jit3A_59 : i32
    %ne3A_77 = arith.constant 0 : i32
    %ne3A_78 = arith.cmpi ne, %rem3A_76, %ne3A_77 : i32
    %and3A_79 = arith.andi %ne3A_75, %ne3A_78 : i1
    %sub3A_80 = arith.constant 1 : i32
    %sub3A_81 = arith.subi %div3A_60, %sub3A_80 : i32
    %select_n3A_82 = arith.select %and3A_79, %sub3A_81, %div3A_60 : i32
    %rem3A_83 = arith.constant 32 : i32
    %rem3A_84 = arith.remsi %add3A_58, %rem3A_83 : i32
    %mul3A_85 = arith.constant 128 : i32
    %mul3A_86 = arith.muli %rem3A_84, %mul3A_85 : i32
    "tpu.region"() ({
      %run_scoped3A = tpu.sem_alloc : memref<!tpu.dma_semaphore, #tpu.memory_space<semaphore_mem>>
      %dma_start3A_412 = tpu.memref_slice %arg2[%select_n3A_82, %mul3A_86] : memref<200x4096xi32, #tpu.memory_space<hbm>> -> memref<1x128xi32, #tpu.memory_space<hbm>>
      %dma_start3A_413 = tpu.memref_squeeze %dma_start3A_412 : memref<1x128xi32, #tpu.memory_space<hbm>> -> memref<128xi32, #tpu.memory_space<hbm>>
      %dma_start3A_414 = tpu.memref_slice %arg2[%select_n3A_82, %mul3A_86] : memref<200x4096xi32, #tpu.memory_space<hbm>> -> memref<1x128xi32, #tpu.memory_space<hbm>>
      %dma_start3A_415 = tpu.memref_squeeze %dma_start3A_414 : memref<1x128xi32, #tpu.memory_space<hbm>> -> memref<128xi32, #tpu.memory_space<hbm>>
      tpu.enqueue_dma source(%dma_start3A_415 : memref<128xi32, #tpu.memory_space<hbm>>) target(%arg6 : memref<128xi32, #tpu.memory_space<vmem>>) target_semaphore(%run_scoped3A : memref<!tpu.dma_semaphore, #tpu.memory_space<semaphore_mem>>)
      %dma_wait3A_416 = tpu.memref_slice %arg2[%select_n3A_82, %mul3A_86] : memref<200x4096xi32, #tpu.memory_space<hbm>> -> memref<1x128xi32, #tpu.memory_space<hbm>>
      %dma_wait3A_417 = tpu.memref_squeeze %dma_wait3A_416 : memref<1x128xi32, #tpu.memory_space<hbm>> -> memref<128xi32, #tpu.memory_space<hbm>>
      %dma_wait3A_418 = tpu.memref_slice %arg2[%select_n3A_82, %mul3A_86] : memref<200x4096xi32, #tpu.memory_space<hbm>> -> memref<1x128xi32, #tpu.memory_space<hbm>>
      %dma_wait3A_419 = tpu.memref_squeeze %dma_wait3A_418 : memref<1x128xi32, #tpu.memory_space<hbm>> -> memref<128xi32, #tpu.memory_space<hbm>>
      tpu.wait_dma2 semaphore(%run_scoped3A : memref<!tpu.dma_semaphore, #tpu.memory_space<semaphore_mem>>) src(%dma_wait3A_419 : memref<128xi32, #tpu.memory_space<hbm>>) dst(%arg6 : memref<128xi32, #tpu.memory_space<vmem>>)
      tpu.yield
    }) : () -> ()
    %scan3A_87 = arith.constant 0 : i32
    %scan3A_88 = arith.constant 0 : i32
    %scan3A_89 = arith.constant 8 : i32
    %scan3A_90 = arith.addi %scan3A_88, %scan3A_89 : i32
    %scan3A_91 = arith.constant 4 : i32
    scf.for %scan3A_412 = %scan3A_88 to %scan3A_90 step %scan3A_91  : i32 {
      %mul3A_413 = arith.constant 16 : i32
      %mul3A_414 = arith.muli %scan3A_412, %mul3A_413 : i32
      %get3A = arith.index_cast %mul3A_414 : i32 to index
      %get3A_415 = tpu.vector_load %arg6[%get3A] {strides = array<i32>} : memref<128xi32, #tpu.memory_space<vmem>>, vector<16xi32>,
      %ge3A = arith.cmpi sge, %get3A_415, %broadcast_in_dim3A_15 : vector<16xi32>
      %select_n3A_416 = arith.select %ge3A, %broadcast_in_dim3A_21, %broadcast_in_dim3A_27 : vector<16xi1>, vector<16xi32>
      %ge3A_417 = arith.cmpi sge, %get3A_415, %broadcast_in_dim3A_19 : vector<16xi32>
      %select_n3A_418 = arith.select %ge3A_417, %broadcast_in_dim3A_25, %broadcast_in_dim3A_23 : vector<16xi1>, vector<16xi32>
      %add3A_419 = arith.addi %get3A_415, %get3A_415 : vector<16xi32>
      %ge3A_420 = arith.cmpi sge, %get3A_415, %broadcast_in_dim3A_17 : vector<16xi32>
      %select_n3A_421 = arith.select %ge3A_420, %select_n3A_418, %select_n3A_416 : vector<16xi1>, vector<16xi32>
      %sub3A_422 = arith.subi %add3A_419, %select_n3A_421 : vector<16xi32>
      %swap3A = arith.index_cast %mul3A_414 : i32 to index
      %swap3A_423 = tpu.vector_load %arg6[%swap3A] {strides = array<i32>} : memref<128xi32, #tpu.memory_space<vmem>>, vector<16xi32>,
      tpu.vector_store %arg6[%swap3A], %sub3A_422 {strides = array<i32>} : memref<128xi32, #tpu.memory_space<vmem>>, vector<16xi32>,
      %scan3A_424 = arith.constant 1 : i32
      %scan3A_425 = arith.addi %scan3A_412, %scan3A_424 : i32
      %mul3A_426 = arith.constant 16 : i32
      %mul3A_427 = arith.muli %scan3A_425, %mul3A_426 : i32
      %get3A_428 = arith.index_cast %mul3A_427 : i32 to index
      %get3A_429 = tpu.vector_load %arg6[%get3A_428] {strides = array<i32>} : memref<128xi32, #tpu.memory_space<vmem>>, vector<16xi32>,
      %ge3A_430 = arith.cmpi sge, %get3A_429, %broadcast_in_dim3A_15 : vector<16xi32>
      %select_n3A_431 = arith.select %ge3A_430, %broadcast_in_dim3A_21, %broadcast_in_dim3A_27 : vector<16xi1>, vector<16xi32>
      %ge3A_432 = arith.cmpi sge, %get3A_429, %broadcast_in_dim3A_19 : vector<16xi32>
      %select_n3A_433 = arith.select %ge3A_432, %broadcast_in_dim3A_25, %broadcast_in_dim3A_23 : vector<16xi1>, vector<16xi32>
      %add3A_434 = arith.addi %get3A_429, %get3A_429 : vector<16xi32>
      %ge3A_435 = arith.cmpi sge, %get3A_429, %broadcast_in_dim3A_17 : vector<16xi32>
      %select_n3A_436 = arith.select %ge3A_435, %select_n3A_433, %select_n3A_431 : vector<16xi1>, vector<16xi32>
      %sub3A_437 = arith.subi %add3A_434, %select_n3A_436 : vector<16xi32>
      %swap3A_438 = arith.index_cast %mul3A_427 : i32 to index
      %swap3A_439 = tpu.vector_load %arg6[%swap3A_438] {strides = array<i32>} : memref<128xi32, #tpu.memory_space<vmem>>, vector<16xi32>,
      tpu.vector_store %arg6[%swap3A_438], %sub3A_437 {strides = array<i32>} : memref<128xi32, #tpu.memory_space<vmem>>, vector<16xi32>,
      %scan3A_440 = arith.constant 2 : i32
      %scan3A_441 = arith.addi %scan3A_412, %scan3A_440 : i32
      %mul3A_442 = arith.constant 16 : i32
      %mul3A_443 = arith.muli %scan3A_441, %mul3A_442 : i32
      %get3A_444 = arith.index_cast %mul3A_443 : i32 to index
      %get3A_445 = tpu.vector_load %arg6[%get3A_444] {strides = array<i32>} : memref<128xi32, #tpu.memory_space<vmem>>, vector<16xi32>,
      %ge3A_446 = arith.cmpi sge, %get3A_445, %broadcast_in_dim3A_15 : vector<16xi32>
      %select_n3A_447 = arith.select %ge3A_446, %broadcast_in_dim3A_21, %broadcast_in_dim3A_27 : vector<16xi1>, vector<16xi32>
      %ge3A_448 = arith.cmpi sge, %get3A_445, %broadcast_in_dim3A_19 : vector<16xi32>
      %select_n3A_449 = arith.select %ge3A_448, %broadcast_in_dim3A_25, %broadcast_in_dim3A_23 : vector<16xi1>, vector<16xi32>
      %add3A_450 = arith.addi %get3A_445, %get3A_445 : vector<16xi32>
      %ge3A_451 = arith.cmpi sge, %get3A_445, %broadcast_in_dim3A_17 : vector<16xi32>
      %select_n3A_452 = arith.select %ge3A_451, %select_n3A_449, %select_n3A_447 : vector<16xi1>, vector<16xi32>
      %sub3A_453 = arith.subi %add3A_450, %select_n3A_452 : vector<16xi32>
      %swap3A_454 = arith.index_cast %mul3A_443 : i32 to index
      %swap3A_455 = tpu.vector_load %arg6[%swap3A_454] {strides = array<i32>} : memref<128xi32, #tpu.memory_space<vmem>>, vector<16xi32>,
      tpu.vector_store %arg6[%swap3A_454], %sub3A_453 {strides = array<i32>} : memref<128xi32, #tpu.memory_space<vmem>>, vector<16xi32>,
      %scan3A_456 = arith.constant 3 : i32
      %scan3A_457 = arith.addi %scan3A_412, %scan3A_456 : i32
      %mul3A_458 = arith.constant 16 : i32
      %mul3A_459 = arith.muli %scan3A_457, %mul3A_458 : i32
      %get3A_460 = arith.index_cast %mul3A_459 : i32 to index
      %get3A_461 = tpu.vector_load %arg6[%get3A_460] {strides = array<i32>} : memref<128xi32, #tpu.memory_space<vmem>>, vector<16xi32>,
      %ge3A_462 = arith.cmpi sge, %get3A_461, %broadcast_in_dim3A_15 : vector<16xi32>
      %select_n3A_463 = arith.select %ge3A_462, %broadcast_in_dim3A_21, %broadcast_in_dim3A_27 : vector<16xi1>, vector<16xi32>
      %ge3A_464 = arith.cmpi sge, %get3A_461, %broadcast_in_dim3A_19 : vector<16xi32>
      %select_n3A_465 = arith.select %ge3A_464, %broadcast_in_dim3A_25, %broadcast_in_dim3A_23 : vector<16xi1>, vector<16xi32>
      %add3A_466 = arith.addi %get3A_461, %get3A_461 : vector<16xi32>
      %ge3A_467 = arith.cmpi sge, %get3A_461, %broadcast_in_dim3A_17 : vector<16xi32>
      %select_n3A_468 = arith.select %ge3A_467, %select_n3A_465, %select_n3A_463 : vector<16xi1>, vector<16xi32>
      %sub3A_469 = arith.subi %add3A_466, %select_n3A_468 : vector<16xi32>
      %swap3A_470 = arith.index_cast %mul3A_459 : i32 to index
      %swap3A_471 = tpu.vector_load %arg6[%swap3A_470] {strides = array<i32>} : memref<128xi32, #tpu.memory_space<vmem>>, vector<16xi32>,
      tpu.vector_store %arg6[%swap3A_470], %sub3A_469 {strides = array<i32>} : memref<128xi32, #tpu.memory_space<vmem>>, vector<16xi32>,
    }
    %scan3A_92 = arith.constant 8 : i32
    %dma_start3A_93 = arith.constant 0 : i32
    %dma_start3A_94 = arith.constant 0 : i32
    %dma_start3A_95 = tpu.memref_slice %arg3[%dma_start3A_93, %dma_start3A_94] : memref<1000000x64xf32, #tpu.memory_space<hbm>> -> memref<1000000x64xf32, #tpu.memory_space<hbm>>
    tpu.enqueue_indirect_dma source(%dma_start3A_95 : memref<1000000x64xf32, #tpu.memory_space<hbm>>) target(%arg10 : memref<128x64xf32, #tpu.memory_space<vmem>>) offsets(%arg6 : memref<128xi32, #tpu.memory_space<vmem>>) semaphore(%arg16 : memref<!tpu.dma_semaphore, #tpu.memory_space<semaphore_mem>>)
    %add3A_96 = arith.constant 2 : i32
    %add3A_97 = arith.addi %mul3A_2, %add3A_96 : i32
    %jit3A_98 = arith.constant 32 : i32
    %div3A_99 = arith.divsi %add3A_97, %jit3A_98 : i32
    %sign3A_100 = arith.constant 0 : i32
    %sign3A_101 = arith.cmpi sgt, %add3A_97, %sign3A_100 : i32
    %sign3A_102 = arith.extui %sign3A_101 : i1 to i32
    %sign3A_103 = arith.constant 0 : i32
    %sign3A_104 = arith.cmpi slt, %add3A_97, %sign3A_103 : i32
    %sign3A_105 = arith.extui %sign3A_104 : i1 to i32
    %sign3A_106 = arith.subi %sign3A_102, %sign3A_105 : i32
    %sign3A_107 = arith.constant 0 : i32
    %sign3A_108 = arith.cmpi sgt, %jit3A_98, %sign3A_107 : i32
    %sign3A_109 = arith.extui %sign3A_108 : i1 to i32
    %sign3A_110 = arith.constant 0 : i32
    %sign3A_111 = arith.cmpi slt, %jit3A_98, %sign3A_110 : i32
    %sign3A_112 = arith.extui %sign3A_111 : i1 to i32
    %sign3A_113 = arith.subi %sign3A_109, %sign3A_112 : i32
    %ne3A_114 = arith.cmpi ne, %sign3A_106, %sign3A_113 : i32
    %rem3A_115 = arith.remsi %add3A_97, %jit3A_98 : i32
    %ne3A_116 = arith.constant 0 : i32
    %ne3A_117 = arith.cmpi ne, %rem3A_115, %ne3A_116 : i32
    %and3A_118 = arith.andi %ne3A_114, %ne3A_117 : i1
    %sub3A_119 = arith.constant 1 : i32
    %sub3A_120 = arith.subi %div3A_99, %sub3A_119 : i32
    %select_n3A_121 = arith.select %and3A_118, %sub3A_120, %div3A_99 : i32
    %rem3A_122 = arith.constant 32 : i32
    %rem3A_123 = arith.remsi %add3A_97, %rem3A_122 : i32
    %mul3A_124 = arith.constant 128 : i32
    %mul3A_125 = arith.muli %rem3A_123, %mul3A_124 : i32
    "tpu.region"() ({
      %run_scoped3A = tpu.sem_alloc : memref<!tpu.dma_semaphore, #tpu.memory_space<semaphore_mem>>
      %dma_start3A_412 = tpu.memref_slice %arg2[%select_n3A_121, %mul3A_125] : memref<200x4096xi32, #tpu.memory_space<hbm>> -> memref<1x128xi32, #tpu.memory_space<hbm>>
      %dma_start3A_413 = tpu.memref_squeeze %dma_start3A_412 : memref<1x128xi32, #tpu.memory_space<hbm>> -> memref<128xi32, #tpu.memory_space<hbm>>
      %dma_start3A_414 = tpu.memref_slice %arg2[%select_n3A_121, %mul3A_125] : memref<200x4096xi32, #tpu.memory_space<hbm>> -> memref<1x128xi32, #tpu.memory_space<hbm>>
      %dma_start3A_415 = tpu.memref_squeeze %dma_start3A_414 : memref<1x128xi32, #tpu.memory_space<hbm>> -> memref<128xi32, #tpu.memory_space<hbm>>
      tpu.enqueue_dma source(%dma_start3A_415 : memref<128xi32, #tpu.memory_space<hbm>>) target(%arg7 : memref<128xi32, #tpu.memory_space<vmem>>) target_semaphore(%run_scoped3A : memref<!tpu.dma_semaphore, #tpu.memory_space<semaphore_mem>>)
      %dma_wait3A_416 = tpu.memref_slice %arg2[%select_n3A_121, %mul3A_125] : memref<200x4096xi32, #tpu.memory_space<hbm>> -> memref<1x128xi32, #tpu.memory_space<hbm>>
      %dma_wait3A_417 = tpu.memref_squeeze %dma_wait3A_416 : memref<1x128xi32, #tpu.memory_space<hbm>> -> memref<128xi32, #tpu.memory_space<hbm>>
      %dma_wait3A_418 = tpu.memref_slice %arg2[%select_n3A_121, %mul3A_125] : memref<200x4096xi32, #tpu.memory_space<hbm>> -> memref<1x128xi32, #tpu.memory_space<hbm>>
      %dma_wait3A_419 = tpu.memref_squeeze %dma_wait3A_418 : memref<1x128xi32, #tpu.memory_space<hbm>> -> memref<128xi32, #tpu.memory_space<hbm>>
      tpu.wait_dma2 semaphore(%run_scoped3A : memref<!tpu.dma_semaphore, #tpu.memory_space<semaphore_mem>>) src(%dma_wait3A_419 : memref<128xi32, #tpu.memory_space<hbm>>) dst(%arg7 : memref<128xi32, #tpu.memory_space<vmem>>)
      tpu.yield
    }) : () -> ()
    %scan3A_126 = arith.constant 0 : i32
    %scan3A_127 = arith.constant 0 : i32
    %scan3A_128 = arith.constant 8 : i32
    %scan3A_129 = arith.addi %scan3A_127, %scan3A_128 : i32
    %scan3A_130 = arith.constant 4 : i32
    scf.for %scan3A_412 = %scan3A_127 to %scan3A_129 step %scan3A_130  : i32 {
      %mul3A_413 = arith.constant 16 : i32
      %mul3A_414 = arith.muli %scan3A_412, %mul3A_413 : i32
      %get3A = arith.index_cast %mul3A_414 : i32 to index
      %get3A_415 = tpu.vector_load %arg7[%get3A] {strides = array<i32>} : memref<128xi32, #tpu.memory_space<vmem>>, vector<16xi32>,
      %ge3A = arith.cmpi sge, %get3A_415, %broadcast_in_dim3A_15 : vector<16xi32>
      %select_n3A_416 = arith.select %ge3A, %broadcast_in_dim3A_21, %broadcast_in_dim3A_27 : vector<16xi1>, vector<16xi32>
      %ge3A_417 = arith.cmpi sge, %get3A_415, %broadcast_in_dim3A_19 : vector<16xi32>
      %select_n3A_418 = arith.select %ge3A_417, %broadcast_in_dim3A_25, %broadcast_in_dim3A_23 : vector<16xi1>, vector<16xi32>
      %add3A_419 = arith.addi %get3A_415, %get3A_415 : vector<16xi32>
      %ge3A_420 = arith.cmpi sge, %get3A_415, %broadcast_in_dim3A_17 : vector<16xi32>
      %select_n3A_421 = arith.select %ge3A_420, %select_n3A_418, %select_n3A_416 : vector<16xi1>, vector<16xi32>
      %sub3A_422 = arith.subi %add3A_419, %select_n3A_421 : vector<16xi32>
      %swap3A = arith.index_cast %mul3A_414 : i32 to index
      %swap3A_423 = tpu.vector_load %arg7[%swap3A] {strides = array<i32>} : memref<128xi32, #tpu.memory_space<vmem>>, vector<16xi32>,
      tpu.vector_store %arg7[%swap3A], %sub3A_422 {strides = array<i32>} : memref<128xi32, #tpu.memory_space<vmem>>, vector<16xi32>,
      %scan3A_424 = arith.constant 1 : i32
      %scan3A_425 = arith.addi %scan3A_412, %scan3A_424 : i32
      %mul3A_426 = arith.constant 16 : i32
      %mul3A_427 = arith.muli %scan3A_425, %mul3A_426 : i32
      %get3A_428 = arith.index_cast %mul3A_427 : i32 to index
      %get3A_429 = tpu.vector_load %arg7[%get3A_428] {strides = array<i32>} : memref<128xi32, #tpu.memory_space<vmem>>, vector<16xi32>,
      %ge3A_430 = arith.cmpi sge, %get3A_429, %broadcast_in_dim3A_15 : vector<16xi32>
      %select_n3A_431 = arith.select %ge3A_430, %broadcast_in_dim3A_21, %broadcast_in_dim3A_27 : vector<16xi1>, vector<16xi32>
      %ge3A_432 = arith.cmpi sge, %get3A_429, %broadcast_in_dim3A_19 : vector<16xi32>
      %select_n3A_433 = arith.select %ge3A_432, %broadcast_in_dim3A_25, %broadcast_in_dim3A_23 : vector<16xi1>, vector<16xi32>
      %add3A_434 = arith.addi %get3A_429, %get3A_429 : vector<16xi32>
      %ge3A_435 = arith.cmpi sge, %get3A_429, %broadcast_in_dim3A_17 : vector<16xi32>
      %select_n3A_436 = arith.select %ge3A_435, %select_n3A_433, %select_n3A_431 : vector<16xi1>, vector<16xi32>
      %sub3A_437 = arith.subi %add3A_434, %select_n3A_436 : vector<16xi32>
      %swap3A_438 = arith.index_cast %mul3A_427 : i32 to index
      %swap3A_439 = tpu.vector_load %arg7[%swap3A_438] {strides = array<i32>} : memref<128xi32, #tpu.memory_space<vmem>>, vector<16xi32>,
      tpu.vector_store %arg7[%swap3A_438], %sub3A_437 {strides = array<i32>} : memref<128xi32, #tpu.memory_space<vmem>>, vector<16xi32>,
      %scan3A_440 = arith.constant 2 : i32
      %scan3A_441 = arith.addi %scan3A_412, %scan3A_440 : i32
      %mul3A_442 = arith.constant 16 : i32
      %mul3A_443 = arith.muli %scan3A_441, %mul3A_442 : i32
      %get3A_444 = arith.index_cast %mul3A_443 : i32 to index
      %get3A_445 = tpu.vector_load %arg7[%get3A_444] {strides = array<i32>} : memref<128xi32, #tpu.memory_space<vmem>>, vector<16xi32>,
      %ge3A_446 = arith.cmpi sge, %get3A_445, %broadcast_in_dim3A_15 : vector<16xi32>
      %select_n3A_447 = arith.select %ge3A_446, %broadcast_in_dim3A_21, %broadcast_in_dim3A_27 : vector<16xi1>, vector<16xi32>
      %ge3A_448 = arith.cmpi sge, %get3A_445, %broadcast_in_dim3A_19 : vector<16xi32>
      %select_n3A_449 = arith.select %ge3A_448, %broadcast_in_dim3A_25, %broadcast_in_dim3A_23 : vector<16xi1>, vector<16xi32>
      %add3A_450 = arith.addi %get3A_445, %get3A_445 : vector<16xi32>
      %ge3A_451 = arith.cmpi sge, %get3A_445, %broadcast_in_dim3A_17 : vector<16xi32>
      %select_n3A_452 = arith.select %ge3A_451, %select_n3A_449, %select_n3A_447 : vector<16xi1>, vector<16xi32>
      %sub3A_453 = arith.subi %add3A_450, %select_n3A_452 : vector<16xi32>
      %swap3A_454 = arith.index_cast %mul3A_443 : i32 to index
      %swap3A_455 = tpu.vector_load %arg7[%swap3A_454] {strides = array<i32>} : memref<128xi32, #tpu.memory_space<vmem>>, vector<16xi32>,
      tpu.vector_store %arg7[%swap3A_454], %sub3A_453 {strides = array<i32>} : memref<128xi32, #tpu.memory_space<vmem>>, vector<16xi32>,
      %scan3A_456 = arith.constant 3 : i32
      %scan3A_457 = arith.addi %scan3A_412, %scan3A_456 : i32
      %mul3A_458 = arith.constant 16 : i32
      %mul3A_459 = arith.muli %scan3A_457, %mul3A_458 : i32
      %get3A_460 = arith.index_cast %mul3A_459 : i32 to index
      %get3A_461 = tpu.vector_load %arg7[%get3A_460] {strides = array<i32>} : memref<128xi32, #tpu.memory_space<vmem>>, vector<16xi32>,
      %ge3A_462 = arith.cmpi sge, %get3A_461, %broadcast_in_dim3A_15 : vector<16xi32>
      %select_n3A_463 = arith.select %ge3A_462, %broadcast_in_dim3A_21, %broadcast_in_dim3A_27 : vector<16xi1>, vector<16xi32>
      %ge3A_464 = arith.cmpi sge, %get3A_461, %broadcast_in_dim3A_19 : vector<16xi32>
      %select_n3A_465 = arith.select %ge3A_464, %broadcast_in_dim3A_25, %broadcast_in_dim3A_23 : vector<16xi1>, vector<16xi32>
      %add3A_466 = arith.addi %get3A_461, %get3A_461 : vector<16xi32>
      %ge3A_467 = arith.cmpi sge, %get3A_461, %broadcast_in_dim3A_17 : vector<16xi32>
      %select_n3A_468 = arith.select %ge3A_467, %select_n3A_465, %select_n3A_463 : vector<16xi1>, vector<16xi32>
      %sub3A_469 = arith.subi %add3A_466, %select_n3A_468 : vector<16xi32>
      %swap3A_470 = arith.index_cast %mul3A_459 : i32 to index
      %swap3A_471 = tpu.vector_load %arg7[%swap3A_470] {strides = array<i32>} : memref<128xi32, #tpu.memory_space<vmem>>, vector<16xi32>,
      tpu.vector_store %arg7[%swap3A_470], %sub3A_469 {strides = array<i32>} : memref<128xi32, #tpu.memory_space<vmem>>, vector<16xi32>,
    }
    %scan3A_131 = arith.constant 8 : i32
    %dma_start3A_132 = arith.constant 0 : i32
    %dma_start3A_133 = arith.constant 0 : i32
    %dma_start3A_134 = tpu.memref_slice %arg3[%dma_start3A_132, %dma_start3A_133] : memref<1000000x64xf32, #tpu.memory_space<hbm>> -> memref<1000000x64xf32, #tpu.memory_space<hbm>>
    tpu.enqueue_indirect_dma source(%dma_start3A_134 : memref<1000000x64xf32, #tpu.memory_space<hbm>>) target(%arg11 : memref<128x64xf32, #tpu.memory_space<vmem>>) offsets(%arg7 : memref<128xi32, #tpu.memory_space<vmem>>) semaphore(%arg17 : memref<!tpu.dma_semaphore, #tpu.memory_space<semaphore_mem>>)
    %scan3A_135 = arith.constant 0 : i32
    %scan3A_136 = arith.constant 0 : i32
    %scan3A_137 = arith.constant 50 : i32
    %scan3A_138 = arith.addi %scan3A_136, %scan3A_137 : i32
    %scan3A_139 = arith.constant 1 : i32
    scf.for %scan3A_412 = %scan3A_136 to %scan3A_138 step %scan3A_139  : i32 {
      %mul3A_413 = arith.constant 4 : i32
      %mul3A_414 = arith.muli %scan3A_412, %mul3A_413 : i32
      %add3A_415 = arith.constant 0 : i32
      %add3A_416 = arith.addi %mul3A_414, %add3A_415 : i32
      %add3A_417 = arith.addi %mul3A_2, %add3A_416 : i32
      %add3A_418 = arith.constant 4 : i32
      %add3A_419 = arith.addi %add3A_416, %add3A_418 : i32
      %sub3A_420 = arith.constant 1 : i32
      %sub3A_421 = arith.subi %add3A_419, %sub3A_420 : i32
      %lt3A = arith.constant 200 : i32
      %lt3A_422 = arith.cmpi slt, %sub3A_421, %lt3A : i32
      %convert_element_type3A = arith.extui %lt3A_422 : i1 to i32
      %cond3A = arith.constant 0 : i32
      %cond3A_423 = arith.cmpi ne, %convert_element_type3A, %cond3A : i32
      scf.if %cond3A_423 {
        %add3A_1117 = arith.constant 4 : i32
        %add3A_1118 = arith.addi %add3A_417, %add3A_1117 : i32
        %sub3A_1119 = arith.constant 1 : i32
        %sub3A_1120 = arith.subi %add3A_1118, %sub3A_1119 : i32
        %jit3A_1121 = arith.constant 32 : i32
        %div3A_1122 = arith.divsi %sub3A_1120, %jit3A_1121 : i32
        %sign3A_1123 = arith.constant 0 : i32
        %sign3A_1124 = arith.cmpi sgt, %sub3A_1120, %sign3A_1123 : i32
        %sign3A_1125 = arith.extui %sign3A_1124 : i1 to i32
        %sign3A_1126 = arith.constant 0 : i32
        %sign3A_1127 = arith.cmpi slt, %sub3A_1120, %sign3A_1126 : i32
        %sign3A_1128 = arith.extui %sign3A_1127 : i1 to i32
        %sign3A_1129 = arith.subi %sign3A_1125, %sign3A_1128 : i32
        %sign3A_1130 = arith.constant 0 : i32
        %sign3A_1131 = arith.cmpi sgt, %jit3A_1121, %sign3A_1130 : i32
        %sign3A_1132 = arith.extui %sign3A_1131 : i1 to i32
        %sign3A_1133 = arith.constant 0 : i32
        %sign3A_1134 = arith.cmpi slt, %jit3A_1121, %sign3A_1133 : i32
        %sign3A_1135 = arith.extui %sign3A_1134 : i1 to i32
        %sign3A_1136 = arith.subi %sign3A_1132, %sign3A_1135 : i32
        %ne3A_1137 = arith.cmpi ne, %sign3A_1129, %sign3A_1136 : i32
        %rem3A_1138 = arith.remsi %sub3A_1120, %jit3A_1121 : i32
        %ne3A_1139 = arith.constant 0 : i32
        %ne3A_1140 = arith.cmpi ne, %rem3A_1138, %ne3A_1139 : i32
        %and3A_1141 = arith.andi %ne3A_1137, %ne3A_1140 : i1
        %sub3A_1142 = arith.constant 1 : i32
        %sub3A_1143 = arith.subi %div3A_1122, %sub3A_1142 : i32
        %select_n3A_1144 = arith.select %and3A_1141, %sub3A_1143, %div3A_1122 : i32
        %rem3A_1145 = arith.constant 32 : i32
        %rem3A_1146 = arith.remsi %sub3A_1120, %rem3A_1145 : i32
        %mul3A_1147 = arith.constant 128 : i32
        %mul3A_1148 = arith.muli %rem3A_1146, %mul3A_1147 : i32
        "tpu.region"() ({
          %run_scoped3A = tpu.sem_alloc : memref<!tpu.dma_semaphore, #tpu.memory_space<semaphore_mem>>
          %dma_start3A_1158 = tpu.memref_slice %arg2[%select_n3A_1144, %mul3A_1148] : memref<200x4096xi32, #tpu.memory_space<hbm>> -> memref<1x128xi32, #tpu.memory_space<hbm>>
          %dma_start3A_1159 = tpu.memref_squeeze %dma_start3A_1158 : memref<1x128xi32, #tpu.memory_space<hbm>> -> memref<128xi32, #tpu.memory_space<hbm>>
          %dma_start3A_1160 = tpu.memref_slice %arg2[%select_n3A_1144, %mul3A_1148] : memref<200x4096xi32, #tpu.memory_space<hbm>> -> memref<1x128xi32, #tpu.memory_space<hbm>>
          %dma_start3A_1161 = tpu.memref_squeeze %dma_start3A_1160 : memref<1x128xi32, #tpu.memory_space<hbm>> -> memref<128xi32, #tpu.memory_space<hbm>>
          tpu.enqueue_dma source(%dma_start3A_1161 : memref<128xi32, #tpu.memory_space<hbm>>) target(%arg8 : memref<128xi32, #tpu.memory_space<vmem>>) target_semaphore(%run_scoped3A : memref<!tpu.dma_semaphore, #tpu.memory_space<semaphore_mem>>)
          %dma_wait3A_1162 = tpu.memref_slice %arg2[%select_n3A_1144, %mul3A_1148] : memref<200x4096xi32, #tpu.memory_space<hbm>> -> memref<1x128xi32, #tpu.memory_space<hbm>>
          %dma_wait3A_1163 = tpu.memref_squeeze %dma_wait3A_1162 : memref<1x128xi32, #tpu.memory_space<hbm>> -> memref<128xi32, #tpu.memory_space<hbm>>
          %dma_wait3A_1164 = tpu.memref_slice %arg2[%select_n3A_1144, %mul3A_1148] : memref<200x4096xi32, #tpu.memory_space<hbm>> -> memref<1x128xi32, #tpu.memory_space<hbm>>
          %dma_wait3A_1165 = tpu.memref_squeeze %dma_wait3A_1164 : memref<1x128xi32, #tpu.memory_space<hbm>> -> memref<128xi32, #tpu.memory_space<hbm>>
          tpu.wait_dma2 semaphore(%run_scoped3A : memref<!tpu.dma_semaphore, #tpu.memory_space<semaphore_mem>>) src(%dma_wait3A_1165 : memref<128xi32, #tpu.memory_space<hbm>>) dst(%arg8 : memref<128xi32, #tpu.memory_space<vmem>>)
          tpu.yield
        }) : () -> ()
        %scan3A_1149 = arith.constant 0 : i32
        %scan3A_1150 = arith.constant 0 : i32
        %scan3A_1151 = arith.constant 8 : i32
        %scan3A_1152 = arith.addi %scan3A_1150, %scan3A_1151 : i32
        %scan3A_1153 = arith.constant 4 : i32
        scf.for %scan3A_1158 = %scan3A_1150 to %scan3A_1152 step %scan3A_1153  : i32 {
          %mul3A_1159 = arith.constant 16 : i32
          %mul3A_1160 = arith.muli %scan3A_1158, %mul3A_1159 : i32
          %get3A = arith.index_cast %mul3A_1160 : i32 to index
          %get3A_1161 = tpu.vector_load %arg8[%get3A] {strides = array<i32>} : memref<128xi32, #tpu.memory_space<vmem>>, vector<16xi32>,
          %ge3A_1162 = arith.cmpi sge, %get3A_1161, %broadcast_in_dim3A_15 : vector<16xi32>
          %select_n3A_1163 = arith.select %ge3A_1162, %broadcast_in_dim3A_21, %broadcast_in_dim3A_27 : vector<16xi1>, vector<16xi32>
          %ge3A_1164 = arith.cmpi sge, %get3A_1161, %broadcast_in_dim3A_19 : vector<16xi32>
          %select_n3A_1165 = arith.select %ge3A_1164, %broadcast_in_dim3A_25, %broadcast_in_dim3A_23 : vector<16xi1>, vector<16xi32>
          %add3A_1166 = arith.addi %get3A_1161, %get3A_1161 : vector<16xi32>
          %ge3A_1167 = arith.cmpi sge, %get3A_1161, %broadcast_in_dim3A_17 : vector<16xi32>
          %select_n3A_1168 = arith.select %ge3A_1167, %select_n3A_1165, %select_n3A_1163 : vector<16xi1>, vector<16xi32>
          %sub3A_1169 = arith.subi %add3A_1166, %select_n3A_1168 : vector<16xi32>
          %swap3A = arith.index_cast %mul3A_1160 : i32 to index
          %swap3A_1170 = tpu.vector_load %arg8[%swap3A] {strides = array<i32>} : memref<128xi32, #tpu.memory_space<vmem>>, vector<16xi32>,
          tpu.vector_store %arg8[%swap3A], %sub3A_1169 {strides = array<i32>} : memref<128xi32, #tpu.memory_space<vmem>>, vector<16xi32>,
          %scan3A_1171 = arith.constant 1 : i32
          %scan3A_1172 = arith.addi %scan3A_1158, %scan3A_1171 : i32
          %mul3A_1173 = arith.constant 16 : i32
          %mul3A_1174 = arith.muli %scan3A_1172, %mul3A_1173 : i32
          %get3A_1175 = arith.index_cast %mul3A_1174 : i32 to index
          %get3A_1176 = tpu.vector_load %arg8[%get3A_1175] {strides = array<i32>} : memref<128xi32, #tpu.memory_space<vmem>>, vector<16xi32>,
          %ge3A_1177 = arith.cmpi sge, %get3A_1176, %broadcast_in_dim3A_15 : vector<16xi32>
          %select_n3A_1178 = arith.select %ge3A_1177, %broadcast_in_dim3A_21, %broadcast_in_dim3A_27 : vector<16xi1>, vector<16xi32>
          %ge3A_1179 = arith.cmpi sge, %get3A_1176, %broadcast_in_dim3A_19 : vector<16xi32>
          %select_n3A_1180 = arith.select %ge3A_1179, %broadcast_in_dim3A_25, %broadcast_in_dim3A_23 : vector<16xi1>, vector<16xi32>
          %add3A_1181 = arith.addi %get3A_1176, %get3A_1176 : vector<16xi32>
          %ge3A_1182 = arith.cmpi sge, %get3A_1176, %broadcast_in_dim3A_17 : vector<16xi32>
          %select_n3A_1183 = arith.select %ge3A_1182, %select_n3A_1180, %select_n3A_1178 : vector<16xi1>, vector<16xi32>
          %sub3A_1184 = arith.subi %add3A_1181, %select_n3A_1183 : vector<16xi32>
          %swap3A_1185 = arith.index_cast %mul3A_1174 : i32 to index
          %swap3A_1186 = tpu.vector_load %arg8[%swap3A_1185] {strides = array<i32>} : memref<128xi32, #tpu.memory_space<vmem>>, vector<16xi32>,
          tpu.vector_store %arg8[%swap3A_1185], %sub3A_1184 {strides = array<i32>} : memref<128xi32, #tpu.memory_space<vmem>>, vector<16xi32>,
          %scan3A_1187 = arith.constant 2 : i32
          %scan3A_1188 = arith.addi %scan3A_1158, %scan3A_1187 : i32
          %mul3A_1189 = arith.constant 16 : i32
          %mul3A_1190 = arith.muli %scan3A_1188, %mul3A_1189 : i32
          %get3A_1191 = arith.index_cast %mul3A_1190 : i32 to index
          %get3A_1192 = tpu.vector_load %arg8[%get3A_1191] {strides = array<i32>} : memref<128xi32, #tpu.memory_space<vmem>>, vector<16xi32>,
          %ge3A_1193 = arith.cmpi sge, %get3A_1192, %broadcast_in_dim3A_15 : vector<16xi32>
          %select_n3A_1194 = arith.select %ge3A_1193, %broadcast_in_dim3A_21, %broadcast_in_dim3A_27 : vector<16xi1>, vector<16xi32>
          %ge3A_1195 = arith.cmpi sge, %get3A_1192, %broadcast_in_dim3A_19 : vector<16xi32>
          %select_n3A_1196 = arith.select %ge3A_1195, %broadcast_in_dim3A_25, %broadcast_in_dim3A_23 : vector<16xi1>, vector<16xi32>
          %add3A_1197 = arith.addi %get3A_1192, %get3A_1192 : vector<16xi32>
          %ge3A_1198 = arith.cmpi sge, %get3A_1192, %broadcast_in_dim3A_17 : vector<16xi32>
          %select_n3A_1199 = arith.select %ge3A_1198, %select_n3A_1196, %select_n3A_1194 : vector<16xi1>, vector<16xi32>
          %sub3A_1200 = arith.subi %add3A_1197, %select_n3A_1199 : vector<16xi32>
          %swap3A_1201 = arith.index_cast %mul3A_1190 : i32 to index
          %swap3A_1202 = tpu.vector_load %arg8[%swap3A_1201] {strides = array<i32>} : memref<128xi32, #tpu.memory_space<vmem>>, vector<16xi32>,
          tpu.vector_store %arg8[%swap3A_1201], %sub3A_1200 {strides = array<i32>} : memref<128xi32, #tpu.memory_space<vmem>>, vector<16xi32>,
          %scan3A_1203 = arith.constant 3 : i32
          %scan3A_1204 = arith.addi %scan3A_1158, %scan3A_1203 : i32
          %mul3A_1205 = arith.constant 16 : i32
          %mul3A_1206 = arith.muli %scan3A_1204, %mul3A_1205 : i32
          %get3A_1207 = arith.index_cast %mul3A_1206 : i32 to index
          %get3A_1208 = tpu.vector_load %arg8[%get3A_1207] {strides = array<i32>} : memref<128xi32, #tpu.memory_space<vmem>>, vector<16xi32>,
          %ge3A_1209 = arith.cmpi sge, %get3A_1208, %broadcast_in_dim3A_15 : vector<16xi32>
          %select_n3A_1210 = arith.select %ge3A_1209, %broadcast_in_dim3A_21, %broadcast_in_dim3A_27 : vector<16xi1>, vector<16xi32>
          %ge3A_1211 = arith.cmpi sge, %get3A_1208, %broadcast_in_dim3A_19 : vector<16xi32>
          %select_n3A_1212 = arith.select %ge3A_1211, %broadcast_in_dim3A_25, %broadcast_in_dim3A_23 : vector<16xi1>, vector<16xi32>
          %add3A_1213 = arith.addi %get3A_1208, %get3A_1208 : vector<16xi32>
          %ge3A_1214 = arith.cmpi sge, %get3A_1208, %broadcast_in_dim3A_17 : vector<16xi32>
          %select_n3A_1215 = arith.select %ge3A_1214, %select_n3A_1212, %select_n3A_1210 : vector<16xi1>, vector<16xi32>
          %sub3A_1216 = arith.subi %add3A_1213, %select_n3A_1215 : vector<16xi32>
          %swap3A_1217 = arith.index_cast %mul3A_1206 : i32 to index
          %swap3A_1218 = tpu.vector_load %arg8[%swap3A_1217] {strides = array<i32>} : memref<128xi32, #tpu.memory_space<vmem>>, vector<16xi32>,
          tpu.vector_store %arg8[%swap3A_1217], %sub3A_1216 {strides = array<i32>} : memref<128xi32, #tpu.memory_space<vmem>>, vector<16xi32>,
        }
        %scan3A_1154 = arith.constant 8 : i32
        %dma_start3A_1155 = arith.constant 0 : i32
        %dma_start3A_1156 = arith.constant 0 : i32
        %dma_start3A_1157 = tpu.memref_slice %arg3[%dma_start3A_1155, %dma_start3A_1156] : memref<1000000x64xf32, #tpu.memory_space<hbm>> -> memref<1000000x64xf32, #tpu.memory_space<hbm>>
        tpu.enqueue_indirect_dma source(%dma_start3A_1157 : memref<1000000x64xf32, #tpu.memory_space<hbm>>) target(%arg12 : memref<128x64xf32, #tpu.memory_space<vmem>>) offsets(%arg8 : memref<128xi32, #tpu.memory_space<vmem>>) semaphore(%arg18 : memref<!tpu.dma_semaphore, #tpu.memory_space<semaphore_mem>>)
      } else {
      }
      %ge3A = arith.constant 2 : i32
      %ge3A_424 = arith.cmpi sge, %add3A_416, %ge3A : i32
      %convert_element_type3A_425 = arith.extui %ge3A_424 : i1 to i32
      %cond3A_426 = arith.constant 0 : i32
      %cond3A_427 = arith.cmpi ne, %convert_element_type3A_425, %cond3A_426 : i32
      scf.if %cond3A_427 {
        %dma_wait3A_1117 = arith.constant 0 : i32
        %dma_wait3A_1118 = arith.constant 0 : i32
        %dma_wait3A_1119 = arith.constant 0 : i32
        %dma_wait3A_1120 = arith.constant 0 : i32
        %dma_wait3A_1121 = arith.constant 0 : i32
        %dma_wait3A_1122 = tpu.memref_slice %arg13[%dma_wait3A_1120, %dma_wait3A_1121] : memref<64x129xf32, #tpu.memory_space<vmem>> -> memref<8x128xf32, #tpu.memory_space<vmem>>
        %dma_wait3A_1123 = arith.constant 0 : i32
        %dma_wait3A_1124 = arith.constant 0 : i32
        %dma_wait3A_1125 = tpu.memref_slice %arg4[%dma_wait3A_1117, %dma_wait3A_1118, %dma_wait3A_1119, %dma_wait3A_1123, %dma_wait3A_1124] : memref<200x8x32x8x128xf32, #tpu.memory_space<hbm>> -> memref<1x1x1x8x128xf32, #tpu.memory_space<hbm>>
        %dma_wait3A_1126 = tpu.memref_squeeze %dma_wait3A_1125 : memref<1x1x1x8x128xf32, #tpu.memory_space<hbm>> -> memref<8x128xf32, #tpu.memory_space<hbm>>
        %dma_wait3A_1127 = arith.constant 0 : i32
        %dma_wait3A_1128 = arith.constant 0 : i32
        %dma_wait3A_1129 = tpu.memref_slice %arg13[%dma_wait3A_1127, %dma_wait3A_1128] : memref<64x129xf32, #tpu.memory_space<vmem>> -> memref<8x128xf32, #tpu.memory_space<vmem>>
        %dma_wait3A_1130 = arith.constant 0 : i32
        %dma_wait3A_1131 = arith.constant 0 : i32
        %dma_wait3A_1132 = tpu.memref_slice %arg4[%dma_wait3A_1117, %dma_wait3A_1118, %dma_wait3A_1119, %dma_wait3A_1130, %dma_wait3A_1131] : memref<200x8x32x8x128xf32, #tpu.memory_space<hbm>> -> memref<1x1x1x8x128xf32, #tpu.memory_space<hbm>>
        %dma_wait3A_1133 = tpu.memref_squeeze %dma_wait3A_1132 : memref<1x1x1x8x128xf32, #tpu.memory_space<hbm>> -> memref<8x128xf32, #tpu.memory_space<hbm>>
        tpu.wait_dma2 semaphore(%arg19 : memref<!tpu.dma_semaphore, #tpu.memory_space<semaphore_mem>>) src(%dma_wait3A_1133 : memref<8x128xf32, #tpu.memory_space<hbm>>) dst(%dma_wait3A_1129 : memref<8x128xf32, #tpu.memory_space<vmem>>)
        %dma_wait3A_1134 = arith.constant 0 : i32
        %dma_wait3A_1135 = arith.constant 0 : i32
        %dma_wait3A_1136 = arith.constant 0 : i32
        %dma_wait3A_1137 = arith.constant 0 : i32
        %dma_wait3A_1138 = arith.constant 0 : i32
        %dma_wait3A_1139 = tpu.memref_slice %arg13[%dma_wait3A_1137, %dma_wait3A_1138] : memref<64x129xf32, #tpu.memory_space<vmem>> -> memref<8x128xf32, #tpu.memory_space<vmem>>
        %dma_wait3A_1140 = arith.constant 0 : i32
        %dma_wait3A_1141 = arith.constant 0 : i32
        %dma_wait3A_1142 = tpu.memref_slice %arg4[%dma_wait3A_1134, %dma_wait3A_1135, %dma_wait3A_1136, %dma_wait3A_1140, %dma_wait3A_1141] : memref<200x8x32x8x128xf32, #tpu.memory_space<hbm>> -> memref<1x1x1x8x128xf32, #tpu.memory_space<hbm>>
        %dma_wait3A_1143 = tpu.memref_squeeze %dma_wait3A_1142 : memref<1x1x1x8x128xf32, #tpu.memory_space<hbm>> -> memref<8x128xf32, #tpu.memory_space<hbm>>
        %dma_wait3A_1144 = arith.constant 0 : i32
        %dma_wait3A_1145 = arith.constant 0 : i32
        %dma_wait3A_1146 = tpu.memref_slice %arg13[%dma_wait3A_1144, %dma_wait3A_1145] : memref<64x129xf32, #tpu.memory_space<vmem>> -> memref<8x128xf32, #tpu.memory_space<vmem>>
        %dma_wait3A_1147 = arith.constant 0 : i32
        %dma_wait3A_1148 = arith.constant 0 : i32
        %dma_wait3A_1149 = tpu.memref_slice %arg4[%dma_wait3A_1134, %dma_wait3A_1135, %dma_wait3A_1136, %dma_wait3A_1147, %dma_wait3A_1148] : memref<200x8x32x8x128xf32, #tpu.memory_space<hbm>> -> memref<1x1x1x8x128xf32, #tpu.memory_space<hbm>>
        %dma_wait3A_1150 = tpu.memref_squeeze %dma_wait3A_1149 : memref<1x1x1x8x128xf32, #tpu.memory_space<hbm>> -> memref<8x128xf32, #tpu.memory_space<hbm>>
        tpu.wait_dma2 semaphore(%arg19 : memref<!tpu.dma_semaphore, #tpu.memory_space<semaphore_mem>>) src(%dma_wait3A_1150 : memref<8x128xf32, #tpu.memory_space<hbm>>) dst(%dma_wait3A_1146 : memref<8x128xf32, #tpu.memory_space<vmem>>)
        %dma_wait3A_1151 = arith.constant 0 : i32
        %dma_wait3A_1152 = arith.constant 0 : i32
        %dma_wait3A_1153 = arith.constant 0 : i32
        %dma_wait3A_1154 = arith.constant 0 : i32
        %dma_wait3A_1155 = arith.constant 0 : i32
        %dma_wait3A_1156 = tpu.memref_slice %arg13[%dma_wait3A_1154, %dma_wait3A_1155] : memref<64x129xf32, #tpu.memory_space<vmem>> -> memref<8x128xf32, #tpu.memory_space<vmem>>
        %dma_wait3A_1157 = arith.constant 0 : i32
        %dma_wait3A_1158 = arith.constant 0 : i32
        %dma_wait3A_1159 = tpu.memref_slice %arg4[%dma_wait3A_1151, %dma_wait3A_1152, %dma_wait3A_1153, %dma_wait3A_1157, %dma_wait3A_1158] : memref<200x8x32x8x128xf32, #tpu.memory_space<hbm>> -> memref<1x1x1x8x128xf32, #tpu.memory_space<hbm>>
        %dma_wait3A_1160 = tpu.memref_squeeze %dma_wait3A_1159 : memref<1x1x1x8x128xf32, #tpu.memory_space<hbm>> -> memref<8x128xf32, #tpu.memory_space<hbm>>
        %dma_wait3A_1161 = arith.constant 0 : i32
        %dma_wait3A_1162 = arith.constant 0 : i32
        %dma_wait3A_1163 = tpu.memref_slice %arg13[%dma_wait3A_1161, %dma_wait3A_1162] : memref<64x129xf32, #tpu.memory_space<vmem>> -> memref<8x128xf32, #tpu.memory_space<vmem>>
        %dma_wait3A_1164 = arith.constant 0 : i32
        %dma_wait3A_1165 = arith.constant 0 : i32
        %dma_wait3A_1166 = tpu.memref_slice %arg4[%dma_wait3A_1151, %dma_wait3A_1152, %dma_wait3A_1153, %dma_wait3A_1164, %dma_wait3A_1165] : memref<200x8x32x8x128xf32, #tpu.memory_space<hbm>> -> memref<1x1x1x8x128xf32, #tpu.memory_space<hbm>>
        %dma_wait3A_1167 = tpu.memref_squeeze %dma_wait3A_1166 : memref<1x1x1x8x128xf32, #tpu.memory_space<hbm>> -> memref<8x128xf32, #tpu.memory_space<hbm>>
        tpu.wait_dma2 semaphore(%arg19 : memref<!tpu.dma_semaphore, #tpu.memory_space<semaphore_mem>>) src(%dma_wait3A_1167 : memref<8x128xf32, #tpu.memory_space<hbm>>) dst(%dma_wait3A_1163 : memref<8x128xf32, #tpu.memory_space<vmem>>)
        %dma_wait3A_1168 = arith.constant 0 : i32
        %dma_wait3A_1169 = arith.constant 0 : i32
        %dma_wait3A_1170 = arith.constant 0 : i32
        %dma_wait3A_1171 = arith.constant 0 : i32
        %dma_wait3A_1172 = arith.constant 0 : i32
        %dma_wait3A_1173 = tpu.memref_slice %arg13[%dma_wait3A_1171, %dma_wait3A_1172] : memref<64x129xf32, #tpu.memory_space<vmem>> -> memref<8x128xf32, #tpu.memory_space<vmem>>
        %dma_wait3A_1174 = arith.constant 0 : i32
        %dma_wait3A_1175 = arith.constant 0 : i32
        %dma_wait3A_1176 = tpu.memref_slice %arg4[%dma_wait3A_1168, %dma_wait3A_1169, %dma_wait3A_1170, %dma_wait3A_1174, %dma_wait3A_1175] : memref<200x8x32x8x128xf32, #tpu.memory_space<hbm>> -> memref<1x1x1x8x128xf32, #tpu.memory_space<hbm>>
        %dma_wait3A_1177 = tpu.memref_squeeze %dma_wait3A_1176 : memref<1x1x1x8x128xf32, #tpu.memory_space<hbm>> -> memref<8x128xf32, #tpu.memory_space<hbm>>
        %dma_wait3A_1178 = arith.constant 0 : i32
        %dma_wait3A_1179 = arith.constant 0 : i32
        %dma_wait3A_1180 = tpu.memref_slice %arg13[%dma_wait3A_1178, %dma_wait3A_1179] : memref<64x129xf32, #tpu.memory_space<vmem>> -> memref<8x128xf32, #tpu.memory_space<vmem>>
        %dma_wait3A_1181 = arith.constant 0 : i32
        %dma_wait3A_1182 = arith.constant 0 : i32
        %dma_wait3A_1183 = tpu.memref_slice %arg4[%dma_wait3A_1168, %dma_wait3A_1169, %dma_wait3A_1170, %dma_wait3A_1181, %dma_wait3A_1182] : memref<200x8x32x8x128xf32, #tpu.memory_space<hbm>> -> memref<1x1x1x8x128xf32, #tpu.memory_space<hbm>>
        %dma_wait3A_1184 = tpu.memref_squeeze %dma_wait3A_1183 : memref<1x1x1x8x128xf32, #tpu.memory_space<hbm>> -> memref<8x128xf32, #tpu.memory_space<hbm>>
        tpu.wait_dma2 semaphore(%arg19 : memref<!tpu.dma_semaphore, #tpu.memory_space<semaphore_mem>>) src(%dma_wait3A_1184 : memref<8x128xf32, #tpu.memory_space<hbm>>) dst(%dma_wait3A_1180 : memref<8x128xf32, #tpu.memory_space<vmem>>)
        %dma_wait3A_1185 = arith.constant 0 : i32
        %dma_wait3A_1186 = arith.constant 0 : i32
        %dma_wait3A_1187 = arith.constant 0 : i32
        %dma_wait3A_1188 = arith.constant 0 : i32
        %dma_wait3A_1189 = arith.constant 0 : i32
        %dma_wait3A_1190 = tpu.memref_slice %arg13[%dma_wait3A_1188, %dma_wait3A_1189] : memref<64x129xf32, #tpu.memory_space<vmem>> -> memref<8x128xf32, #tpu.memory_space<vmem>>
        %dma_wait3A_1191 = arith.constant 0 : i32
        %dma_wait3A_1192 = arith.constant 0 : i32
        %dma_wait3A_1193 = tpu.memref_slice %arg4[%dma_wait3A_1185, %dma_wait3A_1186, %dma_wait3A_1187, %dma_wait3A_1191, %dma_wait3A_1192] : memref<200x8x32x8x128xf32, #tpu.memory_space<hbm>> -> memref<1x1x1x8x128xf32, #tpu.memory_space<hbm>>
        %dma_wait3A_1194 = tpu.memref_squeeze %dma_wait3A_1193 : memref<1x1x1x8x128xf32, #tpu.memory_space<hbm>> -> memref<8x128xf32, #tpu.memory_space<hbm>>
        %dma_wait3A_1195 = arith.constant 0 : i32
        %dma_wait3A_1196 = arith.constant 0 : i32
        %dma_wait3A_1197 = tpu.memref_slice %arg13[%dma_wait3A_1195, %dma_wait3A_1196] : memref<64x129xf32, #tpu.memory_space<vmem>> -> memref<8x128xf32, #tpu.memory_space<vmem>>
        %dma_wait3A_1198 = arith.constant 0 : i32
        %dma_wait3A_1199 = arith.constant 0 : i32
        %dma_wait3A_1200 = tpu.memref_slice %arg4[%dma_wait3A_1185, %dma_wait3A_1186, %dma_wait3A_1187, %dma_wait3A_1198, %dma_wait3A_1199] : memref<200x8x32x8x128xf32, #tpu.memory_space<hbm>> -> memref<1x1x1x8x128xf32, #tpu.memory_space<hbm>>
        %dma_wait3A_1201 = tpu.memref_squeeze %dma_wait3A_1200 : memref<1x1x1x8x128xf32, #tpu.memory_space<hbm>> -> memref<8x128xf32, #tpu.memory_space<hbm>>
        tpu.wait_dma2 semaphore(%arg19 : memref<!tpu.dma_semaphore, #tpu.memory_space<semaphore_mem>>) src(%dma_wait3A_1201 : memref<8x128xf32, #tpu.memory_space<hbm>>) dst(%dma_wait3A_1197 : memref<8x128xf32, #tpu.memory_space<vmem>>)
        %dma_wait3A_1202 = arith.constant 0 : i32
        %dma_wait3A_1203 = arith.constant 0 : i32
        %dma_wait3A_1204 = arith.constant 0 : i32
        %dma_wait3A_1205 = arith.constant 0 : i32
        %dma_wait3A_1206 = arith.constant 0 : i32
        %dma_wait3A_1207 = tpu.memref_slice %arg13[%dma_wait3A_1205, %dma_wait3A_1206] : memref<64x129xf32, #tpu.memory_space<vmem>> -> memref<8x128xf32, #tpu.memory_space<vmem>>
        %dma_wait3A_1208 = arith.constant 0 : i32
        %dma_wait3A_1209 = arith.constant 0 : i32
        %dma_wait3A_1210 = tpu.memref_slice %arg4[%dma_wait3A_1202, %dma_wait3A_1203, %dma_wait3A_1204, %dma_wait3A_1208, %dma_wait3A_1209] : memref<200x8x32x8x128xf32, #tpu.memory_space<hbm>> -> memref<1x1x1x8x128xf32, #tpu.memory_space<hbm>>
        %dma_wait3A_1211 = tpu.memref_squeeze %dma_wait3A_1210 : memref<1x1x1x8x128xf32, #tpu.memory_space<hbm>> -> memref<8x128xf32, #tpu.memory_space<hbm>>
        %dma_wait3A_1212 = arith.constant 0 : i32
        %dma_wait3A_1213 = arith.constant 0 : i32
        %dma_wait3A_1214 = tpu.memref_slice %arg13[%dma_wait3A_1212, %dma_wait3A_1213] : memref<64x129xf32, #tpu.memory_space<vmem>> -> memref<8x128xf32, #tpu.memory_space<vmem>>
        %dma_wait3A_1215 = arith.constant 0 : i32
        %dma_wait3A_1216 = arith.constant 0 : i32
        %dma_wait3A_1217 = tpu.memref_slice %arg4[%dma_wait3A_1202, %dma_wait3A_1203, %dma_wait3A_1204, %dma_wait3A_1215, %dma_wait3A_1216] : memref<200x8x32x8x128xf32, #tpu.memory_space<hbm>> -> memref<1x1x1x8x128xf32, #tpu.memory_space<hbm>>
        %dma_wait3A_1218 = tpu.memref_squeeze %dma_wait3A_1217 : memref<1x1x1x8x128xf32, #tpu.memory_space<hbm>> -> memref<8x128xf32, #tpu.memory_space<hbm>>
        tpu.wait_dma2 semaphore(%arg19 : memref<!tpu.dma_semaphore, #tpu.memory_space<semaphore_mem>>) src(%dma_wait3A_1218 : memref<8x128xf32, #tpu.memory_space<hbm>>) dst(%dma_wait3A_1214 : memref<8x128xf32, #tpu.memory_space<vmem>>)
        %dma_wait3A_1219 = arith.constant 0 : i32
        %dma_wait3A_1220 = arith.constant 0 : i32
        %dma_wait3A_1221 = arith.constant 0 : i32
        %dma_wait3A_1222 = arith.constant 0 : i32
        %dma_wait3A_1223 = arith.constant 0 : i32
        %dma_wait3A_1224 = tpu.memref_slice %arg13[%dma_wait3A_1222, %dma_wait3A_1223] : memref<64x129xf32, #tpu.memory_space<vmem>> -> memref<8x128xf32, #tpu.memory_space<vmem>>
        %dma_wait3A_1225 = arith.constant 0 : i32
        %dma_wait3A_1226 = arith.constant 0 : i32
        %dma_wait3A_1227 = tpu.memref_slice %arg4[%dma_wait3A_1219, %dma_wait3A_1220, %dma_wait3A_1221, %dma_wait3A_1225, %dma_wait3A_1226] : memref<200x8x32x8x128xf32, #tpu.memory_space<hbm>> -> memref<1x1x1x8x128xf32, #tpu.memory_space<hbm>>
        %dma_wait3A_1228 = tpu.memref_squeeze %dma_wait3A_1227 : memref<1x1x1x8x128xf32, #tpu.memory_space<hbm>> -> memref<8x128xf32, #tpu.memory_space<hbm>>
        %dma_wait3A_1229 = arith.constant 0 : i32
        %dma_wait3A_1230 = arith.constant 0 : i32
        %dma_wait3A_1231 = tpu.memref_slice %arg13[%dma_wait3A_1229, %dma_wait3A_1230] : memref<64x129xf32, #tpu.memory_space<vmem>> -> memref<8x128xf32, #tpu.memory_space<vmem>>
        %dma_wait3A_1232 = arith.constant 0 : i32
        %dma_wait3A_1233 = arith.constant 0 : i32
        %dma_wait3A_1234 = tpu.memref_slice %arg4[%dma_wait3A_1219, %dma_wait3A_1220, %dma_wait3A_1221, %dma_wait3A_1232, %dma_wait3A_1233] : memref<200x8x32x8x128xf32, #tpu.memory_space<hbm>> -> memref<1x1x1x8x128xf32, #tpu.memory_space<hbm>>
        %dma_wait3A_1235 = tpu.memref_squeeze %dma_wait3A_1234 : memref<1x1x1x8x128xf32, #tpu.memory_space<hbm>> -> memref<8x128xf32, #tpu.memory_space<hbm>>
        tpu.wait_dma2 semaphore(%arg19 : memref<!tpu.dma_semaphore, #tpu.memory_space<semaphore_mem>>) src(%dma_wait3A_1235 : memref<8x128xf32, #tpu.memory_space<hbm>>) dst(%dma_wait3A_1231 : memref<8x128xf32, #tpu.memory_space<vmem>>)
        %dma_wait3A_1236 = arith.constant 0 : i32
        %dma_wait3A_1237 = arith.constant 0 : i32
        %dma_wait3A_1238 = arith.constant 0 : i32
        %dma_wait3A_1239 = arith.constant 0 : i32
        %dma_wait3A_1240 = arith.constant 0 : i32
        %dma_wait3A_1241 = tpu.memref_slice %arg13[%dma_wait3A_1239, %dma_wait3A_1240] : memref<64x129xf32, #tpu.memory_space<vmem>> -> memref<8x128xf32, #tpu.memory_space<vmem>>
        %dma_wait3A_1242 = arith.constant 0 : i32
        %dma_wait3A_1243 = arith.constant 0 : i32
        %dma_wait3A_1244 = tpu.memref_slice %arg4[%dma_wait3A_1236, %dma_wait3A_1237, %dma_wait3A_1238, %dma_wait3A_1242, %dma_wait3A_1243] : memref<200x8x32x8x128xf32, #tpu.memory_space<hbm>> -> memref<1x1x1x8x128xf32, #tpu.memory_space<hbm>>
        %dma_wait3A_1245 = tpu.memref_squeeze %dma_wait3A_1244 : memref<1x1x1x8x128xf32, #tpu.memory_space<hbm>> -> memref<8x128xf32, #tpu.memory_space<hbm>>
        %dma_wait3A_1246 = arith.constant 0 : i32
        %dma_wait3A_1247 = arith.constant 0 : i32
        %dma_wait3A_1248 = tpu.memref_slice %arg13[%dma_wait3A_1246, %dma_wait3A_1247] : memref<64x129xf32, #tpu.memory_space<vmem>> -> memref<8x128xf32, #tpu.memory_space<vmem>>
        %dma_wait3A_1249 = arith.constant 0 : i32
        %dma_wait3A_1250 = arith.constant 0 : i32
        %dma_wait3A_1251 = tpu.memref_slice %arg4[%dma_wait3A_1236, %dma_wait3A_1237, %dma_wait3A_1238, %dma_wait3A_1249, %dma_wait3A_1250] : memref<200x8x32x8x128xf32, #tpu.memory_space<hbm>> -> memref<1x1x1x8x128xf32, #tpu.memory_space<hbm>>
        %dma_wait3A_1252 = tpu.memref_squeeze %dma_wait3A_1251 : memref<1x1x1x8x128xf32, #tpu.memory_space<hbm>> -> memref<8x128xf32, #tpu.memory_space<hbm>>
        tpu.wait_dma2 semaphore(%arg19 : memref<!tpu.dma_semaphore, #tpu.memory_space<semaphore_mem>>) src(%dma_wait3A_1252 : memref<8x128xf32, #tpu.memory_space<hbm>>) dst(%dma_wait3A_1248 : memref<8x128xf32, #tpu.memory_space<vmem>>)
      } else {
      }
      %dma_wait3A_428 = arith.constant 0 : i32
      %dma_wait3A_429 = arith.constant 0 : i32
      %dma_wait3A_430 = tpu.memref_slice %arg3[%dma_wait3A_428, %dma_wait3A_429] : memref<1000000x64xf32, #tpu.memory_space<hbm>> -> memref<128x64xf32, #tpu.memory_space<hbm>>
      %dma_wait3A_431 = arith.constant 0 : i32
      %dma_wait3A_432 = arith.constant 0 : i32
      %dma_wait3A_433 = tpu.memref_slice %arg3[%dma_wait3A_431, %dma_wait3A_432] : memref<1000000x64xf32, #tpu.memory_space<hbm>> -> memref<128x64xf32, #tpu.memory_space<hbm>>
      tpu.wait_dma2 semaphore(%arg15 : memref<!tpu.dma_semaphore, #tpu.memory_space<semaphore_mem>>) src(%dma_wait3A_433 : memref<128x64xf32, #tpu.memory_space<hbm>>) dst(%arg9 : memref<128x64xf32, #tpu.memory_space<vmem>>)
      %scan3A_434 = arith.constant 0 : i32
      %scan3A_435 = arith.constant 0 : i32
      %scan3A_436 = arith.constant 128 : i32
      %scan3A_437 = arith.addi %scan3A_435, %scan3A_436 : i32
      %scan3A_438 = arith.constant 8 : i32
      scf.for %scan3A_1117 = %scan3A_435 to %scan3A_437 step %scan3A_438  : i32 {
        %broadcast_in_dim3A_1118 = vector.broadcast %scan3A_1117 : i32 to vector<16xi32>
        %get3A = arith.index_cast %scan3A_1117 : i32 to index
        %get3A_1119 = arith.constant 0 : index
        %get3A_1120 = tpu.vector_load %arg9[%get3A, %get3A_1119] {strides = array<i32>} : memref<128x64xf32, #tpu.memory_space<vmem>>, vector<16xf32>,
        tpu.vector_store_idx %arg13[%add3A_5, %broadcast_in_dim3A_1118], %get3A_1120 : memref<64x129xf32, #tpu.memory_space<vmem>>[vector<16xi32>, vector<16xi32>], vector<16xf32>,
        %get3A_1121 = arith.index_cast %scan3A_1117 : i32 to index
        %get3A_1122 = arith.constant 16 : index
        %get3A_1123 = tpu.vector_load %arg9[%get3A_1121, %get3A_1122] {strides = array<i32>} : memref<128x64xf32, #tpu.memory_space<vmem>>, vector<16xf32>,
        tpu.vector_store_idx %arg13[%add3A_8, %broadcast_in_dim3A_1118], %get3A_1123 : memref<64x129xf32, #tpu.memory_space<vmem>>[vector<16xi32>, vector<16xi32>], vector<16xf32>,
        %get3A_1124 = arith.index_cast %scan3A_1117 : i32 to index
        %get3A_1125 = arith.constant 32 : index
        %get3A_1126 = tpu.vector_load %arg9[%get3A_1124, %get3A_1125] {strides = array<i32>} : memref<128x64xf32, #tpu.memory_space<vmem>>, vector<16xf32>,
        tpu.vector_store_idx %arg13[%add3A_11, %broadcast_in_dim3A_1118], %get3A_1126 : memref<64x129xf32, #tpu.memory_space<vmem>>[vector<16xi32>, vector<16xi32>], vector<16xf32>,
        %get3A_1127 = arith.index_cast %scan3A_1117 : i32 to index
        %get3A_1128 = arith.constant 48 : index
        %get3A_1129 = tpu.vector_load %arg9[%get3A_1127, %get3A_1128] {strides = array<i32>} : memref<128x64xf32, #tpu.memory_space<vmem>>, vector<16xf32>,
        tpu.vector_store_idx %arg13[%add3A_14, %broadcast_in_dim3A_1118], %get3A_1129 : memref<64x129xf32, #tpu.memory_space<vmem>>[vector<16xi32>, vector<16xi32>], vector<16xf32>,
        %scan3A_1130 = arith.constant 1 : i32
        %scan3A_1131 = arith.addi %scan3A_1117, %scan3A_1130 : i32
        %broadcast_in_dim3A_1132 = vector.broadcast %scan3A_1131 : i32 to vector<16xi32>
        %get3A_1133 = arith.index_cast %scan3A_1131 : i32 to index
        %get3A_1134 = arith.constant 0 : index
        %get3A_1135 = tpu.vector_load %arg9[%get3A_1133, %get3A_1134] {strides = array<i32>} : memref<128x64xf32, #tpu.memory_space<vmem>>, vector<16xf32>,
        tpu.vector_store_idx %arg13[%add3A_5, %broadcast_in_dim3A_1132], %get3A_1135 : memref<64x129xf32, #tpu.memory_space<vmem>>[vector<16xi32>, vector<16xi32>], vector<16xf32>,
        %get3A_1136 = arith.index_cast %scan3A_1131 : i32 to index
        %get3A_1137 = arith.constant 16 : index
        %get3A_1138 = tpu.vector_load %arg9[%get3A_1136, %get3A_1137] {strides = array<i32>} : memref<128x64xf32, #tpu.memory_space<vmem>>, vector<16xf32>,
        tpu.vector_store_idx %arg13[%add3A_8, %broadcast_in_dim3A_1132], %get3A_1138 : memref<64x129xf32, #tpu.memory_space<vmem>>[vector<16xi32>, vector<16xi32>], vector<16xf32>,
        %get3A_1139 = arith.index_cast %scan3A_1131 : i32 to index
        %get3A_1140 = arith.constant 32 : index
        %get3A_1141 = tpu.vector_load %arg9[%get3A_1139, %get3A_1140] {strides = array<i32>} : memref<128x64xf32, #tpu.memory_space<vmem>>, vector<16xf32>,
        tpu.vector_store_idx %arg13[%add3A_11, %broadcast_in_dim3A_1132], %get3A_1141 : memref<64x129xf32, #tpu.memory_space<vmem>>[vector<16xi32>, vector<16xi32>], vector<16xf32>,
        %get3A_1142 = arith.index_cast %scan3A_1131 : i32 to index
        %get3A_1143 = arith.constant 48 : index
        %get3A_1144 = tpu.vector_load %arg9[%get3A_1142, %get3A_1143] {strides = array<i32>} : memref<128x64xf32, #tpu.memory_space<vmem>>, vector<16xf32>,
        tpu.vector_store_idx %arg13[%add3A_14, %broadcast_in_dim3A_1132], %get3A_1144 : memref<64x129xf32, #tpu.memory_space<vmem>>[vector<16xi32>, vector<16xi32>], vector<16xf32>,
        %scan3A_1145 = arith.constant 2 : i32
        %scan3A_1146 = arith.addi %scan3A_1117, %scan3A_1145 : i32
        %broadcast_in_dim3A_1147 = vector.broadcast %scan3A_1146 : i32 to vector<16xi32>
        %get3A_1148 = arith.index_cast %scan3A_1146 : i32 to index
        %get3A_1149 = arith.constant 0 : index
        %get3A_1150 = tpu.vector_load %arg9[%get3A_1148, %get3A_1149] {strides = array<i32>} : memref<128x64xf32, #tpu.memory_space<vmem>>, vector<16xf32>,
        tpu.vector_store_idx %arg13[%add3A_5, %broadcast_in_dim3A_1147], %get3A_1150 : memref<64x129xf32, #tpu.memory_space<vmem>>[vector<16xi32>, vector<16xi32>], vector<16xf32>,
        %get3A_1151 = arith.index_cast %scan3A_1146 : i32 to index
        %get3A_1152 = arith.constant 16 : index
        %get3A_1153 = tpu.vector_load %arg9[%get3A_1151, %get3A_1152] {strides = array<i32>} : memref<128x64xf32, #tpu.memory_space<vmem>>, vector<16xf32>,
        tpu.vector_store_idx %arg13[%add3A_8, %broadcast_in_dim3A_1147], %get3A_1153 : memref<64x129xf32, #tpu.memory_space<vmem>>[vector<16xi32>, vector<16xi32>], vector<16xf32>,
        %get3A_1154 = arith.index_cast %scan3A_1146 : i32 to index
        %get3A_1155 = arith.constant 32 : index
        %get3A_1156 = tpu.vector_load %arg9[%get3A_1154, %get3A_1155] {strides = array<i32>} : memref<128x64xf32, #tpu.memory_space<vmem>>, vector<16xf32>,
        tpu.vector_store_idx %arg13[%add3A_11, %broadcast_in_dim3A_1147], %get3A_1156 : memref<64x129xf32, #tpu.memory_space<vmem>>[vector<16xi32>, vector<16xi32>], vector<16xf32>,
        %get3A_1157 = arith.index_cast %scan3A_1146 : i32 to index
        %get3A_1158 = arith.constant 48 : index
        %get3A_1159 = tpu.vector_load %arg9[%get3A_1157, %get3A_1158] {strides = array<i32>} : memref<128x64xf32, #tpu.memory_space<vmem>>, vector<16xf32>,
        tpu.vector_store_idx %arg13[%add3A_14, %broadcast_in_dim3A_1147], %get3A_1159 : memref<64x129xf32, #tpu.memory_space<vmem>>[vector<16xi32>, vector<16xi32>], vector<16xf32>,
        %scan3A_1160 = arith.constant 3 : i32
        %scan3A_1161 = arith.addi %scan3A_1117, %scan3A_1160 : i32
        %broadcast_in_dim3A_1162 = vector.broadcast %scan3A_1161 : i32 to vector<16xi32>
        %get3A_1163 = arith.index_cast %scan3A_1161 : i32 to index
        %get3A_1164 = arith.constant 0 : index
        %get3A_1165 = tpu.vector_load %arg9[%get3A_1163, %get3A_1164] {strides = array<i32>} : memref<128x64xf32, #tpu.memory_space<vmem>>, vector<16xf32>,
        tpu.vector_store_idx %arg13[%add3A_5, %broadcast_in_dim3A_1162], %get3A_1165 : memref<64x129xf32, #tpu.memory_space<vmem>>[vector<16xi32>, vector<16xi32>], vector<16xf32>,
        %get3A_1166 = arith.index_cast %scan3A_1161 : i32 to index
        %get3A_1167 = arith.constant 16 : index
        %get3A_1168 = tpu.vector_load %arg9[%get3A_1166, %get3A_1167] {strides = array<i32>} : memref<128x64xf32, #tpu.memory_space<vmem>>, vector<16xf32>,
        tpu.vector_store_idx %arg13[%add3A_8, %broadcast_in_dim3A_1162], %get3A_1168 : memref<64x129xf32, #tpu.memory_space<vmem>>[vector<16xi32>, vector<16xi32>], vector<16xf32>,
        %get3A_1169 = arith.index_cast %scan3A_1161 : i32 to index
        %get3A_1170 = arith.constant 32 : index
        %get3A_1171 = tpu.vector_load %arg9[%get3A_1169, %get3A_1170] {strides = array<i32>} : memref<128x64xf32, #tpu.memory_space<vmem>>, vector<16xf32>,
        tpu.vector_store_idx %arg13[%add3A_11, %broadcast_in_dim3A_1162], %get3A_1171 : memref<64x129xf32, #tpu.memory_space<vmem>>[vector<16xi32>, vector<16xi32>], vector<16xf32>,
        %get3A_1172 = arith.index_cast %scan3A_1161 : i32 to index
        %get3A_1173 = arith.constant 48 : index
        %get3A_1174 = tpu.vector_load %arg9[%get3A_1172, %get3A_1173] {strides = array<i32>} : memref<128x64xf32, #tpu.memory_space<vmem>>, vector<16xf32>,
        tpu.vector_store_idx %arg13[%add3A_14, %broadcast_in_dim3A_1162], %get3A_1174 : memref<64x129xf32, #tpu.memory_space<vmem>>[vector<16xi32>, vector<16xi32>], vector<16xf32>,
        %scan3A_1175 = arith.constant 4 : i32
        %scan3A_1176 = arith.addi %scan3A_1117, %scan3A_1175 : i32
        %broadcast_in_dim3A_1177 = vector.broadcast %scan3A_1176 : i32 to vector<16xi32>
        %get3A_1178 = arith.index_cast %scan3A_1176 : i32 to index
        %get3A_1179 = arith.constant 0 : index
        %get3A_1180 = tpu.vector_load %arg9[%get3A_1178, %get3A_1179] {strides = array<i32>} : memref<128x64xf32, #tpu.memory_space<vmem>>, vector<16xf32>,
        tpu.vector_store_idx %arg13[%add3A_5, %broadcast_in_dim3A_1177], %get3A_1180 : memref<64x129xf32, #tpu.memory_space<vmem>>[vector<16xi32>, vector<16xi32>], vector<16xf32>,
        %get3A_1181 = arith.index_cast %scan3A_1176 : i32 to index
        %get3A_1182 = arith.constant 16 : index
        %get3A_1183 = tpu.vector_load %arg9[%get3A_1181, %get3A_1182] {strides = array<i32>} : memref<128x64xf32, #tpu.memory_space<vmem>>, vector<16xf32>,
        tpu.vector_store_idx %arg13[%add3A_8, %broadcast_in_dim3A_1177], %get3A_1183 : memref<64x129xf32, #tpu.memory_space<vmem>>[vector<16xi32>, vector<16xi32>], vector<16xf32>,
        %get3A_1184 = arith.index_cast %scan3A_1176 : i32 to index
        %get3A_1185 = arith.constant 32 : index
        %get3A_1186 = tpu.vector_load %arg9[%get3A_1184, %get3A_1185] {strides = array<i32>} : memref<128x64xf32, #tpu.memory_space<vmem>>, vector<16xf32>,
        tpu.vector_store_idx %arg13[%add3A_11, %broadcast_in_dim3A_1177], %get3A_1186 : memref<64x129xf32, #tpu.memory_space<vmem>>[vector<16xi32>, vector<16xi32>], vector<16xf32>,
        %get3A_1187 = arith.index_cast %scan3A_1176 : i32 to index
        %get3A_1188 = arith.constant 48 : index
        %get3A_1189 = tpu.vector_load %arg9[%get3A_1187, %get3A_1188] {strides = array<i32>} : memref<128x64xf32, #tpu.memory_space<vmem>>, vector<16xf32>,
        tpu.vector_store_idx %arg13[%add3A_14, %broadcast_in_dim3A_1177], %get3A_1189 : memref<64x129xf32, #tpu.memory_space<vmem>>[vector<16xi32>, vector<16xi32>], vector<16xf32>,
        %scan3A_1190 = arith.constant 5 : i32
        %scan3A_1191 = arith.addi %scan3A_1117, %scan3A_1190 : i32
        %broadcast_in_dim3A_1192 = vector.broadcast %scan3A_1191 : i32 to vector<16xi32>
        %get3A_1193 = arith.index_cast %scan3A_1191 : i32 to index
        %get3A_1194 = arith.constant 0 : index
        %get3A_1195 = tpu.vector_load %arg9[%get3A_1193, %get3A_1194] {strides = array<i32>} : memref<128x64xf32, #tpu.memory_space<vmem>>, vector<16xf32>,
        tpu.vector_store_idx %arg13[%add3A_5, %broadcast_in_dim3A_1192], %get3A_1195 : memref<64x129xf32, #tpu.memory_space<vmem>>[vector<16xi32>, vector<16xi32>], vector<16xf32>,
        %get3A_1196 = arith.index_cast %scan3A_1191 : i32 to index
        %get3A_1197 = arith.constant 16 : index
        %get3A_1198 = tpu.vector_load %arg9[%get3A_1196, %get3A_1197] {strides = array<i32>} : memref<128x64xf32, #tpu.memory_space<vmem>>, vector<16xf32>,
        tpu.vector_store_idx %arg13[%add3A_8, %broadcast_in_dim3A_1192], %get3A_1198 : memref<64x129xf32, #tpu.memory_space<vmem>>[vector<16xi32>, vector<16xi32>], vector<16xf32>,
        %get3A_1199 = arith.index_cast %scan3A_1191 : i32 to index
        %get3A_1200 = arith.constant 32 : index
        %get3A_1201 = tpu.vector_load %arg9[%get3A_1199, %get3A_1200] {strides = array<i32>} : memref<128x64xf32, #tpu.memory_space<vmem>>, vector<16xf32>,
        tpu.vector_store_idx %arg13[%add3A_11, %broadcast_in_dim3A_1192], %get3A_1201 : memref<64x129xf32, #tpu.memory_space<vmem>>[vector<16xi32>, vector<16xi32>], vector<16xf32>,
        %get3A_1202 = arith.index_cast %scan3A_1191 : i32 to index
        %get3A_1203 = arith.constant 48 : index
        %get3A_1204 = tpu.vector_load %arg9[%get3A_1202, %get3A_1203] {strides = array<i32>} : memref<128x64xf32, #tpu.memory_space<vmem>>, vector<16xf32>,
        tpu.vector_store_idx %arg13[%add3A_14, %broadcast_in_dim3A_1192], %get3A_1204 : memref<64x129xf32, #tpu.memory_space<vmem>>[vector<16xi32>, vector<16xi32>], vector<16xf32>,
        %scan3A_1205 = arith.constant 6 : i32
        %scan3A_1206 = arith.addi %scan3A_1117, %scan3A_1205 : i32
        %broadcast_in_dim3A_1207 = vector.broadcast %scan3A_1206 : i32 to vector<16xi32>
        %get3A_1208 = arith.index_cast %scan3A_1206 : i32 to index
        %get3A_1209 = arith.constant 0 : index
        %get3A_1210 = tpu.vector_load %arg9[%get3A_1208, %get3A_1209] {strides = array<i32>} : memref<128x64xf32, #tpu.memory_space<vmem>>, vector<16xf32>,
        tpu.vector_store_idx %arg13[%add3A_5, %broadcast_in_dim3A_1207], %get3A_1210 : memref<64x129xf32, #tpu.memory_space<vmem>>[vector<16xi32>, vector<16xi32>], vector<16xf32>,
        %get3A_1211 = arith.index_cast %scan3A_1206 : i32 to index
        %get3A_1212 = arith.constant 16 : index
        %get3A_1213 = tpu.vector_load %arg9[%get3A_1211, %get3A_1212] {strides = array<i32>} : memref<128x64xf32, #tpu.memory_space<vmem>>, vector<16xf32>,
        tpu.vector_store_idx %arg13[%add3A_8, %broadcast_in_dim3A_1207], %get3A_1213 : memref<64x129xf32, #tpu.memory_space<vmem>>[vector<16xi32>, vector<16xi32>], vector<16xf32>,
        %get3A_1214 = arith.index_cast %scan3A_1206 : i32 to index
        %get3A_1215 = arith.constant 32 : index
        %get3A_1216 = tpu.vector_load %arg9[%get3A_1214, %get3A_1215] {strides = array<i32>} : memref<128x64xf32, #tpu.memory_space<vmem>>, vector<16xf32>,
        tpu.vector_store_idx %arg13[%add3A_11, %broadcast_in_dim3A_1207], %get3A_1216 : memref<64x129xf32, #tpu.memory_space<vmem>>[vector<16xi32>, vector<16xi32>], vector<16xf32>,
        %get3A_1217 = arith.index_cast %scan3A_1206 : i32 to index
        %get3A_1218 = arith.constant 48 : index
        %get3A_1219 = tpu.vector_load %arg9[%get3A_1217, %get3A_1218] {strides = array<i32>} : memref<128x64xf32, #tpu.memory_space<vmem>>, vector<16xf32>,
        tpu.vector_store_idx %arg13[%add3A_14, %broadcast_in_dim3A_1207], %get3A_1219 : memref<64x129xf32, #tpu.memory_space<vmem>>[vector<16xi32>, vector<16xi32>], vector<16xf32>,
        %scan3A_1220 = arith.constant 7 : i32
        %scan3A_1221 = arith.addi %scan3A_1117, %scan3A_1220 : i32
        %broadcast_in_dim3A_1222 = vector.broadcast %scan3A_1221 : i32 to vector<16xi32>
        %get3A_1223 = arith.index_cast %scan3A_1221 : i32 to index
        %get3A_1224 = arith.constant 0 : index
        %get3A_1225 = tpu.vector_load %arg9[%get3A_1223, %get3A_1224] {strides = array<i32>} : memref<128x64xf32, #tpu.memory_space<vmem>>, vector<16xf32>,
        tpu.vector_store_idx %arg13[%add3A_5, %broadcast_in_dim3A_1222], %get3A_1225 : memref<64x129xf32, #tpu.memory_space<vmem>>[vector<16xi32>, vector<16xi32>], vector<16xf32>,
        %get3A_1226 = arith.index_cast %scan3A_1221 : i32 to index
        %get3A_1227 = arith.constant 16 : index
        %get3A_1228 = tpu.vector_load %arg9[%get3A_1226, %get3A_1227] {strides = array<i32>} : memref<128x64xf32, #tpu.memory_space<vmem>>, vector<16xf32>,
        tpu.vector_store_idx %arg13[%add3A_8, %broadcast_in_dim3A_1222], %get3A_1228 : memref<64x129xf32, #tpu.memory_space<vmem>>[vector<16xi32>, vector<16xi32>], vector<16xf32>,
        %get3A_1229 = arith.index_cast %scan3A_1221 : i32 to index
        %get3A_1230 = arith.constant 32 : index
        %get3A_1231 = tpu.vector_load %arg9[%get3A_1229, %get3A_1230] {strides = array<i32>} : memref<128x64xf32, #tpu.memory_space<vmem>>, vector<16xf32>,
        tpu.vector_store_idx %arg13[%add3A_11, %broadcast_in_dim3A_1222], %get3A_1231 : memref<64x129xf32, #tpu.memory_space<vmem>>[vector<16xi32>, vector<16xi32>], vector<16xf32>,
        %get3A_1232 = arith.index_cast %scan3A_1221 : i32 to index
        %get3A_1233 = arith.constant 48 : index
        %get3A_1234 = tpu.vector_load %arg9[%get3A_1232, %get3A_1233] {strides = array<i32>} : memref<128x64xf32, #tpu.memory_space<vmem>>, vector<16xf32>,
        tpu.vector_store_idx %arg13[%add3A_14, %broadcast_in_dim3A_1222], %get3A_1234 : memref<64x129xf32, #tpu.memory_space<vmem>>[vector<16xi32>, vector<16xi32>], vector<16xf32>,
      }
      %scan3A_439 = arith.constant 128 : i32
      %jit3A_440 = arith.constant 32 : i32
      %div3A_441 = arith.divsi %add3A_417, %jit3A_440 : i32
      %sign3A_442 = arith.constant 0 : i32
      %sign3A_443 = arith.cmpi sgt, %add3A_417, %sign3A_442 : i32
      %sign3A_444 = arith.extui %sign3A_443 : i1 to i32
      %sign3A_445 = arith.constant 0 : i32
      %sign3A_446 = arith.cmpi slt, %add3A_417, %sign3A_445 : i32
      %sign3A_447 = arith.extui %sign3A_446 : i1 to i32
      %sign3A_448 = arith.subi %sign3A_444, %sign3A_447 : i32
      %sign3A_449 = arith.constant 0 : i32
      %sign3A_450 = arith.cmpi sgt, %jit3A_440, %sign3A_449 : i32
      %sign3A_451 = arith.extui %sign3A_450 : i1 to i32
      %sign3A_452 = arith.constant 0 : i32
      %sign3A_453 = arith.cmpi slt, %jit3A_440, %sign3A_452 : i32
      %sign3A_454 = arith.extui %sign3A_453 : i1 to i32
      %sign3A_455 = arith.subi %sign3A_451, %sign3A_454 : i32
      %ne3A_456 = arith.cmpi ne, %sign3A_448, %sign3A_455 : i32
      %rem3A_457 = arith.remsi %add3A_417, %jit3A_440 : i32
      %ne3A_458 = arith.constant 0 : i32
      %ne3A_459 = arith.cmpi ne, %rem3A_457, %ne3A_458 : i32
      %and3A_460 = arith.andi %ne3A_456, %ne3A_459 : i1
      %sub3A_461 = arith.constant 1 : i32
      %sub3A_462 = arith.subi %div3A_441, %sub3A_461 : i32
      %select_n3A_463 = arith.select %and3A_460, %sub3A_462, %div3A_441 : i32
      %rem3A_464 = arith.constant 32 : i32
      %rem3A_465 = arith.remsi %add3A_417, %rem3A_464 : i32
      %dma_start3A_466 = arith.constant 0 : i32
      %dma_start3A_467 = arith.constant 0 : i32
      %dma_start3A_468 = arith.constant 0 : i32
      %dma_start3A_469 = tpu.memref_slice %arg13[%dma_start3A_467, %dma_start3A_468] : memref<64x129xf32, #tpu.memory_space<vmem>> -> memref<8x128xf32, #tpu.memory_space<vmem>>
      %dma_start3A_470 = arith.constant 0 : i32
      %dma_start3A_471 = arith.constant 0 : i32
      %dma_start3A_472 = tpu.memref_slice %arg4[%select_n3A_463, %dma_start3A_466, %rem3A_465, %dma_start3A_470, %dma_start3A_471] : memref<200x8x32x8x128xf32, #tpu.memory_space<hbm>> -> memref<1x1x1x8x128xf32, #tpu.memory_space<hbm>>
      %dma_start3A_473 = tpu.memref_squeeze %dma_start3A_472 : memref<1x1x1x8x128xf32, #tpu.memory_space<hbm>> -> memref<8x128xf32, #tpu.memory_space<hbm>>
      %dma_start3A_474 = arith.constant 0 : i32
      %dma_start3A_475 = arith.constant 0 : i32
      %dma_start3A_476 = tpu.memref_slice %arg4[%select_n3A_463, %dma_start3A_466, %rem3A_465, %dma_start3A_474, %dma_start3A_475] : memref<200x8x32x8x128xf32, #tpu.memory_space<hbm>> -> memref<1x1x1x8x128xf32, #tpu.memory_space<hbm>>
      %dma_start3A_477 = tpu.memref_squeeze %dma_start3A_476 : memref<1x1x1x8x128xf32, #tpu.memory_space<hbm>> -> memref<8x128xf32, #tpu.memory_space<hbm>>
      %dma_start3A_478 = arith.constant 0 : i32
      %dma_start3A_479 = arith.constant 0 : i32
      %dma_start3A_480 = tpu.memref_slice %arg13[%dma_start3A_478, %dma_start3A_479] : memref<64x129xf32, #tpu.memory_space<vmem>> -> memref<8x128xf32, #tpu.memory_space<vmem>>
      tpu.enqueue_dma source(%dma_start3A_480 : memref<8x128xf32, #tpu.memory_space<vmem>>) target(%dma_start3A_477 : memref<8x128xf32, #tpu.memory_space<hbm>>) target_semaphore(%arg19 : memref<!tpu.dma_semaphore, #tpu.memory_space<semaphore_mem>>)
      %dma_start3A_481 = arith.constant 1 : i32
      %dma_start3A_482 = arith.constant 8 : i32
      %dma_start3A_483 = arith.constant 0 : i32
      %dma_start3A_484 = tpu.memref_slice %arg13[%dma_start3A_482, %dma_start3A_483] : memref<64x129xf32, #tpu.memory_space<vmem>> -> memref<8x128xf32, #tpu.memory_space<vmem>>
      %dma_start3A_485 = arith.constant 0 : i32
      %dma_start3A_486 = arith.constant 0 : i32
      %dma_start3A_487 = tpu.memref_slice %arg4[%select_n3A_463, %dma_start3A_481, %rem3A_465, %dma_start3A_485, %dma_start3A_486] : memref<200x8x32x8x128xf32, #tpu.memory_space<hbm>> -> memref<1x1x1x8x128xf32, #tpu.memory_space<hbm>>
      %dma_start3A_488 = tpu.memref_squeeze %dma_start3A_487 : memref<1x1x1x8x128xf32, #tpu.memory_space<hbm>> -> memref<8x128xf32, #tpu.memory_space<hbm>>
      %dma_start3A_489 = arith.constant 0 : i32
      %dma_start3A_490 = arith.constant 0 : i32
      %dma_start3A_491 = tpu.memref_slice %arg4[%select_n3A_463, %dma_start3A_481, %rem3A_465, %dma_start3A_489, %dma_start3A_490] : memref<200x8x32x8x128xf32, #tpu.memory_space<hbm>> -> memref<1x1x1x8x128xf32, #tpu.memory_space<hbm>>
      %dma_start3A_492 = tpu.memref_squeeze %dma_start3A_491 : memref<1x1x1x8x128xf32, #tpu.memory_space<hbm>> -> memref<8x128xf32, #tpu.memory_space<hbm>>
      %dma_start3A_493 = arith.constant 8 : i32
      %dma_start3A_494 = arith.constant 0 : i32
      %dma_start3A_495 = tpu.memref_slice %arg13[%dma_start3A_493, %dma_start3A_494] : memref<64x129xf32, #tpu.memory_space<vmem>> -> memref<8x128xf32, #tpu.memory_space<vmem>>
      tpu.enqueue_dma source(%dma_start3A_495 : memref<8x128xf32, #tpu.memory_space<vmem>>) target(%dma_start3A_492 : memref<8x128xf32, #tpu.memory_space<hbm>>) target_semaphore(%arg19 : memref<!tpu.dma_semaphore, #tpu.memory_space<semaphore_mem>>)
      %dma_start3A_496 = arith.constant 2 : i32
      %dma_start3A_497 = arith.constant 16 : i32
      %dma_start3A_498 = arith.constant 0 : i32
      %dma_start3A_499 = tpu.memref_slice %arg13[%dma_start3A_497, %dma_start3A_498] : memref<64x129xf32, #tpu.memory_space<vmem>> -> memref<8x128xf32, #tpu.memory_space<vmem>>
      %dma_start3A_500 = arith.constant 0 : i32
      %dma_start3A_501 = arith.constant 0 : i32
      %dma_start3A_502 = tpu.memref_slice %arg4[%select_n3A_463, %dma_start3A_496, %rem3A_465, %dma_start3A_500, %dma_start3A_501] : memref<200x8x32x8x128xf32, #tpu.memory_space<hbm>> -> memref<1x1x1x8x128xf32, #tpu.memory_space<hbm>>
      %dma_start3A_503 = tpu.memref_squeeze %dma_start3A_502 : memref<1x1x1x8x128xf32, #tpu.memory_space<hbm>> -> memref<8x128xf32, #tpu.memory_space<hbm>>
      %dma_start3A_504 = arith.constant 0 : i32
      %dma_start3A_505 = arith.constant 0 : i32
      %dma_start3A_506 = tpu.memref_slice %arg4[%select_n3A_463, %dma_start3A_496, %rem3A_465, %dma_start3A_504, %dma_start3A_505] : memref<200x8x32x8x128xf32, #tpu.memory_space<hbm>> -> memref<1x1x1x8x128xf32, #tpu.memory_space<hbm>>
      %dma_start3A_507 = tpu.memref_squeeze %dma_start3A_506 : memref<1x1x1x8x128xf32, #tpu.memory_space<hbm>> -> memref<8x128xf32, #tpu.memory_space<hbm>>
      %dma_start3A_508 = arith.constant 16 : i32
      %dma_start3A_509 = arith.constant 0 : i32
      %dma_start3A_510 = tpu.memref_slice %arg13[%dma_start3A_508, %dma_start3A_509] : memref<64x129xf32, #tpu.memory_space<vmem>> -> memref<8x128xf32, #tpu.memory_space<vmem>>
      tpu.enqueue_dma source(%dma_start3A_510 : memref<8x128xf32, #tpu.memory_space<vmem>>) target(%dma_start3A_507 : memref<8x128xf32, #tpu.memory_space<hbm>>) target_semaphore(%arg19 : memref<!tpu.dma_semaphore, #tpu.memory_space<semaphore_mem>>)
      %dma_start3A_511 = arith.constant 3 : i32
      %dma_start3A_512 = arith.constant 24 : i32
      %dma_start3A_513 = arith.constant 0 : i32
      %dma_start3A_514 = tpu.memref_slice %arg13[%dma_start3A_512, %dma_start3A_513] : memref<64x129xf32, #tpu.memory_space<vmem>> -> memref<8x128xf32, #tpu.memory_space<vmem>>
      %dma_start3A_515 = arith.constant 0 : i32
      %dma_start3A_516 = arith.constant 0 : i32
      %dma_start3A_517 = tpu.memref_slice %arg4[%select_n3A_463, %dma_start3A_511, %rem3A_465, %dma_start3A_515, %dma_start3A_516] : memref<200x8x32x8x128xf32, #tpu.memory_space<hbm>> -> memref<1x1x1x8x128xf32, #tpu.memory_space<hbm>>
      %dma_start3A_518 = tpu.memref_squeeze %dma_start3A_517 : memref<1x1x1x8x128xf32, #tpu.memory_space<hbm>> -> memref<8x128xf32, #tpu.memory_space<hbm>>
      %dma_start3A_519 = arith.constant 0 : i32
      %dma_start3A_520 = arith.constant 0 : i32
      %dma_start3A_521 = tpu.memref_slice %arg4[%select_n3A_463, %dma_start3A_511, %rem3A_465, %dma_start3A_519, %dma_start3A_520] : memref<200x8x32x8x128xf32, #tpu.memory_space<hbm>> -> memref<1x1x1x8x128xf32, #tpu.memory_space<hbm>>
      %dma_start3A_522 = tpu.memref_squeeze %dma_start3A_521 : memref<1x1x1x8x128xf32, #tpu.memory_space<hbm>> -> memref<8x128xf32, #tpu.memory_space<hbm>>
      %dma_start3A_523 = arith.constant 24 : i32
      %dma_start3A_524 = arith.constant 0 : i32
      %dma_start3A_525 = tpu.memref_slice %arg13[%dma_start3A_523, %dma_start3A_524] : memref<64x129xf32, #tpu.memory_space<vmem>> -> memref<8x128xf32, #tpu.memory_space<vmem>>
      tpu.enqueue_dma source(%dma_start3A_525 : memref<8x128xf32, #tpu.memory_space<vmem>>) target(%dma_start3A_522 : memref<8x128xf32, #tpu.memory_space<hbm>>) target_semaphore(%arg19 : memref<!tpu.dma_semaphore, #tpu.memory_space<semaphore_mem>>)
      %dma_start3A_526 = arith.constant 4 : i32
      %dma_start3A_527 = arith.constant 32 : i32
      %dma_start3A_528 = arith.constant 0 : i32
      %dma_start3A_529 = tpu.memref_slice %arg13[%dma_start3A_527, %dma_start3A_528] : memref<64x129xf32, #tpu.memory_space<vmem>> -> memref<8x128xf32, #tpu.memory_space<vmem>>
      %dma_start3A_530 = arith.constant 0 : i32
      %dma_start3A_531 = arith.constant 0 : i32
      %dma_start3A_532 = tpu.memref_slice %arg4[%select_n3A_463, %dma_start3A_526, %rem3A_465, %dma_start3A_530, %dma_start3A_531] : memref<200x8x32x8x128xf32, #tpu.memory_space<hbm>> -> memref<1x1x1x8x128xf32, #tpu.memory_space<hbm>>
      %dma_start3A_533 = tpu.memref_squeeze %dma_start3A_532 : memref<1x1x1x8x128xf32, #tpu.memory_space<hbm>> -> memref<8x128xf32, #tpu.memory_space<hbm>>
      %dma_start3A_534 = arith.constant 0 : i32
      %dma_start3A_535 = arith.constant 0 : i32
      %dma_start3A_536 = tpu.memref_slice %arg4[%select_n3A_463, %dma_start3A_526, %rem3A_465, %dma_start3A_534, %dma_start3A_535] : memref<200x8x32x8x128xf32, #tpu.memory_space<hbm>> -> memref<1x1x1x8x128xf32, #tpu.memory_space<hbm>>
      %dma_start3A_537 = tpu.memref_squeeze %dma_start3A_536 : memref<1x1x1x8x128xf32, #tpu.memory_space<hbm>> -> memref<8x128xf32, #tpu.memory_space<hbm>>
      %dma_start3A_538 = arith.constant 32 : i32
      %dma_start3A_539 = arith.constant 0 : i32
      %dma_start3A_540 = tpu.memref_slice %arg13[%dma_start3A_538, %dma_start3A_539] : memref<64x129xf32, #tpu.memory_space<vmem>> -> memref<8x128xf32, #tpu.memory_space<vmem>>
      tpu.enqueue_dma source(%dma_start3A_540 : memref<8x128xf32, #tpu.memory_space<vmem>>) target(%dma_start3A_537 : memref<8x128xf32, #tpu.memory_space<hbm>>) target_semaphore(%arg19 : memref<!tpu.dma_semaphore, #tpu.memory_space<semaphore_mem>>)
      %dma_start3A_541 = arith.constant 5 : i32
      %dma_start3A_542 = arith.constant 40 : i32
      %dma_start3A_543 = arith.constant 0 : i32
      %dma_start3A_544 = tpu.memref_slice %arg13[%dma_start3A_542, %dma_start3A_543] : memref<64x129xf32, #tpu.memory_space<vmem>> -> memref<8x128xf32, #tpu.memory_space<vmem>>
      %dma_start3A_545 = arith.constant 0 : i32
      %dma_start3A_546 = arith.constant 0 : i32
      %dma_start3A_547 = tpu.memref_slice %arg4[%select_n3A_463, %dma_start3A_541, %rem3A_465, %dma_start3A_545, %dma_start3A_546] : memref<200x8x32x8x128xf32, #tpu.memory_space<hbm>> -> memref<1x1x1x8x128xf32, #tpu.memory_space<hbm>>
      %dma_start3A_548 = tpu.memref_squeeze %dma_start3A_547 : memref<1x1x1x8x128xf32, #tpu.memory_space<hbm>> -> memref<8x128xf32, #tpu.memory_space<hbm>>
      %dma_start3A_549 = arith.constant 0 : i32
      %dma_start3A_550 = arith.constant 0 : i32
      %dma_start3A_551 = tpu.memref_slice %arg4[%select_n3A_463, %dma_start3A_541, %rem3A_465, %dma_start3A_549, %dma_start3A_550] : memref<200x8x32x8x128xf32, #tpu.memory_space<hbm>> -> memref<1x1x1x8x128xf32, #tpu.memory_space<hbm>>
      %dma_start3A_552 = tpu.memref_squeeze %dma_start3A_551 : memref<1x1x1x8x128xf32, #tpu.memory_space<hbm>> -> memref<8x128xf32, #tpu.memory_space<hbm>>
      %dma_start3A_553 = arith.constant 40 : i32
      %dma_start3A_554 = arith.constant 0 : i32
      %dma_start3A_555 = tpu.memref_slice %arg13[%dma_start3A_553, %dma_start3A_554] : memref<64x129xf32, #tpu.memory_space<vmem>> -> memref<8x128xf32, #tpu.memory_space<vmem>>
      tpu.enqueue_dma source(%dma_start3A_555 : memref<8x128xf32, #tpu.memory_space<vmem>>) target(%dma_start3A_552 : memref<8x128xf32, #tpu.memory_space<hbm>>) target_semaphore(%arg19 : memref<!tpu.dma_semaphore, #tpu.memory_space<semaphore_mem>>)
      %dma_start3A_556 = arith.constant 6 : i32
      %dma_start3A_557 = arith.constant 48 : i32
      %dma_start3A_558 = arith.constant 0 : i32
      %dma_start3A_559 = tpu.memref_slice %arg13[%dma_start3A_557, %dma_start3A_558] : memref<64x129xf32, #tpu.memory_space<vmem>> -> memref<8x128xf32, #tpu.memory_space<vmem>>
      %dma_start3A_560 = arith.constant 0 : i32
      %dma_start3A_561 = arith.constant 0 : i32
      %dma_start3A_562 = tpu.memref_slice %arg4[%select_n3A_463, %dma_start3A_556, %rem3A_465, %dma_start3A_560, %dma_start3A_561] : memref<200x8x32x8x128xf32, #tpu.memory_space<hbm>> -> memref<1x1x1x8x128xf32, #tpu.memory_space<hbm>>
      %dma_start3A_563 = tpu.memref_squeeze %dma_start3A_562 : memref<1x1x1x8x128xf32, #tpu.memory_space<hbm>> -> memref<8x128xf32, #tpu.memory_space<hbm>>
      %dma_start3A_564 = arith.constant 0 : i32
      %dma_start3A_565 = arith.constant 0 : i32
      %dma_start3A_566 = tpu.memref_slice %arg4[%select_n3A_463, %dma_start3A_556, %rem3A_465, %dma_start3A_564, %dma_start3A_565] : memref<200x8x32x8x128xf32, #tpu.memory_space<hbm>> -> memref<1x1x1x8x128xf32, #tpu.memory_space<hbm>>
      %dma_start3A_567 = tpu.memref_squeeze %dma_start3A_566 : memref<1x1x1x8x128xf32, #tpu.memory_space<hbm>> -> memref<8x128xf32, #tpu.memory_space<hbm>>
      %dma_start3A_568 = arith.constant 48 : i32
      %dma_start3A_569 = arith.constant 0 : i32
      %dma_start3A_570 = tpu.memref_slice %arg13[%dma_start3A_568, %dma_start3A_569] : memref<64x129xf32, #tpu.memory_space<vmem>> -> memref<8x128xf32, #tpu.memory_space<vmem>>
      tpu.enqueue_dma source(%dma_start3A_570 : memref<8x128xf32, #tpu.memory_space<vmem>>) target(%dma_start3A_567 : memref<8x128xf32, #tpu.memory_space<hbm>>) target_semaphore(%arg19 : memref<!tpu.dma_semaphore, #tpu.memory_space<semaphore_mem>>)
      %dma_start3A_571 = arith.constant 7 : i32
      %dma_start3A_572 = arith.constant 56 : i32
      %dma_start3A_573 = arith.constant 0 : i32
      %dma_start3A_574 = tpu.memref_slice %arg13[%dma_start3A_572, %dma_start3A_573] : memref<64x129xf32, #tpu.memory_space<vmem>> -> memref<8x128xf32, #tpu.memory_space<vmem>>
      %dma_start3A_575 = arith.constant 0 : i32
      %dma_start3A_576 = arith.constant 0 : i32
      %dma_start3A_577 = tpu.memref_slice %arg4[%select_n3A_463, %dma_start3A_571, %rem3A_465, %dma_start3A_575, %dma_start3A_576] : memref<200x8x32x8x128xf32, #tpu.memory_space<hbm>> -> memref<1x1x1x8x128xf32, #tpu.memory_space<hbm>>
      %dma_start3A_578 = tpu.memref_squeeze %dma_start3A_577 : memref<1x1x1x8x128xf32, #tpu.memory_space<hbm>> -> memref<8x128xf32, #tpu.memory_space<hbm>>
      %dma_start3A_579 = arith.constant 0 : i32
      %dma_start3A_580 = arith.constant 0 : i32
      %dma_start3A_581 = tpu.memref_slice %arg4[%select_n3A_463, %dma_start3A_571, %rem3A_465, %dma_start3A_579, %dma_start3A_580] : memref<200x8x32x8x128xf32, #tpu.memory_space<hbm>> -> memref<1x1x1x8x128xf32, #tpu.memory_space<hbm>>
      %dma_start3A_582 = tpu.memref_squeeze %dma_start3A_581 : memref<1x1x1x8x128xf32, #tpu.memory_space<hbm>> -> memref<8x128xf32, #tpu.memory_space<hbm>>
      %dma_start3A_583 = arith.constant 56 : i32
      %dma_start3A_584 = arith.constant 0 : i32
      %dma_start3A_585 = tpu.memref_slice %arg13[%dma_start3A_583, %dma_start3A_584] : memref<64x129xf32, #tpu.memory_space<vmem>> -> memref<8x128xf32, #tpu.memory_space<vmem>>
      tpu.enqueue_dma source(%dma_start3A_585 : memref<8x128xf32, #tpu.memory_space<vmem>>) target(%dma_start3A_582 : memref<8x128xf32, #tpu.memory_space<hbm>>) target_semaphore(%arg19 : memref<!tpu.dma_semaphore, #tpu.memory_space<semaphore_mem>>)
      %mul3A_586 = arith.constant 4 : i32
      %mul3A_587 = arith.muli %scan3A_412, %mul3A_586 : i32
      %add3A_588 = arith.constant 1 : i32
      %add3A_589 = arith.addi %mul3A_587, %add3A_588 : i32
      %add3A_590 = arith.addi %mul3A_2, %add3A_589 : i32
      %add3A_591 = arith.constant 4 : i32
      %add3A_592 = arith.addi %add3A_589, %add3A_591 : i32
      %sub3A_593 = arith.constant 1 : i32
      %sub3A_594 = arith.subi %add3A_592, %sub3A_593 : i32
      %lt3A_595 = arith.constant 200 : i32
      %lt3A_596 = arith.cmpi slt, %sub3A_594, %lt3A_595 : i32
      %convert_element_type3A_597 = arith.extui %lt3A_596 : i1 to i32
      %cond3A_598 = arith.constant 0 : i32
      %cond3A_599 = arith.cmpi ne, %convert_element_type3A_597, %cond3A_598 : i32
      scf.if %cond3A_599 {
        %add3A_1117 = arith.constant 4 : i32
        %add3A_1118 = arith.addi %add3A_590, %add3A_1117 : i32
        %sub3A_1119 = arith.constant 1 : i32
        %sub3A_1120 = arith.subi %add3A_1118, %sub3A_1119 : i32
        %jit3A_1121 = arith.constant 32 : i32
        %div3A_1122 = arith.divsi %sub3A_1120, %jit3A_1121 : i32
        %sign3A_1123 = arith.constant 0 : i32
        %sign3A_1124 = arith.cmpi sgt, %sub3A_1120, %sign3A_1123 : i32
        %sign3A_1125 = arith.extui %sign3A_1124 : i1 to i32
        %sign3A_1126 = arith.constant 0 : i32
        %sign3A_1127 = arith.cmpi slt, %sub3A_1120, %sign3A_1126 : i32
        %sign3A_1128 = arith.extui %sign3A_1127 : i1 to i32
        %sign3A_1129 = arith.subi %sign3A_1125, %sign3A_1128 : i32
        %sign3A_1130 = arith.constant 0 : i32
        %sign3A_1131 = arith.cmpi sgt, %jit3A_1121, %sign3A_1130 : i32
        %sign3A_1132 = arith.extui %sign3A_1131 : i1 to i32
        %sign3A_1133 = arith.constant 0 : i32
        %sign3A_1134 = arith.cmpi slt, %jit3A_1121, %sign3A_1133 : i32
        %sign3A_1135 = arith.extui %sign3A_1134 : i1 to i32
        %sign3A_1136 = arith.subi %sign3A_1132, %sign3A_1135 : i32
        %ne3A_1137 = arith.cmpi ne, %sign3A_1129, %sign3A_1136 : i32
        %rem3A_1138 = arith.remsi %sub3A_1120, %jit3A_1121 : i32
        %ne3A_1139 = arith.constant 0 : i32
        %ne3A_1140 = arith.cmpi ne, %rem3A_1138, %ne3A_1139 : i32
        %and3A_1141 = arith.andi %ne3A_1137, %ne3A_1140 : i1
        %sub3A_1142 = arith.constant 1 : i32
        %sub3A_1143 = arith.subi %div3A_1122, %sub3A_1142 : i32
        %select_n3A_1144 = arith.select %and3A_1141, %sub3A_1143, %div3A_1122 : i32
        %rem3A_1145 = arith.constant 32 : i32
        %rem3A_1146 = arith.remsi %sub3A_1120, %rem3A_1145 : i32
        %mul3A_1147 = arith.constant 128 : i32
        %mul3A_1148 = arith.muli %rem3A_1146, %mul3A_1147 : i32
        "tpu.region"() ({
          %run_scoped3A = tpu.sem_alloc : memref<!tpu.dma_semaphore, #tpu.memory_space<semaphore_mem>>
          %dma_start3A_1158 = tpu.memref_slice %arg2[%select_n3A_1144, %mul3A_1148] : memref<200x4096xi32, #tpu.memory_space<hbm>> -> memref<1x128xi32, #tpu.memory_space<hbm>>
          %dma_start3A_1159 = tpu.memref_squeeze %dma_start3A_1158 : memref<1x128xi32, #tpu.memory_space<hbm>> -> memref<128xi32, #tpu.memory_space<hbm>>
          %dma_start3A_1160 = tpu.memref_slice %arg2[%select_n3A_1144, %mul3A_1148] : memref<200x4096xi32, #tpu.memory_space<hbm>> -> memref<1x128xi32, #tpu.memory_space<hbm>>
          %dma_start3A_1161 = tpu.memref_squeeze %dma_start3A_1160 : memref<1x128xi32, #tpu.memory_space<hbm>> -> memref<128xi32, #tpu.memory_space<hbm>>
          tpu.enqueue_dma source(%dma_start3A_1161 : memref<128xi32, #tpu.memory_space<hbm>>) target(%arg5 : memref<128xi32, #tpu.memory_space<vmem>>) target_semaphore(%run_scoped3A : memref<!tpu.dma_semaphore, #tpu.memory_space<semaphore_mem>>)
          %dma_wait3A_1162 = tpu.memref_slice %arg2[%select_n3A_1144, %mul3A_1148] : memref<200x4096xi32, #tpu.memory_space<hbm>> -> memref<1x128xi32, #tpu.memory_space<hbm>>
          %dma_wait3A_1163 = tpu.memref_squeeze %dma_wait3A_1162 : memref<1x128xi32, #tpu.memory_space<hbm>> -> memref<128xi32, #tpu.memory_space<hbm>>
          %dma_wait3A_1164 = tpu.memref_slice %arg2[%select_n3A_1144, %mul3A_1148] : memref<200x4096xi32, #tpu.memory_space<hbm>> -> memref<1x128xi32, #tpu.memory_space<hbm>>
          %dma_wait3A_1165 = tpu.memref_squeeze %dma_wait3A_1164 : memref<1x128xi32, #tpu.memory_space<hbm>> -> memref<128xi32, #tpu.memory_space<hbm>>
          tpu.wait_dma2 semaphore(%run_scoped3A : memref<!tpu.dma_semaphore, #tpu.memory_space<semaphore_mem>>) src(%dma_wait3A_1165 : memref<128xi32, #tpu.memory_space<hbm>>) dst(%arg5 : memref<128xi32, #tpu.memory_space<vmem>>)
          tpu.yield
        }) : () -> ()
        %scan3A_1149 = arith.constant 0 : i32
        %scan3A_1150 = arith.constant 0 : i32
        %scan3A_1151 = arith.constant 8 : i32
        %scan3A_1152 = arith.addi %scan3A_1150, %scan3A_1151 : i32
        %scan3A_1153 = arith.constant 4 : i32
        scf.for %scan3A_1158 = %scan3A_1150 to %scan3A_1152 step %scan3A_1153  : i32 {
          %mul3A_1159 = arith.constant 16 : i32
          %mul3A_1160 = arith.muli %scan3A_1158, %mul3A_1159 : i32
          %get3A = arith.index_cast %mul3A_1160 : i32 to index
          %get3A_1161 = tpu.vector_load %arg5[%get3A] {strides = array<i32>} : memref<128xi32, #tpu.memory_space<vmem>>, vector<16xi32>,
          %ge3A_1162 = arith.cmpi sge, %get3A_1161, %broadcast_in_dim3A_15 : vector<16xi32>
          %select_n3A_1163 = arith.select %ge3A_1162, %broadcast_in_dim3A_21, %broadcast_in_dim3A_27 : vector<16xi1>, vector<16xi32>
          %ge3A_1164 = arith.cmpi sge, %get3A_1161, %broadcast_in_dim3A_19 : vector<16xi32>
          %select_n3A_1165 = arith.select %ge3A_1164, %broadcast_in_dim3A_25, %broadcast_in_dim3A_23 : vector<16xi1>, vector<16xi32>
          %add3A_1166 = arith.addi %get3A_1161, %get3A_1161 : vector<16xi32>
          %ge3A_1167 = arith.cmpi sge, %get3A_1161, %broadcast_in_dim3A_17 : vector<16xi32>
          %select_n3A_1168 = arith.select %ge3A_1167, %select_n3A_1165, %select_n3A_1163 : vector<16xi1>, vector<16xi32>
          %sub3A_1169 = arith.subi %add3A_1166, %select_n3A_1168 : vector<16xi32>
          %swap3A = arith.index_cast %mul3A_1160 : i32 to index
          %swap3A_1170 = tpu.vector_load %arg5[%swap3A] {strides = array<i32>} : memref<128xi32, #tpu.memory_space<vmem>>, vector<16xi32>,
          tpu.vector_store %arg5[%swap3A], %sub3A_1169 {strides = array<i32>} : memref<128xi32, #tpu.memory_space<vmem>>, vector<16xi32>,
          %scan3A_1171 = arith.constant 1 : i32
          %scan3A_1172 = arith.addi %scan3A_1158, %scan3A_1171 : i32
          %mul3A_1173 = arith.constant 16 : i32
          %mul3A_1174 = arith.muli %scan3A_1172, %mul3A_1173 : i32
          %get3A_1175 = arith.index_cast %mul3A_1174 : i32 to index
          %get3A_1176 = tpu.vector_load %arg5[%get3A_1175] {strides = array<i32>} : memref<128xi32, #tpu.memory_space<vmem>>, vector<16xi32>,
          %ge3A_1177 = arith.cmpi sge, %get3A_1176, %broadcast_in_dim3A_15 : vector<16xi32>
          %select_n3A_1178 = arith.select %ge3A_1177, %broadcast_in_dim3A_21, %broadcast_in_dim3A_27 : vector<16xi1>, vector<16xi32>
          %ge3A_1179 = arith.cmpi sge, %get3A_1176, %broadcast_in_dim3A_19 : vector<16xi32>
          %select_n3A_1180 = arith.select %ge3A_1179, %broadcast_in_dim3A_25, %broadcast_in_dim3A_23 : vector<16xi1>, vector<16xi32>
          %add3A_1181 = arith.addi %get3A_1176, %get3A_1176 : vector<16xi32>
          %ge3A_1182 = arith.cmpi sge, %get3A_1176, %broadcast_in_dim3A_17 : vector<16xi32>
          %select_n3A_1183 = arith.select %ge3A_1182, %select_n3A_1180, %select_n3A_1178 : vector<16xi1>, vector<16xi32>
          %sub3A_1184 = arith.subi %add3A_1181, %select_n3A_1183 : vector<16xi32>
          %swap3A_1185 = arith.index_cast %mul3A_1174 : i32 to index
          %swap3A_1186 = tpu.vector_load %arg5[%swap3A_1185] {strides = array<i32>} : memref<128xi32, #tpu.memory_space<vmem>>, vector<16xi32>,
          tpu.vector_store %arg5[%swap3A_1185], %sub3A_1184 {strides = array<i32>} : memref<128xi32, #tpu.memory_space<vmem>>, vector<16xi32>,
          %scan3A_1187 = arith.constant 2 : i32
          %scan3A_1188 = arith.addi %scan3A_1158, %scan3A_1187 : i32
          %mul3A_1189 = arith.constant 16 : i32
          %mul3A_1190 = arith.muli %scan3A_1188, %mul3A_1189 : i32
          %get3A_1191 = arith.index_cast %mul3A_1190 : i32 to index
          %get3A_1192 = tpu.vector_load %arg5[%get3A_1191] {strides = array<i32>} : memref<128xi32, #tpu.memory_space<vmem>>, vector<16xi32>,
          %ge3A_1193 = arith.cmpi sge, %get3A_1192, %broadcast_in_dim3A_15 : vector<16xi32>
          %select_n3A_1194 = arith.select %ge3A_1193, %broadcast_in_dim3A_21, %broadcast_in_dim3A_27 : vector<16xi1>, vector<16xi32>
          %ge3A_1195 = arith.cmpi sge, %get3A_1192, %broadcast_in_dim3A_19 : vector<16xi32>
          %select_n3A_1196 = arith.select %ge3A_1195, %broadcast_in_dim3A_25, %broadcast_in_dim3A_23 : vector<16xi1>, vector<16xi32>
          %add3A_1197 = arith.addi %get3A_1192, %get3A_1192 : vector<16xi32>
          %ge3A_1198 = arith.cmpi sge, %get3A_1192, %broadcast_in_dim3A_17 : vector<16xi32>
          %select_n3A_1199 = arith.select %ge3A_1198, %select_n3A_1196, %select_n3A_1194 : vector<16xi1>, vector<16xi32>
          %sub3A_1200 = arith.subi %add3A_1197, %select_n3A_1199 : vector<16xi32>
          %swap3A_1201 = arith.index_cast %mul3A_1190 : i32 to index
          %swap3A_1202 = tpu.vector_load %arg5[%swap3A_1201] {strides = array<i32>} : memref<128xi32, #tpu.memory_space<vmem>>, vector<16xi32>,
          tpu.vector_store %arg5[%swap3A_1201], %sub3A_1200 {strides = array<i32>} : memref<128xi32, #tpu.memory_space<vmem>>, vector<16xi32>,
          %scan3A_1203 = arith.constant 3 : i32
          %scan3A_1204 = arith.addi %scan3A_1158, %scan3A_1203 : i32
          %mul3A_1205 = arith.constant 16 : i32
          %mul3A_1206 = arith.muli %scan3A_1204, %mul3A_1205 : i32
          %get3A_1207 = arith.index_cast %mul3A_1206 : i32 to index
          %get3A_1208 = tpu.vector_load %arg5[%get3A_1207] {strides = array<i32>} : memref<128xi32, #tpu.memory_space<vmem>>, vector<16xi32>,
          %ge3A_1209 = arith.cmpi sge, %get3A_1208, %broadcast_in_dim3A_15 : vector<16xi32>
          %select_n3A_1210 = arith.select %ge3A_1209, %broadcast_in_dim3A_21, %broadcast_in_dim3A_27 : vector<16xi1>, vector<16xi32>
          %ge3A_1211 = arith.cmpi sge, %get3A_1208, %broadcast_in_dim3A_19 : vector<16xi32>
          %select_n3A_1212 = arith.select %ge3A_1211, %broadcast_in_dim3A_25, %broadcast_in_dim3A_23 : vector<16xi1>, vector<16xi32>
          %add3A_1213 = arith.addi %get3A_1208, %get3A_1208 : vector<16xi32>
          %ge3A_1214 = arith.cmpi sge, %get3A_1208, %broadcast_in_dim3A_17 : vector<16xi32>
          %select_n3A_1215 = arith.select %ge3A_1214, %select_n3A_1212, %select_n3A_1210 : vector<16xi1>, vector<16xi32>
          %sub3A_1216 = arith.subi %add3A_1213, %select_n3A_1215 : vector<16xi32>
          %swap3A_1217 = arith.index_cast %mul3A_1206 : i32 to index
          %swap3A_1218 = tpu.vector_load %arg5[%swap3A_1217] {strides = array<i32>} : memref<128xi32, #tpu.memory_space<vmem>>, vector<16xi32>,
          tpu.vector_store %arg5[%swap3A_1217], %sub3A_1216 {strides = array<i32>} : memref<128xi32, #tpu.memory_space<vmem>>, vector<16xi32>,
        }
        %scan3A_1154 = arith.constant 8 : i32
        %dma_start3A_1155 = arith.constant 0 : i32
        %dma_start3A_1156 = arith.constant 0 : i32
        %dma_start3A_1157 = tpu.memref_slice %arg3[%dma_start3A_1155, %dma_start3A_1156] : memref<1000000x64xf32, #tpu.memory_space<hbm>> -> memref<1000000x64xf32, #tpu.memory_space<hbm>>
        tpu.enqueue_indirect_dma source(%dma_start3A_1157 : memref<1000000x64xf32, #tpu.memory_space<hbm>>) target(%arg9 : memref<128x64xf32, #tpu.memory_space<vmem>>) offsets(%arg5 : memref<128xi32, #tpu.memory_space<vmem>>) semaphore(%arg15 : memref<!tpu.dma_semaphore, #tpu.memory_space<semaphore_mem>>)
      } else {
      }
      %ge3A_600 = arith.constant 2 : i32
      %ge3A_601 = arith.cmpi sge, %add3A_589, %ge3A_600 : i32
      %convert_element_type3A_602 = arith.extui %ge3A_601 : i1 to i32
      %cond3A_603 = arith.constant 0 : i32
      %cond3A_604 = arith.cmpi ne, %convert_element_type3A_602, %cond3A_603 : i32
      scf.if %cond3A_604 {
        %dma_wait3A_1117 = arith.constant 0 : i32
        %dma_wait3A_1118 = arith.constant 0 : i32
        %dma_wait3A_1119 = arith.constant 0 : i32
        %dma_wait3A_1120 = arith.constant 0 : i32
        %dma_wait3A_1121 = arith.constant 0 : i32
        %dma_wait3A_1122 = tpu.memref_slice %arg14[%dma_wait3A_1120, %dma_wait3A_1121] : memref<64x129xf32, #tpu.memory_space<vmem>> -> memref<8x128xf32, #tpu.memory_space<vmem>>
        %dma_wait3A_1123 = arith.constant 0 : i32
        %dma_wait3A_1124 = arith.constant 0 : i32
        %dma_wait3A_1125 = tpu.memref_slice %arg4[%dma_wait3A_1117, %dma_wait3A_1118, %dma_wait3A_1119, %dma_wait3A_1123, %dma_wait3A_1124] : memref<200x8x32x8x128xf32, #tpu.memory_space<hbm>> -> memref<1x1x1x8x128xf32, #tpu.memory_space<hbm>>
        %dma_wait3A_1126 = tpu.memref_squeeze %dma_wait3A_1125 : memref<1x1x1x8x128xf32, #tpu.memory_space<hbm>> -> memref<8x128xf32, #tpu.memory_space<hbm>>
        %dma_wait3A_1127 = arith.constant 0 : i32
        %dma_wait3A_1128 = arith.constant 0 : i32
        %dma_wait3A_1129 = tpu.memref_slice %arg14[%dma_wait3A_1127, %dma_wait3A_1128] : memref<64x129xf32, #tpu.memory_space<vmem>> -> memref<8x128xf32, #tpu.memory_space<vmem>>
        %dma_wait3A_1130 = arith.constant 0 : i32
        %dma_wait3A_1131 = arith.constant 0 : i32
        %dma_wait3A_1132 = tpu.memref_slice %arg4[%dma_wait3A_1117, %dma_wait3A_1118, %dma_wait3A_1119, %dma_wait3A_1130, %dma_wait3A_1131] : memref<200x8x32x8x128xf32, #tpu.memory_space<hbm>> -> memref<1x1x1x8x128xf32, #tpu.memory_space<hbm>>
        %dma_wait3A_1133 = tpu.memref_squeeze %dma_wait3A_1132 : memref<1x1x1x8x128xf32, #tpu.memory_space<hbm>> -> memref<8x128xf32, #tpu.memory_space<hbm>>
        tpu.wait_dma2 semaphore(%arg20 : memref<!tpu.dma_semaphore, #tpu.memory_space<semaphore_mem>>) src(%dma_wait3A_1133 : memref<8x128xf32, #tpu.memory_space<hbm>>) dst(%dma_wait3A_1129 : memref<8x128xf32, #tpu.memory_space<vmem>>)
        %dma_wait3A_1134 = arith.constant 0 : i32
        %dma_wait3A_1135 = arith.constant 0 : i32
        %dma_wait3A_1136 = arith.constant 0 : i32
        %dma_wait3A_1137 = arith.constant 0 : i32
        %dma_wait3A_1138 = arith.constant 0 : i32
        %dma_wait3A_1139 = tpu.memref_slice %arg14[%dma_wait3A_1137, %dma_wait3A_1138] : memref<64x129xf32, #tpu.memory_space<vmem>> -> memref<8x128xf32, #tpu.memory_space<vmem>>
        %dma_wait3A_1140 = arith.constant 0 : i32
        %dma_wait3A_1141 = arith.constant 0 : i32
        %dma_wait3A_1142 = tpu.memref_slice %arg4[%dma_wait3A_1134, %dma_wait3A_1135, %dma_wait3A_1136, %dma_wait3A_1140, %dma_wait3A_1141] : memref<200x8x32x8x128xf32, #tpu.memory_space<hbm>> -> memref<1x1x1x8x128xf32, #tpu.memory_space<hbm>>
        %dma_wait3A_1143 = tpu.memref_squeeze %dma_wait3A_1142 : memref<1x1x1x8x128xf32, #tpu.memory_space<hbm>> -> memref<8x128xf32, #tpu.memory_space<hbm>>
        %dma_wait3A_1144 = arith.constant 0 : i32
        %dma_wait3A_1145 = arith.constant 0 : i32
        %dma_wait3A_1146 = tpu.memref_slice %arg14[%dma_wait3A_1144, %dma_wait3A_1145] : memref<64x129xf32, #tpu.memory_space<vmem>> -> memref<8x128xf32, #tpu.memory_space<vmem>>
        %dma_wait3A_1147 = arith.constant 0 : i32
        %dma_wait3A_1148 = arith.constant 0 : i32
        %dma_wait3A_1149 = tpu.memref_slice %arg4[%dma_wait3A_1134, %dma_wait3A_1135, %dma_wait3A_1136, %dma_wait3A_1147, %dma_wait3A_1148] : memref<200x8x32x8x128xf32, #tpu.memory_space<hbm>> -> memref<1x1x1x8x128xf32, #tpu.memory_space<hbm>>
        %dma_wait3A_1150 = tpu.memref_squeeze %dma_wait3A_1149 : memref<1x1x1x8x128xf32, #tpu.memory_space<hbm>> -> memref<8x128xf32, #tpu.memory_space<hbm>>
        tpu.wait_dma2 semaphore(%arg20 : memref<!tpu.dma_semaphore, #tpu.memory_space<semaphore_mem>>) src(%dma_wait3A_1150 : memref<8x128xf32, #tpu.memory_space<hbm>>) dst(%dma_wait3A_1146 : memref<8x128xf32, #tpu.memory_space<vmem>>)
        %dma_wait3A_1151 = arith.constant 0 : i32
        %dma_wait3A_1152 = arith.constant 0 : i32
        %dma_wait3A_1153 = arith.constant 0 : i32
        %dma_wait3A_1154 = arith.constant 0 : i32
        %dma_wait3A_1155 = arith.constant 0 : i32
        %dma_wait3A_1156 = tpu.memref_slice %arg14[%dma_wait3A_1154, %dma_wait3A_1155] : memref<64x129xf32, #tpu.memory_space<vmem>> -> memref<8x128xf32, #tpu.memory_space<vmem>>
        %dma_wait3A_1157 = arith.constant 0 : i32
        %dma_wait3A_1158 = arith.constant 0 : i32
        %dma_wait3A_1159 = tpu.memref_slice %arg4[%dma_wait3A_1151, %dma_wait3A_1152, %dma_wait3A_1153, %dma_wait3A_1157, %dma_wait3A_1158] : memref<200x8x32x8x128xf32, #tpu.memory_space<hbm>> -> memref<1x1x1x8x128xf32, #tpu.memory_space<hbm>>
        %dma_wait3A_1160 = tpu.memref_squeeze %dma_wait3A_1159 : memref<1x1x1x8x128xf32, #tpu.memory_space<hbm>> -> memref<8x128xf32, #tpu.memory_space<hbm>>
        %dma_wait3A_1161 = arith.constant 0 : i32
        %dma_wait3A_1162 = arith.constant 0 : i32
        %dma_wait3A_1163 = tpu.memref_slice %arg14[%dma_wait3A_1161, %dma_wait3A_1162] : memref<64x129xf32, #tpu.memory_space<vmem>> -> memref<8x128xf32, #tpu.memory_space<vmem>>
        %dma_wait3A_1164 = arith.constant 0 : i32
        %dma_wait3A_1165 = arith.constant 0 : i32
        %dma_wait3A_1166 = tpu.memref_slice %arg4[%dma_wait3A_1151, %dma_wait3A_1152, %dma_wait3A_1153, %dma_wait3A_1164, %dma_wait3A_1165] : memref<200x8x32x8x128xf32, #tpu.memory_space<hbm>> -> memref<1x1x1x8x128xf32, #tpu.memory_space<hbm>>
        %dma_wait3A_1167 = tpu.memref_squeeze %dma_wait3A_1166 : memref<1x1x1x8x128xf32, #tpu.memory_space<hbm>> -> memref<8x128xf32, #tpu.memory_space<hbm>>
        tpu.wait_dma2 semaphore(%arg20 : memref<!tpu.dma_semaphore, #tpu.memory_space<semaphore_mem>>) src(%dma_wait3A_1167 : memref<8x128xf32, #tpu.memory_space<hbm>>) dst(%dma_wait3A_1163 : memref<8x128xf32, #tpu.memory_space<vmem>>)
        %dma_wait3A_1168 = arith.constant 0 : i32
        %dma_wait3A_1169 = arith.constant 0 : i32
        %dma_wait3A_1170 = arith.constant 0 : i32
        %dma_wait3A_1171 = arith.constant 0 : i32
        %dma_wait3A_1172 = arith.constant 0 : i32
        %dma_wait3A_1173 = tpu.memref_slice %arg14[%dma_wait3A_1171, %dma_wait3A_1172] : memref<64x129xf32, #tpu.memory_space<vmem>> -> memref<8x128xf32, #tpu.memory_space<vmem>>
        %dma_wait3A_1174 = arith.constant 0 : i32
        %dma_wait3A_1175 = arith.constant 0 : i32
        %dma_wait3A_1176 = tpu.memref_slice %arg4[%dma_wait3A_1168, %dma_wait3A_1169, %dma_wait3A_1170, %dma_wait3A_1174, %dma_wait3A_1175] : memref<200x8x32x8x128xf32, #tpu.memory_space<hbm>> -> memref<1x1x1x8x128xf32, #tpu.memory_space<hbm>>
        %dma_wait3A_1177 = tpu.memref_squeeze %dma_wait3A_1176 : memref<1x1x1x8x128xf32, #tpu.memory_space<hbm>> -> memref<8x128xf32, #tpu.memory_space<hbm>>
        %dma_wait3A_1178 = arith.constant 0 : i32
        %dma_wait3A_1179 = arith.constant 0 : i32
        %dma_wait3A_1180 = tpu.memref_slice %arg14[%dma_wait3A_1178, %dma_wait3A_1179] : memref<64x129xf32, #tpu.memory_space<vmem>> -> memref<8x128xf32, #tpu.memory_space<vmem>>
        %dma_wait3A_1181 = arith.constant 0 : i32
        %dma_wait3A_1182 = arith.constant 0 : i32
        %dma_wait3A_1183 = tpu.memref_slice %arg4[%dma_wait3A_1168, %dma_wait3A_1169, %dma_wait3A_1170, %dma_wait3A_1181, %dma_wait3A_1182] : memref<200x8x32x8x128xf32, #tpu.memory_space<hbm>> -> memref<1x1x1x8x128xf32, #tpu.memory_space<hbm>>
        %dma_wait3A_1184 = tpu.memref_squeeze %dma_wait3A_1183 : memref<1x1x1x8x128xf32, #tpu.memory_space<hbm>> -> memref<8x128xf32, #tpu.memory_space<hbm>>
        tpu.wait_dma2 semaphore(%arg20 : memref<!tpu.dma_semaphore, #tpu.memory_space<semaphore_mem>>) src(%dma_wait3A_1184 : memref<8x128xf32, #tpu.memory_space<hbm>>) dst(%dma_wait3A_1180 : memref<8x128xf32, #tpu.memory_space<vmem>>)
        %dma_wait3A_1185 = arith.constant 0 : i32
        %dma_wait3A_1186 = arith.constant 0 : i32
        %dma_wait3A_1187 = arith.constant 0 : i32
        %dma_wait3A_1188 = arith.constant 0 : i32
        %dma_wait3A_1189 = arith.constant 0 : i32
        %dma_wait3A_1190 = tpu.memref_slice %arg14[%dma_wait3A_1188, %dma_wait3A_1189] : memref<64x129xf32, #tpu.memory_space<vmem>> -> memref<8x128xf32, #tpu.memory_space<vmem>>
        %dma_wait3A_1191 = arith.constant 0 : i32
        %dma_wait3A_1192 = arith.constant 0 : i32
        %dma_wait3A_1193 = tpu.memref_slice %arg4[%dma_wait3A_1185, %dma_wait3A_1186, %dma_wait3A_1187, %dma_wait3A_1191, %dma_wait3A_1192] : memref<200x8x32x8x128xf32, #tpu.memory_space<hbm>> -> memref<1x1x1x8x128xf32, #tpu.memory_space<hbm>>
        %dma_wait3A_1194 = tpu.memref_squeeze %dma_wait3A_1193 : memref<1x1x1x8x128xf32, #tpu.memory_space<hbm>> -> memref<8x128xf32, #tpu.memory_space<hbm>>
        %dma_wait3A_1195 = arith.constant 0 : i32
        %dma_wait3A_1196 = arith.constant 0 : i32
        %dma_wait3A_1197 = tpu.memref_slice %arg14[%dma_wait3A_1195, %dma_wait3A_1196] : memref<64x129xf32, #tpu.memory_space<vmem>> -> memref<8x128xf32, #tpu.memory_space<vmem>>
        %dma_wait3A_1198 = arith.constant 0 : i32
        %dma_wait3A_1199 = arith.constant 0 : i32
        %dma_wait3A_1200 = tpu.memref_slice %arg4[%dma_wait3A_1185, %dma_wait3A_1186, %dma_wait3A_1187, %dma_wait3A_1198, %dma_wait3A_1199] : memref<200x8x32x8x128xf32, #tpu.memory_space<hbm>> -> memref<1x1x1x8x128xf32, #tpu.memory_space<hbm>>
        %dma_wait3A_1201 = tpu.memref_squeeze %dma_wait3A_1200 : memref<1x1x1x8x128xf32, #tpu.memory_space<hbm>> -> memref<8x128xf32, #tpu.memory_space<hbm>>
        tpu.wait_dma2 semaphore(%arg20 : memref<!tpu.dma_semaphore, #tpu.memory_space<semaphore_mem>>) src(%dma_wait3A_1201 : memref<8x128xf32, #tpu.memory_space<hbm>>) dst(%dma_wait3A_1197 : memref<8x128xf32, #tpu.memory_space<vmem>>)
        %dma_wait3A_1202 = arith.constant 0 : i32
        %dma_wait3A_1203 = arith.constant 0 : i32
        %dma_wait3A_1204 = arith.constant 0 : i32
        %dma_wait3A_1205 = arith.constant 0 : i32
        %dma_wait3A_1206 = arith.constant 0 : i32
        %dma_wait3A_1207 = tpu.memref_slice %arg14[%dma_wait3A_1205, %dma_wait3A_1206] : memref<64x129xf32, #tpu.memory_space<vmem>> -> memref<8x128xf32, #tpu.memory_space<vmem>>
        %dma_wait3A_1208 = arith.constant 0 : i32
        %dma_wait3A_1209 = arith.constant 0 : i32
        %dma_wait3A_1210 = tpu.memref_slice %arg4[%dma_wait3A_1202, %dma_wait3A_1203, %dma_wait3A_1204, %dma_wait3A_1208, %dma_wait3A_1209] : memref<200x8x32x8x128xf32, #tpu.memory_space<hbm>> -> memref<1x1x1x8x128xf32, #tpu.memory_space<hbm>>
        %dma_wait3A_1211 = tpu.memref_squeeze %dma_wait3A_1210 : memref<1x1x1x8x128xf32, #tpu.memory_space<hbm>> -> memref<8x128xf32, #tpu.memory_space<hbm>>
        %dma_wait3A_1212 = arith.constant 0 : i32
        %dma_wait3A_1213 = arith.constant 0 : i32
        %dma_wait3A_1214 = tpu.memref_slice %arg14[%dma_wait3A_1212, %dma_wait3A_1213] : memref<64x129xf32, #tpu.memory_space<vmem>> -> memref<8x128xf32, #tpu.memory_space<vmem>>
        %dma_wait3A_1215 = arith.constant 0 : i32
        %dma_wait3A_1216 = arith.constant 0 : i32
        %dma_wait3A_1217 = tpu.memref_slice %arg4[%dma_wait3A_1202, %dma_wait3A_1203, %dma_wait3A_1204, %dma_wait3A_1215, %dma_wait3A_1216] : memref<200x8x32x8x128xf32, #tpu.memory_space<hbm>> -> memref<1x1x1x8x128xf32, #tpu.memory_space<hbm>>
        %dma_wait3A_1218 = tpu.memref_squeeze %dma_wait3A_1217 : memref<1x1x1x8x128xf32, #tpu.memory_space<hbm>> -> memref<8x128xf32, #tpu.memory_space<hbm>>
        tpu.wait_dma2 semaphore(%arg20 : memref<!tpu.dma_semaphore, #tpu.memory_space<semaphore_mem>>) src(%dma_wait3A_1218 : memref<8x128xf32, #tpu.memory_space<hbm>>) dst(%dma_wait3A_1214 : memref<8x128xf32, #tpu.memory_space<vmem>>)
        %dma_wait3A_1219 = arith.constant 0 : i32
        %dma_wait3A_1220 = arith.constant 0 : i32
        %dma_wait3A_1221 = arith.constant 0 : i32
        %dma_wait3A_1222 = arith.constant 0 : i32
        %dma_wait3A_1223 = arith.constant 0 : i32
        %dma_wait3A_1224 = tpu.memref_slice %arg14[%dma_wait3A_1222, %dma_wait3A_1223] : memref<64x129xf32, #tpu.memory_space<vmem>> -> memref<8x128xf32, #tpu.memory_space<vmem>>
        %dma_wait3A_1225 = arith.constant 0 : i32
        %dma_wait3A_1226 = arith.constant 0 : i32
        %dma_wait3A_1227 = tpu.memref_slice %arg4[%dma_wait3A_1219, %dma_wait3A_1220, %dma_wait3A_1221, %dma_wait3A_1225, %dma_wait3A_1226] : memref<200x8x32x8x128xf32, #tpu.memory_space<hbm>> -> memref<1x1x1x8x128xf32, #tpu.memory_space<hbm>>
        %dma_wait3A_1228 = tpu.memref_squeeze %dma_wait3A_1227 : memref<1x1x1x8x128xf32, #tpu.memory_space<hbm>> -> memref<8x128xf32, #tpu.memory_space<hbm>>
        %dma_wait3A_1229 = arith.constant 0 : i32
        %dma_wait3A_1230 = arith.constant 0 : i32
        %dma_wait3A_1231 = tpu.memref_slice %arg14[%dma_wait3A_1229, %dma_wait3A_1230] : memref<64x129xf32, #tpu.memory_space<vmem>> -> memref<8x128xf32, #tpu.memory_space<vmem>>
        %dma_wait3A_1232 = arith.constant 0 : i32
        %dma_wait3A_1233 = arith.constant 0 : i32
        %dma_wait3A_1234 = tpu.memref_slice %arg4[%dma_wait3A_1219, %dma_wait3A_1220, %dma_wait3A_1221, %dma_wait3A_1232, %dma_wait3A_1233] : memref<200x8x32x8x128xf32, #tpu.memory_space<hbm>> -> memref<1x1x1x8x128xf32, #tpu.memory_space<hbm>>
        %dma_wait3A_1235 = tpu.memref_squeeze %dma_wait3A_1234 : memref<1x1x1x8x128xf32, #tpu.memory_space<hbm>> -> memref<8x128xf32, #tpu.memory_space<hbm>>
        tpu.wait_dma2 semaphore(%arg20 : memref<!tpu.dma_semaphore, #tpu.memory_space<semaphore_mem>>) src(%dma_wait3A_1235 : memref<8x128xf32, #tpu.memory_space<hbm>>) dst(%dma_wait3A_1231 : memref<8x128xf32, #tpu.memory_space<vmem>>)
        %dma_wait3A_1236 = arith.constant 0 : i32
        %dma_wait3A_1237 = arith.constant 0 : i32
        %dma_wait3A_1238 = arith.constant 0 : i32
        %dma_wait3A_1239 = arith.constant 0 : i32
        %dma_wait3A_1240 = arith.constant 0 : i32
        %dma_wait3A_1241 = tpu.memref_slice %arg14[%dma_wait3A_1239, %dma_wait3A_1240] : memref<64x129xf32, #tpu.memory_space<vmem>> -> memref<8x128xf32, #tpu.memory_space<vmem>>
        %dma_wait3A_1242 = arith.constant 0 : i32
        %dma_wait3A_1243 = arith.constant 0 : i32
        %dma_wait3A_1244 = tpu.memref_slice %arg4[%dma_wait3A_1236, %dma_wait3A_1237, %dma_wait3A_1238, %dma_wait3A_1242, %dma_wait3A_1243] : memref<200x8x32x8x128xf32, #tpu.memory_space<hbm>> -> memref<1x1x1x8x128xf32, #tpu.memory_space<hbm>>
        %dma_wait3A_1245 = tpu.memref_squeeze %dma_wait3A_1244 : memref<1x1x1x8x128xf32, #tpu.memory_space<hbm>> -> memref<8x128xf32, #tpu.memory_space<hbm>>
        %dma_wait3A_1246 = arith.constant 0 : i32
        %dma_wait3A_1247 = arith.constant 0 : i32
        %dma_wait3A_1248 = tpu.memref_slice %arg14[%dma_wait3A_1246, %dma_wait3A_1247] : memref<64x129xf32, #tpu.memory_space<vmem>> -> memref<8x128xf32, #tpu.memory_space<vmem>>
        %dma_wait3A_1249 = arith.constant 0 : i32
        %dma_wait3A_1250 = arith.constant 0 : i32
        %dma_wait3A_1251 = tpu.memref_slice %arg4[%dma_wait3A_1236, %dma_wait3A_1237, %dma_wait3A_1238, %dma_wait3A_1249, %dma_wait3A_1250] : memref<200x8x32x8x128xf32, #tpu.memory_space<hbm>> -> memref<1x1x1x8x128xf32, #tpu.memory_space<hbm>>
        %dma_wait3A_1252 = tpu.memref_squeeze %dma_wait3A_1251 : memref<1x1x1x8x128xf32, #tpu.memory_space<hbm>> -> memref<8x128xf32, #tpu.memory_space<hbm>>
        tpu.wait_dma2 semaphore(%arg20 : memref<!tpu.dma_semaphore, #tpu.memory_space<semaphore_mem>>) src(%dma_wait3A_1252 : memref<8x128xf32, #tpu.memory_space<hbm>>) dst(%dma_wait3A_1248 : memref<8x128xf32, #tpu.memory_space<vmem>>)
      } else {
      }
      %dma_wait3A_605 = arith.constant 0 : i32
      %dma_wait3A_606 = arith.constant 0 : i32
      %dma_wait3A_607 = tpu.memref_slice %arg3[%dma_wait3A_605, %dma_wait3A_606] : memref<1000000x64xf32, #tpu.memory_space<hbm>> -> memref<128x64xf32, #tpu.memory_space<hbm>>
      %dma_wait3A_608 = arith.constant 0 : i32
      %dma_wait3A_609 = arith.constant 0 : i32
      %dma_wait3A_610 = tpu.memref_slice %arg3[%dma_wait3A_608, %dma_wait3A_609] : memref<1000000x64xf32, #tpu.memory_space<hbm>> -> memref<128x64xf32, #tpu.memory_space<hbm>>
      tpu.wait_dma2 semaphore(%arg16 : memref<!tpu.dma_semaphore, #tpu.memory_space<semaphore_mem>>) src(%dma_wait3A_610 : memref<128x64xf32, #tpu.memory_space<hbm>>) dst(%arg10 : memref<128x64xf32, #tpu.memory_space<vmem>>)
      %scan3A_611 = arith.constant 0 : i32
      %scan3A_612 = arith.constant 0 : i32
      %scan3A_613 = arith.constant 128 : i32
      %scan3A_614 = arith.addi %scan3A_612, %scan3A_613 : i32
      %scan3A_615 = arith.constant 8 : i32
      scf.for %scan3A_1117 = %scan3A_612 to %scan3A_614 step %scan3A_615  : i32 {
        %broadcast_in_dim3A_1118 = vector.broadcast %scan3A_1117 : i32 to vector<16xi32>
        %get3A = arith.index_cast %scan3A_1117 : i32 to index
        %get3A_1119 = arith.constant 0 : index
        %get3A_1120 = tpu.vector_load %arg10[%get3A, %get3A_1119] {strides = array<i32>} : memref<128x64xf32, #tpu.memory_space<vmem>>, vector<16xf32>,
        tpu.vector_store_idx %arg14[%add3A_5, %broadcast_in_dim3A_1118], %get3A_1120 : memref<64x129xf32, #tpu.memory_space<vmem>>[vector<16xi32>, vector<16xi32>], vector<16xf32>,
        %get3A_1121 = arith.index_cast %scan3A_1117 : i32 to index
        %get3A_1122 = arith.constant 16 : index
        %get3A_1123 = tpu.vector_load %arg10[%get3A_1121, %get3A_1122] {strides = array<i32>} : memref<128x64xf32, #tpu.memory_space<vmem>>, vector<16xf32>,
        tpu.vector_store_idx %arg14[%add3A_8, %broadcast_in_dim3A_1118], %get3A_1123 : memref<64x129xf32, #tpu.memory_space<vmem>>[vector<16xi32>, vector<16xi32>], vector<16xf32>,
        %get3A_1124 = arith.index_cast %scan3A_1117 : i32 to index
        %get3A_1125 = arith.constant 32 : index
        %get3A_1126 = tpu.vector_load %arg10[%get3A_1124, %get3A_1125] {strides = array<i32>} : memref<128x64xf32, #tpu.memory_space<vmem>>, vector<16xf32>,
        tpu.vector_store_idx %arg14[%add3A_11, %broadcast_in_dim3A_1118], %get3A_1126 : memref<64x129xf32, #tpu.memory_space<vmem>>[vector<16xi32>, vector<16xi32>], vector<16xf32>,
        %get3A_1127 = arith.index_cast %scan3A_1117 : i32 to index
        %get3A_1128 = arith.constant 48 : index
        %get3A_1129 = tpu.vector_load %arg10[%get3A_1127, %get3A_1128] {strides = array<i32>} : memref<128x64xf32, #tpu.memory_space<vmem>>, vector<16xf32>,
        tpu.vector_store_idx %arg14[%add3A_14, %broadcast_in_dim3A_1118], %get3A_1129 : memref<64x129xf32, #tpu.memory_space<vmem>>[vector<16xi32>, vector<16xi32>], vector<16xf32>,
        %scan3A_1130 = arith.constant 1 : i32
        %scan3A_1131 = arith.addi %scan3A_1117, %scan3A_1130 : i32
        %broadcast_in_dim3A_1132 = vector.broadcast %scan3A_1131 : i32 to vector<16xi32>
        %get3A_1133 = arith.index_cast %scan3A_1131 : i32 to index
        %get3A_1134 = arith.constant 0 : index
        %get3A_1135 = tpu.vector_load %arg10[%get3A_1133, %get3A_1134] {strides = array<i32>} : memref<128x64xf32, #tpu.memory_space<vmem>>, vector<16xf32>,
        tpu.vector_store_idx %arg14[%add3A_5, %broadcast_in_dim3A_1132], %get3A_1135 : memref<64x129xf32, #tpu.memory_space<vmem>>[vector<16xi32>, vector<16xi32>], vector<16xf32>,
        %get3A_1136 = arith.index_cast %scan3A_1131 : i32 to index
        %get3A_1137 = arith.constant 16 : index
        %get3A_1138 = tpu.vector_load %arg10[%get3A_1136, %get3A_1137] {strides = array<i32>} : memref<128x64xf32, #tpu.memory_space<vmem>>, vector<16xf32>,
        tpu.vector_store_idx %arg14[%add3A_8, %broadcast_in_dim3A_1132], %get3A_1138 : memref<64x129xf32, #tpu.memory_space<vmem>>[vector<16xi32>, vector<16xi32>], vector<16xf32>,
        %get3A_1139 = arith.index_cast %scan3A_1131 : i32 to index
        %get3A_1140 = arith.constant 32 : index
        %get3A_1141 = tpu.vector_load %arg10[%get3A_1139, %get3A_1140] {strides = array<i32>} : memref<128x64xf32, #tpu.memory_space<vmem>>, vector<16xf32>,
        tpu.vector_store_idx %arg14[%add3A_11, %broadcast_in_dim3A_1132], %get3A_1141 : memref<64x129xf32, #tpu.memory_space<vmem>>[vector<16xi32>, vector<16xi32>], vector<16xf32>,
        %get3A_1142 = arith.index_cast %scan3A_1131 : i32 to index
        %get3A_1143 = arith.constant 48 : index
        %get3A_1144 = tpu.vector_load %arg10[%get3A_1142, %get3A_1143] {strides = array<i32>} : memref<128x64xf32, #tpu.memory_space<vmem>>, vector<16xf32>,
        tpu.vector_store_idx %arg14[%add3A_14, %broadcast_in_dim3A_1132], %get3A_1144 : memref<64x129xf32, #tpu.memory_space<vmem>>[vector<16xi32>, vector<16xi32>], vector<16xf32>,
        %scan3A_1145 = arith.constant 2 : i32
        %scan3A_1146 = arith.addi %scan3A_1117, %scan3A_1145 : i32
        %broadcast_in_dim3A_1147 = vector.broadcast %scan3A_1146 : i32 to vector<16xi32>
        %get3A_1148 = arith.index_cast %scan3A_1146 : i32 to index
        %get3A_1149 = arith.constant 0 : index
        %get3A_1150 = tpu.vector_load %arg10[%get3A_1148, %get3A_1149] {strides = array<i32>} : memref<128x64xf32, #tpu.memory_space<vmem>>, vector<16xf32>,
        tpu.vector_store_idx %arg14[%add3A_5, %broadcast_in_dim3A_1147], %get3A_1150 : memref<64x129xf32, #tpu.memory_space<vmem>>[vector<16xi32>, vector<16xi32>], vector<16xf32>,
        %get3A_1151 = arith.index_cast %scan3A_1146 : i32 to index
        %get3A_1152 = arith.constant 16 : index
        %get3A_1153 = tpu.vector_load %arg10[%get3A_1151, %get3A_1152] {strides = array<i32>} : memref<128x64xf32, #tpu.memory_space<vmem>>, vector<16xf32>,
        tpu.vector_store_idx %arg14[%add3A_8, %broadcast_in_dim3A_1147], %get3A_1153 : memref<64x129xf32, #tpu.memory_space<vmem>>[vector<16xi32>, vector<16xi32>], vector<16xf32>,
        %get3A_1154 = arith.index_cast %scan3A_1146 : i32 to index
        %get3A_1155 = arith.constant 32 : index
        %get3A_1156 = tpu.vector_load %arg10[%get3A_1154, %get3A_1155] {strides = array<i32>} : memref<128x64xf32, #tpu.memory_space<vmem>>, vector<16xf32>,
        tpu.vector_store_idx %arg14[%add3A_11, %broadcast_in_dim3A_1147], %get3A_1156 : memref<64x129xf32, #tpu.memory_space<vmem>>[vector<16xi32>, vector<16xi32>], vector<16xf32>,
        %get3A_1157 = arith.index_cast %scan3A_1146 : i32 to index
        %get3A_1158 = arith.constant 48 : index
        %get3A_1159 = tpu.vector_load %arg10[%get3A_1157, %get3A_1158] {strides = array<i32>} : memref<128x64xf32, #tpu.memory_space<vmem>>, vector<16xf32>,
        tpu.vector_store_idx %arg14[%add3A_14, %broadcast_in_dim3A_1147], %get3A_1159 : memref<64x129xf32, #tpu.memory_space<vmem>>[vector<16xi32>, vector<16xi32>], vector<16xf32>,
        %scan3A_1160 = arith.constant 3 : i32
        %scan3A_1161 = arith.addi %scan3A_1117, %scan3A_1160 : i32
        %broadcast_in_dim3A_1162 = vector.broadcast %scan3A_1161 : i32 to vector<16xi32>
        %get3A_1163 = arith.index_cast %scan3A_1161 : i32 to index
        %get3A_1164 = arith.constant 0 : index
        %get3A_1165 = tpu.vector_load %arg10[%get3A_1163, %get3A_1164] {strides = array<i32>} : memref<128x64xf32, #tpu.memory_space<vmem>>, vector<16xf32>,
        tpu.vector_store_idx %arg14[%add3A_5, %broadcast_in_dim3A_1162], %get3A_1165 : memref<64x129xf32, #tpu.memory_space<vmem>>[vector<16xi32>, vector<16xi32>], vector<16xf32>,
        %get3A_1166 = arith.index_cast %scan3A_1161 : i32 to index
        %get3A_1167 = arith.constant 16 : index
        %get3A_1168 = tpu.vector_load %arg10[%get3A_1166, %get3A_1167] {strides = array<i32>} : memref<128x64xf32, #tpu.memory_space<vmem>>, vector<16xf32>,
        tpu.vector_store_idx %arg14[%add3A_8, %broadcast_in_dim3A_1162], %get3A_1168 : memref<64x129xf32, #tpu.memory_space<vmem>>[vector<16xi32>, vector<16xi32>], vector<16xf32>,
        %get3A_1169 = arith.index_cast %scan3A_1161 : i32 to index
        %get3A_1170 = arith.constant 32 : index
        %get3A_1171 = tpu.vector_load %arg10[%get3A_1169, %get3A_1170] {strides = array<i32>} : memref<128x64xf32, #tpu.memory_space<vmem>>, vector<16xf32>,
        tpu.vector_store_idx %arg14[%add3A_11, %broadcast_in_dim3A_1162], %get3A_1171 : memref<64x129xf32, #tpu.memory_space<vmem>>[vector<16xi32>, vector<16xi32>], vector<16xf32>,
        %get3A_1172 = arith.index_cast %scan3A_1161 : i32 to index
        %get3A_1173 = arith.constant 48 : index
        %get3A_1174 = tpu.vector_load %arg10[%get3A_1172, %get3A_1173] {strides = array<i32>} : memref<128x64xf32, #tpu.memory_space<vmem>>, vector<16xf32>,
        tpu.vector_store_idx %arg14[%add3A_14, %broadcast_in_dim3A_1162], %get3A_1174 : memref<64x129xf32, #tpu.memory_space<vmem>>[vector<16xi32>, vector<16xi32>], vector<16xf32>,
        %scan3A_1175 = arith.constant 4 : i32
        %scan3A_1176 = arith.addi %scan3A_1117, %scan3A_1175 : i32
        %broadcast_in_dim3A_1177 = vector.broadcast %scan3A_1176 : i32 to vector<16xi32>
        %get3A_1178 = arith.index_cast %scan3A_1176 : i32 to index
        %get3A_1179 = arith.constant 0 : index
        %get3A_1180 = tpu.vector_load %arg10[%get3A_1178, %get3A_1179] {strides = array<i32>} : memref<128x64xf32, #tpu.memory_space<vmem>>, vector<16xf32>,
        tpu.vector_store_idx %arg14[%add3A_5, %broadcast_in_dim3A_1177], %get3A_1180 : memref<64x129xf32, #tpu.memory_space<vmem>>[vector<16xi32>, vector<16xi32>], vector<16xf32>,
        %get3A_1181 = arith.index_cast %scan3A_1176 : i32 to index
        %get3A_1182 = arith.constant 16 : index
        %get3A_1183 = tpu.vector_load %arg10[%get3A_1181, %get3A_1182] {strides = array<i32>} : memref<128x64xf32, #tpu.memory_space<vmem>>, vector<16xf32>,
        tpu.vector_store_idx %arg14[%add3A_8, %broadcast_in_dim3A_1177], %get3A_1183 : memref<64x129xf32, #tpu.memory_space<vmem>>[vector<16xi32>, vector<16xi32>], vector<16xf32>,
        %get3A_1184 = arith.index_cast %scan3A_1176 : i32 to index
        %get3A_1185 = arith.constant 32 : index
        %get3A_1186 = tpu.vector_load %arg10[%get3A_1184, %get3A_1185] {strides = array<i32>} : memref<128x64xf32, #tpu.memory_space<vmem>>, vector<16xf32>,
        tpu.vector_store_idx %arg14[%add3A_11, %broadcast_in_dim3A_1177], %get3A_1186 : memref<64x129xf32, #tpu.memory_space<vmem>>[vector<16xi32>, vector<16xi32>], vector<16xf32>,
        %get3A_1187 = arith.index_cast %scan3A_1176 : i32 to index
        %get3A_1188 = arith.constant 48 : index
        %get3A_1189 = tpu.vector_load %arg10[%get3A_1187, %get3A_1188] {strides = array<i32>} : memref<128x64xf32, #tpu.memory_space<vmem>>, vector<16xf32>,
        tpu.vector_store_idx %arg14[%add3A_14, %broadcast_in_dim3A_1177], %get3A_1189 : memref<64x129xf32, #tpu.memory_space<vmem>>[vector<16xi32>, vector<16xi32>], vector<16xf32>,
        %scan3A_1190 = arith.constant 5 : i32
        %scan3A_1191 = arith.addi %scan3A_1117, %scan3A_1190 : i32
        %broadcast_in_dim3A_1192 = vector.broadcast %scan3A_1191 : i32 to vector<16xi32>
        %get3A_1193 = arith.index_cast %scan3A_1191 : i32 to index
        %get3A_1194 = arith.constant 0 : index
        %get3A_1195 = tpu.vector_load %arg10[%get3A_1193, %get3A_1194] {strides = array<i32>} : memref<128x64xf32, #tpu.memory_space<vmem>>, vector<16xf32>,
        tpu.vector_store_idx %arg14[%add3A_5, %broadcast_in_dim3A_1192], %get3A_1195 : memref<64x129xf32, #tpu.memory_space<vmem>>[vector<16xi32>, vector<16xi32>], vector<16xf32>,
        %get3A_1196 = arith.index_cast %scan3A_1191 : i32 to index
        %get3A_1197 = arith.constant 16 : index
        %get3A_1198 = tpu.vector_load %arg10[%get3A_1196, %get3A_1197] {strides = array<i32>} : memref<128x64xf32, #tpu.memory_space<vmem>>, vector<16xf32>,
        tpu.vector_store_idx %arg14[%add3A_8, %broadcast_in_dim3A_1192], %get3A_1198 : memref<64x129xf32, #tpu.memory_space<vmem>>[vector<16xi32>, vector<16xi32>], vector<16xf32>,
        %get3A_1199 = arith.index_cast %scan3A_1191 : i32 to index
        %get3A_1200 = arith.constant 32 : index
        %get3A_1201 = tpu.vector_load %arg10[%get3A_1199, %get3A_1200] {strides = array<i32>} : memref<128x64xf32, #tpu.memory_space<vmem>>, vector<16xf32>,
        tpu.vector_store_idx %arg14[%add3A_11, %broadcast_in_dim3A_1192], %get3A_1201 : memref<64x129xf32, #tpu.memory_space<vmem>>[vector<16xi32>, vector<16xi32>], vector<16xf32>,
        %get3A_1202 = arith.index_cast %scan3A_1191 : i32 to index
        %get3A_1203 = arith.constant 48 : index
        %get3A_1204 = tpu.vector_load %arg10[%get3A_1202, %get3A_1203] {strides = array<i32>} : memref<128x64xf32, #tpu.memory_space<vmem>>, vector<16xf32>,
        tpu.vector_store_idx %arg14[%add3A_14, %broadcast_in_dim3A_1192], %get3A_1204 : memref<64x129xf32, #tpu.memory_space<vmem>>[vector<16xi32>, vector<16xi32>], vector<16xf32>,
        %scan3A_1205 = arith.constant 6 : i32
        %scan3A_1206 = arith.addi %scan3A_1117, %scan3A_1205 : i32
        %broadcast_in_dim3A_1207 = vector.broadcast %scan3A_1206 : i32 to vector<16xi32>
        %get3A_1208 = arith.index_cast %scan3A_1206 : i32 to index
        %get3A_1209 = arith.constant 0 : index
        %get3A_1210 = tpu.vector_load %arg10[%get3A_1208, %get3A_1209] {strides = array<i32>} : memref<128x64xf32, #tpu.memory_space<vmem>>, vector<16xf32>,
        tpu.vector_store_idx %arg14[%add3A_5, %broadcast_in_dim3A_1207], %get3A_1210 : memref<64x129xf32, #tpu.memory_space<vmem>>[vector<16xi32>, vector<16xi32>], vector<16xf32>,
        %get3A_1211 = arith.index_cast %scan3A_1206 : i32 to index
        %get3A_1212 = arith.constant 16 : index
        %get3A_1213 = tpu.vector_load %arg10[%get3A_1211, %get3A_1212] {strides = array<i32>} : memref<128x64xf32, #tpu.memory_space<vmem>>, vector<16xf32>,
        tpu.vector_store_idx %arg14[%add3A_8, %broadcast_in_dim3A_1207], %get3A_1213 : memref<64x129xf32, #tpu.memory_space<vmem>>[vector<16xi32>, vector<16xi32>], vector<16xf32>,
        %get3A_1214 = arith.index_cast %scan3A_1206 : i32 to index
        %get3A_1215 = arith.constant 32 : index
        %get3A_1216 = tpu.vector_load %arg10[%get3A_1214, %get3A_1215] {strides = array<i32>} : memref<128x64xf32, #tpu.memory_space<vmem>>, vector<16xf32>,
        tpu.vector_store_idx %arg14[%add3A_11, %broadcast_in_dim3A_1207], %get3A_1216 : memref<64x129xf32, #tpu.memory_space<vmem>>[vector<16xi32>, vector<16xi32>], vector<16xf32>,
        %get3A_1217 = arith.index_cast %scan3A_1206 : i32 to index
        %get3A_1218 = arith.constant 48 : index
        %get3A_1219 = tpu.vector_load %arg10[%get3A_1217, %get3A_1218] {strides = array<i32>} : memref<128x64xf32, #tpu.memory_space<vmem>>, vector<16xf32>,
        tpu.vector_store_idx %arg14[%add3A_14, %broadcast_in_dim3A_1207], %get3A_1219 : memref<64x129xf32, #tpu.memory_space<vmem>>[vector<16xi32>, vector<16xi32>], vector<16xf32>,
        %scan3A_1220 = arith.constant 7 : i32
        %scan3A_1221 = arith.addi %scan3A_1117, %scan3A_1220 : i32
        %broadcast_in_dim3A_1222 = vector.broadcast %scan3A_1221 : i32 to vector<16xi32>
        %get3A_1223 = arith.index_cast %scan3A_1221 : i32 to index
        %get3A_1224 = arith.constant 0 : index
        %get3A_1225 = tpu.vector_load %arg10[%get3A_1223, %get3A_1224] {strides = array<i32>} : memref<128x64xf32, #tpu.memory_space<vmem>>, vector<16xf32>,
        tpu.vector_store_idx %arg14[%add3A_5, %broadcast_in_dim3A_1222], %get3A_1225 : memref<64x129xf32, #tpu.memory_space<vmem>>[vector<16xi32>, vector<16xi32>], vector<16xf32>,
        %get3A_1226 = arith.index_cast %scan3A_1221 : i32 to index
        %get3A_1227 = arith.constant 16 : index
        %get3A_1228 = tpu.vector_load %arg10[%get3A_1226, %get3A_1227] {strides = array<i32>} : memref<128x64xf32, #tpu.memory_space<vmem>>, vector<16xf32>,
        tpu.vector_store_idx %arg14[%add3A_8, %broadcast_in_dim3A_1222], %get3A_1228 : memref<64x129xf32, #tpu.memory_space<vmem>>[vector<16xi32>, vector<16xi32>], vector<16xf32>,
        %get3A_1229 = arith.index_cast %scan3A_1221 : i32 to index
        %get3A_1230 = arith.constant 32 : index
        %get3A_1231 = tpu.vector_load %arg10[%get3A_1229, %get3A_1230] {strides = array<i32>} : memref<128x64xf32, #tpu.memory_space<vmem>>, vector<16xf32>,
        tpu.vector_store_idx %arg14[%add3A_11, %broadcast_in_dim3A_1222], %get3A_1231 : memref<64x129xf32, #tpu.memory_space<vmem>>[vector<16xi32>, vector<16xi32>], vector<16xf32>,
        %get3A_1232 = arith.index_cast %scan3A_1221 : i32 to index
        %get3A_1233 = arith.constant 48 : index
        %get3A_1234 = tpu.vector_load %arg10[%get3A_1232, %get3A_1233] {strides = array<i32>} : memref<128x64xf32, #tpu.memory_space<vmem>>, vector<16xf32>,
        tpu.vector_store_idx %arg14[%add3A_14, %broadcast_in_dim3A_1222], %get3A_1234 : memref<64x129xf32, #tpu.memory_space<vmem>>[vector<16xi32>, vector<16xi32>], vector<16xf32>,
      }
      %scan3A_616 = arith.constant 128 : i32
      %jit3A_617 = arith.constant 32 : i32
      %div3A_618 = arith.divsi %add3A_590, %jit3A_617 : i32
      %sign3A_619 = arith.constant 0 : i32
      %sign3A_620 = arith.cmpi sgt, %add3A_590, %sign3A_619 : i32
      %sign3A_621 = arith.extui %sign3A_620 : i1 to i32
      %sign3A_622 = arith.constant 0 : i32
      %sign3A_623 = arith.cmpi slt, %add3A_590, %sign3A_622 : i32
      %sign3A_624 = arith.extui %sign3A_623 : i1 to i32
      %sign3A_625 = arith.subi %sign3A_621, %sign3A_624 : i32
      %sign3A_626 = arith.constant 0 : i32
      %sign3A_627 = arith.cmpi sgt, %jit3A_617, %sign3A_626 : i32
      %sign3A_628 = arith.extui %sign3A_627 : i1 to i32
      %sign3A_629 = arith.constant 0 : i32
      %sign3A_630 = arith.cmpi slt, %jit3A_617, %sign3A_629 : i32
      %sign3A_631 = arith.extui %sign3A_630 : i1 to i32
      %sign3A_632 = arith.subi %sign3A_628, %sign3A_631 : i32
      %ne3A_633 = arith.cmpi ne, %sign3A_625, %sign3A_632 : i32
      %rem3A_634 = arith.remsi %add3A_590, %jit3A_617 : i32
      %ne3A_635 = arith.constant 0 : i32
      %ne3A_636 = arith.cmpi ne, %rem3A_634, %ne3A_635 : i32
      %and3A_637 = arith.andi %ne3A_633, %ne3A_636 : i1
      %sub3A_638 = arith.constant 1 : i32
      %sub3A_639 = arith.subi %div3A_618, %sub3A_638 : i32
      %select_n3A_640 = arith.select %and3A_637, %sub3A_639, %div3A_618 : i32
      %rem3A_641 = arith.constant 32 : i32
      %rem3A_642 = arith.remsi %add3A_590, %rem3A_641 : i32
      %dma_start3A_643 = arith.constant 0 : i32
      %dma_start3A_644 = arith.constant 0 : i32
      %dma_start3A_645 = arith.constant 0 : i32
      %dma_start3A_646 = tpu.memref_slice %arg14[%dma_start3A_644, %dma_start3A_645] : memref<64x129xf32, #tpu.memory_space<vmem>> -> memref<8x128xf32, #tpu.memory_space<vmem>>
      %dma_start3A_647 = arith.constant 0 : i32
      %dma_start3A_648 = arith.constant 0 : i32
      %dma_start3A_649 = tpu.memref_slice %arg4[%select_n3A_640, %dma_start3A_643, %rem3A_642, %dma_start3A_647, %dma_start3A_648] : memref<200x8x32x8x128xf32, #tpu.memory_space<hbm>> -> memref<1x1x1x8x128xf32, #tpu.memory_space<hbm>>
      %dma_start3A_650 = tpu.memref_squeeze %dma_start3A_649 : memref<1x1x1x8x128xf32, #tpu.memory_space<hbm>> -> memref<8x128xf32, #tpu.memory_space<hbm>>
      %dma_start3A_651 = arith.constant 0 : i32
      %dma_start3A_652 = arith.constant 0 : i32
      %dma_start3A_653 = tpu.memref_slice %arg4[%select_n3A_640, %dma_start3A_643, %rem3A_642, %dma_start3A_651, %dma_start3A_652] : memref<200x8x32x8x128xf32, #tpu.memory_space<hbm>> -> memref<1x1x1x8x128xf32, #tpu.memory_space<hbm>>
      %dma_start3A_654 = tpu.memref_squeeze %dma_start3A_653 : memref<1x1x1x8x128xf32, #tpu.memory_space<hbm>> -> memref<8x128xf32, #tpu.memory_space<hbm>>
      %dma_start3A_655 = arith.constant 0 : i32
      %dma_start3A_656 = arith.constant 0 : i32
      %dma_start3A_657 = tpu.memref_slice %arg14[%dma_start3A_655, %dma_start3A_656] : memref<64x129xf32, #tpu.memory_space<vmem>> -> memref<8x128xf32, #tpu.memory_space<vmem>>
      tpu.enqueue_dma source(%dma_start3A_657 : memref<8x128xf32, #tpu.memory_space<vmem>>) target(%dma_start3A_654 : memref<8x128xf32, #tpu.memory_space<hbm>>) target_semaphore(%arg20 : memref<!tpu.dma_semaphore, #tpu.memory_space<semaphore_mem>>)
      %dma_start3A_658 = arith.constant 1 : i32
      %dma_start3A_659 = arith.constant 8 : i32
      %dma_start3A_660 = arith.constant 0 : i32
      %dma_start3A_661 = tpu.memref_slice %arg14[%dma_start3A_659, %dma_start3A_660] : memref<64x129xf32, #tpu.memory_space<vmem>> -> memref<8x128xf32, #tpu.memory_space<vmem>>
      %dma_start3A_662 = arith.constant 0 : i32
      %dma_start3A_663 = arith.constant 0 : i32
      %dma_start3A_664 = tpu.memref_slice %arg4[%select_n3A_640, %dma_start3A_658, %rem3A_642, %dma_start3A_662, %dma_start3A_663] : memref<200x8x32x8x128xf32, #tpu.memory_space<hbm>> -> memref<1x1x1x8x128xf32, #tpu.memory_space<hbm>>
      %dma_start3A_665 = tpu.memref_squeeze %dma_start3A_664 : memref<1x1x1x8x128xf32, #tpu.memory_space<hbm>> -> memref<8x128xf32, #tpu.memory_space<hbm>>
      %dma_start3A_666 = arith.constant 0 : i32
      %dma_start3A_667 = arith.constant 0 : i32
      %dma_start3A_668 = tpu.memref_slice %arg4[%select_n3A_640, %dma_start3A_658, %rem3A_642, %dma_start3A_666, %dma_start3A_667] : memref<200x8x32x8x128xf32, #tpu.memory_space<hbm>> -> memref<1x1x1x8x128xf32, #tpu.memory_space<hbm>>
      %dma_start3A_669 = tpu.memref_squeeze %dma_start3A_668 : memref<1x1x1x8x128xf32, #tpu.memory_space<hbm>> -> memref<8x128xf32, #tpu.memory_space<hbm>>
      %dma_start3A_670 = arith.constant 8 : i32
      %dma_start3A_671 = arith.constant 0 : i32
      %dma_start3A_672 = tpu.memref_slice %arg14[%dma_start3A_670, %dma_start3A_671] : memref<64x129xf32, #tpu.memory_space<vmem>> -> memref<8x128xf32, #tpu.memory_space<vmem>>
      tpu.enqueue_dma source(%dma_start3A_672 : memref<8x128xf32, #tpu.memory_space<vmem>>) target(%dma_start3A_669 : memref<8x128xf32, #tpu.memory_space<hbm>>) target_semaphore(%arg20 : memref<!tpu.dma_semaphore, #tpu.memory_space<semaphore_mem>>)
      %dma_start3A_673 = arith.constant 2 : i32
      %dma_start3A_674 = arith.constant 16 : i32
      %dma_start3A_675 = arith.constant 0 : i32
      %dma_start3A_676 = tpu.memref_slice %arg14[%dma_start3A_674, %dma_start3A_675] : memref<64x129xf32, #tpu.memory_space<vmem>> -> memref<8x128xf32, #tpu.memory_space<vmem>>
      %dma_start3A_677 = arith.constant 0 : i32
      %dma_start3A_678 = arith.constant 0 : i32
      %dma_start3A_679 = tpu.memref_slice %arg4[%select_n3A_640, %dma_start3A_673, %rem3A_642, %dma_start3A_677, %dma_start3A_678] : memref<200x8x32x8x128xf32, #tpu.memory_space<hbm>> -> memref<1x1x1x8x128xf32, #tpu.memory_space<hbm>>
      %dma_start3A_680 = tpu.memref_squeeze %dma_start3A_679 : memref<1x1x1x8x128xf32, #tpu.memory_space<hbm>> -> memref<8x128xf32, #tpu.memory_space<hbm>>
      %dma_start3A_681 = arith.constant 0 : i32
      %dma_start3A_682 = arith.constant 0 : i32
      %dma_start3A_683 = tpu.memref_slice %arg4[%select_n3A_640, %dma_start3A_673, %rem3A_642, %dma_start3A_681, %dma_start3A_682] : memref<200x8x32x8x128xf32, #tpu.memory_space<hbm>> -> memref<1x1x1x8x128xf32, #tpu.memory_space<hbm>>
      %dma_start3A_684 = tpu.memref_squeeze %dma_start3A_683 : memref<1x1x1x8x128xf32, #tpu.memory_space<hbm>> -> memref<8x128xf32, #tpu.memory_space<hbm>>
      %dma_start3A_685 = arith.constant 16 : i32
      %dma_start3A_686 = arith.constant 0 : i32
      %dma_start3A_687 = tpu.memref_slice %arg14[%dma_start3A_685, %dma_start3A_686] : memref<64x129xf32, #tpu.memory_space<vmem>> -> memref<8x128xf32, #tpu.memory_space<vmem>>
      tpu.enqueue_dma source(%dma_start3A_687 : memref<8x128xf32, #tpu.memory_space<vmem>>) target(%dma_start3A_684 : memref<8x128xf32, #tpu.memory_space<hbm>>) target_semaphore(%arg20 : memref<!tpu.dma_semaphore, #tpu.memory_space<semaphore_mem>>)
      %dma_start3A_688 = arith.constant 3 : i32
      %dma_start3A_689 = arith.constant 24 : i32
      %dma_start3A_690 = arith.constant 0 : i32
      %dma_start3A_691 = tpu.memref_slice %arg14[%dma_start3A_689, %dma_start3A_690] : memref<64x129xf32, #tpu.memory_space<vmem>> -> memref<8x128xf32, #tpu.memory_space<vmem>>
      %dma_start3A_692 = arith.constant 0 : i32
      %dma_start3A_693 = arith.constant 0 : i32
      %dma_start3A_694 = tpu.memref_slice %arg4[%select_n3A_640, %dma_start3A_688, %rem3A_642, %dma_start3A_692, %dma_start3A_693] : memref<200x8x32x8x128xf32, #tpu.memory_space<hbm>> -> memref<1x1x1x8x128xf32, #tpu.memory_space<hbm>>
      %dma_start3A_695 = tpu.memref_squeeze %dma_start3A_694 : memref<1x1x1x8x128xf32, #tpu.memory_space<hbm>> -> memref<8x128xf32, #tpu.memory_space<hbm>>
      %dma_start3A_696 = arith.constant 0 : i32
      %dma_start3A_697 = arith.constant 0 : i32
      %dma_start3A_698 = tpu.memref_slice %arg4[%select_n3A_640, %dma_start3A_688, %rem3A_642, %dma_start3A_696, %dma_start3A_697] : memref<200x8x32x8x128xf32, #tpu.memory_space<hbm>> -> memref<1x1x1x8x128xf32, #tpu.memory_space<hbm>>
      %dma_start3A_699 = tpu.memref_squeeze %dma_start3A_698 : memref<1x1x1x8x128xf32, #tpu.memory_space<hbm>> -> memref<8x128xf32, #tpu.memory_space<hbm>>
      %dma_start3A_700 = arith.constant 24 : i32
      %dma_start3A_701 = arith.constant 0 : i32
      %dma_start3A_702 = tpu.memref_slice %arg14[%dma_start3A_700, %dma_start3A_701] : memref<64x129xf32, #tpu.memory_space<vmem>> -> memref<8x128xf32, #tpu.memory_space<vmem>>
      tpu.enqueue_dma source(%dma_start3A_702 : memref<8x128xf32, #tpu.memory_space<vmem>>) target(%dma_start3A_699 : memref<8x128xf32, #tpu.memory_space<hbm>>) target_semaphore(%arg20 : memref<!tpu.dma_semaphore, #tpu.memory_space<semaphore_mem>>)
      %dma_start3A_703 = arith.constant 4 : i32
      %dma_start3A_704 = arith.constant 32 : i32
      %dma_start3A_705 = arith.constant 0 : i32
      %dma_start3A_706 = tpu.memref_slice %arg14[%dma_start3A_704, %dma_start3A_705] : memref<64x129xf32, #tpu.memory_space<vmem>> -> memref<8x128xf32, #tpu.memory_space<vmem>>
      %dma_start3A_707 = arith.constant 0 : i32
      %dma_start3A_708 = arith.constant 0 : i32
      %dma_start3A_709 = tpu.memref_slice %arg4[%select_n3A_640, %dma_start3A_703, %rem3A_642, %dma_start3A_707, %dma_start3A_708] : memref<200x8x32x8x128xf32, #tpu.memory_space<hbm>> -> memref<1x1x1x8x128xf32, #tpu.memory_space<hbm>>
      %dma_start3A_710 = tpu.memref_squeeze %dma_start3A_709 : memref<1x1x1x8x128xf32, #tpu.memory_space<hbm>> -> memref<8x128xf32, #tpu.memory_space<hbm>>
      %dma_start3A_711 = arith.constant 0 : i32
      %dma_start3A_712 = arith.constant 0 : i32
      %dma_start3A_713 = tpu.memref_slice %arg4[%select_n3A_640, %dma_start3A_703, %rem3A_642, %dma_start3A_711, %dma_start3A_712] : memref<200x8x32x8x128xf32, #tpu.memory_space<hbm>> -> memref<1x1x1x8x128xf32, #tpu.memory_space<hbm>>
      %dma_start3A_714 = tpu.memref_squeeze %dma_start3A_713 : memref<1x1x1x8x128xf32, #tpu.memory_space<hbm>> -> memref<8x128xf32, #tpu.memory_space<hbm>>
      %dma_start3A_715 = arith.constant 32 : i32
      %dma_start3A_716 = arith.constant 0 : i32
      %dma_start3A_717 = tpu.memref_slice %arg14[%dma_start3A_715, %dma_start3A_716] : memref<64x129xf32, #tpu.memory_space<vmem>> -> memref<8x128xf32, #tpu.memory_space<vmem>>
      tpu.enqueue_dma source(%dma_start3A_717 : memref<8x128xf32, #tpu.memory_space<vmem>>) target(%dma_start3A_714 : memref<8x128xf32, #tpu.memory_space<hbm>>) target_semaphore(%arg20 : memref<!tpu.dma_semaphore, #tpu.memory_space<semaphore_mem>>)
      %dma_start3A_718 = arith.constant 5 : i32
      %dma_start3A_719 = arith.constant 40 : i32
      %dma_start3A_720 = arith.constant 0 : i32
      %dma_start3A_721 = tpu.memref_slice %arg14[%dma_start3A_719, %dma_start3A_720] : memref<64x129xf32, #tpu.memory_space<vmem>> -> memref<8x128xf32, #tpu.memory_space<vmem>>
      %dma_start3A_722 = arith.constant 0 : i32
      %dma_start3A_723 = arith.constant 0 : i32
      %dma_start3A_724 = tpu.memref_slice %arg4[%select_n3A_640, %dma_start3A_718, %rem3A_642, %dma_start3A_722, %dma_start3A_723] : memref<200x8x32x8x128xf32, #tpu.memory_space<hbm>> -> memref<1x1x1x8x128xf32, #tpu.memory_space<hbm>>
      %dma_start3A_725 = tpu.memref_squeeze %dma_start3A_724 : memref<1x1x1x8x128xf32, #tpu.memory_space<hbm>> -> memref<8x128xf32, #tpu.memory_space<hbm>>
      %dma_start3A_726 = arith.constant 0 : i32
      %dma_start3A_727 = arith.constant 0 : i32
      %dma_start3A_728 = tpu.memref_slice %arg4[%select_n3A_640, %dma_start3A_718, %rem3A_642, %dma_start3A_726, %dma_start3A_727] : memref<200x8x32x8x128xf32, #tpu.memory_space<hbm>> -> memref<1x1x1x8x128xf32, #tpu.memory_space<hbm>>
      %dma_start3A_729 = tpu.memref_squeeze %dma_start3A_728 : memref<1x1x1x8x128xf32, #tpu.memory_space<hbm>> -> memref<8x128xf32, #tpu.memory_space<hbm>>
      %dma_start3A_730 = arith.constant 40 : i32
      %dma_start3A_731 = arith.constant 0 : i32
      %dma_start3A_732 = tpu.memref_slice %arg14[%dma_start3A_730, %dma_start3A_731] : memref<64x129xf32, #tpu.memory_space<vmem>> -> memref<8x128xf32, #tpu.memory_space<vmem>>
      tpu.enqueue_dma source(%dma_start3A_732 : memref<8x128xf32, #tpu.memory_space<vmem>>) target(%dma_start3A_729 : memref<8x128xf32, #tpu.memory_space<hbm>>) target_semaphore(%arg20 : memref<!tpu.dma_semaphore, #tpu.memory_space<semaphore_mem>>)
      %dma_start3A_733 = arith.constant 6 : i32
      %dma_start3A_734 = arith.constant 48 : i32
      %dma_start3A_735 = arith.constant 0 : i32
      %dma_start3A_736 = tpu.memref_slice %arg14[%dma_start3A_734, %dma_start3A_735] : memref<64x129xf32, #tpu.memory_space<vmem>> -> memref<8x128xf32, #tpu.memory_space<vmem>>
      %dma_start3A_737 = arith.constant 0 : i32
      %dma_start3A_738 = arith.constant 0 : i32
      %dma_start3A_739 = tpu.memref_slice %arg4[%select_n3A_640, %dma_start3A_733, %rem3A_642, %dma_start3A_737, %dma_start3A_738] : memref<200x8x32x8x128xf32, #tpu.memory_space<hbm>> -> memref<1x1x1x8x128xf32, #tpu.memory_space<hbm>>
      %dma_start3A_740 = tpu.memref_squeeze %dma_start3A_739 : memref<1x1x1x8x128xf32, #tpu.memory_space<hbm>> -> memref<8x128xf32, #tpu.memory_space<hbm>>
      %dma_start3A_741 = arith.constant 0 : i32
      %dma_start3A_742 = arith.constant 0 : i32
      %dma_start3A_743 = tpu.memref_slice %arg4[%select_n3A_640, %dma_start3A_733, %rem3A_642, %dma_start3A_741, %dma_start3A_742] : memref<200x8x32x8x128xf32, #tpu.memory_space<hbm>> -> memref<1x1x1x8x128xf32, #tpu.memory_space<hbm>>
      %dma_start3A_744 = tpu.memref_squeeze %dma_start3A_743 : memref<1x1x1x8x128xf32, #tpu.memory_space<hbm>> -> memref<8x128xf32, #tpu.memory_space<hbm>>
      %dma_start3A_745 = arith.constant 48 : i32
      %dma_start3A_746 = arith.constant 0 : i32
      %dma_start3A_747 = tpu.memref_slice %arg14[%dma_start3A_745, %dma_start3A_746] : memref<64x129xf32, #tpu.memory_space<vmem>> -> memref<8x128xf32, #tpu.memory_space<vmem>>
      tpu.enqueue_dma source(%dma_start3A_747 : memref<8x128xf32, #tpu.memory_space<vmem>>) target(%dma_start3A_744 : memref<8x128xf32, #tpu.memory_space<hbm>>) target_semaphore(%arg20 : memref<!tpu.dma_semaphore, #tpu.memory_space<semaphore_mem>>)
      %dma_start3A_748 = arith.constant 7 : i32
      %dma_start3A_749 = arith.constant 56 : i32
      %dma_start3A_750 = arith.constant 0 : i32
      %dma_start3A_751 = tpu.memref_slice %arg14[%dma_start3A_749, %dma_start3A_750] : memref<64x129xf32, #tpu.memory_space<vmem>> -> memref<8x128xf32, #tpu.memory_space<vmem>>
      %dma_start3A_752 = arith.constant 0 : i32
      %dma_start3A_753 = arith.constant 0 : i32
      %dma_start3A_754 = tpu.memref_slice %arg4[%select_n3A_640, %dma_start3A_748, %rem3A_642, %dma_start3A_752, %dma_start3A_753] : memref<200x8x32x8x128xf32, #tpu.memory_space<hbm>> -> memref<1x1x1x8x128xf32, #tpu.memory_space<hbm>>
      %dma_start3A_755 = tpu.memref_squeeze %dma_start3A_754 : memref<1x1x1x8x128xf32, #tpu.memory_space<hbm>> -> memref<8x128xf32, #tpu.memory_space<hbm>>
      %dma_start3A_756 = arith.constant 0 : i32
      %dma_start3A_757 = arith.constant 0 : i32
      %dma_start3A_758 = tpu.memref_slice %arg4[%select_n3A_640, %dma_start3A_748, %rem3A_642, %dma_start3A_756, %dma_start3A_757] : memref<200x8x32x8x128xf32, #tpu.memory_space<hbm>> -> memref<1x1x1x8x128xf32, #tpu.memory_space<hbm>>
      %dma_start3A_759 = tpu.memref_squeeze %dma_start3A_758 : memref<1x1x1x8x128xf32, #tpu.memory_space<hbm>> -> memref<8x128xf32, #tpu.memory_space<hbm>>
      %dma_start3A_760 = arith.constant 56 : i32
      %dma_start3A_761 = arith.constant 0 : i32
      %dma_start3A_762 = tpu.memref_slice %arg14[%dma_start3A_760, %dma_start3A_761] : memref<64x129xf32, #tpu.memory_space<vmem>> -> memref<8x128xf32, #tpu.memory_space<vmem>>
      tpu.enqueue_dma source(%dma_start3A_762 : memref<8x128xf32, #tpu.memory_space<vmem>>) target(%dma_start3A_759 : memref<8x128xf32, #tpu.memory_space<hbm>>) target_semaphore(%arg20 : memref<!tpu.dma_semaphore, #tpu.memory_space<semaphore_mem>>)
      %mul3A_763 = arith.constant 4 : i32
      %mul3A_764 = arith.muli %scan3A_412, %mul3A_763 : i32
      %add3A_765 = arith.constant 2 : i32
      %add3A_766 = arith.addi %mul3A_764, %add3A_765 : i32
      %add3A_767 = arith.addi %mul3A_2, %add3A_766 : i32
      %add3A_768 = arith.constant 4 : i32
      %add3A_769 = arith.addi %add3A_766, %add3A_768 : i32
      %sub3A_770 = arith.constant 1 : i32
      %sub3A_771 = arith.subi %add3A_769, %sub3A_770 : i32
      %lt3A_772 = arith.constant 200 : i32
      %lt3A_773 = arith.cmpi slt, %sub3A_771, %lt3A_772 : i32
      %convert_element_type3A_774 = arith.extui %lt3A_773 : i1 to i32
      %cond3A_775 = arith.constant 0 : i32
      %cond3A_776 = arith.cmpi ne, %convert_element_type3A_774, %cond3A_775 : i32
      scf.if %cond3A_776 {
        %add3A_1117 = arith.constant 4 : i32
        %add3A_1118 = arith.addi %add3A_767, %add3A_1117 : i32
        %sub3A_1119 = arith.constant 1 : i32
        %sub3A_1120 = arith.subi %add3A_1118, %sub3A_1119 : i32
        %jit3A_1121 = arith.constant 32 : i32
        %div3A_1122 = arith.divsi %sub3A_1120, %jit3A_1121 : i32
        %sign3A_1123 = arith.constant 0 : i32
        %sign3A_1124 = arith.cmpi sgt, %sub3A_1120, %sign3A_1123 : i32
        %sign3A_1125 = arith.extui %sign3A_1124 : i1 to i32
        %sign3A_1126 = arith.constant 0 : i32
        %sign3A_1127 = arith.cmpi slt, %sub3A_1120, %sign3A_1126 : i32
        %sign3A_1128 = arith.extui %sign3A_1127 : i1 to i32
        %sign3A_1129 = arith.subi %sign3A_1125, %sign3A_1128 : i32
        %sign3A_1130 = arith.constant 0 : i32
        %sign3A_1131 = arith.cmpi sgt, %jit3A_1121, %sign3A_1130 : i32
        %sign3A_1132 = arith.extui %sign3A_1131 : i1 to i32
        %sign3A_1133 = arith.constant 0 : i32
        %sign3A_1134 = arith.cmpi slt, %jit3A_1121, %sign3A_1133 : i32
        %sign3A_1135 = arith.extui %sign3A_1134 : i1 to i32
        %sign3A_1136 = arith.subi %sign3A_1132, %sign3A_1135 : i32
        %ne3A_1137 = arith.cmpi ne, %sign3A_1129, %sign3A_1136 : i32
        %rem3A_1138 = arith.remsi %sub3A_1120, %jit3A_1121 : i32
        %ne3A_1139 = arith.constant 0 : i32
        %ne3A_1140 = arith.cmpi ne, %rem3A_1138, %ne3A_1139 : i32
        %and3A_1141 = arith.andi %ne3A_1137, %ne3A_1140 : i1
        %sub3A_1142 = arith.constant 1 : i32
        %sub3A_1143 = arith.subi %div3A_1122, %sub3A_1142 : i32
        %select_n3A_1144 = arith.select %and3A_1141, %sub3A_1143, %div3A_1122 : i32
        %rem3A_1145 = arith.constant 32 : i32
        %rem3A_1146 = arith.remsi %sub3A_1120, %rem3A_1145 : i32
        %mul3A_1147 = arith.constant 128 : i32
        %mul3A_1148 = arith.muli %rem3A_1146, %mul3A_1147 : i32
        "tpu.region"() ({
          %run_scoped3A = tpu.sem_alloc : memref<!tpu.dma_semaphore, #tpu.memory_space<semaphore_mem>>
          %dma_start3A_1158 = tpu.memref_slice %arg2[%select_n3A_1144, %mul3A_1148] : memref<200x4096xi32, #tpu.memory_space<hbm>> -> memref<1x128xi32, #tpu.memory_space<hbm>>
          %dma_start3A_1159 = tpu.memref_squeeze %dma_start3A_1158 : memref<1x128xi32, #tpu.memory_space<hbm>> -> memref<128xi32, #tpu.memory_space<hbm>>
          %dma_start3A_1160 = tpu.memref_slice %arg2[%select_n3A_1144, %mul3A_1148] : memref<200x4096xi32, #tpu.memory_space<hbm>> -> memref<1x128xi32, #tpu.memory_space<hbm>>
          %dma_start3A_1161 = tpu.memref_squeeze %dma_start3A_1160 : memref<1x128xi32, #tpu.memory_space<hbm>> -> memref<128xi32, #tpu.memory_space<hbm>>
          tpu.enqueue_dma source(%dma_start3A_1161 : memref<128xi32, #tpu.memory_space<hbm>>) target(%arg6 : memref<128xi32, #tpu.memory_space<vmem>>) target_semaphore(%run_scoped3A : memref<!tpu.dma_semaphore, #tpu.memory_space<semaphore_mem>>)
          %dma_wait3A_1162 = tpu.memref_slice %arg2[%select_n3A_1144, %mul3A_1148] : memref<200x4096xi32, #tpu.memory_space<hbm>> -> memref<1x128xi32, #tpu.memory_space<hbm>>
          %dma_wait3A_1163 = tpu.memref_squeeze %dma_wait3A_1162 : memref<1x128xi32, #tpu.memory_space<hbm>> -> memref<128xi32, #tpu.memory_space<hbm>>
          %dma_wait3A_1164 = tpu.memref_slice %arg2[%select_n3A_1144, %mul3A_1148] : memref<200x4096xi32, #tpu.memory_space<hbm>> -> memref<1x128xi32, #tpu.memory_space<hbm>>
          %dma_wait3A_1165 = tpu.memref_squeeze %dma_wait3A_1164 : memref<1x128xi32, #tpu.memory_space<hbm>> -> memref<128xi32, #tpu.memory_space<hbm>>
          tpu.wait_dma2 semaphore(%run_scoped3A : memref<!tpu.dma_semaphore, #tpu.memory_space<semaphore_mem>>) src(%dma_wait3A_1165 : memref<128xi32, #tpu.memory_space<hbm>>) dst(%arg6 : memref<128xi32, #tpu.memory_space<vmem>>)
          tpu.yield
        }) : () -> ()
        %scan3A_1149 = arith.constant 0 : i32
        %scan3A_1150 = arith.constant 0 : i32
        %scan3A_1151 = arith.constant 8 : i32
        %scan3A_1152 = arith.addi %scan3A_1150, %scan3A_1151 : i32
        %scan3A_1153 = arith.constant 4 : i32
        scf.for %scan3A_1158 = %scan3A_1150 to %scan3A_1152 step %scan3A_1153  : i32 {
          %mul3A_1159 = arith.constant 16 : i32
          %mul3A_1160 = arith.muli %scan3A_1158, %mul3A_1159 : i32
          %get3A = arith.index_cast %mul3A_1160 : i32 to index
          %get3A_1161 = tpu.vector_load %arg6[%get3A] {strides = array<i32>} : memref<128xi32, #tpu.memory_space<vmem>>, vector<16xi32>,
          %ge3A_1162 = arith.cmpi sge, %get3A_1161, %broadcast_in_dim3A_15 : vector<16xi32>
          %select_n3A_1163 = arith.select %ge3A_1162, %broadcast_in_dim3A_21, %broadcast_in_dim3A_27 : vector<16xi1>, vector<16xi32>
          %ge3A_1164 = arith.cmpi sge, %get3A_1161, %broadcast_in_dim3A_19 : vector<16xi32>
          %select_n3A_1165 = arith.select %ge3A_1164, %broadcast_in_dim3A_25, %broadcast_in_dim3A_23 : vector<16xi1>, vector<16xi32>
          %add3A_1166 = arith.addi %get3A_1161, %get3A_1161 : vector<16xi32>
          %ge3A_1167 = arith.cmpi sge, %get3A_1161, %broadcast_in_dim3A_17 : vector<16xi32>
          %select_n3A_1168 = arith.select %ge3A_1167, %select_n3A_1165, %select_n3A_1163 : vector<16xi1>, vector<16xi32>
          %sub3A_1169 = arith.subi %add3A_1166, %select_n3A_1168 : vector<16xi32>
          %swap3A = arith.index_cast %mul3A_1160 : i32 to index
          %swap3A_1170 = tpu.vector_load %arg6[%swap3A] {strides = array<i32>} : memref<128xi32, #tpu.memory_space<vmem>>, vector<16xi32>,
          tpu.vector_store %arg6[%swap3A], %sub3A_1169 {strides = array<i32>} : memref<128xi32, #tpu.memory_space<vmem>>, vector<16xi32>,
          %scan3A_1171 = arith.constant 1 : i32
          %scan3A_1172 = arith.addi %scan3A_1158, %scan3A_1171 : i32
          %mul3A_1173 = arith.constant 16 : i32
          %mul3A_1174 = arith.muli %scan3A_1172, %mul3A_1173 : i32
          %get3A_1175 = arith.index_cast %mul3A_1174 : i32 to index
          %get3A_1176 = tpu.vector_load %arg6[%get3A_1175] {strides = array<i32>} : memref<128xi32, #tpu.memory_space<vmem>>, vector<16xi32>,
          %ge3A_1177 = arith.cmpi sge, %get3A_1176, %broadcast_in_dim3A_15 : vector<16xi32>
          %select_n3A_1178 = arith.select %ge3A_1177, %broadcast_in_dim3A_21, %broadcast_in_dim3A_27 : vector<16xi1>, vector<16xi32>
          %ge3A_1179 = arith.cmpi sge, %get3A_1176, %broadcast_in_dim3A_19 : vector<16xi32>
          %select_n3A_1180 = arith.select %ge3A_1179, %broadcast_in_dim3A_25, %broadcast_in_dim3A_23 : vector<16xi1>, vector<16xi32>
          %add3A_1181 = arith.addi %get3A_1176, %get3A_1176 : vector<16xi32>
          %ge3A_1182 = arith.cmpi sge, %get3A_1176, %broadcast_in_dim3A_17 : vector<16xi32>
          %select_n3A_1183 = arith.select %ge3A_1182, %select_n3A_1180, %select_n3A_1178 : vector<16xi1>, vector<16xi32>
          %sub3A_1184 = arith.subi %add3A_1181, %select_n3A_1183 : vector<16xi32>
          %swap3A_1185 = arith.index_cast %mul3A_1174 : i32 to index
          %swap3A_1186 = tpu.vector_load %arg6[%swap3A_1185] {strides = array<i32>} : memref<128xi32, #tpu.memory_space<vmem>>, vector<16xi32>,
          tpu.vector_store %arg6[%swap3A_1185], %sub3A_1184 {strides = array<i32>} : memref<128xi32, #tpu.memory_space<vmem>>, vector<16xi32>,
          %scan3A_1187 = arith.constant 2 : i32
          %scan3A_1188 = arith.addi %scan3A_1158, %scan3A_1187 : i32
          %mul3A_1189 = arith.constant 16 : i32
          %mul3A_1190 = arith.muli %scan3A_1188, %mul3A_1189 : i32
          %get3A_1191 = arith.index_cast %mul3A_1190 : i32 to index
          %get3A_1192 = tpu.vector_load %arg6[%get3A_1191] {strides = array<i32>} : memref<128xi32, #tpu.memory_space<vmem>>, vector<16xi32>,
          %ge3A_1193 = arith.cmpi sge, %get3A_1192, %broadcast_in_dim3A_15 : vector<16xi32>
          %select_n3A_1194 = arith.select %ge3A_1193, %broadcast_in_dim3A_21, %broadcast_in_dim3A_27 : vector<16xi1>, vector<16xi32>
          %ge3A_1195 = arith.cmpi sge, %get3A_1192, %broadcast_in_dim3A_19 : vector<16xi32>
          %select_n3A_1196 = arith.select %ge3A_1195, %broadcast_in_dim3A_25, %broadcast_in_dim3A_23 : vector<16xi1>, vector<16xi32>
          %add3A_1197 = arith.addi %get3A_1192, %get3A_1192 : vector<16xi32>
          %ge3A_1198 = arith.cmpi sge, %get3A_1192, %broadcast_in_dim3A_17 : vector<16xi32>
          %select_n3A_1199 = arith.select %ge3A_1198, %select_n3A_1196, %select_n3A_1194 : vector<16xi1>, vector<16xi32>
          %sub3A_1200 = arith.subi %add3A_1197, %select_n3A_1199 : vector<16xi32>
          %swap3A_1201 = arith.index_cast %mul3A_1190 : i32 to index
          %swap3A_1202 = tpu.vector_load %arg6[%swap3A_1201] {strides = array<i32>} : memref<128xi32, #tpu.memory_space<vmem>>, vector<16xi32>,
          tpu.vector_store %arg6[%swap3A_1201], %sub3A_1200 {strides = array<i32>} : memref<128xi32, #tpu.memory_space<vmem>>, vector<16xi32>,
          %scan3A_1203 = arith.constant 3 : i32
          %scan3A_1204 = arith.addi %scan3A_1158, %scan3A_1203 : i32
          %mul3A_1205 = arith.constant 16 : i32
          %mul3A_1206 = arith.muli %scan3A_1204, %mul3A_1205 : i32
          %get3A_1207 = arith.index_cast %mul3A_1206 : i32 to index
          %get3A_1208 = tpu.vector_load %arg6[%get3A_1207] {strides = array<i32>} : memref<128xi32, #tpu.memory_space<vmem>>, vector<16xi32>,
          %ge3A_1209 = arith.cmpi sge, %get3A_1208, %broadcast_in_dim3A_15 : vector<16xi32>
          %select_n3A_1210 = arith.select %ge3A_1209, %broadcast_in_dim3A_21, %broadcast_in_dim3A_27 : vector<16xi1>, vector<16xi32>
          %ge3A_1211 = arith.cmpi sge, %get3A_1208, %broadcast_in_dim3A_19 : vector<16xi32>
          %select_n3A_1212 = arith.select %ge3A_1211, %broadcast_in_dim3A_25, %broadcast_in_dim3A_23 : vector<16xi1>, vector<16xi32>
          %add3A_1213 = arith.addi %get3A_1208, %get3A_1208 : vector<16xi32>
          %ge3A_1214 = arith.cmpi sge, %get3A_1208, %broadcast_in_dim3A_17 : vector<16xi32>
          %select_n3A_1215 = arith.select %ge3A_1214, %select_n3A_1212, %select_n3A_1210 : vector<16xi1>, vector<16xi32>
          %sub3A_1216 = arith.subi %add3A_1213, %select_n3A_1215 : vector<16xi32>
          %swap3A_1217 = arith.index_cast %mul3A_1206 : i32 to index
          %swap3A_1218 = tpu.vector_load %arg6[%swap3A_1217] {strides = array<i32>} : memref<128xi32, #tpu.memory_space<vmem>>, vector<16xi32>,
          tpu.vector_store %arg6[%swap3A_1217], %sub3A_1216 {strides = array<i32>} : memref<128xi32, #tpu.memory_space<vmem>>, vector<16xi32>,
        }
        %scan3A_1154 = arith.constant 8 : i32
        %dma_start3A_1155 = arith.constant 0 : i32
        %dma_start3A_1156 = arith.constant 0 : i32
        %dma_start3A_1157 = tpu.memref_slice %arg3[%dma_start3A_1155, %dma_start3A_1156] : memref<1000000x64xf32, #tpu.memory_space<hbm>> -> memref<1000000x64xf32, #tpu.memory_space<hbm>>
        tpu.enqueue_indirect_dma source(%dma_start3A_1157 : memref<1000000x64xf32, #tpu.memory_space<hbm>>) target(%arg10 : memref<128x64xf32, #tpu.memory_space<vmem>>) offsets(%arg6 : memref<128xi32, #tpu.memory_space<vmem>>) semaphore(%arg16 : memref<!tpu.dma_semaphore, #tpu.memory_space<semaphore_mem>>)
      } else {
      }
      %ge3A_777 = arith.constant 2 : i32
      %ge3A_778 = arith.cmpi sge, %add3A_766, %ge3A_777 : i32
      %convert_element_type3A_779 = arith.extui %ge3A_778 : i1 to i32
      %cond3A_780 = arith.constant 0 : i32
      %cond3A_781 = arith.cmpi ne, %convert_element_type3A_779, %cond3A_780 : i32
      scf.if %cond3A_781 {
        %dma_wait3A_1117 = arith.constant 0 : i32
        %dma_wait3A_1118 = arith.constant 0 : i32
        %dma_wait3A_1119 = arith.constant 0 : i32
        %dma_wait3A_1120 = arith.constant 0 : i32
        %dma_wait3A_1121 = arith.constant 0 : i32
        %dma_wait3A_1122 = tpu.memref_slice %arg13[%dma_wait3A_1120, %dma_wait3A_1121] : memref<64x129xf32, #tpu.memory_space<vmem>> -> memref<8x128xf32, #tpu.memory_space<vmem>>
        %dma_wait3A_1123 = arith.constant 0 : i32
        %dma_wait3A_1124 = arith.constant 0 : i32
        %dma_wait3A_1125 = tpu.memref_slice %arg4[%dma_wait3A_1117, %dma_wait3A_1118, %dma_wait3A_1119, %dma_wait3A_1123, %dma_wait3A_1124] : memref<200x8x32x8x128xf32, #tpu.memory_space<hbm>> -> memref<1x1x1x8x128xf32, #tpu.memory_space<hbm>>
        %dma_wait3A_1126 = tpu.memref_squeeze %dma_wait3A_1125 : memref<1x1x1x8x128xf32, #tpu.memory_space<hbm>> -> memref<8x128xf32, #tpu.memory_space<hbm>>
        %dma_wait3A_1127 = arith.constant 0 : i32
        %dma_wait3A_1128 = arith.constant 0 : i32
        %dma_wait3A_1129 = tpu.memref_slice %arg13[%dma_wait3A_1127, %dma_wait3A_1128] : memref<64x129xf32, #tpu.memory_space<vmem>> -> memref<8x128xf32, #tpu.memory_space<vmem>>
        %dma_wait3A_1130 = arith.constant 0 : i32
        %dma_wait3A_1131 = arith.constant 0 : i32
        %dma_wait3A_1132 = tpu.memref_slice %arg4[%dma_wait3A_1117, %dma_wait3A_1118, %dma_wait3A_1119, %dma_wait3A_1130, %dma_wait3A_1131] : memref<200x8x32x8x128xf32, #tpu.memory_space<hbm>> -> memref<1x1x1x8x128xf32, #tpu.memory_space<hbm>>
        %dma_wait3A_1133 = tpu.memref_squeeze %dma_wait3A_1132 : memref<1x1x1x8x128xf32, #tpu.memory_space<hbm>> -> memref<8x128xf32, #tpu.memory_space<hbm>>
        tpu.wait_dma2 semaphore(%arg19 : memref<!tpu.dma_semaphore, #tpu.memory_space<semaphore_mem>>) src(%dma_wait3A_1133 : memref<8x128xf32, #tpu.memory_space<hbm>>) dst(%dma_wait3A_1129 : memref<8x128xf32, #tpu.memory_space<vmem>>)
        %dma_wait3A_1134 = arith.constant 0 : i32
        %dma_wait3A_1135 = arith.constant 0 : i32
        %dma_wait3A_1136 = arith.constant 0 : i32
        %dma_wait3A_1137 = arith.constant 0 : i32
        %dma_wait3A_1138 = arith.constant 0 : i32
        %dma_wait3A_1139 = tpu.memref_slice %arg13[%dma_wait3A_1137, %dma_wait3A_1138] : memref<64x129xf32, #tpu.memory_space<vmem>> -> memref<8x128xf32, #tpu.memory_space<vmem>>
        %dma_wait3A_1140 = arith.constant 0 : i32
        %dma_wait3A_1141 = arith.constant 0 : i32
        %dma_wait3A_1142 = tpu.memref_slice %arg4[%dma_wait3A_1134, %dma_wait3A_1135, %dma_wait3A_1136, %dma_wait3A_1140, %dma_wait3A_1141] : memref<200x8x32x8x128xf32, #tpu.memory_space<hbm>> -> memref<1x1x1x8x128xf32, #tpu.memory_space<hbm>>
        %dma_wait3A_1143 = tpu.memref_squeeze %dma_wait3A_1142 : memref<1x1x1x8x128xf32, #tpu.memory_space<hbm>> -> memref<8x128xf32, #tpu.memory_space<hbm>>
        %dma_wait3A_1144 = arith.constant 0 : i32
        %dma_wait3A_1145 = arith.constant 0 : i32
        %dma_wait3A_1146 = tpu.memref_slice %arg13[%dma_wait3A_1144, %dma_wait3A_1145] : memref<64x129xf32, #tpu.memory_space<vmem>> -> memref<8x128xf32, #tpu.memory_space<vmem>>
        %dma_wait3A_1147 = arith.constant 0 : i32
        %dma_wait3A_1148 = arith.constant 0 : i32
        %dma_wait3A_1149 = tpu.memref_slice %arg4[%dma_wait3A_1134, %dma_wait3A_1135, %dma_wait3A_1136, %dma_wait3A_1147, %dma_wait3A_1148] : memref<200x8x32x8x128xf32, #tpu.memory_space<hbm>> -> memref<1x1x1x8x128xf32, #tpu.memory_space<hbm>>
        %dma_wait3A_1150 = tpu.memref_squeeze %dma_wait3A_1149 : memref<1x1x1x8x128xf32, #tpu.memory_space<hbm>> -> memref<8x128xf32, #tpu.memory_space<hbm>>
        tpu.wait_dma2 semaphore(%arg19 : memref<!tpu.dma_semaphore, #tpu.memory_space<semaphore_mem>>) src(%dma_wait3A_1150 : memref<8x128xf32, #tpu.memory_space<hbm>>) dst(%dma_wait3A_1146 : memref<8x128xf32, #tpu.memory_space<vmem>>)
        %dma_wait3A_1151 = arith.constant 0 : i32
        %dma_wait3A_1152 = arith.constant 0 : i32
        %dma_wait3A_1153 = arith.constant 0 : i32
        %dma_wait3A_1154 = arith.constant 0 : i32
        %dma_wait3A_1155 = arith.constant 0 : i32
        %dma_wait3A_1156 = tpu.memref_slice %arg13[%dma_wait3A_1154, %dma_wait3A_1155] : memref<64x129xf32, #tpu.memory_space<vmem>> -> memref<8x128xf32, #tpu.memory_space<vmem>>
        %dma_wait3A_1157 = arith.constant 0 : i32
        %dma_wait3A_1158 = arith.constant 0 : i32
        %dma_wait3A_1159 = tpu.memref_slice %arg4[%dma_wait3A_1151, %dma_wait3A_1152, %dma_wait3A_1153, %dma_wait3A_1157, %dma_wait3A_1158] : memref<200x8x32x8x128xf32, #tpu.memory_space<hbm>> -> memref<1x1x1x8x128xf32, #tpu.memory_space<hbm>>
        %dma_wait3A_1160 = tpu.memref_squeeze %dma_wait3A_1159 : memref<1x1x1x8x128xf32, #tpu.memory_space<hbm>> -> memref<8x128xf32, #tpu.memory_space<hbm>>
        %dma_wait3A_1161 = arith.constant 0 : i32
        %dma_wait3A_1162 = arith.constant 0 : i32
        %dma_wait3A_1163 = tpu.memref_slice %arg13[%dma_wait3A_1161, %dma_wait3A_1162] : memref<64x129xf32, #tpu.memory_space<vmem>> -> memref<8x128xf32, #tpu.memory_space<vmem>>
        %dma_wait3A_1164 = arith.constant 0 : i32
        %dma_wait3A_1165 = arith.constant 0 : i32
        %dma_wait3A_1166 = tpu.memref_slice %arg4[%dma_wait3A_1151, %dma_wait3A_1152, %dma_wait3A_1153, %dma_wait3A_1164, %dma_wait3A_1165] : memref<200x8x32x8x128xf32, #tpu.memory_space<hbm>> -> memref<1x1x1x8x128xf32, #tpu.memory_space<hbm>>
        %dma_wait3A_1167 = tpu.memref_squeeze %dma_wait3A_1166 : memref<1x1x1x8x128xf32, #tpu.memory_space<hbm>> -> memref<8x128xf32, #tpu.memory_space<hbm>>
        tpu.wait_dma2 semaphore(%arg19 : memref<!tpu.dma_semaphore, #tpu.memory_space<semaphore_mem>>) src(%dma_wait3A_1167 : memref<8x128xf32, #tpu.memory_space<hbm>>) dst(%dma_wait3A_1163 : memref<8x128xf32, #tpu.memory_space<vmem>>)
        %dma_wait3A_1168 = arith.constant 0 : i32
        %dma_wait3A_1169 = arith.constant 0 : i32
        %dma_wait3A_1170 = arith.constant 0 : i32
        %dma_wait3A_1171 = arith.constant 0 : i32
        %dma_wait3A_1172 = arith.constant 0 : i32
        %dma_wait3A_1173 = tpu.memref_slice %arg13[%dma_wait3A_1171, %dma_wait3A_1172] : memref<64x129xf32, #tpu.memory_space<vmem>> -> memref<8x128xf32, #tpu.memory_space<vmem>>
        %dma_wait3A_1174 = arith.constant 0 : i32
        %dma_wait3A_1175 = arith.constant 0 : i32
        %dma_wait3A_1176 = tpu.memref_slice %arg4[%dma_wait3A_1168, %dma_wait3A_1169, %dma_wait3A_1170, %dma_wait3A_1174, %dma_wait3A_1175] : memref<200x8x32x8x128xf32, #tpu.memory_space<hbm>> -> memref<1x1x1x8x128xf32, #tpu.memory_space<hbm>>
        %dma_wait3A_1177 = tpu.memref_squeeze %dma_wait3A_1176 : memref<1x1x1x8x128xf32, #tpu.memory_space<hbm>> -> memref<8x128xf32, #tpu.memory_space<hbm>>
        %dma_wait3A_1178 = arith.constant 0 : i32
        %dma_wait3A_1179 = arith.constant 0 : i32
        %dma_wait3A_1180 = tpu.memref_slice %arg13[%dma_wait3A_1178, %dma_wait3A_1179] : memref<64x129xf32, #tpu.memory_space<vmem>> -> memref<8x128xf32, #tpu.memory_space<vmem>>
        %dma_wait3A_1181 = arith.constant 0 : i32
        %dma_wait3A_1182 = arith.constant 0 : i32
        %dma_wait3A_1183 = tpu.memref_slice %arg4[%dma_wait3A_1168, %dma_wait3A_1169, %dma_wait3A_1170, %dma_wait3A_1181, %dma_wait3A_1182] : memref<200x8x32x8x128xf32, #tpu.memory_space<hbm>> -> memref<1x1x1x8x128xf32, #tpu.memory_space<hbm>>
        %dma_wait3A_1184 = tpu.memref_squeeze %dma_wait3A_1183 : memref<1x1x1x8x128xf32, #tpu.memory_space<hbm>> -> memref<8x128xf32, #tpu.memory_space<hbm>>
        tpu.wait_dma2 semaphore(%arg19 : memref<!tpu.dma_semaphore, #tpu.memory_space<semaphore_mem>>) src(%dma_wait3A_1184 : memref<8x128xf32, #tpu.memory_space<hbm>>) dst(%dma_wait3A_1180 : memref<8x128xf32, #tpu.memory_space<vmem>>)
        %dma_wait3A_1185 = arith.constant 0 : i32
        %dma_wait3A_1186 = arith.constant 0 : i32
        %dma_wait3A_1187 = arith.constant 0 : i32
        %dma_wait3A_1188 = arith.constant 0 : i32
        %dma_wait3A_1189 = arith.constant 0 : i32
        %dma_wait3A_1190 = tpu.memref_slice %arg13[%dma_wait3A_1188, %dma_wait3A_1189] : memref<64x129xf32, #tpu.memory_space<vmem>> -> memref<8x128xf32, #tpu.memory_space<vmem>>
        %dma_wait3A_1191 = arith.constant 0 : i32
        %dma_wait3A_1192 = arith.constant 0 : i32
        %dma_wait3A_1193 = tpu.memref_slice %arg4[%dma_wait3A_1185, %dma_wait3A_1186, %dma_wait3A_1187, %dma_wait3A_1191, %dma_wait3A_1192] : memref<200x8x32x8x128xf32, #tpu.memory_space<hbm>> -> memref<1x1x1x8x128xf32, #tpu.memory_space<hbm>>
        %dma_wait3A_1194 = tpu.memref_squeeze %dma_wait3A_1193 : memref<1x1x1x8x128xf32, #tpu.memory_space<hbm>> -> memref<8x128xf32, #tpu.memory_space<hbm>>
        %dma_wait3A_1195 = arith.constant 0 : i32
        %dma_wait3A_1196 = arith.constant 0 : i32
        %dma_wait3A_1197 = tpu.memref_slice %arg13[%dma_wait3A_1195, %dma_wait3A_1196] : memref<64x129xf32, #tpu.memory_space<vmem>> -> memref<8x128xf32, #tpu.memory_space<vmem>>
        %dma_wait3A_1198 = arith.constant 0 : i32
        %dma_wait3A_1199 = arith.constant 0 : i32
        %dma_wait3A_1200 = tpu.memref_slice %arg4[%dma_wait3A_1185, %dma_wait3A_1186, %dma_wait3A_1187, %dma_wait3A_1198, %dma_wait3A_1199] : memref<200x8x32x8x128xf32, #tpu.memory_space<hbm>> -> memref<1x1x1x8x128xf32, #tpu.memory_space<hbm>>
        %dma_wait3A_1201 = tpu.memref_squeeze %dma_wait3A_1200 : memref<1x1x1x8x128xf32, #tpu.memory_space<hbm>> -> memref<8x128xf32, #tpu.memory_space<hbm>>
        tpu.wait_dma2 semaphore(%arg19 : memref<!tpu.dma_semaphore, #tpu.memory_space<semaphore_mem>>) src(%dma_wait3A_1201 : memref<8x128xf32, #tpu.memory_space<hbm>>) dst(%dma_wait3A_1197 : memref<8x128xf32, #tpu.memory_space<vmem>>)
        %dma_wait3A_1202 = arith.constant 0 : i32
        %dma_wait3A_1203 = arith.constant 0 : i32
        %dma_wait3A_1204 = arith.constant 0 : i32
        %dma_wait3A_1205 = arith.constant 0 : i32
        %dma_wait3A_1206 = arith.constant 0 : i32
        %dma_wait3A_1207 = tpu.memref_slice %arg13[%dma_wait3A_1205, %dma_wait3A_1206] : memref<64x129xf32, #tpu.memory_space<vmem>> -> memref<8x128xf32, #tpu.memory_space<vmem>>
        %dma_wait3A_1208 = arith.constant 0 : i32
        %dma_wait3A_1209 = arith.constant 0 : i32
        %dma_wait3A_1210 = tpu.memref_slice %arg4[%dma_wait3A_1202, %dma_wait3A_1203, %dma_wait3A_1204, %dma_wait3A_1208, %dma_wait3A_1209] : memref<200x8x32x8x128xf32, #tpu.memory_space<hbm>> -> memref<1x1x1x8x128xf32, #tpu.memory_space<hbm>>
        %dma_wait3A_1211 = tpu.memref_squeeze %dma_wait3A_1210 : memref<1x1x1x8x128xf32, #tpu.memory_space<hbm>> -> memref<8x128xf32, #tpu.memory_space<hbm>>
        %dma_wait3A_1212 = arith.constant 0 : i32
        %dma_wait3A_1213 = arith.constant 0 : i32
        %dma_wait3A_1214 = tpu.memref_slice %arg13[%dma_wait3A_1212, %dma_wait3A_1213] : memref<64x129xf32, #tpu.memory_space<vmem>> -> memref<8x128xf32, #tpu.memory_space<vmem>>
        %dma_wait3A_1215 = arith.constant 0 : i32
        %dma_wait3A_1216 = arith.constant 0 : i32
        %dma_wait3A_1217 = tpu.memref_slice %arg4[%dma_wait3A_1202, %dma_wait3A_1203, %dma_wait3A_1204, %dma_wait3A_1215, %dma_wait3A_1216] : memref<200x8x32x8x128xf32, #tpu.memory_space<hbm>> -> memref<1x1x1x8x128xf32, #tpu.memory_space<hbm>>
        %dma_wait3A_1218 = tpu.memref_squeeze %dma_wait3A_1217 : memref<1x1x1x8x128xf32, #tpu.memory_space<hbm>> -> memref<8x128xf32, #tpu.memory_space<hbm>>
        tpu.wait_dma2 semaphore(%arg19 : memref<!tpu.dma_semaphore, #tpu.memory_space<semaphore_mem>>) src(%dma_wait3A_1218 : memref<8x128xf32, #tpu.memory_space<hbm>>) dst(%dma_wait3A_1214 : memref<8x128xf32, #tpu.memory_space<vmem>>)
        %dma_wait3A_1219 = arith.constant 0 : i32
        %dma_wait3A_1220 = arith.constant 0 : i32
        %dma_wait3A_1221 = arith.constant 0 : i32
        %dma_wait3A_1222 = arith.constant 0 : i32
        %dma_wait3A_1223 = arith.constant 0 : i32
        %dma_wait3A_1224 = tpu.memref_slice %arg13[%dma_wait3A_1222, %dma_wait3A_1223] : memref<64x129xf32, #tpu.memory_space<vmem>> -> memref<8x128xf32, #tpu.memory_space<vmem>>
        %dma_wait3A_1225 = arith.constant 0 : i32
        %dma_wait3A_1226 = arith.constant 0 : i32
        %dma_wait3A_1227 = tpu.memref_slice %arg4[%dma_wait3A_1219, %dma_wait3A_1220, %dma_wait3A_1221, %dma_wait3A_1225, %dma_wait3A_1226] : memref<200x8x32x8x128xf32, #tpu.memory_space<hbm>> -> memref<1x1x1x8x128xf32, #tpu.memory_space<hbm>>
        %dma_wait3A_1228 = tpu.memref_squeeze %dma_wait3A_1227 : memref<1x1x1x8x128xf32, #tpu.memory_space<hbm>> -> memref<8x128xf32, #tpu.memory_space<hbm>>
        %dma_wait3A_1229 = arith.constant 0 : i32
        %dma_wait3A_1230 = arith.constant 0 : i32
        %dma_wait3A_1231 = tpu.memref_slice %arg13[%dma_wait3A_1229, %dma_wait3A_1230] : memref<64x129xf32, #tpu.memory_space<vmem>> -> memref<8x128xf32, #tpu.memory_space<vmem>>
        %dma_wait3A_1232 = arith.constant 0 : i32
        %dma_wait3A_1233 = arith.constant 0 : i32
        %dma_wait3A_1234 = tpu.memref_slice %arg4[%dma_wait3A_1219, %dma_wait3A_1220, %dma_wait3A_1221, %dma_wait3A_1232, %dma_wait3A_1233] : memref<200x8x32x8x128xf32, #tpu.memory_space<hbm>> -> memref<1x1x1x8x128xf32, #tpu.memory_space<hbm>>
        %dma_wait3A_1235 = tpu.memref_squeeze %dma_wait3A_1234 : memref<1x1x1x8x128xf32, #tpu.memory_space<hbm>> -> memref<8x128xf32, #tpu.memory_space<hbm>>
        tpu.wait_dma2 semaphore(%arg19 : memref<!tpu.dma_semaphore, #tpu.memory_space<semaphore_mem>>) src(%dma_wait3A_1235 : memref<8x128xf32, #tpu.memory_space<hbm>>) dst(%dma_wait3A_1231 : memref<8x128xf32, #tpu.memory_space<vmem>>)
        %dma_wait3A_1236 = arith.constant 0 : i32
        %dma_wait3A_1237 = arith.constant 0 : i32
        %dma_wait3A_1238 = arith.constant 0 : i32
        %dma_wait3A_1239 = arith.constant 0 : i32
        %dma_wait3A_1240 = arith.constant 0 : i32
        %dma_wait3A_1241 = tpu.memref_slice %arg13[%dma_wait3A_1239, %dma_wait3A_1240] : memref<64x129xf32, #tpu.memory_space<vmem>> -> memref<8x128xf32, #tpu.memory_space<vmem>>
        %dma_wait3A_1242 = arith.constant 0 : i32
        %dma_wait3A_1243 = arith.constant 0 : i32
        %dma_wait3A_1244 = tpu.memref_slice %arg4[%dma_wait3A_1236, %dma_wait3A_1237, %dma_wait3A_1238, %dma_wait3A_1242, %dma_wait3A_1243] : memref<200x8x32x8x128xf32, #tpu.memory_space<hbm>> -> memref<1x1x1x8x128xf32, #tpu.memory_space<hbm>>
        %dma_wait3A_1245 = tpu.memref_squeeze %dma_wait3A_1244 : memref<1x1x1x8x128xf32, #tpu.memory_space<hbm>> -> memref<8x128xf32, #tpu.memory_space<hbm>>
        %dma_wait3A_1246 = arith.constant 0 : i32
        %dma_wait3A_1247 = arith.constant 0 : i32
        %dma_wait3A_1248 = tpu.memref_slice %arg13[%dma_wait3A_1246, %dma_wait3A_1247] : memref<64x129xf32, #tpu.memory_space<vmem>> -> memref<8x128xf32, #tpu.memory_space<vmem>>
        %dma_wait3A_1249 = arith.constant 0 : i32
        %dma_wait3A_1250 = arith.constant 0 : i32
        %dma_wait3A_1251 = tpu.memref_slice %arg4[%dma_wait3A_1236, %dma_wait3A_1237, %dma_wait3A_1238, %dma_wait3A_1249, %dma_wait3A_1250] : memref<200x8x32x8x128xf32, #tpu.memory_space<hbm>> -> memref<1x1x1x8x128xf32, #tpu.memory_space<hbm>>
        %dma_wait3A_1252 = tpu.memref_squeeze %dma_wait3A_1251 : memref<1x1x1x8x128xf32, #tpu.memory_space<hbm>> -> memref<8x128xf32, #tpu.memory_space<hbm>>
        tpu.wait_dma2 semaphore(%arg19 : memref<!tpu.dma_semaphore, #tpu.memory_space<semaphore_mem>>) src(%dma_wait3A_1252 : memref<8x128xf32, #tpu.memory_space<hbm>>) dst(%dma_wait3A_1248 : memref<8x128xf32, #tpu.memory_space<vmem>>)
      } else {
      }
      %dma_wait3A_782 = arith.constant 0 : i32
      %dma_wait3A_783 = arith.constant 0 : i32
      %dma_wait3A_784 = tpu.memref_slice %arg3[%dma_wait3A_782, %dma_wait3A_783] : memref<1000000x64xf32, #tpu.memory_space<hbm>> -> memref<128x64xf32, #tpu.memory_space<hbm>>
      %dma_wait3A_785 = arith.constant 0 : i32
      %dma_wait3A_786 = arith.constant 0 : i32
      %dma_wait3A_787 = tpu.memref_slice %arg3[%dma_wait3A_785, %dma_wait3A_786] : memref<1000000x64xf32, #tpu.memory_space<hbm>> -> memref<128x64xf32, #tpu.memory_space<hbm>>
      tpu.wait_dma2 semaphore(%arg17 : memref<!tpu.dma_semaphore, #tpu.memory_space<semaphore_mem>>) src(%dma_wait3A_787 : memref<128x64xf32, #tpu.memory_space<hbm>>) dst(%arg11 : memref<128x64xf32, #tpu.memory_space<vmem>>)
      %scan3A_788 = arith.constant 0 : i32
      %scan3A_789 = arith.constant 0 : i32
      %scan3A_790 = arith.constant 128 : i32
      %scan3A_791 = arith.addi %scan3A_789, %scan3A_790 : i32
      %scan3A_792 = arith.constant 8 : i32
      scf.for %scan3A_1117 = %scan3A_789 to %scan3A_791 step %scan3A_792  : i32 {
        %broadcast_in_dim3A_1118 = vector.broadcast %scan3A_1117 : i32 to vector<16xi32>
        %get3A = arith.index_cast %scan3A_1117 : i32 to index
        %get3A_1119 = arith.constant 0 : index
        %get3A_1120 = tpu.vector_load %arg11[%get3A, %get3A_1119] {strides = array<i32>} : memref<128x64xf32, #tpu.memory_space<vmem>>, vector<16xf32>,
        tpu.vector_store_idx %arg13[%add3A_5, %broadcast_in_dim3A_1118], %get3A_1120 : memref<64x129xf32, #tpu.memory_space<vmem>>[vector<16xi32>, vector<16xi32>], vector<16xf32>,
        %get3A_1121 = arith.index_cast %scan3A_1117 : i32 to index
        %get3A_1122 = arith.constant 16 : index
        %get3A_1123 = tpu.vector_load %arg11[%get3A_1121, %get3A_1122] {strides = array<i32>} : memref<128x64xf32, #tpu.memory_space<vmem>>, vector<16xf32>,
        tpu.vector_store_idx %arg13[%add3A_8, %broadcast_in_dim3A_1118], %get3A_1123 : memref<64x129xf32, #tpu.memory_space<vmem>>[vector<16xi32>, vector<16xi32>], vector<16xf32>,
        %get3A_1124 = arith.index_cast %scan3A_1117 : i32 to index
        %get3A_1125 = arith.constant 32 : index
        %get3A_1126 = tpu.vector_load %arg11[%get3A_1124, %get3A_1125] {strides = array<i32>} : memref<128x64xf32, #tpu.memory_space<vmem>>, vector<16xf32>,
        tpu.vector_store_idx %arg13[%add3A_11, %broadcast_in_dim3A_1118], %get3A_1126 : memref<64x129xf32, #tpu.memory_space<vmem>>[vector<16xi32>, vector<16xi32>], vector<16xf32>,
        %get3A_1127 = arith.index_cast %scan3A_1117 : i32 to index
        %get3A_1128 = arith.constant 48 : index
        %get3A_1129 = tpu.vector_load %arg11[%get3A_1127, %get3A_1128] {strides = array<i32>} : memref<128x64xf32, #tpu.memory_space<vmem>>, vector<16xf32>,
        tpu.vector_store_idx %arg13[%add3A_14, %broadcast_in_dim3A_1118], %get3A_1129 : memref<64x129xf32, #tpu.memory_space<vmem>>[vector<16xi32>, vector<16xi32>], vector<16xf32>,
        %scan3A_1130 = arith.constant 1 : i32
        %scan3A_1131 = arith.addi %scan3A_1117, %scan3A_1130 : i32
        %broadcast_in_dim3A_1132 = vector.broadcast %scan3A_1131 : i32 to vector<16xi32>
        %get3A_1133 = arith.index_cast %scan3A_1131 : i32 to index
        %get3A_1134 = arith.constant 0 : index
        %get3A_1135 = tpu.vector_load %arg11[%get3A_1133, %get3A_1134] {strides = array<i32>} : memref<128x64xf32, #tpu.memory_space<vmem>>, vector<16xf32>,
        tpu.vector_store_idx %arg13[%add3A_5, %broadcast_in_dim3A_1132], %get3A_1135 : memref<64x129xf32, #tpu.memory_space<vmem>>[vector<16xi32>, vector<16xi32>], vector<16xf32>,
        %get3A_1136 = arith.index_cast %scan3A_1131 : i32 to index
        %get3A_1137 = arith.constant 16 : index
        %get3A_1138 = tpu.vector_load %arg11[%get3A_1136, %get3A_1137] {strides = array<i32>} : memref<128x64xf32, #tpu.memory_space<vmem>>, vector<16xf32>,
        tpu.vector_store_idx %arg13[%add3A_8, %broadcast_in_dim3A_1132], %get3A_1138 : memref<64x129xf32, #tpu.memory_space<vmem>>[vector<16xi32>, vector<16xi32>], vector<16xf32>,
        %get3A_1139 = arith.index_cast %scan3A_1131 : i32 to index
        %get3A_1140 = arith.constant 32 : index
        %get3A_1141 = tpu.vector_load %arg11[%get3A_1139, %get3A_1140] {strides = array<i32>} : memref<128x64xf32, #tpu.memory_space<vmem>>, vector<16xf32>,
        tpu.vector_store_idx %arg13[%add3A_11, %broadcast_in_dim3A_1132], %get3A_1141 : memref<64x129xf32, #tpu.memory_space<vmem>>[vector<16xi32>, vector<16xi32>], vector<16xf32>,
        %get3A_1142 = arith.index_cast %scan3A_1131 : i32 to index
        %get3A_1143 = arith.constant 48 : index
        %get3A_1144 = tpu.vector_load %arg11[%get3A_1142, %get3A_1143] {strides = array<i32>} : memref<128x64xf32, #tpu.memory_space<vmem>>, vector<16xf32>,
        tpu.vector_store_idx %arg13[%add3A_14, %broadcast_in_dim3A_1132], %get3A_1144 : memref<64x129xf32, #tpu.memory_space<vmem>>[vector<16xi32>, vector<16xi32>], vector<16xf32>,
        %scan3A_1145 = arith.constant 2 : i32
        %scan3A_1146 = arith.addi %scan3A_1117, %scan3A_1145 : i32
        %broadcast_in_dim3A_1147 = vector.broadcast %scan3A_1146 : i32 to vector<16xi32>
        %get3A_1148 = arith.index_cast %scan3A_1146 : i32 to index
        %get3A_1149 = arith.constant 0 : index
        %get3A_1150 = tpu.vector_load %arg11[%get3A_1148, %get3A_1149] {strides = array<i32>} : memref<128x64xf32, #tpu.memory_space<vmem>>, vector<16xf32>,
        tpu.vector_store_idx %arg13[%add3A_5, %broadcast_in_dim3A_1147], %get3A_1150 : memref<64x129xf32, #tpu.memory_space<vmem>>[vector<16xi32>, vector<16xi32>], vector<16xf32>,
        %get3A_1151 = arith.index_cast %scan3A_1146 : i32 to index
        %get3A_1152 = arith.constant 16 : index
        %get3A_1153 = tpu.vector_load %arg11[%get3A_1151, %get3A_1152] {strides = array<i32>} : memref<128x64xf32, #tpu.memory_space<vmem>>, vector<16xf32>,
        tpu.vector_store_idx %arg13[%add3A_8, %broadcast_in_dim3A_1147], %get3A_1153 : memref<64x129xf32, #tpu.memory_space<vmem>>[vector<16xi32>, vector<16xi32>], vector<16xf32>,
        %get3A_1154 = arith.index_cast %scan3A_1146 : i32 to index
        %get3A_1155 = arith.constant 32 : index
        %get3A_1156 = tpu.vector_load %arg11[%get3A_1154, %get3A_1155] {strides = array<i32>} : memref<128x64xf32, #tpu.memory_space<vmem>>, vector<16xf32>,
        tpu.vector_store_idx %arg13[%add3A_11, %broadcast_in_dim3A_1147], %get3A_1156 : memref<64x129xf32, #tpu.memory_space<vmem>>[vector<16xi32>, vector<16xi32>], vector<16xf32>,
        %get3A_1157 = arith.index_cast %scan3A_1146 : i32 to index
        %get3A_1158 = arith.constant 48 : index
        %get3A_1159 = tpu.vector_load %arg11[%get3A_1157, %get3A_1158] {strides = array<i32>} : memref<128x64xf32, #tpu.memory_space<vmem>>, vector<16xf32>,
        tpu.vector_store_idx %arg13[%add3A_14, %broadcast_in_dim3A_1147], %get3A_1159 : memref<64x129xf32, #tpu.memory_space<vmem>>[vector<16xi32>, vector<16xi32>], vector<16xf32>,
        %scan3A_1160 = arith.constant 3 : i32
        %scan3A_1161 = arith.addi %scan3A_1117, %scan3A_1160 : i32
        %broadcast_in_dim3A_1162 = vector.broadcast %scan3A_1161 : i32 to vector<16xi32>
        %get3A_1163 = arith.index_cast %scan3A_1161 : i32 to index
        %get3A_1164 = arith.constant 0 : index
        %get3A_1165 = tpu.vector_load %arg11[%get3A_1163, %get3A_1164] {strides = array<i32>} : memref<128x64xf32, #tpu.memory_space<vmem>>, vector<16xf32>,
        tpu.vector_store_idx %arg13[%add3A_5, %broadcast_in_dim3A_1162], %get3A_1165 : memref<64x129xf32, #tpu.memory_space<vmem>>[vector<16xi32>, vector<16xi32>], vector<16xf32>,
        %get3A_1166 = arith.index_cast %scan3A_1161 : i32 to index
        %get3A_1167 = arith.constant 16 : index
        %get3A_1168 = tpu.vector_load %arg11[%get3A_1166, %get3A_1167] {strides = array<i32>} : memref<128x64xf32, #tpu.memory_space<vmem>>, vector<16xf32>,
        tpu.vector_store_idx %arg13[%add3A_8, %broadcast_in_dim3A_1162], %get3A_1168 : memref<64x129xf32, #tpu.memory_space<vmem>>[vector<16xi32>, vector<16xi32>], vector<16xf32>,
        %get3A_1169 = arith.index_cast %scan3A_1161 : i32 to index
        %get3A_1170 = arith.constant 32 : index
        %get3A_1171 = tpu.vector_load %arg11[%get3A_1169, %get3A_1170] {strides = array<i32>} : memref<128x64xf32, #tpu.memory_space<vmem>>, vector<16xf32>,
        tpu.vector_store_idx %arg13[%add3A_11, %broadcast_in_dim3A_1162], %get3A_1171 : memref<64x129xf32, #tpu.memory_space<vmem>>[vector<16xi32>, vector<16xi32>], vector<16xf32>,
        %get3A_1172 = arith.index_cast %scan3A_1161 : i32 to index
        %get3A_1173 = arith.constant 48 : index
        %get3A_1174 = tpu.vector_load %arg11[%get3A_1172, %get3A_1173] {strides = array<i32>} : memref<128x64xf32, #tpu.memory_space<vmem>>, vector<16xf32>,
        tpu.vector_store_idx %arg13[%add3A_14, %broadcast_in_dim3A_1162], %get3A_1174 : memref<64x129xf32, #tpu.memory_space<vmem>>[vector<16xi32>, vector<16xi32>], vector<16xf32>,
        %scan3A_1175 = arith.constant 4 : i32
        %scan3A_1176 = arith.addi %scan3A_1117, %scan3A_1175 : i32
        %broadcast_in_dim3A_1177 = vector.broadcast %scan3A_1176 : i32 to vector<16xi32>
        %get3A_1178 = arith.index_cast %scan3A_1176 : i32 to index
        %get3A_1179 = arith.constant 0 : index
        %get3A_1180 = tpu.vector_load %arg11[%get3A_1178, %get3A_1179] {strides = array<i32>} : memref<128x64xf32, #tpu.memory_space<vmem>>, vector<16xf32>,
        tpu.vector_store_idx %arg13[%add3A_5, %broadcast_in_dim3A_1177], %get3A_1180 : memref<64x129xf32, #tpu.memory_space<vmem>>[vector<16xi32>, vector<16xi32>], vector<16xf32>,
        %get3A_1181 = arith.index_cast %scan3A_1176 : i32 to index
        %get3A_1182 = arith.constant 16 : index
        %get3A_1183 = tpu.vector_load %arg11[%get3A_1181, %get3A_1182] {strides = array<i32>} : memref<128x64xf32, #tpu.memory_space<vmem>>, vector<16xf32>,
        tpu.vector_store_idx %arg13[%add3A_8, %broadcast_in_dim3A_1177], %get3A_1183 : memref<64x129xf32, #tpu.memory_space<vmem>>[vector<16xi32>, vector<16xi32>], vector<16xf32>,
        %get3A_1184 = arith.index_cast %scan3A_1176 : i32 to index
        %get3A_1185 = arith.constant 32 : index
        %get3A_1186 = tpu.vector_load %arg11[%get3A_1184, %get3A_1185] {strides = array<i32>} : memref<128x64xf32, #tpu.memory_space<vmem>>, vector<16xf32>,
        tpu.vector_store_idx %arg13[%add3A_11, %broadcast_in_dim3A_1177], %get3A_1186 : memref<64x129xf32, #tpu.memory_space<vmem>>[vector<16xi32>, vector<16xi32>], vector<16xf32>,
        %get3A_1187 = arith.index_cast %scan3A_1176 : i32 to index
        %get3A_1188 = arith.constant 48 : index
        %get3A_1189 = tpu.vector_load %arg11[%get3A_1187, %get3A_1188] {strides = array<i32>} : memref<128x64xf32, #tpu.memory_space<vmem>>, vector<16xf32>,
        tpu.vector_store_idx %arg13[%add3A_14, %broadcast_in_dim3A_1177], %get3A_1189 : memref<64x129xf32, #tpu.memory_space<vmem>>[vector<16xi32>, vector<16xi32>], vector<16xf32>,
        %scan3A_1190 = arith.constant 5 : i32
        %scan3A_1191 = arith.addi %scan3A_1117, %scan3A_1190 : i32
        %broadcast_in_dim3A_1192 = vector.broadcast %scan3A_1191 : i32 to vector<16xi32>
        %get3A_1193 = arith.index_cast %scan3A_1191 : i32 to index
        %get3A_1194 = arith.constant 0 : index
        %get3A_1195 = tpu.vector_load %arg11[%get3A_1193, %get3A_1194] {strides = array<i32>} : memref<128x64xf32, #tpu.memory_space<vmem>>, vector<16xf32>,
        tpu.vector_store_idx %arg13[%add3A_5, %broadcast_in_dim3A_1192], %get3A_1195 : memref<64x129xf32, #tpu.memory_space<vmem>>[vector<16xi32>, vector<16xi32>], vector<16xf32>,
        %get3A_1196 = arith.index_cast %scan3A_1191 : i32 to index
        %get3A_1197 = arith.constant 16 : index
        %get3A_1198 = tpu.vector_load %arg11[%get3A_1196, %get3A_1197] {strides = array<i32>} : memref<128x64xf32, #tpu.memory_space<vmem>>, vector<16xf32>,
        tpu.vector_store_idx %arg13[%add3A_8, %broadcast_in_dim3A_1192], %get3A_1198 : memref<64x129xf32, #tpu.memory_space<vmem>>[vector<16xi32>, vector<16xi32>], vector<16xf32>,
        %get3A_1199 = arith.index_cast %scan3A_1191 : i32 to index
        %get3A_1200 = arith.constant 32 : index
        %get3A_1201 = tpu.vector_load %arg11[%get3A_1199, %get3A_1200] {strides = array<i32>} : memref<128x64xf32, #tpu.memory_space<vmem>>, vector<16xf32>,
        tpu.vector_store_idx %arg13[%add3A_11, %broadcast_in_dim3A_1192], %get3A_1201 : memref<64x129xf32, #tpu.memory_space<vmem>>[vector<16xi32>, vector<16xi32>], vector<16xf32>,
        %get3A_1202 = arith.index_cast %scan3A_1191 : i32 to index
        %get3A_1203 = arith.constant 48 : index
        %get3A_1204 = tpu.vector_load %arg11[%get3A_1202, %get3A_1203] {strides = array<i32>} : memref<128x64xf32, #tpu.memory_space<vmem>>, vector<16xf32>,
        tpu.vector_store_idx %arg13[%add3A_14, %broadcast_in_dim3A_1192], %get3A_1204 : memref<64x129xf32, #tpu.memory_space<vmem>>[vector<16xi32>, vector<16xi32>], vector<16xf32>,
        %scan3A_1205 = arith.constant 6 : i32
        %scan3A_1206 = arith.addi %scan3A_1117, %scan3A_1205 : i32
        %broadcast_in_dim3A_1207 = vector.broadcast %scan3A_1206 : i32 to vector<16xi32>
        %get3A_1208 = arith.index_cast %scan3A_1206 : i32 to index
        %get3A_1209 = arith.constant 0 : index
        %get3A_1210 = tpu.vector_load %arg11[%get3A_1208, %get3A_1209] {strides = array<i32>} : memref<128x64xf32, #tpu.memory_space<vmem>>, vector<16xf32>,
        tpu.vector_store_idx %arg13[%add3A_5, %broadcast_in_dim3A_1207], %get3A_1210 : memref<64x129xf32, #tpu.memory_space<vmem>>[vector<16xi32>, vector<16xi32>], vector<16xf32>,
        %get3A_1211 = arith.index_cast %scan3A_1206 : i32 to index
        %get3A_1212 = arith.constant 16 : index
        %get3A_1213 = tpu.vector_load %arg11[%get3A_1211, %get3A_1212] {strides = array<i32>} : memref<128x64xf32, #tpu.memory_space<vmem>>, vector<16xf32>,
        tpu.vector_store_idx %arg13[%add3A_8, %broadcast_in_dim3A_1207], %get3A_1213 : memref<64x129xf32, #tpu.memory_space<vmem>>[vector<16xi32>, vector<16xi32>], vector<16xf32>,
        %get3A_1214 = arith.index_cast %scan3A_1206 : i32 to index
        %get3A_1215 = arith.constant 32 : index
        %get3A_1216 = tpu.vector_load %arg11[%get3A_1214, %get3A_1215] {strides = array<i32>} : memref<128x64xf32, #tpu.memory_space<vmem>>, vector<16xf32>,
        tpu.vector_store_idx %arg13[%add3A_11, %broadcast_in_dim3A_1207], %get3A_1216 : memref<64x129xf32, #tpu.memory_space<vmem>>[vector<16xi32>, vector<16xi32>], vector<16xf32>,
        %get3A_1217 = arith.index_cast %scan3A_1206 : i32 to index
        %get3A_1218 = arith.constant 48 : index
        %get3A_1219 = tpu.vector_load %arg11[%get3A_1217, %get3A_1218] {strides = array<i32>} : memref<128x64xf32, #tpu.memory_space<vmem>>, vector<16xf32>,
        tpu.vector_store_idx %arg13[%add3A_14, %broadcast_in_dim3A_1207], %get3A_1219 : memref<64x129xf32, #tpu.memory_space<vmem>>[vector<16xi32>, vector<16xi32>], vector<16xf32>,
        %scan3A_1220 = arith.constant 7 : i32
        %scan3A_1221 = arith.addi %scan3A_1117, %scan3A_1220 : i32
        %broadcast_in_dim3A_1222 = vector.broadcast %scan3A_1221 : i32 to vector<16xi32>
        %get3A_1223 = arith.index_cast %scan3A_1221 : i32 to index
        %get3A_1224 = arith.constant 0 : index
        %get3A_1225 = tpu.vector_load %arg11[%get3A_1223, %get3A_1224] {strides = array<i32>} : memref<128x64xf32, #tpu.memory_space<vmem>>, vector<16xf32>,
        tpu.vector_store_idx %arg13[%add3A_5, %broadcast_in_dim3A_1222], %get3A_1225 : memref<64x129xf32, #tpu.memory_space<vmem>>[vector<16xi32>, vector<16xi32>], vector<16xf32>,
        %get3A_1226 = arith.index_cast %scan3A_1221 : i32 to index
        %get3A_1227 = arith.constant 16 : index
        %get3A_1228 = tpu.vector_load %arg11[%get3A_1226, %get3A_1227] {strides = array<i32>} : memref<128x64xf32, #tpu.memory_space<vmem>>, vector<16xf32>,
        tpu.vector_store_idx %arg13[%add3A_8, %broadcast_in_dim3A_1222], %get3A_1228 : memref<64x129xf32, #tpu.memory_space<vmem>>[vector<16xi32>, vector<16xi32>], vector<16xf32>,
        %get3A_1229 = arith.index_cast %scan3A_1221 : i32 to index
        %get3A_1230 = arith.constant 32 : index
        %get3A_1231 = tpu.vector_load %arg11[%get3A_1229, %get3A_1230] {strides = array<i32>} : memref<128x64xf32, #tpu.memory_space<vmem>>, vector<16xf32>,
        tpu.vector_store_idx %arg13[%add3A_11, %broadcast_in_dim3A_1222], %get3A_1231 : memref<64x129xf32, #tpu.memory_space<vmem>>[vector<16xi32>, vector<16xi32>], vector<16xf32>,
        %get3A_1232 = arith.index_cast %scan3A_1221 : i32 to index
        %get3A_1233 = arith.constant 48 : index
        %get3A_1234 = tpu.vector_load %arg11[%get3A_1232, %get3A_1233] {strides = array<i32>} : memref<128x64xf32, #tpu.memory_space<vmem>>, vector<16xf32>,
        tpu.vector_store_idx %arg13[%add3A_14, %broadcast_in_dim3A_1222], %get3A_1234 : memref<64x129xf32, #tpu.memory_space<vmem>>[vector<16xi32>, vector<16xi32>], vector<16xf32>,
      }
      %scan3A_793 = arith.constant 128 : i32
      %jit3A_794 = arith.constant 32 : i32
      %div3A_795 = arith.divsi %add3A_767, %jit3A_794 : i32
      %sign3A_796 = arith.constant 0 : i32
      %sign3A_797 = arith.cmpi sgt, %add3A_767, %sign3A_796 : i32
      %sign3A_798 = arith.extui %sign3A_797 : i1 to i32
      %sign3A_799 = arith.constant 0 : i32
      %sign3A_800 = arith.cmpi slt, %add3A_767, %sign3A_799 : i32
      %sign3A_801 = arith.extui %sign3A_800 : i1 to i32
      %sign3A_802 = arith.subi %sign3A_798, %sign3A_801 : i32
      %sign3A_803 = arith.constant 0 : i32
      %sign3A_804 = arith.cmpi sgt, %jit3A_794, %sign3A_803 : i32
      %sign3A_805 = arith.extui %sign3A_804 : i1 to i32
      %sign3A_806 = arith.constant 0 : i32
      %sign3A_807 = arith.cmpi slt, %jit3A_794, %sign3A_806 : i32
      %sign3A_808 = arith.extui %sign3A_807 : i1 to i32
      %sign3A_809 = arith.subi %sign3A_805, %sign3A_808 : i32
      %ne3A_810 = arith.cmpi ne, %sign3A_802, %sign3A_809 : i32
      %rem3A_811 = arith.remsi %add3A_767, %jit3A_794 : i32
      %ne3A_812 = arith.constant 0 : i32
      %ne3A_813 = arith.cmpi ne, %rem3A_811, %ne3A_812 : i32
      %and3A_814 = arith.andi %ne3A_810, %ne3A_813 : i1
      %sub3A_815 = arith.constant 1 : i32
      %sub3A_816 = arith.subi %div3A_795, %sub3A_815 : i32
      %select_n3A_817 = arith.select %and3A_814, %sub3A_816, %div3A_795 : i32
      %rem3A_818 = arith.constant 32 : i32
      %rem3A_819 = arith.remsi %add3A_767, %rem3A_818 : i32
      %dma_start3A_820 = arith.constant 0 : i32
      %dma_start3A_821 = arith.constant 0 : i32
      %dma_start3A_822 = arith.constant 0 : i32
      %dma_start3A_823 = tpu.memref_slice %arg13[%dma_start3A_821, %dma_start3A_822] : memref<64x129xf32, #tpu.memory_space<vmem>> -> memref<8x128xf32, #tpu.memory_space<vmem>>
      %dma_start3A_824 = arith.constant 0 : i32
      %dma_start3A_825 = arith.constant 0 : i32
      %dma_start3A_826 = tpu.memref_slice %arg4[%select_n3A_817, %dma_start3A_820, %rem3A_819, %dma_start3A_824, %dma_start3A_825] : memref<200x8x32x8x128xf32, #tpu.memory_space<hbm>> -> memref<1x1x1x8x128xf32, #tpu.memory_space<hbm>>
      %dma_start3A_827 = tpu.memref_squeeze %dma_start3A_826 : memref<1x1x1x8x128xf32, #tpu.memory_space<hbm>> -> memref<8x128xf32, #tpu.memory_space<hbm>>
      %dma_start3A_828 = arith.constant 0 : i32
      %dma_start3A_829 = arith.constant 0 : i32
      %dma_start3A_830 = tpu.memref_slice %arg4[%select_n3A_817, %dma_start3A_820, %rem3A_819, %dma_start3A_828, %dma_start3A_829] : memref<200x8x32x8x128xf32, #tpu.memory_space<hbm>> -> memref<1x1x1x8x128xf32, #tpu.memory_space<hbm>>
      %dma_start3A_831 = tpu.memref_squeeze %dma_start3A_830 : memref<1x1x1x8x128xf32, #tpu.memory_space<hbm>> -> memref<8x128xf32, #tpu.memory_space<hbm>>
      %dma_start3A_832 = arith.constant 0 : i32
      %dma_start3A_833 = arith.constant 0 : i32
      %dma_start3A_834 = tpu.memref_slice %arg13[%dma_start3A_832, %dma_start3A_833] : memref<64x129xf32, #tpu.memory_space<vmem>> -> memref<8x128xf32, #tpu.memory_space<vmem>>
      tpu.enqueue_dma source(%dma_start3A_834 : memref<8x128xf32, #tpu.memory_space<vmem>>) target(%dma_start3A_831 : memref<8x128xf32, #tpu.memory_space<hbm>>) target_semaphore(%arg19 : memref<!tpu.dma_semaphore, #tpu.memory_space<semaphore_mem>>)
      %dma_start3A_835 = arith.constant 1 : i32
      %dma_start3A_836 = arith.constant 8 : i32
      %dma_start3A_837 = arith.constant 0 : i32
      %dma_start3A_838 = tpu.memref_slice %arg13[%dma_start3A_836, %dma_start3A_837] : memref<64x129xf32, #tpu.memory_space<vmem>> -> memref<8x128xf32, #tpu.memory_space<vmem>>
      %dma_start3A_839 = arith.constant 0 : i32
      %dma_start3A_840 = arith.constant 0 : i32
      %dma_start3A_841 = tpu.memref_slice %arg4[%select_n3A_817, %dma_start3A_835, %rem3A_819, %dma_start3A_839, %dma_start3A_840] : memref<200x8x32x8x128xf32, #tpu.memory_space<hbm>> -> memref<1x1x1x8x128xf32, #tpu.memory_space<hbm>>
      %dma_start3A_842 = tpu.memref_squeeze %dma_start3A_841 : memref<1x1x1x8x128xf32, #tpu.memory_space<hbm>> -> memref<8x128xf32, #tpu.memory_space<hbm>>
      %dma_start3A_843 = arith.constant 0 : i32
      %dma_start3A_844 = arith.constant 0 : i32
      %dma_start3A_845 = tpu.memref_slice %arg4[%select_n3A_817, %dma_start3A_835, %rem3A_819, %dma_start3A_843, %dma_start3A_844] : memref<200x8x32x8x128xf32, #tpu.memory_space<hbm>> -> memref<1x1x1x8x128xf32, #tpu.memory_space<hbm>>
      %dma_start3A_846 = tpu.memref_squeeze %dma_start3A_845 : memref<1x1x1x8x128xf32, #tpu.memory_space<hbm>> -> memref<8x128xf32, #tpu.memory_space<hbm>>
      %dma_start3A_847 = arith.constant 8 : i32
      %dma_start3A_848 = arith.constant 0 : i32
      %dma_start3A_849 = tpu.memref_slice %arg13[%dma_start3A_847, %dma_start3A_848] : memref<64x129xf32, #tpu.memory_space<vmem>> -> memref<8x128xf32, #tpu.memory_space<vmem>>
      tpu.enqueue_dma source(%dma_start3A_849 : memref<8x128xf32, #tpu.memory_space<vmem>>) target(%dma_start3A_846 : memref<8x128xf32, #tpu.memory_space<hbm>>) target_semaphore(%arg19 : memref<!tpu.dma_semaphore, #tpu.memory_space<semaphore_mem>>)
      %dma_start3A_850 = arith.constant 2 : i32
      %dma_start3A_851 = arith.constant 16 : i32
      %dma_start3A_852 = arith.constant 0 : i32
      %dma_start3A_853 = tpu.memref_slice %arg13[%dma_start3A_851, %dma_start3A_852] : memref<64x129xf32, #tpu.memory_space<vmem>> -> memref<8x128xf32, #tpu.memory_space<vmem>>
      %dma_start3A_854 = arith.constant 0 : i32
      %dma_start3A_855 = arith.constant 0 : i32
      %dma_start3A_856 = tpu.memref_slice %arg4[%select_n3A_817, %dma_start3A_850, %rem3A_819, %dma_start3A_854, %dma_start3A_855] : memref<200x8x32x8x128xf32, #tpu.memory_space<hbm>> -> memref<1x1x1x8x128xf32, #tpu.memory_space<hbm>>
      %dma_start3A_857 = tpu.memref_squeeze %dma_start3A_856 : memref<1x1x1x8x128xf32, #tpu.memory_space<hbm>> -> memref<8x128xf32, #tpu.memory_space<hbm>>
      %dma_start3A_858 = arith.constant 0 : i32
      %dma_start3A_859 = arith.constant 0 : i32
      %dma_start3A_860 = tpu.memref_slice %arg4[%select_n3A_817, %dma_start3A_850, %rem3A_819, %dma_start3A_858, %dma_start3A_859] : memref<200x8x32x8x128xf32, #tpu.memory_space<hbm>> -> memref<1x1x1x8x128xf32, #tpu.memory_space<hbm>>
      %dma_start3A_861 = tpu.memref_squeeze %dma_start3A_860 : memref<1x1x1x8x128xf32, #tpu.memory_space<hbm>> -> memref<8x128xf32, #tpu.memory_space<hbm>>
      %dma_start3A_862 = arith.constant 16 : i32
      %dma_start3A_863 = arith.constant 0 : i32
      %dma_start3A_864 = tpu.memref_slice %arg13[%dma_start3A_862, %dma_start3A_863] : memref<64x129xf32, #tpu.memory_space<vmem>> -> memref<8x128xf32, #tpu.memory_space<vmem>>
      tpu.enqueue_dma source(%dma_start3A_864 : memref<8x128xf32, #tpu.memory_space<vmem>>) target(%dma_start3A_861 : memref<8x128xf32, #tpu.memory_space<hbm>>) target_semaphore(%arg19 : memref<!tpu.dma_semaphore, #tpu.memory_space<semaphore_mem>>)
      %dma_start3A_865 = arith.constant 3 : i32
      %dma_start3A_866 = arith.constant 24 : i32
      %dma_start3A_867 = arith.constant 0 : i32
      %dma_start3A_868 = tpu.memref_slice %arg13[%dma_start3A_866, %dma_start3A_867] : memref<64x129xf32, #tpu.memory_space<vmem>> -> memref<8x128xf32, #tpu.memory_space<vmem>>
      %dma_start3A_869 = arith.constant 0 : i32
      %dma_start3A_870 = arith.constant 0 : i32
      %dma_start3A_871 = tpu.memref_slice %arg4[%select_n3A_817, %dma_start3A_865, %rem3A_819, %dma_start3A_869, %dma_start3A_870] : memref<200x8x32x8x128xf32, #tpu.memory_space<hbm>> -> memref<1x1x1x8x128xf32, #tpu.memory_space<hbm>>
      %dma_start3A_872 = tpu.memref_squeeze %dma_start3A_871 : memref<1x1x1x8x128xf32, #tpu.memory_space<hbm>> -> memref<8x128xf32, #tpu.memory_space<hbm>>
      %dma_start3A_873 = arith.constant 0 : i32
      %dma_start3A_874 = arith.constant 0 : i32
      %dma_start3A_875 = tpu.memref_slice %arg4[%select_n3A_817, %dma_start3A_865, %rem3A_819, %dma_start3A_873, %dma_start3A_874] : memref<200x8x32x8x128xf32, #tpu.memory_space<hbm>> -> memref<1x1x1x8x128xf32, #tpu.memory_space<hbm>>
      %dma_start3A_876 = tpu.memref_squeeze %dma_start3A_875 : memref<1x1x1x8x128xf32, #tpu.memory_space<hbm>> -> memref<8x128xf32, #tpu.memory_space<hbm>>
      %dma_start3A_877 = arith.constant 24 : i32
      %dma_start3A_878 = arith.constant 0 : i32
      %dma_start3A_879 = tpu.memref_slice %arg13[%dma_start3A_877, %dma_start3A_878] : memref<64x129xf32, #tpu.memory_space<vmem>> -> memref<8x128xf32, #tpu.memory_space<vmem>>
      tpu.enqueue_dma source(%dma_start3A_879 : memref<8x128xf32, #tpu.memory_space<vmem>>) target(%dma_start3A_876 : memref<8x128xf32, #tpu.memory_space<hbm>>) target_semaphore(%arg19 : memref<!tpu.dma_semaphore, #tpu.memory_space<semaphore_mem>>)
      %dma_start3A_880 = arith.constant 4 : i32
      %dma_start3A_881 = arith.constant 32 : i32
      %dma_start3A_882 = arith.constant 0 : i32
      %dma_start3A_883 = tpu.memref_slice %arg13[%dma_start3A_881, %dma_start3A_882] : memref<64x129xf32, #tpu.memory_space<vmem>> -> memref<8x128xf32, #tpu.memory_space<vmem>>
      %dma_start3A_884 = arith.constant 0 : i32
      %dma_start3A_885 = arith.constant 0 : i32
      %dma_start3A_886 = tpu.memref_slice %arg4[%select_n3A_817, %dma_start3A_880, %rem3A_819, %dma_start3A_884, %dma_start3A_885] : memref<200x8x32x8x128xf32, #tpu.memory_space<hbm>> -> memref<1x1x1x8x128xf32, #tpu.memory_space<hbm>>
      %dma_start3A_887 = tpu.memref_squeeze %dma_start3A_886 : memref<1x1x1x8x128xf32, #tpu.memory_space<hbm>> -> memref<8x128xf32, #tpu.memory_space<hbm>>
      %dma_start3A_888 = arith.constant 0 : i32
      %dma_start3A_889 = arith.constant 0 : i32
      %dma_start3A_890 = tpu.memref_slice %arg4[%select_n3A_817, %dma_start3A_880, %rem3A_819, %dma_start3A_888, %dma_start3A_889] : memref<200x8x32x8x128xf32, #tpu.memory_space<hbm>> -> memref<1x1x1x8x128xf32, #tpu.memory_space<hbm>>
      %dma_start3A_891 = tpu.memref_squeeze %dma_start3A_890 : memref<1x1x1x8x128xf32, #tpu.memory_space<hbm>> -> memref<8x128xf32, #tpu.memory_space<hbm>>
      %dma_start3A_892 = arith.constant 32 : i32
      %dma_start3A_893 = arith.constant 0 : i32
      %dma_start3A_894 = tpu.memref_slice %arg13[%dma_start3A_892, %dma_start3A_893] : memref<64x129xf32, #tpu.memory_space<vmem>> -> memref<8x128xf32, #tpu.memory_space<vmem>>
      tpu.enqueue_dma source(%dma_start3A_894 : memref<8x128xf32, #tpu.memory_space<vmem>>) target(%dma_start3A_891 : memref<8x128xf32, #tpu.memory_space<hbm>>) target_semaphore(%arg19 : memref<!tpu.dma_semaphore, #tpu.memory_space<semaphore_mem>>)
      %dma_start3A_895 = arith.constant 5 : i32
      %dma_start3A_896 = arith.constant 40 : i32
      %dma_start3A_897 = arith.constant 0 : i32
      %dma_start3A_898 = tpu.memref_slice %arg13[%dma_start3A_896, %dma_start3A_897] : memref<64x129xf32, #tpu.memory_space<vmem>> -> memref<8x128xf32, #tpu.memory_space<vmem>>
      %dma_start3A_899 = arith.constant 0 : i32
      %dma_start3A_900 = arith.constant 0 : i32
      %dma_start3A_901 = tpu.memref_slice %arg4[%select_n3A_817, %dma_start3A_895, %rem3A_819, %dma_start3A_899, %dma_start3A_900] : memref<200x8x32x8x128xf32, #tpu.memory_space<hbm>> -> memref<1x1x1x8x128xf32, #tpu.memory_space<hbm>>
      %dma_start3A_902 = tpu.memref_squeeze %dma_start3A_901 : memref<1x1x1x8x128xf32, #tpu.memory_space<hbm>> -> memref<8x128xf32, #tpu.memory_space<hbm>>
      %dma_start3A_903 = arith.constant 0 : i32
      %dma_start3A_904 = arith.constant 0 : i32
      %dma_start3A_905 = tpu.memref_slice %arg4[%select_n3A_817, %dma_start3A_895, %rem3A_819, %dma_start3A_903, %dma_start3A_904] : memref<200x8x32x8x128xf32, #tpu.memory_space<hbm>> -> memref<1x1x1x8x128xf32, #tpu.memory_space<hbm>>
      %dma_start3A_906 = tpu.memref_squeeze %dma_start3A_905 : memref<1x1x1x8x128xf32, #tpu.memory_space<hbm>> -> memref<8x128xf32, #tpu.memory_space<hbm>>
      %dma_start3A_907 = arith.constant 40 : i32
      %dma_start3A_908 = arith.constant 0 : i32
      %dma_start3A_909 = tpu.memref_slice %arg13[%dma_start3A_907, %dma_start3A_908] : memref<64x129xf32, #tpu.memory_space<vmem>> -> memref<8x128xf32, #tpu.memory_space<vmem>>
      tpu.enqueue_dma source(%dma_start3A_909 : memref<8x128xf32, #tpu.memory_space<vmem>>) target(%dma_start3A_906 : memref<8x128xf32, #tpu.memory_space<hbm>>) target_semaphore(%arg19 : memref<!tpu.dma_semaphore, #tpu.memory_space<semaphore_mem>>)
      %dma_start3A_910 = arith.constant 6 : i32
      %dma_start3A_911 = arith.constant 48 : i32
      %dma_start3A_912 = arith.constant 0 : i32
      %dma_start3A_913 = tpu.memref_slice %arg13[%dma_start3A_911, %dma_start3A_912] : memref<64x129xf32, #tpu.memory_space<vmem>> -> memref<8x128xf32, #tpu.memory_space<vmem>>
      %dma_start3A_914 = arith.constant 0 : i32
      %dma_start3A_915 = arith.constant 0 : i32
      %dma_start3A_916 = tpu.memref_slice %arg4[%select_n3A_817, %dma_start3A_910, %rem3A_819, %dma_start3A_914, %dma_start3A_915] : memref<200x8x32x8x128xf32, #tpu.memory_space<hbm>> -> memref<1x1x1x8x128xf32, #tpu.memory_space<hbm>>
      %dma_start3A_917 = tpu.memref_squeeze %dma_start3A_916 : memref<1x1x1x8x128xf32, #tpu.memory_space<hbm>> -> memref<8x128xf32, #tpu.memory_space<hbm>>
      %dma_start3A_918 = arith.constant 0 : i32
      %dma_start3A_919 = arith.constant 0 : i32
      %dma_start3A_920 = tpu.memref_slice %arg4[%select_n3A_817, %dma_start3A_910, %rem3A_819, %dma_start3A_918, %dma_start3A_919] : memref<200x8x32x8x128xf32, #tpu.memory_space<hbm>> -> memref<1x1x1x8x128xf32, #tpu.memory_space<hbm>>
      %dma_start3A_921 = tpu.memref_squeeze %dma_start3A_920 : memref<1x1x1x8x128xf32, #tpu.memory_space<hbm>> -> memref<8x128xf32, #tpu.memory_space<hbm>>
      %dma_start3A_922 = arith.constant 48 : i32
      %dma_start3A_923 = arith.constant 0 : i32
      %dma_start3A_924 = tpu.memref_slice %arg13[%dma_start3A_922, %dma_start3A_923] : memref<64x129xf32, #tpu.memory_space<vmem>> -> memref<8x128xf32, #tpu.memory_space<vmem>>
      tpu.enqueue_dma source(%dma_start3A_924 : memref<8x128xf32, #tpu.memory_space<vmem>>) target(%dma_start3A_921 : memref<8x128xf32, #tpu.memory_space<hbm>>) target_semaphore(%arg19 : memref<!tpu.dma_semaphore, #tpu.memory_space<semaphore_mem>>)
      %dma_start3A_925 = arith.constant 7 : i32
      %dma_start3A_926 = arith.constant 56 : i32
      %dma_start3A_927 = arith.constant 0 : i32
      %dma_start3A_928 = tpu.memref_slice %arg13[%dma_start3A_926, %dma_start3A_927] : memref<64x129xf32, #tpu.memory_space<vmem>> -> memref<8x128xf32, #tpu.memory_space<vmem>>
      %dma_start3A_929 = arith.constant 0 : i32
      %dma_start3A_930 = arith.constant 0 : i32
      %dma_start3A_931 = tpu.memref_slice %arg4[%select_n3A_817, %dma_start3A_925, %rem3A_819, %dma_start3A_929, %dma_start3A_930] : memref<200x8x32x8x128xf32, #tpu.memory_space<hbm>> -> memref<1x1x1x8x128xf32, #tpu.memory_space<hbm>>
      %dma_start3A_932 = tpu.memref_squeeze %dma_start3A_931 : memref<1x1x1x8x128xf32, #tpu.memory_space<hbm>> -> memref<8x128xf32, #tpu.memory_space<hbm>>
      %dma_start3A_933 = arith.constant 0 : i32
      %dma_start3A_934 = arith.constant 0 : i32
      %dma_start3A_935 = tpu.memref_slice %arg4[%select_n3A_817, %dma_start3A_925, %rem3A_819, %dma_start3A_933, %dma_start3A_934] : memref<200x8x32x8x128xf32, #tpu.memory_space<hbm>> -> memref<1x1x1x8x128xf32, #tpu.memory_space<hbm>>
      %dma_start3A_936 = tpu.memref_squeeze %dma_start3A_935 : memref<1x1x1x8x128xf32, #tpu.memory_space<hbm>> -> memref<8x128xf32, #tpu.memory_space<hbm>>
      %dma_start3A_937 = arith.constant 56 : i32
      %dma_start3A_938 = arith.constant 0 : i32
      %dma_start3A_939 = tpu.memref_slice %arg13[%dma_start3A_937, %dma_start3A_938] : memref<64x129xf32, #tpu.memory_space<vmem>> -> memref<8x128xf32, #tpu.memory_space<vmem>>
      tpu.enqueue_dma source(%dma_start3A_939 : memref<8x128xf32, #tpu.memory_space<vmem>>) target(%dma_start3A_936 : memref<8x128xf32, #tpu.memory_space<hbm>>) target_semaphore(%arg19 : memref<!tpu.dma_semaphore, #tpu.memory_space<semaphore_mem>>)
      %mul3A_940 = arith.constant 4 : i32
      %mul3A_941 = arith.muli %scan3A_412, %mul3A_940 : i32
      %add3A_942 = arith.constant 3 : i32
      %add3A_943 = arith.addi %mul3A_941, %add3A_942 : i32
      %add3A_944 = arith.addi %mul3A_2, %add3A_943 : i32
      %add3A_945 = arith.constant 4 : i32
      %add3A_946 = arith.addi %add3A_943, %add3A_945 : i32
      %sub3A_947 = arith.constant 1 : i32
      %sub3A_948 = arith.subi %add3A_946, %sub3A_947 : i32
      %lt3A_949 = arith.constant 200 : i32
      %lt3A_950 = arith.cmpi slt, %sub3A_948, %lt3A_949 : i32
      %convert_element_type3A_951 = arith.extui %lt3A_950 : i1 to i32
      %cond3A_952 = arith.constant 0 : i32
      %cond3A_953 = arith.cmpi ne, %convert_element_type3A_951, %cond3A_952 : i32
      scf.if %cond3A_953 {
        %add3A_1117 = arith.constant 4 : i32
        %add3A_1118 = arith.addi %add3A_944, %add3A_1117 : i32
        %sub3A_1119 = arith.constant 1 : i32
        %sub3A_1120 = arith.subi %add3A_1118, %sub3A_1119 : i32
        %jit3A_1121 = arith.constant 32 : i32
        %div3A_1122 = arith.divsi %sub3A_1120, %jit3A_1121 : i32
        %sign3A_1123 = arith.constant 0 : i32
        %sign3A_1124 = arith.cmpi sgt, %sub3A_1120, %sign3A_1123 : i32
        %sign3A_1125 = arith.extui %sign3A_1124 : i1 to i32
        %sign3A_1126 = arith.constant 0 : i32
        %sign3A_1127 = arith.cmpi slt, %sub3A_1120, %sign3A_1126 : i32
        %sign3A_1128 = arith.extui %sign3A_1127 : i1 to i32
        %sign3A_1129 = arith.subi %sign3A_1125, %sign3A_1128 : i32
        %sign3A_1130 = arith.constant 0 : i32
        %sign3A_1131 = arith.cmpi sgt, %jit3A_1121, %sign3A_1130 : i32
        %sign3A_1132 = arith.extui %sign3A_1131 : i1 to i32
        %sign3A_1133 = arith.constant 0 : i32
        %sign3A_1134 = arith.cmpi slt, %jit3A_1121, %sign3A_1133 : i32
        %sign3A_1135 = arith.extui %sign3A_1134 : i1 to i32
        %sign3A_1136 = arith.subi %sign3A_1132, %sign3A_1135 : i32
        %ne3A_1137 = arith.cmpi ne, %sign3A_1129, %sign3A_1136 : i32
        %rem3A_1138 = arith.remsi %sub3A_1120, %jit3A_1121 : i32
        %ne3A_1139 = arith.constant 0 : i32
        %ne3A_1140 = arith.cmpi ne, %rem3A_1138, %ne3A_1139 : i32
        %and3A_1141 = arith.andi %ne3A_1137, %ne3A_1140 : i1
        %sub3A_1142 = arith.constant 1 : i32
        %sub3A_1143 = arith.subi %div3A_1122, %sub3A_1142 : i32
        %select_n3A_1144 = arith.select %and3A_1141, %sub3A_1143, %div3A_1122 : i32
        %rem3A_1145 = arith.constant 32 : i32
        %rem3A_1146 = arith.remsi %sub3A_1120, %rem3A_1145 : i32
        %mul3A_1147 = arith.constant 128 : i32
        %mul3A_1148 = arith.muli %rem3A_1146, %mul3A_1147 : i32
        "tpu.region"() ({
          %run_scoped3A = tpu.sem_alloc : memref<!tpu.dma_semaphore, #tpu.memory_space<semaphore_mem>>
          %dma_start3A_1158 = tpu.memref_slice %arg2[%select_n3A_1144, %mul3A_1148] : memref<200x4096xi32, #tpu.memory_space<hbm>> -> memref<1x128xi32, #tpu.memory_space<hbm>>
          %dma_start3A_1159 = tpu.memref_squeeze %dma_start3A_1158 : memref<1x128xi32, #tpu.memory_space<hbm>> -> memref<128xi32, #tpu.memory_space<hbm>>
          %dma_start3A_1160 = tpu.memref_slice %arg2[%select_n3A_1144, %mul3A_1148] : memref<200x4096xi32, #tpu.memory_space<hbm>> -> memref<1x128xi32, #tpu.memory_space<hbm>>
          %dma_start3A_1161 = tpu.memref_squeeze %dma_start3A_1160 : memref<1x128xi32, #tpu.memory_space<hbm>> -> memref<128xi32, #tpu.memory_space<hbm>>
          tpu.enqueue_dma source(%dma_start3A_1161 : memref<128xi32, #tpu.memory_space<hbm>>) target(%arg7 : memref<128xi32, #tpu.memory_space<vmem>>) target_semaphore(%run_scoped3A : memref<!tpu.dma_semaphore, #tpu.memory_space<semaphore_mem>>)
          %dma_wait3A_1162 = tpu.memref_slice %arg2[%select_n3A_1144, %mul3A_1148] : memref<200x4096xi32, #tpu.memory_space<hbm>> -> memref<1x128xi32, #tpu.memory_space<hbm>>
          %dma_wait3A_1163 = tpu.memref_squeeze %dma_wait3A_1162 : memref<1x128xi32, #tpu.memory_space<hbm>> -> memref<128xi32, #tpu.memory_space<hbm>>
          %dma_wait3A_1164 = tpu.memref_slice %arg2[%select_n3A_1144, %mul3A_1148] : memref<200x4096xi32, #tpu.memory_space<hbm>> -> memref<1x128xi32, #tpu.memory_space<hbm>>
          %dma_wait3A_1165 = tpu.memref_squeeze %dma_wait3A_1164 : memref<1x128xi32, #tpu.memory_space<hbm>> -> memref<128xi32, #tpu.memory_space<hbm>>
          tpu.wait_dma2 semaphore(%run_scoped3A : memref<!tpu.dma_semaphore, #tpu.memory_space<semaphore_mem>>) src(%dma_wait3A_1165 : memref<128xi32, #tpu.memory_space<hbm>>) dst(%arg7 : memref<128xi32, #tpu.memory_space<vmem>>)
          tpu.yield
        }) : () -> ()
        %scan3A_1149 = arith.constant 0 : i32
        %scan3A_1150 = arith.constant 0 : i32
        %scan3A_1151 = arith.constant 8 : i32
        %scan3A_1152 = arith.addi %scan3A_1150, %scan3A_1151 : i32
        %scan3A_1153 = arith.constant 4 : i32
        scf.for %scan3A_1158 = %scan3A_1150 to %scan3A_1152 step %scan3A_1153  : i32 {
          %mul3A_1159 = arith.constant 16 : i32
          %mul3A_1160 = arith.muli %scan3A_1158, %mul3A_1159 : i32
          %get3A = arith.index_cast %mul3A_1160 : i32 to index
          %get3A_1161 = tpu.vector_load %arg7[%get3A] {strides = array<i32>} : memref<128xi32, #tpu.memory_space<vmem>>, vector<16xi32>,
          %ge3A_1162 = arith.cmpi sge, %get3A_1161, %broadcast_in_dim3A_15 : vector<16xi32>
          %select_n3A_1163 = arith.select %ge3A_1162, %broadcast_in_dim3A_21, %broadcast_in_dim3A_27 : vector<16xi1>, vector<16xi32>
          %ge3A_1164 = arith.cmpi sge, %get3A_1161, %broadcast_in_dim3A_19 : vector<16xi32>
          %select_n3A_1165 = arith.select %ge3A_1164, %broadcast_in_dim3A_25, %broadcast_in_dim3A_23 : vector<16xi1>, vector<16xi32>
          %add3A_1166 = arith.addi %get3A_1161, %get3A_1161 : vector<16xi32>
          %ge3A_1167 = arith.cmpi sge, %get3A_1161, %broadcast_in_dim3A_17 : vector<16xi32>
          %select_n3A_1168 = arith.select %ge3A_1167, %select_n3A_1165, %select_n3A_1163 : vector<16xi1>, vector<16xi32>
          %sub3A_1169 = arith.subi %add3A_1166, %select_n3A_1168 : vector<16xi32>
          %swap3A = arith.index_cast %mul3A_1160 : i32 to index
          %swap3A_1170 = tpu.vector_load %arg7[%swap3A] {strides = array<i32>} : memref<128xi32, #tpu.memory_space<vmem>>, vector<16xi32>,
          tpu.vector_store %arg7[%swap3A], %sub3A_1169 {strides = array<i32>} : memref<128xi32, #tpu.memory_space<vmem>>, vector<16xi32>,
          %scan3A_1171 = arith.constant 1 : i32
          %scan3A_1172 = arith.addi %scan3A_1158, %scan3A_1171 : i32
          %mul3A_1173 = arith.constant 16 : i32
          %mul3A_1174 = arith.muli %scan3A_1172, %mul3A_1173 : i32
          %get3A_1175 = arith.index_cast %mul3A_1174 : i32 to index
          %get3A_1176 = tpu.vector_load %arg7[%get3A_1175] {strides = array<i32>} : memref<128xi32, #tpu.memory_space<vmem>>, vector<16xi32>,
          %ge3A_1177 = arith.cmpi sge, %get3A_1176, %broadcast_in_dim3A_15 : vector<16xi32>
          %select_n3A_1178 = arith.select %ge3A_1177, %broadcast_in_dim3A_21, %broadcast_in_dim3A_27 : vector<16xi1>, vector<16xi32>
          %ge3A_1179 = arith.cmpi sge, %get3A_1176, %broadcast_in_dim3A_19 : vector<16xi32>
          %select_n3A_1180 = arith.select %ge3A_1179, %broadcast_in_dim3A_25, %broadcast_in_dim3A_23 : vector<16xi1>, vector<16xi32>
          %add3A_1181 = arith.addi %get3A_1176, %get3A_1176 : vector<16xi32>
          %ge3A_1182 = arith.cmpi sge, %get3A_1176, %broadcast_in_dim3A_17 : vector<16xi32>
          %select_n3A_1183 = arith.select %ge3A_1182, %select_n3A_1180, %select_n3A_1178 : vector<16xi1>, vector<16xi32>
          %sub3A_1184 = arith.subi %add3A_1181, %select_n3A_1183 : vector<16xi32>
          %swap3A_1185 = arith.index_cast %mul3A_1174 : i32 to index
          %swap3A_1186 = tpu.vector_load %arg7[%swap3A_1185] {strides = array<i32>} : memref<128xi32, #tpu.memory_space<vmem>>, vector<16xi32>,
          tpu.vector_store %arg7[%swap3A_1185], %sub3A_1184 {strides = array<i32>} : memref<128xi32, #tpu.memory_space<vmem>>, vector<16xi32>,
          %scan3A_1187 = arith.constant 2 : i32
          %scan3A_1188 = arith.addi %scan3A_1158, %scan3A_1187 : i32
          %mul3A_1189 = arith.constant 16 : i32
          %mul3A_1190 = arith.muli %scan3A_1188, %mul3A_1189 : i32
          %get3A_1191 = arith.index_cast %mul3A_1190 : i32 to index
          %get3A_1192 = tpu.vector_load %arg7[%get3A_1191] {strides = array<i32>} : memref<128xi32, #tpu.memory_space<vmem>>, vector<16xi32>,
          %ge3A_1193 = arith.cmpi sge, %get3A_1192, %broadcast_in_dim3A_15 : vector<16xi32>
          %select_n3A_1194 = arith.select %ge3A_1193, %broadcast_in_dim3A_21, %broadcast_in_dim3A_27 : vector<16xi1>, vector<16xi32>
          %ge3A_1195 = arith.cmpi sge, %get3A_1192, %broadcast_in_dim3A_19 : vector<16xi32>
          %select_n3A_1196 = arith.select %ge3A_1195, %broadcast_in_dim3A_25, %broadcast_in_dim3A_23 : vector<16xi1>, vector<16xi32>
          %add3A_1197 = arith.addi %get3A_1192, %get3A_1192 : vector<16xi32>
          %ge3A_1198 = arith.cmpi sge, %get3A_1192, %broadcast_in_dim3A_17 : vector<16xi32>
          %select_n3A_1199 = arith.select %ge3A_1198, %select_n3A_1196, %select_n3A_1194 : vector<16xi1>, vector<16xi32>
          %sub3A_1200 = arith.subi %add3A_1197, %select_n3A_1199 : vector<16xi32>
          %swap3A_1201 = arith.index_cast %mul3A_1190 : i32 to index
          %swap3A_1202 = tpu.vector_load %arg7[%swap3A_1201] {strides = array<i32>} : memref<128xi32, #tpu.memory_space<vmem>>, vector<16xi32>,
          tpu.vector_store %arg7[%swap3A_1201], %sub3A_1200 {strides = array<i32>} : memref<128xi32, #tpu.memory_space<vmem>>, vector<16xi32>,
          %scan3A_1203 = arith.constant 3 : i32
          %scan3A_1204 = arith.addi %scan3A_1158, %scan3A_1203 : i32
          %mul3A_1205 = arith.constant 16 : i32
          %mul3A_1206 = arith.muli %scan3A_1204, %mul3A_1205 : i32
          %get3A_1207 = arith.index_cast %mul3A_1206 : i32 to index
          %get3A_1208 = tpu.vector_load %arg7[%get3A_1207] {strides = array<i32>} : memref<128xi32, #tpu.memory_space<vmem>>, vector<16xi32>,
          %ge3A_1209 = arith.cmpi sge, %get3A_1208, %broadcast_in_dim3A_15 : vector<16xi32>
          %select_n3A_1210 = arith.select %ge3A_1209, %broadcast_in_dim3A_21, %broadcast_in_dim3A_27 : vector<16xi1>, vector<16xi32>
          %ge3A_1211 = arith.cmpi sge, %get3A_1208, %broadcast_in_dim3A_19 : vector<16xi32>
          %select_n3A_1212 = arith.select %ge3A_1211, %broadcast_in_dim3A_25, %broadcast_in_dim3A_23 : vector<16xi1>, vector<16xi32>
          %add3A_1213 = arith.addi %get3A_1208, %get3A_1208 : vector<16xi32>
          %ge3A_1214 = arith.cmpi sge, %get3A_1208, %broadcast_in_dim3A_17 : vector<16xi32>
          %select_n3A_1215 = arith.select %ge3A_1214, %select_n3A_1212, %select_n3A_1210 : vector<16xi1>, vector<16xi32>
          %sub3A_1216 = arith.subi %add3A_1213, %select_n3A_1215 : vector<16xi32>
          %swap3A_1217 = arith.index_cast %mul3A_1206 : i32 to index
          %swap3A_1218 = tpu.vector_load %arg7[%swap3A_1217] {strides = array<i32>} : memref<128xi32, #tpu.memory_space<vmem>>, vector<16xi32>,
          tpu.vector_store %arg7[%swap3A_1217], %sub3A_1216 {strides = array<i32>} : memref<128xi32, #tpu.memory_space<vmem>>, vector<16xi32>,
        }
        %scan3A_1154 = arith.constant 8 : i32
        %dma_start3A_1155 = arith.constant 0 : i32
        %dma_start3A_1156 = arith.constant 0 : i32
        %dma_start3A_1157 = tpu.memref_slice %arg3[%dma_start3A_1155, %dma_start3A_1156] : memref<1000000x64xf32, #tpu.memory_space<hbm>> -> memref<1000000x64xf32, #tpu.memory_space<hbm>>
        tpu.enqueue_indirect_dma source(%dma_start3A_1157 : memref<1000000x64xf32, #tpu.memory_space<hbm>>) target(%arg11 : memref<128x64xf32, #tpu.memory_space<vmem>>) offsets(%arg7 : memref<128xi32, #tpu.memory_space<vmem>>) semaphore(%arg17 : memref<!tpu.dma_semaphore, #tpu.memory_space<semaphore_mem>>)
      } else {
      }
      %ge3A_954 = arith.constant 2 : i32
      %ge3A_955 = arith.cmpi sge, %add3A_943, %ge3A_954 : i32
      %convert_element_type3A_956 = arith.extui %ge3A_955 : i1 to i32
      %cond3A_957 = arith.constant 0 : i32
      %cond3A_958 = arith.cmpi ne, %convert_element_type3A_956, %cond3A_957 : i32
      scf.if %cond3A_958 {
        %dma_wait3A_1117 = arith.constant 0 : i32
        %dma_wait3A_1118 = arith.constant 0 : i32
        %dma_wait3A_1119 = arith.constant 0 : i32
        %dma_wait3A_1120 = arith.constant 0 : i32
        %dma_wait3A_1121 = arith.constant 0 : i32
        %dma_wait3A_1122 = tpu.memref_slice %arg14[%dma_wait3A_1120, %dma_wait3A_1121] : memref<64x129xf32, #tpu.memory_space<vmem>> -> memref<8x128xf32, #tpu.memory_space<vmem>>
        %dma_wait3A_1123 = arith.constant 0 : i32
        %dma_wait3A_1124 = arith.constant 0 : i32
        %dma_wait3A_1125 = tpu.memref_slice %arg4[%dma_wait3A_1117, %dma_wait3A_1118, %dma_wait3A_1119, %dma_wait3A_1123, %dma_wait3A_1124] : memref<200x8x32x8x128xf32, #tpu.memory_space<hbm>> -> memref<1x1x1x8x128xf32, #tpu.memory_space<hbm>>
        %dma_wait3A_1126 = tpu.memref_squeeze %dma_wait3A_1125 : memref<1x1x1x8x128xf32, #tpu.memory_space<hbm>> -> memref<8x128xf32, #tpu.memory_space<hbm>>
        %dma_wait3A_1127 = arith.constant 0 : i32
        %dma_wait3A_1128 = arith.constant 0 : i32
        %dma_wait3A_1129 = tpu.memref_slice %arg14[%dma_wait3A_1127, %dma_wait3A_1128] : memref<64x129xf32, #tpu.memory_space<vmem>> -> memref<8x128xf32, #tpu.memory_space<vmem>>
        %dma_wait3A_1130 = arith.constant 0 : i32
        %dma_wait3A_1131 = arith.constant 0 : i32
        %dma_wait3A_1132 = tpu.memref_slice %arg4[%dma_wait3A_1117, %dma_wait3A_1118, %dma_wait3A_1119, %dma_wait3A_1130, %dma_wait3A_1131] : memref<200x8x32x8x128xf32, #tpu.memory_space<hbm>> -> memref<1x1x1x8x128xf32, #tpu.memory_space<hbm>>
        %dma_wait3A_1133 = tpu.memref_squeeze %dma_wait3A_1132 : memref<1x1x1x8x128xf32, #tpu.memory_space<hbm>> -> memref<8x128xf32, #tpu.memory_space<hbm>>
        tpu.wait_dma2 semaphore(%arg20 : memref<!tpu.dma_semaphore, #tpu.memory_space<semaphore_mem>>) src(%dma_wait3A_1133 : memref<8x128xf32, #tpu.memory_space<hbm>>) dst(%dma_wait3A_1129 : memref<8x128xf32, #tpu.memory_space<vmem>>)
        %dma_wait3A_1134 = arith.constant 0 : i32
        %dma_wait3A_1135 = arith.constant 0 : i32
        %dma_wait3A_1136 = arith.constant 0 : i32
        %dma_wait3A_1137 = arith.constant 0 : i32
        %dma_wait3A_1138 = arith.constant 0 : i32
        %dma_wait3A_1139 = tpu.memref_slice %arg14[%dma_wait3A_1137, %dma_wait3A_1138] : memref<64x129xf32, #tpu.memory_space<vmem>> -> memref<8x128xf32, #tpu.memory_space<vmem>>
        %dma_wait3A_1140 = arith.constant 0 : i32
        %dma_wait3A_1141 = arith.constant 0 : i32
        %dma_wait3A_1142 = tpu.memref_slice %arg4[%dma_wait3A_1134, %dma_wait3A_1135, %dma_wait3A_1136, %dma_wait3A_1140, %dma_wait3A_1141] : memref<200x8x32x8x128xf32, #tpu.memory_space<hbm>> -> memref<1x1x1x8x128xf32, #tpu.memory_space<hbm>>
        %dma_wait3A_1143 = tpu.memref_squeeze %dma_wait3A_1142 : memref<1x1x1x8x128xf32, #tpu.memory_space<hbm>> -> memref<8x128xf32, #tpu.memory_space<hbm>>
        %dma_wait3A_1144 = arith.constant 0 : i32
        %dma_wait3A_1145 = arith.constant 0 : i32
        %dma_wait3A_1146 = tpu.memref_slice %arg14[%dma_wait3A_1144, %dma_wait3A_1145] : memref<64x129xf32, #tpu.memory_space<vmem>> -> memref<8x128xf32, #tpu.memory_space<vmem>>
        %dma_wait3A_1147 = arith.constant 0 : i32
        %dma_wait3A_1148 = arith.constant 0 : i32
        %dma_wait3A_1149 = tpu.memref_slice %arg4[%dma_wait3A_1134, %dma_wait3A_1135, %dma_wait3A_1136, %dma_wait3A_1147, %dma_wait3A_1148] : memref<200x8x32x8x128xf32, #tpu.memory_space<hbm>> -> memref<1x1x1x8x128xf32, #tpu.memory_space<hbm>>
        %dma_wait3A_1150 = tpu.memref_squeeze %dma_wait3A_1149 : memref<1x1x1x8x128xf32, #tpu.memory_space<hbm>> -> memref<8x128xf32, #tpu.memory_space<hbm>>
        tpu.wait_dma2 semaphore(%arg20 : memref<!tpu.dma_semaphore, #tpu.memory_space<semaphore_mem>>) src(%dma_wait3A_1150 : memref<8x128xf32, #tpu.memory_space<hbm>>) dst(%dma_wait3A_1146 : memref<8x128xf32, #tpu.memory_space<vmem>>)
        %dma_wait3A_1151 = arith.constant 0 : i32
        %dma_wait3A_1152 = arith.constant 0 : i32
        %dma_wait3A_1153 = arith.constant 0 : i32
        %dma_wait3A_1154 = arith.constant 0 : i32
        %dma_wait3A_1155 = arith.constant 0 : i32
        %dma_wait3A_1156 = tpu.memref_slice %arg14[%dma_wait3A_1154, %dma_wait3A_1155] : memref<64x129xf32, #tpu.memory_space<vmem>> -> memref<8x128xf32, #tpu.memory_space<vmem>>
        %dma_wait3A_1157 = arith.constant 0 : i32
        %dma_wait3A_1158 = arith.constant 0 : i32
        %dma_wait3A_1159 = tpu.memref_slice %arg4[%dma_wait3A_1151, %dma_wait3A_1152, %dma_wait3A_1153, %dma_wait3A_1157, %dma_wait3A_1158] : memref<200x8x32x8x128xf32, #tpu.memory_space<hbm>> -> memref<1x1x1x8x128xf32, #tpu.memory_space<hbm>>
        %dma_wait3A_1160 = tpu.memref_squeeze %dma_wait3A_1159 : memref<1x1x1x8x128xf32, #tpu.memory_space<hbm>> -> memref<8x128xf32, #tpu.memory_space<hbm>>
        %dma_wait3A_1161 = arith.constant 0 : i32
        %dma_wait3A_1162 = arith.constant 0 : i32
        %dma_wait3A_1163 = tpu.memref_slice %arg14[%dma_wait3A_1161, %dma_wait3A_1162] : memref<64x129xf32, #tpu.memory_space<vmem>> -> memref<8x128xf32, #tpu.memory_space<vmem>>
        %dma_wait3A_1164 = arith.constant 0 : i32
        %dma_wait3A_1165 = arith.constant 0 : i32
        %dma_wait3A_1166 = tpu.memref_slice %arg4[%dma_wait3A_1151, %dma_wait3A_1152, %dma_wait3A_1153, %dma_wait3A_1164, %dma_wait3A_1165] : memref<200x8x32x8x128xf32, #tpu.memory_space<hbm>> -> memref<1x1x1x8x128xf32, #tpu.memory_space<hbm>>
        %dma_wait3A_1167 = tpu.memref_squeeze %dma_wait3A_1166 : memref<1x1x1x8x128xf32, #tpu.memory_space<hbm>> -> memref<8x128xf32, #tpu.memory_space<hbm>>
        tpu.wait_dma2 semaphore(%arg20 : memref<!tpu.dma_semaphore, #tpu.memory_space<semaphore_mem>>) src(%dma_wait3A_1167 : memref<8x128xf32, #tpu.memory_space<hbm>>) dst(%dma_wait3A_1163 : memref<8x128xf32, #tpu.memory_space<vmem>>)
        %dma_wait3A_1168 = arith.constant 0 : i32
        %dma_wait3A_1169 = arith.constant 0 : i32
        %dma_wait3A_1170 = arith.constant 0 : i32
        %dma_wait3A_1171 = arith.constant 0 : i32
        %dma_wait3A_1172 = arith.constant 0 : i32
        %dma_wait3A_1173 = tpu.memref_slice %arg14[%dma_wait3A_1171, %dma_wait3A_1172] : memref<64x129xf32, #tpu.memory_space<vmem>> -> memref<8x128xf32, #tpu.memory_space<vmem>>
        %dma_wait3A_1174 = arith.constant 0 : i32
        %dma_wait3A_1175 = arith.constant 0 : i32
        %dma_wait3A_1176 = tpu.memref_slice %arg4[%dma_wait3A_1168, %dma_wait3A_1169, %dma_wait3A_1170, %dma_wait3A_1174, %dma_wait3A_1175] : memref<200x8x32x8x128xf32, #tpu.memory_space<hbm>> -> memref<1x1x1x8x128xf32, #tpu.memory_space<hbm>>
        %dma_wait3A_1177 = tpu.memref_squeeze %dma_wait3A_1176 : memref<1x1x1x8x128xf32, #tpu.memory_space<hbm>> -> memref<8x128xf32, #tpu.memory_space<hbm>>
        %dma_wait3A_1178 = arith.constant 0 : i32
        %dma_wait3A_1179 = arith.constant 0 : i32
        %dma_wait3A_1180 = tpu.memref_slice %arg14[%dma_wait3A_1178, %dma_wait3A_1179] : memref<64x129xf32, #tpu.memory_space<vmem>> -> memref<8x128xf32, #tpu.memory_space<vmem>>
        %dma_wait3A_1181 = arith.constant 0 : i32
        %dma_wait3A_1182 = arith.constant 0 : i32
        %dma_wait3A_1183 = tpu.memref_slice %arg4[%dma_wait3A_1168, %dma_wait3A_1169, %dma_wait3A_1170, %dma_wait3A_1181, %dma_wait3A_1182] : memref<200x8x32x8x128xf32, #tpu.memory_space<hbm>> -> memref<1x1x1x8x128xf32, #tpu.memory_space<hbm>>
        %dma_wait3A_1184 = tpu.memref_squeeze %dma_wait3A_1183 : memref<1x1x1x8x128xf32, #tpu.memory_space<hbm>> -> memref<8x128xf32, #tpu.memory_space<hbm>>
        tpu.wait_dma2 semaphore(%arg20 : memref<!tpu.dma_semaphore, #tpu.memory_space<semaphore_mem>>) src(%dma_wait3A_1184 : memref<8x128xf32, #tpu.memory_space<hbm>>) dst(%dma_wait3A_1180 : memref<8x128xf32, #tpu.memory_space<vmem>>)
        %dma_wait3A_1185 = arith.constant 0 : i32
        %dma_wait3A_1186 = arith.constant 0 : i32
        %dma_wait3A_1187 = arith.constant 0 : i32
        %dma_wait3A_1188 = arith.constant 0 : i32
        %dma_wait3A_1189 = arith.constant 0 : i32
        %dma_wait3A_1190 = tpu.memref_slice %arg14[%dma_wait3A_1188, %dma_wait3A_1189] : memref<64x129xf32, #tpu.memory_space<vmem>> -> memref<8x128xf32, #tpu.memory_space<vmem>>
        %dma_wait3A_1191 = arith.constant 0 : i32
        %dma_wait3A_1192 = arith.constant 0 : i32
        %dma_wait3A_1193 = tpu.memref_slice %arg4[%dma_wait3A_1185, %dma_wait3A_1186, %dma_wait3A_1187, %dma_wait3A_1191, %dma_wait3A_1192] : memref<200x8x32x8x128xf32, #tpu.memory_space<hbm>> -> memref<1x1x1x8x128xf32, #tpu.memory_space<hbm>>
        %dma_wait3A_1194 = tpu.memref_squeeze %dma_wait3A_1193 : memref<1x1x1x8x128xf32, #tpu.memory_space<hbm>> -> memref<8x128xf32, #tpu.memory_space<hbm>>
        %dma_wait3A_1195 = arith.constant 0 : i32
        %dma_wait3A_1196 = arith.constant 0 : i32
        %dma_wait3A_1197 = tpu.memref_slice %arg14[%dma_wait3A_1195, %dma_wait3A_1196] : memref<64x129xf32, #tpu.memory_space<vmem>> -> memref<8x128xf32, #tpu.memory_space<vmem>>
        %dma_wait3A_1198 = arith.constant 0 : i32
        %dma_wait3A_1199 = arith.constant 0 : i32
        %dma_wait3A_1200 = tpu.memref_slice %arg4[%dma_wait3A_1185, %dma_wait3A_1186, %dma_wait3A_1187, %dma_wait3A_1198, %dma_wait3A_1199] : memref<200x8x32x8x128xf32, #tpu.memory_space<hbm>> -> memref<1x1x1x8x128xf32, #tpu.memory_space<hbm>>
        %dma_wait3A_1201 = tpu.memref_squeeze %dma_wait3A_1200 : memref<1x1x1x8x128xf32, #tpu.memory_space<hbm>> -> memref<8x128xf32, #tpu.memory_space<hbm>>
        tpu.wait_dma2 semaphore(%arg20 : memref<!tpu.dma_semaphore, #tpu.memory_space<semaphore_mem>>) src(%dma_wait3A_1201 : memref<8x128xf32, #tpu.memory_space<hbm>>) dst(%dma_wait3A_1197 : memref<8x128xf32, #tpu.memory_space<vmem>>)
        %dma_wait3A_1202 = arith.constant 0 : i32
        %dma_wait3A_1203 = arith.constant 0 : i32
        %dma_wait3A_1204 = arith.constant 0 : i32
        %dma_wait3A_1205 = arith.constant 0 : i32
        %dma_wait3A_1206 = arith.constant 0 : i32
        %dma_wait3A_1207 = tpu.memref_slice %arg14[%dma_wait3A_1205, %dma_wait3A_1206] : memref<64x129xf32, #tpu.memory_space<vmem>> -> memref<8x128xf32, #tpu.memory_space<vmem>>
        %dma_wait3A_1208 = arith.constant 0 : i32
        %dma_wait3A_1209 = arith.constant 0 : i32
        %dma_wait3A_1210 = tpu.memref_slice %arg4[%dma_wait3A_1202, %dma_wait3A_1203, %dma_wait3A_1204, %dma_wait3A_1208, %dma_wait3A_1209] : memref<200x8x32x8x128xf32, #tpu.memory_space<hbm>> -> memref<1x1x1x8x128xf32, #tpu.memory_space<hbm>>
        %dma_wait3A_1211 = tpu.memref_squeeze %dma_wait3A_1210 : memref<1x1x1x8x128xf32, #tpu.memory_space<hbm>> -> memref<8x128xf32, #tpu.memory_space<hbm>>
        %dma_wait3A_1212 = arith.constant 0 : i32
        %dma_wait3A_1213 = arith.constant 0 : i32
        %dma_wait3A_1214 = tpu.memref_slice %arg14[%dma_wait3A_1212, %dma_wait3A_1213] : memref<64x129xf32, #tpu.memory_space<vmem>> -> memref<8x128xf32, #tpu.memory_space<vmem>>
        %dma_wait3A_1215 = arith.constant 0 : i32
        %dma_wait3A_1216 = arith.constant 0 : i32
        %dma_wait3A_1217 = tpu.memref_slice %arg4[%dma_wait3A_1202, %dma_wait3A_1203, %dma_wait3A_1204, %dma_wait3A_1215, %dma_wait3A_1216] : memref<200x8x32x8x128xf32, #tpu.memory_space<hbm>> -> memref<1x1x1x8x128xf32, #tpu.memory_space<hbm>>
        %dma_wait3A_1218 = tpu.memref_squeeze %dma_wait3A_1217 : memref<1x1x1x8x128xf32, #tpu.memory_space<hbm>> -> memref<8x128xf32, #tpu.memory_space<hbm>>
        tpu.wait_dma2 semaphore(%arg20 : memref<!tpu.dma_semaphore, #tpu.memory_space<semaphore_mem>>) src(%dma_wait3A_1218 : memref<8x128xf32, #tpu.memory_space<hbm>>) dst(%dma_wait3A_1214 : memref<8x128xf32, #tpu.memory_space<vmem>>)
        %dma_wait3A_1219 = arith.constant 0 : i32
        %dma_wait3A_1220 = arith.constant 0 : i32
        %dma_wait3A_1221 = arith.constant 0 : i32
        %dma_wait3A_1222 = arith.constant 0 : i32
        %dma_wait3A_1223 = arith.constant 0 : i32
        %dma_wait3A_1224 = tpu.memref_slice %arg14[%dma_wait3A_1222, %dma_wait3A_1223] : memref<64x129xf32, #tpu.memory_space<vmem>> -> memref<8x128xf32, #tpu.memory_space<vmem>>
        %dma_wait3A_1225 = arith.constant 0 : i32
        %dma_wait3A_1226 = arith.constant 0 : i32
        %dma_wait3A_1227 = tpu.memref_slice %arg4[%dma_wait3A_1219, %dma_wait3A_1220, %dma_wait3A_1221, %dma_wait3A_1225, %dma_wait3A_1226] : memref<200x8x32x8x128xf32, #tpu.memory_space<hbm>> -> memref<1x1x1x8x128xf32, #tpu.memory_space<hbm>>
        %dma_wait3A_1228 = tpu.memref_squeeze %dma_wait3A_1227 : memref<1x1x1x8x128xf32, #tpu.memory_space<hbm>> -> memref<8x128xf32, #tpu.memory_space<hbm>>
        %dma_wait3A_1229 = arith.constant 0 : i32
        %dma_wait3A_1230 = arith.constant 0 : i32
        %dma_wait3A_1231 = tpu.memref_slice %arg14[%dma_wait3A_1229, %dma_wait3A_1230] : memref<64x129xf32, #tpu.memory_space<vmem>> -> memref<8x128xf32, #tpu.memory_space<vmem>>
        %dma_wait3A_1232 = arith.constant 0 : i32
        %dma_wait3A_1233 = arith.constant 0 : i32
        %dma_wait3A_1234 = tpu.memref_slice %arg4[%dma_wait3A_1219, %dma_wait3A_1220, %dma_wait3A_1221, %dma_wait3A_1232, %dma_wait3A_1233] : memref<200x8x32x8x128xf32, #tpu.memory_space<hbm>> -> memref<1x1x1x8x128xf32, #tpu.memory_space<hbm>>
        %dma_wait3A_1235 = tpu.memref_squeeze %dma_wait3A_1234 : memref<1x1x1x8x128xf32, #tpu.memory_space<hbm>> -> memref<8x128xf32, #tpu.memory_space<hbm>>
        tpu.wait_dma2 semaphore(%arg20 : memref<!tpu.dma_semaphore, #tpu.memory_space<semaphore_mem>>) src(%dma_wait3A_1235 : memref<8x128xf32, #tpu.memory_space<hbm>>) dst(%dma_wait3A_1231 : memref<8x128xf32, #tpu.memory_space<vmem>>)
        %dma_wait3A_1236 = arith.constant 0 : i32
        %dma_wait3A_1237 = arith.constant 0 : i32
        %dma_wait3A_1238 = arith.constant 0 : i32
        %dma_wait3A_1239 = arith.constant 0 : i32
        %dma_wait3A_1240 = arith.constant 0 : i32
        %dma_wait3A_1241 = tpu.memref_slice %arg14[%dma_wait3A_1239, %dma_wait3A_1240] : memref<64x129xf32, #tpu.memory_space<vmem>> -> memref<8x128xf32, #tpu.memory_space<vmem>>
        %dma_wait3A_1242 = arith.constant 0 : i32
        %dma_wait3A_1243 = arith.constant 0 : i32
        %dma_wait3A_1244 = tpu.memref_slice %arg4[%dma_wait3A_1236, %dma_wait3A_1237, %dma_wait3A_1238, %dma_wait3A_1242, %dma_wait3A_1243] : memref<200x8x32x8x128xf32, #tpu.memory_space<hbm>> -> memref<1x1x1x8x128xf32, #tpu.memory_space<hbm>>
        %dma_wait3A_1245 = tpu.memref_squeeze %dma_wait3A_1244 : memref<1x1x1x8x128xf32, #tpu.memory_space<hbm>> -> memref<8x128xf32, #tpu.memory_space<hbm>>
        %dma_wait3A_1246 = arith.constant 0 : i32
        %dma_wait3A_1247 = arith.constant 0 : i32
        %dma_wait3A_1248 = tpu.memref_slice %arg14[%dma_wait3A_1246, %dma_wait3A_1247] : memref<64x129xf32, #tpu.memory_space<vmem>> -> memref<8x128xf32, #tpu.memory_space<vmem>>
        %dma_wait3A_1249 = arith.constant 0 : i32
        %dma_wait3A_1250 = arith.constant 0 : i32
        %dma_wait3A_1251 = tpu.memref_slice %arg4[%dma_wait3A_1236, %dma_wait3A_1237, %dma_wait3A_1238, %dma_wait3A_1249, %dma_wait3A_1250] : memref<200x8x32x8x128xf32, #tpu.memory_space<hbm>> -> memref<1x1x1x8x128xf32, #tpu.memory_space<hbm>>
        %dma_wait3A_1252 = tpu.memref_squeeze %dma_wait3A_1251 : memref<1x1x1x8x128xf32, #tpu.memory_space<hbm>> -> memref<8x128xf32, #tpu.memory_space<hbm>>
        tpu.wait_dma2 semaphore(%arg20 : memref<!tpu.dma_semaphore, #tpu.memory_space<semaphore_mem>>) src(%dma_wait3A_1252 : memref<8x128xf32, #tpu.memory_space<hbm>>) dst(%dma_wait3A_1248 : memref<8x128xf32, #tpu.memory_space<vmem>>)
      } else {
      }
      %dma_wait3A_959 = arith.constant 0 : i32
      %dma_wait3A_960 = arith.constant 0 : i32
      %dma_wait3A_961 = tpu.memref_slice %arg3[%dma_wait3A_959, %dma_wait3A_960] : memref<1000000x64xf32, #tpu.memory_space<hbm>> -> memref<128x64xf32, #tpu.memory_space<hbm>>
      %dma_wait3A_962 = arith.constant 0 : i32
      %dma_wait3A_963 = arith.constant 0 : i32
      %dma_wait3A_964 = tpu.memref_slice %arg3[%dma_wait3A_962, %dma_wait3A_963] : memref<1000000x64xf32, #tpu.memory_space<hbm>> -> memref<128x64xf32, #tpu.memory_space<hbm>>
      tpu.wait_dma2 semaphore(%arg18 : memref<!tpu.dma_semaphore, #tpu.memory_space<semaphore_mem>>) src(%dma_wait3A_964 : memref<128x64xf32, #tpu.memory_space<hbm>>) dst(%arg12 : memref<128x64xf32, #tpu.memory_space<vmem>>)
      %scan3A_965 = arith.constant 0 : i32
      %scan3A_966 = arith.constant 0 : i32
      %scan3A_967 = arith.constant 128 : i32
      %scan3A_968 = arith.addi %scan3A_966, %scan3A_967 : i32
      %scan3A_969 = arith.constant 8 : i32
      scf.for %scan3A_1117 = %scan3A_966 to %scan3A_968 step %scan3A_969  : i32 {
        %broadcast_in_dim3A_1118 = vector.broadcast %scan3A_1117 : i32 to vector<16xi32>
        %get3A = arith.index_cast %scan3A_1117 : i32 to index
        %get3A_1119 = arith.constant 0 : index
        %get3A_1120 = tpu.vector_load %arg12[%get3A, %get3A_1119] {strides = array<i32>} : memref<128x64xf32, #tpu.memory_space<vmem>>, vector<16xf32>,
        tpu.vector_store_idx %arg14[%add3A_5, %broadcast_in_dim3A_1118], %get3A_1120 : memref<64x129xf32, #tpu.memory_space<vmem>>[vector<16xi32>, vector<16xi32>], vector<16xf32>,
        %get3A_1121 = arith.index_cast %scan3A_1117 : i32 to index
        %get3A_1122 = arith.constant 16 : index
        %get3A_1123 = tpu.vector_load %arg12[%get3A_1121, %get3A_1122] {strides = array<i32>} : memref<128x64xf32, #tpu.memory_space<vmem>>, vector<16xf32>,
        tpu.vector_store_idx %arg14[%add3A_8, %broadcast_in_dim3A_1118], %get3A_1123 : memref<64x129xf32, #tpu.memory_space<vmem>>[vector<16xi32>, vector<16xi32>], vector<16xf32>,
        %get3A_1124 = arith.index_cast %scan3A_1117 : i32 to index
        %get3A_1125 = arith.constant 32 : index
        %get3A_1126 = tpu.vector_load %arg12[%get3A_1124, %get3A_1125] {strides = array<i32>} : memref<128x64xf32, #tpu.memory_space<vmem>>, vector<16xf32>,
        tpu.vector_store_idx %arg14[%add3A_11, %broadcast_in_dim3A_1118], %get3A_1126 : memref<64x129xf32, #tpu.memory_space<vmem>>[vector<16xi32>, vector<16xi32>], vector<16xf32>,
        %get3A_1127 = arith.index_cast %scan3A_1117 : i32 to index
        %get3A_1128 = arith.constant 48 : index
        %get3A_1129 = tpu.vector_load %arg12[%get3A_1127, %get3A_1128] {strides = array<i32>} : memref<128x64xf32, #tpu.memory_space<vmem>>, vector<16xf32>,
        tpu.vector_store_idx %arg14[%add3A_14, %broadcast_in_dim3A_1118], %get3A_1129 : memref<64x129xf32, #tpu.memory_space<vmem>>[vector<16xi32>, vector<16xi32>], vector<16xf32>,
        %scan3A_1130 = arith.constant 1 : i32
        %scan3A_1131 = arith.addi %scan3A_1117, %scan3A_1130 : i32
        %broadcast_in_dim3A_1132 = vector.broadcast %scan3A_1131 : i32 to vector<16xi32>
        %get3A_1133 = arith.index_cast %scan3A_1131 : i32 to index
        %get3A_1134 = arith.constant 0 : index
        %get3A_1135 = tpu.vector_load %arg12[%get3A_1133, %get3A_1134] {strides = array<i32>} : memref<128x64xf32, #tpu.memory_space<vmem>>, vector<16xf32>,
        tpu.vector_store_idx %arg14[%add3A_5, %broadcast_in_dim3A_1132], %get3A_1135 : memref<64x129xf32, #tpu.memory_space<vmem>>[vector<16xi32>, vector<16xi32>], vector<16xf32>,
        %get3A_1136 = arith.index_cast %scan3A_1131 : i32 to index
        %get3A_1137 = arith.constant 16 : index
        %get3A_1138 = tpu.vector_load %arg12[%get3A_1136, %get3A_1137] {strides = array<i32>} : memref<128x64xf32, #tpu.memory_space<vmem>>, vector<16xf32>,
        tpu.vector_store_idx %arg14[%add3A_8, %broadcast_in_dim3A_1132], %get3A_1138 : memref<64x129xf32, #tpu.memory_space<vmem>>[vector<16xi32>, vector<16xi32>], vector<16xf32>,
        %get3A_1139 = arith.index_cast %scan3A_1131 : i32 to index
        %get3A_1140 = arith.constant 32 : index
        %get3A_1141 = tpu.vector_load %arg12[%get3A_1139, %get3A_1140] {strides = array<i32>} : memref<128x64xf32, #tpu.memory_space<vmem>>, vector<16xf32>,
        tpu.vector_store_idx %arg14[%add3A_11, %broadcast_in_dim3A_1132], %get3A_1141 : memref<64x129xf32, #tpu.memory_space<vmem>>[vector<16xi32>, vector<16xi32>], vector<16xf32>,
        %get3A_1142 = arith.index_cast %scan3A_1131 : i32 to index
        %get3A_1143 = arith.constant 48 : index
        %get3A_1144 = tpu.vector_load %arg12[%get3A_1142, %get3A_1143] {strides = array<i32>} : memref<128x64xf32, #tpu.memory_space<vmem>>, vector<16xf32>,
        tpu.vector_store_idx %arg14[%add3A_14, %broadcast_in_dim3A_1132], %get3A_1144 : memref<64x129xf32, #tpu.memory_space<vmem>>[vector<16xi32>, vector<16xi32>], vector<16xf32>,
        %scan3A_1145 = arith.constant 2 : i32
        %scan3A_1146 = arith.addi %scan3A_1117, %scan3A_1145 : i32
        %broadcast_in_dim3A_1147 = vector.broadcast %scan3A_1146 : i32 to vector<16xi32>
        %get3A_1148 = arith.index_cast %scan3A_1146 : i32 to index
        %get3A_1149 = arith.constant 0 : index
        %get3A_1150 = tpu.vector_load %arg12[%get3A_1148, %get3A_1149] {strides = array<i32>} : memref<128x64xf32, #tpu.memory_space<vmem>>, vector<16xf32>,
        tpu.vector_store_idx %arg14[%add3A_5, %broadcast_in_dim3A_1147], %get3A_1150 : memref<64x129xf32, #tpu.memory_space<vmem>>[vector<16xi32>, vector<16xi32>], vector<16xf32>,
        %get3A_1151 = arith.index_cast %scan3A_1146 : i32 to index
        %get3A_1152 = arith.constant 16 : index
        %get3A_1153 = tpu.vector_load %arg12[%get3A_1151, %get3A_1152] {strides = array<i32>} : memref<128x64xf32, #tpu.memory_space<vmem>>, vector<16xf32>,
        tpu.vector_store_idx %arg14[%add3A_8, %broadcast_in_dim3A_1147], %get3A_1153 : memref<64x129xf32, #tpu.memory_space<vmem>>[vector<16xi32>, vector<16xi32>], vector<16xf32>,
        %get3A_1154 = arith.index_cast %scan3A_1146 : i32 to index
        %get3A_1155 = arith.constant 32 : index
        %get3A_1156 = tpu.vector_load %arg12[%get3A_1154, %get3A_1155] {strides = array<i32>} : memref<128x64xf32, #tpu.memory_space<vmem>>, vector<16xf32>,
        tpu.vector_store_idx %arg14[%add3A_11, %broadcast_in_dim3A_1147], %get3A_1156 : memref<64x129xf32, #tpu.memory_space<vmem>>[vector<16xi32>, vector<16xi32>], vector<16xf32>,
        %get3A_1157 = arith.index_cast %scan3A_1146 : i32 to index
        %get3A_1158 = arith.constant 48 : index
        %get3A_1159 = tpu.vector_load %arg12[%get3A_1157, %get3A_1158] {strides = array<i32>} : memref<128x64xf32, #tpu.memory_space<vmem>>, vector<16xf32>,
        tpu.vector_store_idx %arg14[%add3A_14, %broadcast_in_dim3A_1147], %get3A_1159 : memref<64x129xf32, #tpu.memory_space<vmem>>[vector<16xi32>, vector<16xi32>], vector<16xf32>,
        %scan3A_1160 = arith.constant 3 : i32
        %scan3A_1161 = arith.addi %scan3A_1117, %scan3A_1160 : i32
        %broadcast_in_dim3A_1162 = vector.broadcast %scan3A_1161 : i32 to vector<16xi32>
        %get3A_1163 = arith.index_cast %scan3A_1161 : i32 to index
        %get3A_1164 = arith.constant 0 : index
        %get3A_1165 = tpu.vector_load %arg12[%get3A_1163, %get3A_1164] {strides = array<i32>} : memref<128x64xf32, #tpu.memory_space<vmem>>, vector<16xf32>,
        tpu.vector_store_idx %arg14[%add3A_5, %broadcast_in_dim3A_1162], %get3A_1165 : memref<64x129xf32, #tpu.memory_space<vmem>>[vector<16xi32>, vector<16xi32>], vector<16xf32>,
        %get3A_1166 = arith.index_cast %scan3A_1161 : i32 to index
        %get3A_1167 = arith.constant 16 : index
        %get3A_1168 = tpu.vector_load %arg12[%get3A_1166, %get3A_1167] {strides = array<i32>} : memref<128x64xf32, #tpu.memory_space<vmem>>, vector<16xf32>,
        tpu.vector_store_idx %arg14[%add3A_8, %broadcast_in_dim3A_1162], %get3A_1168 : memref<64x129xf32, #tpu.memory_space<vmem>>[vector<16xi32>, vector<16xi32>], vector<16xf32>,
        %get3A_1169 = arith.index_cast %scan3A_1161 : i32 to index
        %get3A_1170 = arith.constant 32 : index
        %get3A_1171 = tpu.vector_load %arg12[%get3A_1169, %get3A_1170] {strides = array<i32>} : memref<128x64xf32, #tpu.memory_space<vmem>>, vector<16xf32>,
        tpu.vector_store_idx %arg14[%add3A_11, %broadcast_in_dim3A_1162], %get3A_1171 : memref<64x129xf32, #tpu.memory_space<vmem>>[vector<16xi32>, vector<16xi32>], vector<16xf32>,
        %get3A_1172 = arith.index_cast %scan3A_1161 : i32 to index
        %get3A_1173 = arith.constant 48 : index
        %get3A_1174 = tpu.vector_load %arg12[%get3A_1172, %get3A_1173] {strides = array<i32>} : memref<128x64xf32, #tpu.memory_space<vmem>>, vector<16xf32>,
        tpu.vector_store_idx %arg14[%add3A_14, %broadcast_in_dim3A_1162], %get3A_1174 : memref<64x129xf32, #tpu.memory_space<vmem>>[vector<16xi32>, vector<16xi32>], vector<16xf32>,
        %scan3A_1175 = arith.constant 4 : i32
        %scan3A_1176 = arith.addi %scan3A_1117, %scan3A_1175 : i32
        %broadcast_in_dim3A_1177 = vector.broadcast %scan3A_1176 : i32 to vector<16xi32>
        %get3A_1178 = arith.index_cast %scan3A_1176 : i32 to index
        %get3A_1179 = arith.constant 0 : index
        %get3A_1180 = tpu.vector_load %arg12[%get3A_1178, %get3A_1179] {strides = array<i32>} : memref<128x64xf32, #tpu.memory_space<vmem>>, vector<16xf32>,
        tpu.vector_store_idx %arg14[%add3A_5, %broadcast_in_dim3A_1177], %get3A_1180 : memref<64x129xf32, #tpu.memory_space<vmem>>[vector<16xi32>, vector<16xi32>], vector<16xf32>,
        %get3A_1181 = arith.index_cast %scan3A_1176 : i32 to index
        %get3A_1182 = arith.constant 16 : index
        %get3A_1183 = tpu.vector_load %arg12[%get3A_1181, %get3A_1182] {strides = array<i32>} : memref<128x64xf32, #tpu.memory_space<vmem>>, vector<16xf32>,
        tpu.vector_store_idx %arg14[%add3A_8, %broadcast_in_dim3A_1177], %get3A_1183 : memref<64x129xf32, #tpu.memory_space<vmem>>[vector<16xi32>, vector<16xi32>], vector<16xf32>,
        %get3A_1184 = arith.index_cast %scan3A_1176 : i32 to index
        %get3A_1185 = arith.constant 32 : index
        %get3A_1186 = tpu.vector_load %arg12[%get3A_1184, %get3A_1185] {strides = array<i32>} : memref<128x64xf32, #tpu.memory_space<vmem>>, vector<16xf32>,
        tpu.vector_store_idx %arg14[%add3A_11, %broadcast_in_dim3A_1177], %get3A_1186 : memref<64x129xf32, #tpu.memory_space<vmem>>[vector<16xi32>, vector<16xi32>], vector<16xf32>,
        %get3A_1187 = arith.index_cast %scan3A_1176 : i32 to index
        %get3A_1188 = arith.constant 48 : index
        %get3A_1189 = tpu.vector_load %arg12[%get3A_1187, %get3A_1188] {strides = array<i32>} : memref<128x64xf32, #tpu.memory_space<vmem>>, vector<16xf32>,
        tpu.vector_store_idx %arg14[%add3A_14, %broadcast_in_dim3A_1177], %get3A_1189 : memref<64x129xf32, #tpu.memory_space<vmem>>[vector<16xi32>, vector<16xi32>], vector<16xf32>,
        %scan3A_1190 = arith.constant 5 : i32
        %scan3A_1191 = arith.addi %scan3A_1117, %scan3A_1190 : i32
        %broadcast_in_dim3A_1192 = vector.broadcast %scan3A_1191 : i32 to vector<16xi32>
        %get3A_1193 = arith.index_cast %scan3A_1191 : i32 to index
        %get3A_1194 = arith.constant 0 : index
        %get3A_1195 = tpu.vector_load %arg12[%get3A_1193, %get3A_1194] {strides = array<i32>} : memref<128x64xf32, #tpu.memory_space<vmem>>, vector<16xf32>,
        tpu.vector_store_idx %arg14[%add3A_5, %broadcast_in_dim3A_1192], %get3A_1195 : memref<64x129xf32, #tpu.memory_space<vmem>>[vector<16xi32>, vector<16xi32>], vector<16xf32>,
        %get3A_1196 = arith.index_cast %scan3A_1191 : i32 to index
        %get3A_1197 = arith.constant 16 : index
        %get3A_1198 = tpu.vector_load %arg12[%get3A_1196, %get3A_1197] {strides = array<i32>} : memref<128x64xf32, #tpu.memory_space<vmem>>, vector<16xf32>,
        tpu.vector_store_idx %arg14[%add3A_8, %broadcast_in_dim3A_1192], %get3A_1198 : memref<64x129xf32, #tpu.memory_space<vmem>>[vector<16xi32>, vector<16xi32>], vector<16xf32>,
        %get3A_1199 = arith.index_cast %scan3A_1191 : i32 to index
        %get3A_1200 = arith.constant 32 : index
        %get3A_1201 = tpu.vector_load %arg12[%get3A_1199, %get3A_1200] {strides = array<i32>} : memref<128x64xf32, #tpu.memory_space<vmem>>, vector<16xf32>,
        tpu.vector_store_idx %arg14[%add3A_11, %broadcast_in_dim3A_1192], %get3A_1201 : memref<64x129xf32, #tpu.memory_space<vmem>>[vector<16xi32>, vector<16xi32>], vector<16xf32>,
        %get3A_1202 = arith.index_cast %scan3A_1191 : i32 to index
        %get3A_1203 = arith.constant 48 : index
        %get3A_1204 = tpu.vector_load %arg12[%get3A_1202, %get3A_1203] {strides = array<i32>} : memref<128x64xf32, #tpu.memory_space<vmem>>, vector<16xf32>,
        tpu.vector_store_idx %arg14[%add3A_14, %broadcast_in_dim3A_1192], %get3A_1204 : memref<64x129xf32, #tpu.memory_space<vmem>>[vector<16xi32>, vector<16xi32>], vector<16xf32>,
        %scan3A_1205 = arith.constant 6 : i32
        %scan3A_1206 = arith.addi %scan3A_1117, %scan3A_1205 : i32
        %broadcast_in_dim3A_1207 = vector.broadcast %scan3A_1206 : i32 to vector<16xi32>
        %get3A_1208 = arith.index_cast %scan3A_1206 : i32 to index
        %get3A_1209 = arith.constant 0 : index
        %get3A_1210 = tpu.vector_load %arg12[%get3A_1208, %get3A_1209] {strides = array<i32>} : memref<128x64xf32, #tpu.memory_space<vmem>>, vector<16xf32>,
        tpu.vector_store_idx %arg14[%add3A_5, %broadcast_in_dim3A_1207], %get3A_1210 : memref<64x129xf32, #tpu.memory_space<vmem>>[vector<16xi32>, vector<16xi32>], vector<16xf32>,
        %get3A_1211 = arith.index_cast %scan3A_1206 : i32 to index
        %get3A_1212 = arith.constant 16 : index
        %get3A_1213 = tpu.vector_load %arg12[%get3A_1211, %get3A_1212] {strides = array<i32>} : memref<128x64xf32, #tpu.memory_space<vmem>>, vector<16xf32>,
        tpu.vector_store_idx %arg14[%add3A_8, %broadcast_in_dim3A_1207], %get3A_1213 : memref<64x129xf32, #tpu.memory_space<vmem>>[vector<16xi32>, vector<16xi32>], vector<16xf32>,
        %get3A_1214 = arith.index_cast %scan3A_1206 : i32 to index
        %get3A_1215 = arith.constant 32 : index
        %get3A_1216 = tpu.vector_load %arg12[%get3A_1214, %get3A_1215] {strides = array<i32>} : memref<128x64xf32, #tpu.memory_space<vmem>>, vector<16xf32>,
        tpu.vector_store_idx %arg14[%add3A_11, %broadcast_in_dim3A_1207], %get3A_1216 : memref<64x129xf32, #tpu.memory_space<vmem>>[vector<16xi32>, vector<16xi32>], vector<16xf32>,
        %get3A_1217 = arith.index_cast %scan3A_1206 : i32 to index
        %get3A_1218 = arith.constant 48 : index
        %get3A_1219 = tpu.vector_load %arg12[%get3A_1217, %get3A_1218] {strides = array<i32>} : memref<128x64xf32, #tpu.memory_space<vmem>>, vector<16xf32>,
        tpu.vector_store_idx %arg14[%add3A_14, %broadcast_in_dim3A_1207], %get3A_1219 : memref<64x129xf32, #tpu.memory_space<vmem>>[vector<16xi32>, vector<16xi32>], vector<16xf32>,
        %scan3A_1220 = arith.constant 7 : i32
        %scan3A_1221 = arith.addi %scan3A_1117, %scan3A_1220 : i32
        %broadcast_in_dim3A_1222 = vector.broadcast %scan3A_1221 : i32 to vector<16xi32>
        %get3A_1223 = arith.index_cast %scan3A_1221 : i32 to index
        %get3A_1224 = arith.constant 0 : index
        %get3A_1225 = tpu.vector_load %arg12[%get3A_1223, %get3A_1224] {strides = array<i32>} : memref<128x64xf32, #tpu.memory_space<vmem>>, vector<16xf32>,
        tpu.vector_store_idx %arg14[%add3A_5, %broadcast_in_dim3A_1222], %get3A_1225 : memref<64x129xf32, #tpu.memory_space<vmem>>[vector<16xi32>, vector<16xi32>], vector<16xf32>,
        %get3A_1226 = arith.index_cast %scan3A_1221 : i32 to index
        %get3A_1227 = arith.constant 16 : index
        %get3A_1228 = tpu.vector_load %arg12[%get3A_1226, %get3A_1227] {strides = array<i32>} : memref<128x64xf32, #tpu.memory_space<vmem>>, vector<16xf32>,
        tpu.vector_store_idx %arg14[%add3A_8, %broadcast_in_dim3A_1222], %get3A_1228 : memref<64x129xf32, #tpu.memory_space<vmem>>[vector<16xi32>, vector<16xi32>], vector<16xf32>,
        %get3A_1229 = arith.index_cast %scan3A_1221 : i32 to index
        %get3A_1230 = arith.constant 32 : index
        %get3A_1231 = tpu.vector_load %arg12[%get3A_1229, %get3A_1230] {strides = array<i32>} : memref<128x64xf32, #tpu.memory_space<vmem>>, vector<16xf32>,
        tpu.vector_store_idx %arg14[%add3A_11, %broadcast_in_dim3A_1222], %get3A_1231 : memref<64x129xf32, #tpu.memory_space<vmem>>[vector<16xi32>, vector<16xi32>], vector<16xf32>,
        %get3A_1232 = arith.index_cast %scan3A_1221 : i32 to index
        %get3A_1233 = arith.constant 48 : index
        %get3A_1234 = tpu.vector_load %arg12[%get3A_1232, %get3A_1233] {strides = array<i32>} : memref<128x64xf32, #tpu.memory_space<vmem>>, vector<16xf32>,
        tpu.vector_store_idx %arg14[%add3A_14, %broadcast_in_dim3A_1222], %get3A_1234 : memref<64x129xf32, #tpu.memory_space<vmem>>[vector<16xi32>, vector<16xi32>], vector<16xf32>,
      }
      %scan3A_970 = arith.constant 128 : i32
      %jit3A_971 = arith.constant 32 : i32
      %div3A_972 = arith.divsi %add3A_944, %jit3A_971 : i32
      %sign3A_973 = arith.constant 0 : i32
      %sign3A_974 = arith.cmpi sgt, %add3A_944, %sign3A_973 : i32
      %sign3A_975 = arith.extui %sign3A_974 : i1 to i32
      %sign3A_976 = arith.constant 0 : i32
      %sign3A_977 = arith.cmpi slt, %add3A_944, %sign3A_976 : i32
      %sign3A_978 = arith.extui %sign3A_977 : i1 to i32
      %sign3A_979 = arith.subi %sign3A_975, %sign3A_978 : i32
      %sign3A_980 = arith.constant 0 : i32
      %sign3A_981 = arith.cmpi sgt, %jit3A_971, %sign3A_980 : i32
      %sign3A_982 = arith.extui %sign3A_981 : i1 to i32
      %sign3A_983 = arith.constant 0 : i32
      %sign3A_984 = arith.cmpi slt, %jit3A_971, %sign3A_983 : i32
      %sign3A_985 = arith.extui %sign3A_984 : i1 to i32
      %sign3A_986 = arith.subi %sign3A_982, %sign3A_985 : i32
      %ne3A_987 = arith.cmpi ne, %sign3A_979, %sign3A_986 : i32
      %rem3A_988 = arith.remsi %add3A_944, %jit3A_971 : i32
      %ne3A_989 = arith.constant 0 : i32
      %ne3A_990 = arith.cmpi ne, %rem3A_988, %ne3A_989 : i32
      %and3A_991 = arith.andi %ne3A_987, %ne3A_990 : i1
      %sub3A_992 = arith.constant 1 : i32
      %sub3A_993 = arith.subi %div3A_972, %sub3A_992 : i32
      %select_n3A_994 = arith.select %and3A_991, %sub3A_993, %div3A_972 : i32
      %rem3A_995 = arith.constant 32 : i32
      %rem3A_996 = arith.remsi %add3A_944, %rem3A_995 : i32
      %dma_start3A_997 = arith.constant 0 : i32
      %dma_start3A_998 = arith.constant 0 : i32
      %dma_start3A_999 = arith.constant 0 : i32
      %dma_start3A_1000 = tpu.memref_slice %arg14[%dma_start3A_998, %dma_start3A_999] : memref<64x129xf32, #tpu.memory_space<vmem>> -> memref<8x128xf32, #tpu.memory_space<vmem>>
      %dma_start3A_1001 = arith.constant 0 : i32
      %dma_start3A_1002 = arith.constant 0 : i32
      %dma_start3A_1003 = tpu.memref_slice %arg4[%select_n3A_994, %dma_start3A_997, %rem3A_996, %dma_start3A_1001, %dma_start3A_1002] : memref<200x8x32x8x128xf32, #tpu.memory_space<hbm>> -> memref<1x1x1x8x128xf32, #tpu.memory_space<hbm>>
      %dma_start3A_1004 = tpu.memref_squeeze %dma_start3A_1003 : memref<1x1x1x8x128xf32, #tpu.memory_space<hbm>> -> memref<8x128xf32, #tpu.memory_space<hbm>>
      %dma_start3A_1005 = arith.constant 0 : i32
      %dma_start3A_1006 = arith.constant 0 : i32
      %dma_start3A_1007 = tpu.memref_slice %arg4[%select_n3A_994, %dma_start3A_997, %rem3A_996, %dma_start3A_1005, %dma_start3A_1006] : memref<200x8x32x8x128xf32, #tpu.memory_space<hbm>> -> memref<1x1x1x8x128xf32, #tpu.memory_space<hbm>>
      %dma_start3A_1008 = tpu.memref_squeeze %dma_start3A_1007 : memref<1x1x1x8x128xf32, #tpu.memory_space<hbm>> -> memref<8x128xf32, #tpu.memory_space<hbm>>
      %dma_start3A_1009 = arith.constant 0 : i32
      %dma_start3A_1010 = arith.constant 0 : i32
      %dma_start3A_1011 = tpu.memref_slice %arg14[%dma_start3A_1009, %dma_start3A_1010] : memref<64x129xf32, #tpu.memory_space<vmem>> -> memref<8x128xf32, #tpu.memory_space<vmem>>
      tpu.enqueue_dma source(%dma_start3A_1011 : memref<8x128xf32, #tpu.memory_space<vmem>>) target(%dma_start3A_1008 : memref<8x128xf32, #tpu.memory_space<hbm>>) target_semaphore(%arg20 : memref<!tpu.dma_semaphore, #tpu.memory_space<semaphore_mem>>)
      %dma_start3A_1012 = arith.constant 1 : i32
      %dma_start3A_1013 = arith.constant 8 : i32
      %dma_start3A_1014 = arith.constant 0 : i32
      %dma_start3A_1015 = tpu.memref_slice %arg14[%dma_start3A_1013, %dma_start3A_1014] : memref<64x129xf32, #tpu.memory_space<vmem>> -> memref<8x128xf32, #tpu.memory_space<vmem>>
      %dma_start3A_1016 = arith.constant 0 : i32
      %dma_start3A_1017 = arith.constant 0 : i32
      %dma_start3A_1018 = tpu.memref_slice %arg4[%select_n3A_994, %dma_start3A_1012, %rem3A_996, %dma_start3A_1016, %dma_start3A_1017] : memref<200x8x32x8x128xf32, #tpu.memory_space<hbm>> -> memref<1x1x1x8x128xf32, #tpu.memory_space<hbm>>
      %dma_start3A_1019 = tpu.memref_squeeze %dma_start3A_1018 : memref<1x1x1x8x128xf32, #tpu.memory_space<hbm>> -> memref<8x128xf32, #tpu.memory_space<hbm>>
      %dma_start3A_1020 = arith.constant 0 : i32
      %dma_start3A_1021 = arith.constant 0 : i32
      %dma_start3A_1022 = tpu.memref_slice %arg4[%select_n3A_994, %dma_start3A_1012, %rem3A_996, %dma_start3A_1020, %dma_start3A_1021] : memref<200x8x32x8x128xf32, #tpu.memory_space<hbm>> -> memref<1x1x1x8x128xf32, #tpu.memory_space<hbm>>
      %dma_start3A_1023 = tpu.memref_squeeze %dma_start3A_1022 : memref<1x1x1x8x128xf32, #tpu.memory_space<hbm>> -> memref<8x128xf32, #tpu.memory_space<hbm>>
      %dma_start3A_1024 = arith.constant 8 : i32
      %dma_start3A_1025 = arith.constant 0 : i32
      %dma_start3A_1026 = tpu.memref_slice %arg14[%dma_start3A_1024, %dma_start3A_1025] : memref<64x129xf32, #tpu.memory_space<vmem>> -> memref<8x128xf32, #tpu.memory_space<vmem>>
      tpu.enqueue_dma source(%dma_start3A_1026 : memref<8x128xf32, #tpu.memory_space<vmem>>) target(%dma_start3A_1023 : memref<8x128xf32, #tpu.memory_space<hbm>>) target_semaphore(%arg20 : memref<!tpu.dma_semaphore, #tpu.memory_space<semaphore_mem>>)
      %dma_start3A_1027 = arith.constant 2 : i32
      %dma_start3A_1028 = arith.constant 16 : i32
      %dma_start3A_1029 = arith.constant 0 : i32
      %dma_start3A_1030 = tpu.memref_slice %arg14[%dma_start3A_1028, %dma_start3A_1029] : memref<64x129xf32, #tpu.memory_space<vmem>> -> memref<8x128xf32, #tpu.memory_space<vmem>>
      %dma_start3A_1031 = arith.constant 0 : i32
      %dma_start3A_1032 = arith.constant 0 : i32
      %dma_start3A_1033 = tpu.memref_slice %arg4[%select_n3A_994, %dma_start3A_1027, %rem3A_996, %dma_start3A_1031, %dma_start3A_1032] : memref<200x8x32x8x128xf32, #tpu.memory_space<hbm>> -> memref<1x1x1x8x128xf32, #tpu.memory_space<hbm>>
      %dma_start3A_1034 = tpu.memref_squeeze %dma_start3A_1033 : memref<1x1x1x8x128xf32, #tpu.memory_space<hbm>> -> memref<8x128xf32, #tpu.memory_space<hbm>>
      %dma_start3A_1035 = arith.constant 0 : i32
      %dma_start3A_1036 = arith.constant 0 : i32
      %dma_start3A_1037 = tpu.memref_slice %arg4[%select_n3A_994, %dma_start3A_1027, %rem3A_996, %dma_start3A_1035, %dma_start3A_1036] : memref<200x8x32x8x128xf32, #tpu.memory_space<hbm>> -> memref<1x1x1x8x128xf32, #tpu.memory_space<hbm>>
      %dma_start3A_1038 = tpu.memref_squeeze %dma_start3A_1037 : memref<1x1x1x8x128xf32, #tpu.memory_space<hbm>> -> memref<8x128xf32, #tpu.memory_space<hbm>>
      %dma_start3A_1039 = arith.constant 16 : i32
      %dma_start3A_1040 = arith.constant 0 : i32
      %dma_start3A_1041 = tpu.memref_slice %arg14[%dma_start3A_1039, %dma_start3A_1040] : memref<64x129xf32, #tpu.memory_space<vmem>> -> memref<8x128xf32, #tpu.memory_space<vmem>>
      tpu.enqueue_dma source(%dma_start3A_1041 : memref<8x128xf32, #tpu.memory_space<vmem>>) target(%dma_start3A_1038 : memref<8x128xf32, #tpu.memory_space<hbm>>) target_semaphore(%arg20 : memref<!tpu.dma_semaphore, #tpu.memory_space<semaphore_mem>>)
      %dma_start3A_1042 = arith.constant 3 : i32
      %dma_start3A_1043 = arith.constant 24 : i32
      %dma_start3A_1044 = arith.constant 0 : i32
      %dma_start3A_1045 = tpu.memref_slice %arg14[%dma_start3A_1043, %dma_start3A_1044] : memref<64x129xf32, #tpu.memory_space<vmem>> -> memref<8x128xf32, #tpu.memory_space<vmem>>
      %dma_start3A_1046 = arith.constant 0 : i32
      %dma_start3A_1047 = arith.constant 0 : i32
      %dma_start3A_1048 = tpu.memref_slice %arg4[%select_n3A_994, %dma_start3A_1042, %rem3A_996, %dma_start3A_1046, %dma_start3A_1047] : memref<200x8x32x8x128xf32, #tpu.memory_space<hbm>> -> memref<1x1x1x8x128xf32, #tpu.memory_space<hbm>>
      %dma_start3A_1049 = tpu.memref_squeeze %dma_start3A_1048 : memref<1x1x1x8x128xf32, #tpu.memory_space<hbm>> -> memref<8x128xf32, #tpu.memory_space<hbm>>
      %dma_start3A_1050 = arith.constant 0 : i32
      %dma_start3A_1051 = arith.constant 0 : i32
      %dma_start3A_1052 = tpu.memref_slice %arg4[%select_n3A_994, %dma_start3A_1042, %rem3A_996, %dma_start3A_1050, %dma_start3A_1051] : memref<200x8x32x8x128xf32, #tpu.memory_space<hbm>> -> memref<1x1x1x8x128xf32, #tpu.memory_space<hbm>>
      %dma_start3A_1053 = tpu.memref_squeeze %dma_start3A_1052 : memref<1x1x1x8x128xf32, #tpu.memory_space<hbm>> -> memref<8x128xf32, #tpu.memory_space<hbm>>
      %dma_start3A_1054 = arith.constant 24 : i32
      %dma_start3A_1055 = arith.constant 0 : i32
      %dma_start3A_1056 = tpu.memref_slice %arg14[%dma_start3A_1054, %dma_start3A_1055] : memref<64x129xf32, #tpu.memory_space<vmem>> -> memref<8x128xf32, #tpu.memory_space<vmem>>
      tpu.enqueue_dma source(%dma_start3A_1056 : memref<8x128xf32, #tpu.memory_space<vmem>>) target(%dma_start3A_1053 : memref<8x128xf32, #tpu.memory_space<hbm>>) target_semaphore(%arg20 : memref<!tpu.dma_semaphore, #tpu.memory_space<semaphore_mem>>)
      %dma_start3A_1057 = arith.constant 4 : i32
      %dma_start3A_1058 = arith.constant 32 : i32
      %dma_start3A_1059 = arith.constant 0 : i32
      %dma_start3A_1060 = tpu.memref_slice %arg14[%dma_start3A_1058, %dma_start3A_1059] : memref<64x129xf32, #tpu.memory_space<vmem>> -> memref<8x128xf32, #tpu.memory_space<vmem>>
      %dma_start3A_1061 = arith.constant 0 : i32
      %dma_start3A_1062 = arith.constant 0 : i32
      %dma_start3A_1063 = tpu.memref_slice %arg4[%select_n3A_994, %dma_start3A_1057, %rem3A_996, %dma_start3A_1061, %dma_start3A_1062] : memref<200x8x32x8x128xf32, #tpu.memory_space<hbm>> -> memref<1x1x1x8x128xf32, #tpu.memory_space<hbm>>
      %dma_start3A_1064 = tpu.memref_squeeze %dma_start3A_1063 : memref<1x1x1x8x128xf32, #tpu.memory_space<hbm>> -> memref<8x128xf32, #tpu.memory_space<hbm>>
      %dma_start3A_1065 = arith.constant 0 : i32
      %dma_start3A_1066 = arith.constant 0 : i32
      %dma_start3A_1067 = tpu.memref_slice %arg4[%select_n3A_994, %dma_start3A_1057, %rem3A_996, %dma_start3A_1065, %dma_start3A_1066] : memref<200x8x32x8x128xf32, #tpu.memory_space<hbm>> -> memref<1x1x1x8x128xf32, #tpu.memory_space<hbm>>
      %dma_start3A_1068 = tpu.memref_squeeze %dma_start3A_1067 : memref<1x1x1x8x128xf32, #tpu.memory_space<hbm>> -> memref<8x128xf32, #tpu.memory_space<hbm>>
      %dma_start3A_1069 = arith.constant 32 : i32
      %dma_start3A_1070 = arith.constant 0 : i32
      %dma_start3A_1071 = tpu.memref_slice %arg14[%dma_start3A_1069, %dma_start3A_1070] : memref<64x129xf32, #tpu.memory_space<vmem>> -> memref<8x128xf32, #tpu.memory_space<vmem>>
      tpu.enqueue_dma source(%dma_start3A_1071 : memref<8x128xf32, #tpu.memory_space<vmem>>) target(%dma_start3A_1068 : memref<8x128xf32, #tpu.memory_space<hbm>>) target_semaphore(%arg20 : memref<!tpu.dma_semaphore, #tpu.memory_space<semaphore_mem>>)
      %dma_start3A_1072 = arith.constant 5 : i32
      %dma_start3A_1073 = arith.constant 40 : i32
      %dma_start3A_1074 = arith.constant 0 : i32
      %dma_start3A_1075 = tpu.memref_slice %arg14[%dma_start3A_1073, %dma_start3A_1074] : memref<64x129xf32, #tpu.memory_space<vmem>> -> memref<8x128xf32, #tpu.memory_space<vmem>>
      %dma_start3A_1076 = arith.constant 0 : i32
      %dma_start3A_1077 = arith.constant 0 : i32
      %dma_start3A_1078 = tpu.memref_slice %arg4[%select_n3A_994, %dma_start3A_1072, %rem3A_996, %dma_start3A_1076, %dma_start3A_1077] : memref<200x8x32x8x128xf32, #tpu.memory_space<hbm>> -> memref<1x1x1x8x128xf32, #tpu.memory_space<hbm>>
      %dma_start3A_1079 = tpu.memref_squeeze %dma_start3A_1078 : memref<1x1x1x8x128xf32, #tpu.memory_space<hbm>> -> memref<8x128xf32, #tpu.memory_space<hbm>>
      %dma_start3A_1080 = arith.constant 0 : i32
      %dma_start3A_1081 = arith.constant 0 : i32
      %dma_start3A_1082 = tpu.memref_slice %arg4[%select_n3A_994, %dma_start3A_1072, %rem3A_996, %dma_start3A_1080, %dma_start3A_1081] : memref<200x8x32x8x128xf32, #tpu.memory_space<hbm>> -> memref<1x1x1x8x128xf32, #tpu.memory_space<hbm>>
      %dma_start3A_1083 = tpu.memref_squeeze %dma_start3A_1082 : memref<1x1x1x8x128xf32, #tpu.memory_space<hbm>> -> memref<8x128xf32, #tpu.memory_space<hbm>>
      %dma_start3A_1084 = arith.constant 40 : i32
      %dma_start3A_1085 = arith.constant 0 : i32
      %dma_start3A_1086 = tpu.memref_slice %arg14[%dma_start3A_1084, %dma_start3A_1085] : memref<64x129xf32, #tpu.memory_space<vmem>> -> memref<8x128xf32, #tpu.memory_space<vmem>>
      tpu.enqueue_dma source(%dma_start3A_1086 : memref<8x128xf32, #tpu.memory_space<vmem>>) target(%dma_start3A_1083 : memref<8x128xf32, #tpu.memory_space<hbm>>) target_semaphore(%arg20 : memref<!tpu.dma_semaphore, #tpu.memory_space<semaphore_mem>>)
      %dma_start3A_1087 = arith.constant 6 : i32
      %dma_start3A_1088 = arith.constant 48 : i32
      %dma_start3A_1089 = arith.constant 0 : i32
      %dma_start3A_1090 = tpu.memref_slice %arg14[%dma_start3A_1088, %dma_start3A_1089] : memref<64x129xf32, #tpu.memory_space<vmem>> -> memref<8x128xf32, #tpu.memory_space<vmem>>
      %dma_start3A_1091 = arith.constant 0 : i32
      %dma_start3A_1092 = arith.constant 0 : i32
      %dma_start3A_1093 = tpu.memref_slice %arg4[%select_n3A_994, %dma_start3A_1087, %rem3A_996, %dma_start3A_1091, %dma_start3A_1092] : memref<200x8x32x8x128xf32, #tpu.memory_space<hbm>> -> memref<1x1x1x8x128xf32, #tpu.memory_space<hbm>>
      %dma_start3A_1094 = tpu.memref_squeeze %dma_start3A_1093 : memref<1x1x1x8x128xf32, #tpu.memory_space<hbm>> -> memref<8x128xf32, #tpu.memory_space<hbm>>
      %dma_start3A_1095 = arith.constant 0 : i32
      %dma_start3A_1096 = arith.constant 0 : i32
      %dma_start3A_1097 = tpu.memref_slice %arg4[%select_n3A_994, %dma_start3A_1087, %rem3A_996, %dma_start3A_1095, %dma_start3A_1096] : memref<200x8x32x8x128xf32, #tpu.memory_space<hbm>> -> memref<1x1x1x8x128xf32, #tpu.memory_space<hbm>>
      %dma_start3A_1098 = tpu.memref_squeeze %dma_start3A_1097 : memref<1x1x1x8x128xf32, #tpu.memory_space<hbm>> -> memref<8x128xf32, #tpu.memory_space<hbm>>
      %dma_start3A_1099 = arith.constant 48 : i32
      %dma_start3A_1100 = arith.constant 0 : i32
      %dma_start3A_1101 = tpu.memref_slice %arg14[%dma_start3A_1099, %dma_start3A_1100] : memref<64x129xf32, #tpu.memory_space<vmem>> -> memref<8x128xf32, #tpu.memory_space<vmem>>
      tpu.enqueue_dma source(%dma_start3A_1101 : memref<8x128xf32, #tpu.memory_space<vmem>>) target(%dma_start3A_1098 : memref<8x128xf32, #tpu.memory_space<hbm>>) target_semaphore(%arg20 : memref<!tpu.dma_semaphore, #tpu.memory_space<semaphore_mem>>)
      %dma_start3A_1102 = arith.constant 7 : i32
      %dma_start3A_1103 = arith.constant 56 : i32
      %dma_start3A_1104 = arith.constant 0 : i32
      %dma_start3A_1105 = tpu.memref_slice %arg14[%dma_start3A_1103, %dma_start3A_1104] : memref<64x129xf32, #tpu.memory_space<vmem>> -> memref<8x128xf32, #tpu.memory_space<vmem>>
      %dma_start3A_1106 = arith.constant 0 : i32
      %dma_start3A_1107 = arith.constant 0 : i32
      %dma_start3A_1108 = tpu.memref_slice %arg4[%select_n3A_994, %dma_start3A_1102, %rem3A_996, %dma_start3A_1106, %dma_start3A_1107] : memref<200x8x32x8x128xf32, #tpu.memory_space<hbm>> -> memref<1x1x1x8x128xf32, #tpu.memory_space<hbm>>
      %dma_start3A_1109 = tpu.memref_squeeze %dma_start3A_1108 : memref<1x1x1x8x128xf32, #tpu.memory_space<hbm>> -> memref<8x128xf32, #tpu.memory_space<hbm>>
      %dma_start3A_1110 = arith.constant 0 : i32
      %dma_start3A_1111 = arith.constant 0 : i32
      %dma_start3A_1112 = tpu.memref_slice %arg4[%select_n3A_994, %dma_start3A_1102, %rem3A_996, %dma_start3A_1110, %dma_start3A_1111] : memref<200x8x32x8x128xf32, #tpu.memory_space<hbm>> -> memref<1x1x1x8x128xf32, #tpu.memory_space<hbm>>
      %dma_start3A_1113 = tpu.memref_squeeze %dma_start3A_1112 : memref<1x1x1x8x128xf32, #tpu.memory_space<hbm>> -> memref<8x128xf32, #tpu.memory_space<hbm>>
      %dma_start3A_1114 = arith.constant 56 : i32
      %dma_start3A_1115 = arith.constant 0 : i32
      %dma_start3A_1116 = tpu.memref_slice %arg14[%dma_start3A_1114, %dma_start3A_1115] : memref<64x129xf32, #tpu.memory_space<vmem>> -> memref<8x128xf32, #tpu.memory_space<vmem>>
      tpu.enqueue_dma source(%dma_start3A_1116 : memref<8x128xf32, #tpu.memory_space<vmem>>) target(%dma_start3A_1113 : memref<8x128xf32, #tpu.memory_space<hbm>>) target_semaphore(%arg20 : memref<!tpu.dma_semaphore, #tpu.memory_space<semaphore_mem>>)
    }
    %scan3A_140 = arith.constant 50 : i32
    %dma_wait3A = arith.constant 0 : i32
    %dma_wait3A_141 = arith.constant 0 : i32
    %dma_wait3A_142 = arith.constant 0 : i32
    %dma_wait3A_143 = arith.constant 0 : i32
    %dma_wait3A_144 = arith.constant 0 : i32
    %dma_wait3A_145 = tpu.memref_slice %arg13[%dma_wait3A_143, %dma_wait3A_144] : memref<64x129xf32, #tpu.memory_space<vmem>> -> memref<8x128xf32, #tpu.memory_space<vmem>>
    %dma_wait3A_146 = arith.constant 0 : i32
    %dma_wait3A_147 = arith.constant 0 : i32
    %dma_wait3A_148 = tpu.memref_slice %arg4[%dma_wait3A, %dma_wait3A_141, %dma_wait3A_142, %dma_wait3A_146, %dma_wait3A_147] : memref<200x8x32x8x128xf32, #tpu.memory_space<hbm>> -> memref<1x1x1x8x128xf32, #tpu.memory_space<hbm>>
    %dma_wait3A_149 = tpu.memref_squeeze %dma_wait3A_148 : memref<1x1x1x8x128xf32, #tpu.memory_space<hbm>> -> memref<8x128xf32, #tpu.memory_space<hbm>>
    %dma_wait3A_150 = arith.constant 0 : i32
    %dma_wait3A_151 = arith.constant 0 : i32
    %dma_wait3A_152 = tpu.memref_slice %arg13[%dma_wait3A_150, %dma_wait3A_151] : memref<64x129xf32, #tpu.memory_space<vmem>> -> memref<8x128xf32, #tpu.memory_space<vmem>>
    %dma_wait3A_153 = arith.constant 0 : i32
    %dma_wait3A_154 = arith.constant 0 : i32
    %dma_wait3A_155 = tpu.memref_slice %arg4[%dma_wait3A, %dma_wait3A_141, %dma_wait3A_142, %dma_wait3A_153, %dma_wait3A_154] : memref<200x8x32x8x128xf32, #tpu.memory_space<hbm>> -> memref<1x1x1x8x128xf32, #tpu.memory_space<hbm>>
    %dma_wait3A_156 = tpu.memref_squeeze %dma_wait3A_155 : memref<1x1x1x8x128xf32, #tpu.memory_space<hbm>> -> memref<8x128xf32, #tpu.memory_space<hbm>>
    tpu.wait_dma2 semaphore(%arg19 : memref<!tpu.dma_semaphore, #tpu.memory_space<semaphore_mem>>) src(%dma_wait3A_156 : memref<8x128xf32, #tpu.memory_space<hbm>>) dst(%dma_wait3A_152 : memref<8x128xf32, #tpu.memory_space<vmem>>)
    %dma_wait3A_157 = arith.constant 0 : i32
    %dma_wait3A_158 = arith.constant 0 : i32
    %dma_wait3A_159 = arith.constant 0 : i32
    %dma_wait3A_160 = arith.constant 0 : i32
    %dma_wait3A_161 = arith.constant 0 : i32
    %dma_wait3A_162 = tpu.memref_slice %arg13[%dma_wait3A_160, %dma_wait3A_161] : memref<64x129xf32, #tpu.memory_space<vmem>> -> memref<8x128xf32, #tpu.memory_space<vmem>>
    %dma_wait3A_163 = arith.constant 0 : i32
    %dma_wait3A_164 = arith.constant 0 : i32
    %dma_wait3A_165 = tpu.memref_slice %arg4[%dma_wait3A_157, %dma_wait3A_158, %dma_wait3A_159, %dma_wait3A_163, %dma_wait3A_164] : memref<200x8x32x8x128xf32, #tpu.memory_space<hbm>> -> memref<1x1x1x8x128xf32, #tpu.memory_space<hbm>>
    %dma_wait3A_166 = tpu.memref_squeeze %dma_wait3A_165 : memref<1x1x1x8x128xf32, #tpu.memory_space<hbm>> -> memref<8x128xf32, #tpu.memory_space<hbm>>
    %dma_wait3A_167 = arith.constant 0 : i32
    %dma_wait3A_168 = arith.constant 0 : i32
    %dma_wait3A_169 = tpu.memref_slice %arg13[%dma_wait3A_167, %dma_wait3A_168] : memref<64x129xf32, #tpu.memory_space<vmem>> -> memref<8x128xf32, #tpu.memory_space<vmem>>
    %dma_wait3A_170 = arith.constant 0 : i32
    %dma_wait3A_171 = arith.constant 0 : i32
    %dma_wait3A_172 = tpu.memref_slice %arg4[%dma_wait3A_157, %dma_wait3A_158, %dma_wait3A_159, %dma_wait3A_170, %dma_wait3A_171] : memref<200x8x32x8x128xf32, #tpu.memory_space<hbm>> -> memref<1x1x1x8x128xf32, #tpu.memory_space<hbm>>
    %dma_wait3A_173 = tpu.memref_squeeze %dma_wait3A_172 : memref<1x1x1x8x128xf32, #tpu.memory_space<hbm>> -> memref<8x128xf32, #tpu.memory_space<hbm>>
    tpu.wait_dma2 semaphore(%arg19 : memref<!tpu.dma_semaphore, #tpu.memory_space<semaphore_mem>>) src(%dma_wait3A_173 : memref<8x128xf32, #tpu.memory_space<hbm>>) dst(%dma_wait3A_169 : memref<8x128xf32, #tpu.memory_space<vmem>>)
    %dma_wait3A_174 = arith.constant 0 : i32
    %dma_wait3A_175 = arith.constant 0 : i32
    %dma_wait3A_176 = arith.constant 0 : i32
    %dma_wait3A_177 = arith.constant 0 : i32
    %dma_wait3A_178 = arith.constant 0 : i32
    %dma_wait3A_179 = tpu.memref_slice %arg13[%dma_wait3A_177, %dma_wait3A_178] : memref<64x129xf32, #tpu.memory_space<vmem>> -> memref<8x128xf32, #tpu.memory_space<vmem>>
    %dma_wait3A_180 = arith.constant 0 : i32
    %dma_wait3A_181 = arith.constant 0 : i32
    %dma_wait3A_182 = tpu.memref_slice %arg4[%dma_wait3A_174, %dma_wait3A_175, %dma_wait3A_176, %dma_wait3A_180, %dma_wait3A_181] : memref<200x8x32x8x128xf32, #tpu.memory_space<hbm>> -> memref<1x1x1x8x128xf32, #tpu.memory_space<hbm>>
    %dma_wait3A_183 = tpu.memref_squeeze %dma_wait3A_182 : memref<1x1x1x8x128xf32, #tpu.memory_space<hbm>> -> memref<8x128xf32, #tpu.memory_space<hbm>>
    %dma_wait3A_184 = arith.constant 0 : i32
    %dma_wait3A_185 = arith.constant 0 : i32
    %dma_wait3A_186 = tpu.memref_slice %arg13[%dma_wait3A_184, %dma_wait3A_185] : memref<64x129xf32, #tpu.memory_space<vmem>> -> memref<8x128xf32, #tpu.memory_space<vmem>>
    %dma_wait3A_187 = arith.constant 0 : i32
    %dma_wait3A_188 = arith.constant 0 : i32
    %dma_wait3A_189 = tpu.memref_slice %arg4[%dma_wait3A_174, %dma_wait3A_175, %dma_wait3A_176, %dma_wait3A_187, %dma_wait3A_188] : memref<200x8x32x8x128xf32, #tpu.memory_space<hbm>> -> memref<1x1x1x8x128xf32, #tpu.memory_space<hbm>>
    %dma_wait3A_190 = tpu.memref_squeeze %dma_wait3A_189 : memref<1x1x1x8x128xf32, #tpu.memory_space<hbm>> -> memref<8x128xf32, #tpu.memory_space<hbm>>
    tpu.wait_dma2 semaphore(%arg19 : memref<!tpu.dma_semaphore, #tpu.memory_space<semaphore_mem>>) src(%dma_wait3A_190 : memref<8x128xf32, #tpu.memory_space<hbm>>) dst(%dma_wait3A_186 : memref<8x128xf32, #tpu.memory_space<vmem>>)
    %dma_wait3A_191 = arith.constant 0 : i32
    %dma_wait3A_192 = arith.constant 0 : i32
    %dma_wait3A_193 = arith.constant 0 : i32
    %dma_wait3A_194 = arith.constant 0 : i32
    %dma_wait3A_195 = arith.constant 0 : i32
    %dma_wait3A_196 = tpu.memref_slice %arg13[%dma_wait3A_194, %dma_wait3A_195] : memref<64x129xf32, #tpu.memory_space<vmem>> -> memref<8x128xf32, #tpu.memory_space<vmem>>
    %dma_wait3A_197 = arith.constant 0 : i32
    %dma_wait3A_198 = arith.constant 0 : i32
    %dma_wait3A_199 = tpu.memref_slice %arg4[%dma_wait3A_191, %dma_wait3A_192, %dma_wait3A_193, %dma_wait3A_197, %dma_wait3A_198] : memref<200x8x32x8x128xf32, #tpu.memory_space<hbm>> -> memref<1x1x1x8x128xf32, #tpu.memory_space<hbm>>
    %dma_wait3A_200 = tpu.memref_squeeze %dma_wait3A_199 : memref<1x1x1x8x128xf32, #tpu.memory_space<hbm>> -> memref<8x128xf32, #tpu.memory_space<hbm>>
    %dma_wait3A_201 = arith.constant 0 : i32
    %dma_wait3A_202 = arith.constant 0 : i32
    %dma_wait3A_203 = tpu.memref_slice %arg13[%dma_wait3A_201, %dma_wait3A_202] : memref<64x129xf32, #tpu.memory_space<vmem>> -> memref<8x128xf32, #tpu.memory_space<vmem>>
    %dma_wait3A_204 = arith.constant 0 : i32
    %dma_wait3A_205 = arith.constant 0 : i32
    %dma_wait3A_206 = tpu.memref_slice %arg4[%dma_wait3A_191, %dma_wait3A_192, %dma_wait3A_193, %dma_wait3A_204, %dma_wait3A_205] : memref<200x8x32x8x128xf32, #tpu.memory_space<hbm>> -> memref<1x1x1x8x128xf32, #tpu.memory_space<hbm>>
    %dma_wait3A_207 = tpu.memref_squeeze %dma_wait3A_206 : memref<1x1x1x8x128xf32, #tpu.memory_space<hbm>> -> memref<8x128xf32, #tpu.memory_space<hbm>>
    tpu.wait_dma2 semaphore(%arg19 : memref<!tpu.dma_semaphore, #tpu.memory_space<semaphore_mem>>) src(%dma_wait3A_207 : memref<8x128xf32, #tpu.memory_space<hbm>>) dst(%dma_wait3A_203 : memref<8x128xf32, #tpu.memory_space<vmem>>)
    %dma_wait3A_208 = arith.constant 0 : i32
    %dma_wait3A_209 = arith.constant 0 : i32
    %dma_wait3A_210 = arith.constant 0 : i32
    %dma_wait3A_211 = arith.constant 0 : i32
    %dma_wait3A_212 = arith.constant 0 : i32
    %dma_wait3A_213 = tpu.memref_slice %arg13[%dma_wait3A_211, %dma_wait3A_212] : memref<64x129xf32, #tpu.memory_space<vmem>> -> memref<8x128xf32, #tpu.memory_space<vmem>>
    %dma_wait3A_214 = arith.constant 0 : i32
    %dma_wait3A_215 = arith.constant 0 : i32
    %dma_wait3A_216 = tpu.memref_slice %arg4[%dma_wait3A_208, %dma_wait3A_209, %dma_wait3A_210, %dma_wait3A_214, %dma_wait3A_215] : memref<200x8x32x8x128xf32, #tpu.memory_space<hbm>> -> memref<1x1x1x8x128xf32, #tpu.memory_space<hbm>>
    %dma_wait3A_217 = tpu.memref_squeeze %dma_wait3A_216 : memref<1x1x1x8x128xf32, #tpu.memory_space<hbm>> -> memref<8x128xf32, #tpu.memory_space<hbm>>
    %dma_wait3A_218 = arith.constant 0 : i32
    %dma_wait3A_219 = arith.constant 0 : i32
    %dma_wait3A_220 = tpu.memref_slice %arg13[%dma_wait3A_218, %dma_wait3A_219] : memref<64x129xf32, #tpu.memory_space<vmem>> -> memref<8x128xf32, #tpu.memory_space<vmem>>
    %dma_wait3A_221 = arith.constant 0 : i32
    %dma_wait3A_222 = arith.constant 0 : i32
    %dma_wait3A_223 = tpu.memref_slice %arg4[%dma_wait3A_208, %dma_wait3A_209, %dma_wait3A_210, %dma_wait3A_221, %dma_wait3A_222] : memref<200x8x32x8x128xf32, #tpu.memory_space<hbm>> -> memref<1x1x1x8x128xf32, #tpu.memory_space<hbm>>
    %dma_wait3A_224 = tpu.memref_squeeze %dma_wait3A_223 : memref<1x1x1x8x128xf32, #tpu.memory_space<hbm>> -> memref<8x128xf32, #tpu.memory_space<hbm>>
    tpu.wait_dma2 semaphore(%arg19 : memref<!tpu.dma_semaphore, #tpu.memory_space<semaphore_mem>>) src(%dma_wait3A_224 : memref<8x128xf32, #tpu.memory_space<hbm>>) dst(%dma_wait3A_220 : memref<8x128xf32, #tpu.memory_space<vmem>>)
    %dma_wait3A_225 = arith.constant 0 : i32
    %dma_wait3A_226 = arith.constant 0 : i32
    %dma_wait3A_227 = arith.constant 0 : i32
    %dma_wait3A_228 = arith.constant 0 : i32
    %dma_wait3A_229 = arith.constant 0 : i32
    %dma_wait3A_230 = tpu.memref_slice %arg13[%dma_wait3A_228, %dma_wait3A_229] : memref<64x129xf32, #tpu.memory_space<vmem>> -> memref<8x128xf32, #tpu.memory_space<vmem>>
    %dma_wait3A_231 = arith.constant 0 : i32
    %dma_wait3A_232 = arith.constant 0 : i32
    %dma_wait3A_233 = tpu.memref_slice %arg4[%dma_wait3A_225, %dma_wait3A_226, %dma_wait3A_227, %dma_wait3A_231, %dma_wait3A_232] : memref<200x8x32x8x128xf32, #tpu.memory_space<hbm>> -> memref<1x1x1x8x128xf32, #tpu.memory_space<hbm>>
    %dma_wait3A_234 = tpu.memref_squeeze %dma_wait3A_233 : memref<1x1x1x8x128xf32, #tpu.memory_space<hbm>> -> memref<8x128xf32, #tpu.memory_space<hbm>>
    %dma_wait3A_235 = arith.constant 0 : i32
    %dma_wait3A_236 = arith.constant 0 : i32
    %dma_wait3A_237 = tpu.memref_slice %arg13[%dma_wait3A_235, %dma_wait3A_236] : memref<64x129xf32, #tpu.memory_space<vmem>> -> memref<8x128xf32, #tpu.memory_space<vmem>>
    %dma_wait3A_238 = arith.constant 0 : i32
    %dma_wait3A_239 = arith.constant 0 : i32
    %dma_wait3A_240 = tpu.memref_slice %arg4[%dma_wait3A_225, %dma_wait3A_226, %dma_wait3A_227, %dma_wait3A_238, %dma_wait3A_239] : memref<200x8x32x8x128xf32, #tpu.memory_space<hbm>> -> memref<1x1x1x8x128xf32, #tpu.memory_space<hbm>>
    %dma_wait3A_241 = tpu.memref_squeeze %dma_wait3A_240 : memref<1x1x1x8x128xf32, #tpu.memory_space<hbm>> -> memref<8x128xf32, #tpu.memory_space<hbm>>
    tpu.wait_dma2 semaphore(%arg19 : memref<!tpu.dma_semaphore, #tpu.memory_space<semaphore_mem>>) src(%dma_wait3A_241 : memref<8x128xf32, #tpu.memory_space<hbm>>) dst(%dma_wait3A_237 : memref<8x128xf32, #tpu.memory_space<vmem>>)
    %dma_wait3A_242 = arith.constant 0 : i32
    %dma_wait3A_243 = arith.constant 0 : i32
    %dma_wait3A_244 = arith.constant 0 : i32
    %dma_wait3A_245 = arith.constant 0 : i32
    %dma_wait3A_246 = arith.constant 0 : i32
    %dma_wait3A_247 = tpu.memref_slice %arg13[%dma_wait3A_245, %dma_wait3A_246] : memref<64x129xf32, #tpu.memory_space<vmem>> -> memref<8x128xf32, #tpu.memory_space<vmem>>
    %dma_wait3A_248 = arith.constant 0 : i32
    %dma_wait3A_249 = arith.constant 0 : i32
    %dma_wait3A_250 = tpu.memref_slice %arg4[%dma_wait3A_242, %dma_wait3A_243, %dma_wait3A_244, %dma_wait3A_248, %dma_wait3A_249] : memref<200x8x32x8x128xf32, #tpu.memory_space<hbm>> -> memref<1x1x1x8x128xf32, #tpu.memory_space<hbm>>
    %dma_wait3A_251 = tpu.memref_squeeze %dma_wait3A_250 : memref<1x1x1x8x128xf32, #tpu.memory_space<hbm>> -> memref<8x128xf32, #tpu.memory_space<hbm>>
    %dma_wait3A_252 = arith.constant 0 : i32
    %dma_wait3A_253 = arith.constant 0 : i32
    %dma_wait3A_254 = tpu.memref_slice %arg13[%dma_wait3A_252, %dma_wait3A_253] : memref<64x129xf32, #tpu.memory_space<vmem>> -> memref<8x128xf32, #tpu.memory_space<vmem>>
    %dma_wait3A_255 = arith.constant 0 : i32
    %dma_wait3A_256 = arith.constant 0 : i32
    %dma_wait3A_257 = tpu.memref_slice %arg4[%dma_wait3A_242, %dma_wait3A_243, %dma_wait3A_244, %dma_wait3A_255, %dma_wait3A_256] : memref<200x8x32x8x128xf32, #tpu.memory_space<hbm>> -> memref<1x1x1x8x128xf32, #tpu.memory_space<hbm>>
    %dma_wait3A_258 = tpu.memref_squeeze %dma_wait3A_257 : memref<1x1x1x8x128xf32, #tpu.memory_space<hbm>> -> memref<8x128xf32, #tpu.memory_space<hbm>>
    tpu.wait_dma2 semaphore(%arg19 : memref<!tpu.dma_semaphore, #tpu.memory_space<semaphore_mem>>) src(%dma_wait3A_258 : memref<8x128xf32, #tpu.memory_space<hbm>>) dst(%dma_wait3A_254 : memref<8x128xf32, #tpu.memory_space<vmem>>)
    %dma_wait3A_259 = arith.constant 0 : i32
    %dma_wait3A_260 = arith.constant 0 : i32
    %dma_wait3A_261 = arith.constant 0 : i32
    %dma_wait3A_262 = arith.constant 0 : i32
    %dma_wait3A_263 = arith.constant 0 : i32
    %dma_wait3A_264 = tpu.memref_slice %arg13[%dma_wait3A_262, %dma_wait3A_263] : memref<64x129xf32, #tpu.memory_space<vmem>> -> memref<8x128xf32, #tpu.memory_space<vmem>>
    %dma_wait3A_265 = arith.constant 0 : i32
    %dma_wait3A_266 = arith.constant 0 : i32
    %dma_wait3A_267 = tpu.memref_slice %arg4[%dma_wait3A_259, %dma_wait3A_260, %dma_wait3A_261, %dma_wait3A_265, %dma_wait3A_266] : memref<200x8x32x8x128xf32, #tpu.memory_space<hbm>> -> memref<1x1x1x8x128xf32, #tpu.memory_space<hbm>>
    %dma_wait3A_268 = tpu.memref_squeeze %dma_wait3A_267 : memref<1x1x1x8x128xf32, #tpu.memory_space<hbm>> -> memref<8x128xf32, #tpu.memory_space<hbm>>
    %dma_wait3A_269 = arith.constant 0 : i32
    %dma_wait3A_270 = arith.constant 0 : i32
    %dma_wait3A_271 = tpu.memref_slice %arg13[%dma_wait3A_269, %dma_wait3A_270] : memref<64x129xf32, #tpu.memory_space<vmem>> -> memref<8x128xf32, #tpu.memory_space<vmem>>
    %dma_wait3A_272 = arith.constant 0 : i32
    %dma_wait3A_273 = arith.constant 0 : i32
    %dma_wait3A_274 = tpu.memref_slice %arg4[%dma_wait3A_259, %dma_wait3A_260, %dma_wait3A_261, %dma_wait3A_272, %dma_wait3A_273] : memref<200x8x32x8x128xf32, #tpu.memory_space<hbm>> -> memref<1x1x1x8x128xf32, #tpu.memory_space<hbm>>
    %dma_wait3A_275 = tpu.memref_squeeze %dma_wait3A_274 : memref<1x1x1x8x128xf32, #tpu.memory_space<hbm>> -> memref<8x128xf32, #tpu.memory_space<hbm>>
    tpu.wait_dma2 semaphore(%arg19 : memref<!tpu.dma_semaphore, #tpu.memory_space<semaphore_mem>>) src(%dma_wait3A_275 : memref<8x128xf32, #tpu.memory_space<hbm>>) dst(%dma_wait3A_271 : memref<8x128xf32, #tpu.memory_space<vmem>>)
    %dma_wait3A_276 = arith.constant 0 : i32
    %dma_wait3A_277 = arith.constant 0 : i32
    %dma_wait3A_278 = arith.constant 0 : i32
    %dma_wait3A_279 = arith.constant 0 : i32
    %dma_wait3A_280 = arith.constant 0 : i32
    %dma_wait3A_281 = tpu.memref_slice %arg14[%dma_wait3A_279, %dma_wait3A_280] : memref<64x129xf32, #tpu.memory_space<vmem>> -> memref<8x128xf32, #tpu.memory_space<vmem>>
    %dma_wait3A_282 = arith.constant 0 : i32
    %dma_wait3A_283 = arith.constant 0 : i32
    %dma_wait3A_284 = tpu.memref_slice %arg4[%dma_wait3A_276, %dma_wait3A_277, %dma_wait3A_278, %dma_wait3A_282, %dma_wait3A_283] : memref<200x8x32x8x128xf32, #tpu.memory_space<hbm>> -> memref<1x1x1x8x128xf32, #tpu.memory_space<hbm>>
    %dma_wait3A_285 = tpu.memref_squeeze %dma_wait3A_284 : memref<1x1x1x8x128xf32, #tpu.memory_space<hbm>> -> memref<8x128xf32, #tpu.memory_space<hbm>>
    %dma_wait3A_286 = arith.constant 0 : i32
    %dma_wait3A_287 = arith.constant 0 : i32
    %dma_wait3A_288 = tpu.memref_slice %arg14[%dma_wait3A_286, %dma_wait3A_287] : memref<64x129xf32, #tpu.memory_space<vmem>> -> memref<8x128xf32, #tpu.memory_space<vmem>>
    %dma_wait3A_289 = arith.constant 0 : i32
    %dma_wait3A_290 = arith.constant 0 : i32
    %dma_wait3A_291 = tpu.memref_slice %arg4[%dma_wait3A_276, %dma_wait3A_277, %dma_wait3A_278, %dma_wait3A_289, %dma_wait3A_290] : memref<200x8x32x8x128xf32, #tpu.memory_space<hbm>> -> memref<1x1x1x8x128xf32, #tpu.memory_space<hbm>>
    %dma_wait3A_292 = tpu.memref_squeeze %dma_wait3A_291 : memref<1x1x1x8x128xf32, #tpu.memory_space<hbm>> -> memref<8x128xf32, #tpu.memory_space<hbm>>
    tpu.wait_dma2 semaphore(%arg20 : memref<!tpu.dma_semaphore, #tpu.memory_space<semaphore_mem>>) src(%dma_wait3A_292 : memref<8x128xf32, #tpu.memory_space<hbm>>) dst(%dma_wait3A_288 : memref<8x128xf32, #tpu.memory_space<vmem>>)
    %dma_wait3A_293 = arith.constant 0 : i32
    %dma_wait3A_294 = arith.constant 0 : i32
    %dma_wait3A_295 = arith.constant 0 : i32
    %dma_wait3A_296 = arith.constant 0 : i32
    %dma_wait3A_297 = arith.constant 0 : i32
    %dma_wait3A_298 = tpu.memref_slice %arg14[%dma_wait3A_296, %dma_wait3A_297] : memref<64x129xf32, #tpu.memory_space<vmem>> -> memref<8x128xf32, #tpu.memory_space<vmem>>
    %dma_wait3A_299 = arith.constant 0 : i32
    %dma_wait3A_300 = arith.constant 0 : i32
    %dma_wait3A_301 = tpu.memref_slice %arg4[%dma_wait3A_293, %dma_wait3A_294, %dma_wait3A_295, %dma_wait3A_299, %dma_wait3A_300] : memref<200x8x32x8x128xf32, #tpu.memory_space<hbm>> -> memref<1x1x1x8x128xf32, #tpu.memory_space<hbm>>
    %dma_wait3A_302 = tpu.memref_squeeze %dma_wait3A_301 : memref<1x1x1x8x128xf32, #tpu.memory_space<hbm>> -> memref<8x128xf32, #tpu.memory_space<hbm>>
    %dma_wait3A_303 = arith.constant 0 : i32
    %dma_wait3A_304 = arith.constant 0 : i32
    %dma_wait3A_305 = tpu.memref_slice %arg14[%dma_wait3A_303, %dma_wait3A_304] : memref<64x129xf32, #tpu.memory_space<vmem>> -> memref<8x128xf32, #tpu.memory_space<vmem>>
    %dma_wait3A_306 = arith.constant 0 : i32
    %dma_wait3A_307 = arith.constant 0 : i32
    %dma_wait3A_308 = tpu.memref_slice %arg4[%dma_wait3A_293, %dma_wait3A_294, %dma_wait3A_295, %dma_wait3A_306, %dma_wait3A_307] : memref<200x8x32x8x128xf32, #tpu.memory_space<hbm>> -> memref<1x1x1x8x128xf32, #tpu.memory_space<hbm>>
    %dma_wait3A_309 = tpu.memref_squeeze %dma_wait3A_308 : memref<1x1x1x8x128xf32, #tpu.memory_space<hbm>> -> memref<8x128xf32, #tpu.memory_space<hbm>>
    tpu.wait_dma2 semaphore(%arg20 : memref<!tpu.dma_semaphore, #tpu.memory_space<semaphore_mem>>) src(%dma_wait3A_309 : memref<8x128xf32, #tpu.memory_space<hbm>>) dst(%dma_wait3A_305 : memref<8x128xf32, #tpu.memory_space<vmem>>)
    %dma_wait3A_310 = arith.constant 0 : i32
    %dma_wait3A_311 = arith.constant 0 : i32
    %dma_wait3A_312 = arith.constant 0 : i32
    %dma_wait3A_313 = arith.constant 0 : i32
    %dma_wait3A_314 = arith.constant 0 : i32
    %dma_wait3A_315 = tpu.memref_slice %arg14[%dma_wait3A_313, %dma_wait3A_314] : memref<64x129xf32, #tpu.memory_space<vmem>> -> memref<8x128xf32, #tpu.memory_space<vmem>>
    %dma_wait3A_316 = arith.constant 0 : i32
    %dma_wait3A_317 = arith.constant 0 : i32
    %dma_wait3A_318 = tpu.memref_slice %arg4[%dma_wait3A_310, %dma_wait3A_311, %dma_wait3A_312, %dma_wait3A_316, %dma_wait3A_317] : memref<200x8x32x8x128xf32, #tpu.memory_space<hbm>> -> memref<1x1x1x8x128xf32, #tpu.memory_space<hbm>>
    %dma_wait3A_319 = tpu.memref_squeeze %dma_wait3A_318 : memref<1x1x1x8x128xf32, #tpu.memory_space<hbm>> -> memref<8x128xf32, #tpu.memory_space<hbm>>
    %dma_wait3A_320 = arith.constant 0 : i32
    %dma_wait3A_321 = arith.constant 0 : i32
    %dma_wait3A_322 = tpu.memref_slice %arg14[%dma_wait3A_320, %dma_wait3A_321] : memref<64x129xf32, #tpu.memory_space<vmem>> -> memref<8x128xf32, #tpu.memory_space<vmem>>
    %dma_wait3A_323 = arith.constant 0 : i32
    %dma_wait3A_324 = arith.constant 0 : i32
    %dma_wait3A_325 = tpu.memref_slice %arg4[%dma_wait3A_310, %dma_wait3A_311, %dma_wait3A_312, %dma_wait3A_323, %dma_wait3A_324] : memref<200x8x32x8x128xf32, #tpu.memory_space<hbm>> -> memref<1x1x1x8x128xf32, #tpu.memory_space<hbm>>
    %dma_wait3A_326 = tpu.memref_squeeze %dma_wait3A_325 : memref<1x1x1x8x128xf32, #tpu.memory_space<hbm>> -> memref<8x128xf32, #tpu.memory_space<hbm>>
    tpu.wait_dma2 semaphore(%arg20 : memref<!tpu.dma_semaphore, #tpu.memory_space<semaphore_mem>>) src(%dma_wait3A_326 : memref<8x128xf32, #tpu.memory_space<hbm>>) dst(%dma_wait3A_322 : memref<8x128xf32, #tpu.memory_space<vmem>>)
    %dma_wait3A_327 = arith.constant 0 : i32
    %dma_wait3A_328 = arith.constant 0 : i32
    %dma_wait3A_329 = arith.constant 0 : i32
    %dma_wait3A_330 = arith.constant 0 : i32
    %dma_wait3A_331 = arith.constant 0 : i32
    %dma_wait3A_332 = tpu.memref_slice %arg14[%dma_wait3A_330, %dma_wait3A_331] : memref<64x129xf32, #tpu.memory_space<vmem>> -> memref<8x128xf32, #tpu.memory_space<vmem>>
    %dma_wait3A_333 = arith.constant 0 : i32
    %dma_wait3A_334 = arith.constant 0 : i32
    %dma_wait3A_335 = tpu.memref_slice %arg4[%dma_wait3A_327, %dma_wait3A_328, %dma_wait3A_329, %dma_wait3A_333, %dma_wait3A_334] : memref<200x8x32x8x128xf32, #tpu.memory_space<hbm>> -> memref<1x1x1x8x128xf32, #tpu.memory_space<hbm>>
    %dma_wait3A_336 = tpu.memref_squeeze %dma_wait3A_335 : memref<1x1x1x8x128xf32, #tpu.memory_space<hbm>> -> memref<8x128xf32, #tpu.memory_space<hbm>>
    %dma_wait3A_337 = arith.constant 0 : i32
    %dma_wait3A_338 = arith.constant 0 : i32
    %dma_wait3A_339 = tpu.memref_slice %arg14[%dma_wait3A_337, %dma_wait3A_338] : memref<64x129xf32, #tpu.memory_space<vmem>> -> memref<8x128xf32, #tpu.memory_space<vmem>>
    %dma_wait3A_340 = arith.constant 0 : i32
    %dma_wait3A_341 = arith.constant 0 : i32
    %dma_wait3A_342 = tpu.memref_slice %arg4[%dma_wait3A_327, %dma_wait3A_328, %dma_wait3A_329, %dma_wait3A_340, %dma_wait3A_341] : memref<200x8x32x8x128xf32, #tpu.memory_space<hbm>> -> memref<1x1x1x8x128xf32, #tpu.memory_space<hbm>>
    %dma_wait3A_343 = tpu.memref_squeeze %dma_wait3A_342 : memref<1x1x1x8x128xf32, #tpu.memory_space<hbm>> -> memref<8x128xf32, #tpu.memory_space<hbm>>
    tpu.wait_dma2 semaphore(%arg20 : memref<!tpu.dma_semaphore, #tpu.memory_space<semaphore_mem>>) src(%dma_wait3A_343 : memref<8x128xf32, #tpu.memory_space<hbm>>) dst(%dma_wait3A_339 : memref<8x128xf32, #tpu.memory_space<vmem>>)
    %dma_wait3A_344 = arith.constant 0 : i32
    %dma_wait3A_345 = arith.constant 0 : i32
    %dma_wait3A_346 = arith.constant 0 : i32
    %dma_wait3A_347 = arith.constant 0 : i32
    %dma_wait3A_348 = arith.constant 0 : i32
    %dma_wait3A_349 = tpu.memref_slice %arg14[%dma_wait3A_347, %dma_wait3A_348] : memref<64x129xf32, #tpu.memory_space<vmem>> -> memref<8x128xf32, #tpu.memory_space<vmem>>
    %dma_wait3A_350 = arith.constant 0 : i32
    %dma_wait3A_351 = arith.constant 0 : i32
    %dma_wait3A_352 = tpu.memref_slice %arg4[%dma_wait3A_344, %dma_wait3A_345, %dma_wait3A_346, %dma_wait3A_350, %dma_wait3A_351] : memref<200x8x32x8x128xf32, #tpu.memory_space<hbm>> -> memref<1x1x1x8x128xf32, #tpu.memory_space<hbm>>
    %dma_wait3A_353 = tpu.memref_squeeze %dma_wait3A_352 : memref<1x1x1x8x128xf32, #tpu.memory_space<hbm>> -> memref<8x128xf32, #tpu.memory_space<hbm>>
    %dma_wait3A_354 = arith.constant 0 : i32
    %dma_wait3A_355 = arith.constant 0 : i32
    %dma_wait3A_356 = tpu.memref_slice %arg14[%dma_wait3A_354, %dma_wait3A_355] : memref<64x129xf32, #tpu.memory_space<vmem>> -> memref<8x128xf32, #tpu.memory_space<vmem>>
    %dma_wait3A_357 = arith.constant 0 : i32
    %dma_wait3A_358 = arith.constant 0 : i32
    %dma_wait3A_359 = tpu.memref_slice %arg4[%dma_wait3A_344, %dma_wait3A_345, %dma_wait3A_346, %dma_wait3A_357, %dma_wait3A_358] : memref<200x8x32x8x128xf32, #tpu.memory_space<hbm>> -> memref<1x1x1x8x128xf32, #tpu.memory_space<hbm>>
    %dma_wait3A_360 = tpu.memref_squeeze %dma_wait3A_359 : memref<1x1x1x8x128xf32, #tpu.memory_space<hbm>> -> memref<8x128xf32, #tpu.memory_space<hbm>>
    tpu.wait_dma2 semaphore(%arg20 : memref<!tpu.dma_semaphore, #tpu.memory_space<semaphore_mem>>) src(%dma_wait3A_360 : memref<8x128xf32, #tpu.memory_space<hbm>>) dst(%dma_wait3A_356 : memref<8x128xf32, #tpu.memory_space<vmem>>)
    %dma_wait3A_361 = arith.constant 0 : i32
    %dma_wait3A_362 = arith.constant 0 : i32
    %dma_wait3A_363 = arith.constant 0 : i32
    %dma_wait3A_364 = arith.constant 0 : i32
    %dma_wait3A_365 = arith.constant 0 : i32
    %dma_wait3A_366 = tpu.memref_slice %arg14[%dma_wait3A_364, %dma_wait3A_365] : memref<64x129xf32, #tpu.memory_space<vmem>> -> memref<8x128xf32, #tpu.memory_space<vmem>>
    %dma_wait3A_367 = arith.constant 0 : i32
    %dma_wait3A_368 = arith.constant 0 : i32
    %dma_wait3A_369 = tpu.memref_slice %arg4[%dma_wait3A_361, %dma_wait3A_362, %dma_wait3A_363, %dma_wait3A_367, %dma_wait3A_368] : memref<200x8x32x8x128xf32, #tpu.memory_space<hbm>> -> memref<1x1x1x8x128xf32, #tpu.memory_space<hbm>>
    %dma_wait3A_370 = tpu.memref_squeeze %dma_wait3A_369 : memref<1x1x1x8x128xf32, #tpu.memory_space<hbm>> -> memref<8x128xf32, #tpu.memory_space<hbm>>
    %dma_wait3A_371 = arith.constant 0 : i32
    %dma_wait3A_372 = arith.constant 0 : i32
    %dma_wait3A_373 = tpu.memref_slice %arg14[%dma_wait3A_371, %dma_wait3A_372] : memref<64x129xf32, #tpu.memory_space<vmem>> -> memref<8x128xf32, #tpu.memory_space<vmem>>
    %dma_wait3A_374 = arith.constant 0 : i32
    %dma_wait3A_375 = arith.constant 0 : i32
    %dma_wait3A_376 = tpu.memref_slice %arg4[%dma_wait3A_361, %dma_wait3A_362, %dma_wait3A_363, %dma_wait3A_374, %dma_wait3A_375] : memref<200x8x32x8x128xf32, #tpu.memory_space<hbm>> -> memref<1x1x1x8x128xf32, #tpu.memory_space<hbm>>
    %dma_wait3A_377 = tpu.memref_squeeze %dma_wait3A_376 : memref<1x1x1x8x128xf32, #tpu.memory_space<hbm>> -> memref<8x128xf32, #tpu.memory_space<hbm>>
    tpu.wait_dma2 semaphore(%arg20 : memref<!tpu.dma_semaphore, #tpu.memory_space<semaphore_mem>>) src(%dma_wait3A_377 : memref<8x128xf32, #tpu.memory_space<hbm>>) dst(%dma_wait3A_373 : memref<8x128xf32, #tpu.memory_space<vmem>>)
    %dma_wait3A_378 = arith.constant 0 : i32
    %dma_wait3A_379 = arith.constant 0 : i32
    %dma_wait3A_380 = arith.constant 0 : i32
    %dma_wait3A_381 = arith.constant 0 : i32
    %dma_wait3A_382 = arith.constant 0 : i32
    %dma_wait3A_383 = tpu.memref_slice %arg14[%dma_wait3A_381, %dma_wait3A_382] : memref<64x129xf32, #tpu.memory_space<vmem>> -> memref<8x128xf32, #tpu.memory_space<vmem>>
    %dma_wait3A_384 = arith.constant 0 : i32
    %dma_wait3A_385 = arith.constant 0 : i32
    %dma_wait3A_386 = tpu.memref_slice %arg4[%dma_wait3A_378, %dma_wait3A_379, %dma_wait3A_380, %dma_wait3A_384, %dma_wait3A_385] : memref<200x8x32x8x128xf32, #tpu.memory_space<hbm>> -> memref<1x1x1x8x128xf32, #tpu.memory_space<hbm>>
    %dma_wait3A_387 = tpu.memref_squeeze %dma_wait3A_386 : memref<1x1x1x8x128xf32, #tpu.memory_space<hbm>> -> memref<8x128xf32, #tpu.memory_space<hbm>>
    %dma_wait3A_388 = arith.constant 0 : i32
    %dma_wait3A_389 = arith.constant 0 : i32
    %dma_wait3A_390 = tpu.memref_slice %arg14[%dma_wait3A_388, %dma_wait3A_389] : memref<64x129xf32, #tpu.memory_space<vmem>> -> memref<8x128xf32, #tpu.memory_space<vmem>>
    %dma_wait3A_391 = arith.constant 0 : i32
    %dma_wait3A_392 = arith.constant 0 : i32
    %dma_wait3A_393 = tpu.memref_slice %arg4[%dma_wait3A_378, %dma_wait3A_379, %dma_wait3A_380, %dma_wait3A_391, %dma_wait3A_392] : memref<200x8x32x8x128xf32, #tpu.memory_space<hbm>> -> memref<1x1x1x8x128xf32, #tpu.memory_space<hbm>>
    %dma_wait3A_394 = tpu.memref_squeeze %dma_wait3A_393 : memref<1x1x1x8x128xf32, #tpu.memory_space<hbm>> -> memref<8x128xf32, #tpu.memory_space<hbm>>
    tpu.wait_dma2 semaphore(%arg20 : memref<!tpu.dma_semaphore, #tpu.memory_space<semaphore_mem>>) src(%dma_wait3A_394 : memref<8x128xf32, #tpu.memory_space<hbm>>) dst(%dma_wait3A_390 : memref<8x128xf32, #tpu.memory_space<vmem>>)
    %dma_wait3A_395 = arith.constant 0 : i32
    %dma_wait3A_396 = arith.constant 0 : i32
    %dma_wait3A_397 = arith.constant 0 : i32
    %dma_wait3A_398 = arith.constant 0 : i32
    %dma_wait3A_399 = arith.constant 0 : i32
    %dma_wait3A_400 = tpu.memref_slice %arg14[%dma_wait3A_398, %dma_wait3A_399] : memref<64x129xf32, #tpu.memory_space<vmem>> -> memref<8x128xf32, #tpu.memory_space<vmem>>
    %dma_wait3A_401 = arith.constant 0 : i32
    %dma_wait3A_402 = arith.constant 0 : i32
    %dma_wait3A_403 = tpu.memref_slice %arg4[%dma_wait3A_395, %dma_wait3A_396, %dma_wait3A_397, %dma_wait3A_401, %dma_wait3A_402] : memref<200x8x32x8x128xf32, #tpu.memory_space<hbm>> -> memref<1x1x1x8x128xf32, #tpu.memory_space<hbm>>
    %dma_wait3A_404 = tpu.memref_squeeze %dma_wait3A_403 : memref<1x1x1x8x128xf32, #tpu.memory_space<hbm>> -> memref<8x128xf32, #tpu.memory_space<hbm>>
    %dma_wait3A_405 = arith.constant 0 : i32
    %dma_wait3A_406 = arith.constant 0 : i32
    %dma_wait3A_407 = tpu.memref_slice %arg14[%dma_wait3A_405, %dma_wait3A_406] : memref<64x129xf32, #tpu.memory_space<vmem>> -> memref<8x128xf32, #tpu.memory_space<vmem>>
    %dma_wait3A_408 = arith.constant 0 : i32
    %dma_wait3A_409 = arith.constant 0 : i32
    %dma_wait3A_410 = tpu.memref_slice %arg4[%dma_wait3A_395, %dma_wait3A_396, %dma_wait3A_397, %dma_wait3A_408, %dma_wait3A_409] : memref<200x8x32x8x128xf32, #tpu.memory_space<hbm>> -> memref<1x1x1x8x128xf32, #tpu.memory_space<hbm>>
    %dma_wait3A_411 = tpu.memref_squeeze %dma_wait3A_410 : memref<1x1x1x8x128xf32, #tpu.memory_space<hbm>> -> memref<8x128xf32, #tpu.memory_space<hbm>>
    tpu.wait_dma2 semaphore(%arg20 : memref<!tpu.dma_semaphore, #tpu.memory_space<semaphore_mem>>) src(%dma_wait3A_411 : memref<8x128xf32, #tpu.memory_space<hbm>>) dst(%dma_wait3A_407 : memref<8x128xf32, #tpu.memory_space<vmem>>)
    return
  }
}

module attributes {stable_mosaic.version = 14 : i64} {
  func.func @_prep_body(%arg0: i32, %arg1: memref<64x4096xf32, #tpu.memory_space<vmem>>, %arg2: memref<64x4096xf32, #tpu.memory_space<vmem>>, %arg3: memref<4096x128xf32, #tpu.memory_space<vmem>>) attributes {dimension_semantics = [#tpu.dimension_semantics<arbitrary>], iteration_bounds = array<i64: 123>, scalar_prefetch = 0 : i64, scratch_operands = 0 : i64, tpu.core_type = #tpu.core_type<tc>, window_params = [{transform_indices = @transform_0, window_bounds = array<i64: 64, 4096>}, {transform_indices = @transform_1, window_bounds = array<i64: 64, 4096>}, {transform_indices = @transform_2, window_bounds = array<i64: 4096, 128>}]} {
    %get3A = arith.constant 0 : index
    %get3A_0 = arith.constant 0 : index
    %get3A_1 = vector.load %arg1[%get3A, %get3A_0] : memref<64x4096xf32, #tpu.memory_space<vmem>>, vector<64x4096xf32>
    %transpose3A = tpu.transpose %get3A_1, [1, 0] : vector<64x4096xf32> -> vector<4096x64xf32>
    %get3A_2 = arith.constant 0 : index
    %get3A_3 = arith.constant 0 : index
    %get3A_4 = vector.load %arg2[%get3A_2, %get3A_3] : memref<64x4096xf32, #tpu.memory_space<vmem>>, vector<64x4096xf32>
    %transpose3A_5 = tpu.transpose %get3A_4, [1, 0] : vector<64x4096xf32> -> vector<4096x64xf32>
    %concatenate3A = tpu.concatenate %transpose3A, %transpose3A_5 in 1 : vector<4096x64xf32>, vector<4096x64xf32> -> vector<4096x128xf32>
    %mul3A = arith.constant 8.000000e+00 : f32
    %mul3A_6 = vector.broadcast %mul3A : f32 to vector<4096x128xf32>
    %mul3A_7 = arith.mulf %concatenate3A, %mul3A_6 : vector<4096x128xf32>
    %swap3A = arith.constant 0 : index
    %swap3A_8 = arith.constant 0 : index
    %swap3A_9 = vector.load %arg3[%swap3A, %swap3A_8] : memref<4096x128xf32, #tpu.memory_space<vmem>>, vector<4096x128xf32>
    tpu.vector_store %arg3[%swap3A, %swap3A_8], %mul3A_7 {strides = array<i32>} : memref<4096x128xf32, #tpu.memory_space<vmem>>, vector<4096x128xf32>,
    %eq3A = arith.constant 122 : i32
    %eq3A_10 = arith.cmpi eq, %arg0, %eq3A : i32
    %convert_element_type3A = arith.extui %eq3A_10 : i1 to i32
    %cond3A = arith.constant 0 : i32
    %cond3A_11 = arith.cmpi ne, %convert_element_type3A, %cond3A : i32
    scf.if %cond3A_11 {
      %slice3A = vector.extract_strided_slice %transpose3A {offsets = [0, 0], sizes = [288, 64], strides = [1, 1]} : vector<4096x64xf32> to vector<288x64xf32>
      %slice3A_12 = vector.extract_strided_slice %transpose3A {offsets = [288, 0], sizes = [288, 64], strides = [1, 1]} : vector<4096x64xf32> to vector<288x64xf32>
      %concatenate3A_13 = tpu.concatenate %slice3A, %slice3A_12 in 1 : vector<288x64xf32>, vector<288x64xf32> -> vector<288x128xf32>
      %mul3A_14 = arith.constant 8.000000e+00 : f32
      %mul3A_15 = vector.broadcast %mul3A_14 : f32 to vector<288x128xf32>
      %mul3A_16 = arith.mulf %concatenate3A_13, %mul3A_15 : vector<288x128xf32>
      %swap3A_17 = arith.constant 0 : index
      %swap3A_18 = arith.constant 0 : index
      %swap3A_19 = vector.load %arg3[%swap3A_17, %swap3A_18] : memref<4096x128xf32, #tpu.memory_space<vmem>>, vector<288x128xf32>
      tpu.vector_store %arg3[%swap3A_17, %swap3A_18], %mul3A_16 {strides = array<i32>} : memref<4096x128xf32, #tpu.memory_space<vmem>>, vector<288x128xf32>,
    } else {
    }
    return
  }
  func.func @transform_0(%arg0: i32) -> (i32, i32) {
    %eq3A = arith.constant 122 : i32
    %eq3A_0 = arith.cmpi eq, %arg0, %eq3A : i32
    %jit3A = arith.constant 244 : i32
    %select_n3A = arith.select %eq3A_0, %jit3A, %arg0 : i32
    %c0_i32 = arith.constant 0 : i32
    %c0_i32_1 = arith.constant 0 : i32
    return %c0_i32, %select_n3A : i32, i32
  }
  func.func @transform_1(%arg0: i32) -> (i32, i32) {
    %eq3A = arith.constant 122 : i32
    %eq3A_0 = arith.cmpi eq, %arg0, %eq3A : i32
    %add3A = arith.constant 122 : i32
    %add3A_1 = arith.addi %arg0, %add3A : i32
    %jit3A = arith.constant 244 : i32
    %select_n3A = arith.select %eq3A_0, %jit3A, %add3A_1 : i32
    %c0_i32 = arith.constant 0 : i32
    %c0_i32_2 = arith.constant 0 : i32
    return %c0_i32, %select_n3A : i32, i32
  }
  func.func @transform_2(%arg0: i32) -> (i32, i32) {
    %c0_i32 = arith.constant 0 : i32
    %c0_i32_0 = arith.constant 0 : i32
    return %arg0, %c0_i32 : i32, i32
  }
}

</mosaic_0001>

<sc_bundles>
// kernel: kernel.4.cloned.1.call-start
scs
__scs_entry_jumppad:
0x0: {  	(pc) =	sbr.rel $0x88, $3  }
0x1: {  	(tag) =	ssettag $0x0;
	lr =	simm.s32 $0x1  }
0x2: {  	[smem:$0x3F9F] =	sst lr;
	_ =	strace $0xD0000000  }
0x3: {  	_ = 	snop  }
0x4: {  	_ = 	snop  }
0x5: {  	_ = 	snop  }
0x6: {  	_ = 	snop  }
0x7: {  	_ = 	snop  }
__scs_overlays_trampoline_lowered:
0x8: {  	[smem:$0x3FAE] =	sst s0  }
0x9: {  	[smem:$0x3FAF] =	sst s1  }
0xa: {  	[smem:$0x3FB0] =	sst s2  }
0xb: {  	[smem:$0x3FB1] =	sst s3  }
0xc: {  	[smem:$0x3FB2] =	sst s4  }
0xd: {  	[smem:$0x3FB3] =	sst s5  }
0xe: {  	[smem:$0x3FB4] =	sst s6  }
0xf: {  	[smem:$0x3FB5] =	sst s7  }
0x10: {  	[smem:$0x3FB6] =	sst s8  }
0x11: {  	[smem:$0x3FB7] =	sst s9;
	s0 =	simm.s32 @!p0 $0x0  }
0x12: {  	s1 =	sld [smem:$0x3F9D];
	s0 =	simm.s32 @p0 $0x1  }
0x13: {  	[smem:$0x3FB8] =	sst s0;
	s0 =	simm.s32 @!p1 $0x0  }
0x14: {  	s2 =	sld [smem:$0x3F9C];
	s0 =	simm.s32 @p1 $0x1  }
0x15: {  	[smem:$0x3FB9] =	sst s0;
	s0 =	simm.s32 @!p2 $0x0  }
0x16: {  	s3 =	sld [smem:$0x3FDB];
	s0 =	simm.s32 @p2 $0x1  }
0x17: {  	s4 =	simm.s32 $0x1BF5;
	[smem:$0x3FBB] =	sst s0  }
0x18: {  	s0 =	sld [smem:$0x3F9E];
	_ =	swait.ge [sflag:s4], $0x0  }
0x19: {  	s7 =	sld [smem:$0x3F9F]  }
0x1a: {  	s8 =	sadd.s32 $0xFFFFE003, lr  }
0x1b: {  	s9 =	sadd.s32 $0xFFFFFEF7, lr;
	s5 =	simm.s32 $0xFFFFFFFF;
	p2 =	slt.u32 s8, $0xFFFFF086  }
0x1c: {  	p1 =	slt.u32 s9, $0xF7A;
	s5 =	simm.s32 @!p2 $0x0  }
0x1d: {  	s5 =	simm.s32 @p1 $0x1;
	p0 =	seq.s32 s7, s2  }
0x1e: {  	s7 =	smul.u32 @!p0 $0xF7A, s2;
	p2 =	seq.s32 @!p0 s5, $0x0  }
0x1f: {  	s9 =	smul.u32 $0xF7A, s1;
	s8 =	simm.s32 @!p0 $0x1BF5;
	p2 =	por !p2, p0  }
0x20: {  	[sflag:s8] =	ssyncset.s32 @!p0 $0xFFFFF086;
	s6 =	sadd.s32 @!p0 s3, s7;
	s7 =	simm.s32 @!p0 $0x108  }
0x21: {  	s3 =	sadd.s32 s3, s9;
	s6 =	sadd.s32 @!p0 $0x88, s6;
	s7 =	simm.s32 @p2 $0x1082  }
0x22: {  	[simem:s7], [sflag:s8] =	dma.local @!p0 [hbm:s6], $0xF7A  }
0x23: {  	s9 =	sor.u32 $0xD0000000, s2;
	s6 =	simm.s32 $0x108;
	_ =	swait.ge @!p0 [sflag:s8], $0x0  }
0x24: {  	s3 =	sadd.s32 $0x88, s3;
	s6 =	simm.s32 @!p1 $0x1082;
	[sflag:s4] =	ssyncset.s32 $0xFFFFF086  }
0x25: {  	[simem:s6], [sflag:s4] =	dma.local [hbm:s3], $0xF7A  }
0x26: {  	[smem:$0x3F9F] =	sst s1;
	(tag) =	ssettag s2;
	_ =	strace s9  }
0x27: {  	s1 =	sld [smem:$0x3FAF]  }
0x28: {  	s2 =	sld [smem:$0x3FB0]  }
0x29: {  	s4 =	sld [smem:$0x3FB2]  }
0x2a: {  	p0 =	seq.s32 s5, $0x0;
	s5 =	sld [smem:$0x3FB3]  }
0x2b: {  	s6 =	sld [smem:$0x3FB4]  }
0x2c: {  	s7 =	sld [smem:$0x3FB5]  }
0x2d: {  	s3 =	simm.s32 $0x108;
	s8 =	sld [smem:$0x3FB6]  }
0x2e: {  	s3 =	simm.s32 @!p0 $0x1082;
	s9 =	sld [smem:$0x3FB7]  }
0x2f: {  	lr =	sadd.s32 s0, s3;
	s0 =	sld [smem:$0x3FAE]  }
0x30: {  	s3 =	sld [smem:$0x3FB1]  }
0x31: {  	[smem:$0x3FBA] =	sst s10  }
0x32: {  	s10 =	sld [smem:$0x3FB8];
	_ =	sdelay $0x3  }
0x33: {  	p0 =	seq.s32 s10, $0x1;
	s10 =	sld [smem:$0x3FBA];
	_ =	sdelay $0x3  }
0x34: {  	[smem:$0x3FBA] =	sst s10  }
0x35: {  	s10 =	sld [smem:$0x3FB9];
	_ =	sdelay $0x3  }
0x36: {  	p1 =	seq.s32 s10, $0x1;
	s10 =	sld [smem:$0x3FBA];
	_ =	sdelay $0x3  }
0x37: {  	[smem:$0x3FBA] =	sst s10  }
0x38: {  	s10 =	sld [smem:$0x3FBB]  }
0x39: {  	_ = 	snop;
	(pc) =	sbr.ind lr, $3  }
0x3a: {  	_ = 	snop  }
0x3b: {  	_ = 	snop  }
0x3c: {  	p2 =	seq.s32 s10, $0x1;
	s10 =	sld [smem:$0x3FBA]  }
0x3d: {  	_ =	shalt  }
0x3e: {  	_ =	shalt  }
0x3f: {  	_ =	shalt  }
0x40: {  	_ =	shalt  }
0x41: {  	_ =	shalt  }
0x42: {  	_ =	shalt  }
0x43: {  	_ =	shalt  }
0x44: {  	_ =	shalt  }
0x45: {  	_ =	shalt  }
0x46: {  	_ =	shalt  }
0x47: {  	_ =	shalt  }
0x48: {  	_ =	shalt  }
0x49: {  	_ =	shalt  }
0x4a: {  	_ =	shalt  }
0x4b: {  	_ =	shalt  }
0x4c: {  	_ =	shalt  }
0x4d: {  	_ =	shalt  }
0x4e: {  	_ =	shalt  }
0x4f: {  	_ =	shalt  }
0x50: {  	_ =	shalt  }
0x51: {  	_ =	shalt  }
0x52: {  	_ =	shalt  }
0x53: {  	_ =	shalt  }
0x54: {  	_ =	shalt  }
0x55: {  	_ =	shalt  }
0x56: {  	_ =	shalt  }
0x57: {  	_ =	shalt  }
0x58: {  	_ =	shalt  }
0x59: {  	_ =	shalt  }
0x5a: {  	_ =	shalt  }
0x5b: {  	_ =	shalt  }
0x5c: {  	_ =	shalt  }
0x5d: {  	_ =	shalt  }
0x5e: {  	_ =	shalt  }
0x5f: {  	_ =	shalt  }
0x60: {  	_ =	shalt  }
0x61: {  	_ =	shalt  }
0x62: {  	_ =	shalt  }
0x63: {  	_ =	shalt  }
0x64: {  	_ =	shalt  }
0x65: {  	_ =	shalt  }
0x66: {  	_ =	shalt  }
0x67: {  	_ =	shalt  }
0x68: {  	_ =	shalt  }
0x69: {  	_ =	shalt  }
0x6a: {  	_ =	shalt  }
0x6b: {  	_ =	shalt  }
0x6c: {  	_ =	shalt  }
0x6d: {  	_ =	shalt  }
0x6e: {  	_ =	shalt  }
0x6f: {  	_ =	shalt  }
0x70: {  	_ =	shalt  }
0x71: {  	_ =	shalt  }
0x72: {  	_ =	shalt  }
0x73: {  	_ =	shalt  }
0x74: {  	_ =	shalt  }
0x75: {  	_ =	shalt  }
0x76: {  	_ =	shalt  }
0x77: {  	_ =	shalt  }
0x78: {  	_ =	shalt  }
0x79: {  	_ =	shalt  }
0x7a: {  	_ =	shalt  }
0x7b: {  	_ =	shalt  }
0x7c: {  	_ =	shalt  }
0x7d: {  	_ =	shalt  }
0x7e: {  	_ =	shalt  }
0x7f: {  	_ =	shalt  }
0x80: {  	_ =	shalt  }
0x81: {  	_ =	shalt  }
0x82: {  	_ =	shalt  }
0x83: {  	_ =	shalt  }
0x84: {  	_ =	shalt  }
0x85: {  	_ =	shalt  }
0x86: {  	_ =	shalt  }
0x87: {  	_ =	shalt  }
.Lfunc_end0:
.L_simem_size_0:
called_computation_lowered:
.L_overlay_start_0:
0x88: {  	s2 =	sld [smem:$0x3FD9]  }
0x89: {  	s3 =	sld [smem:$0x3FFE];
	_ =	sdelay $0x1  }
0x8a: {  	s1 =	srdreg.scid  }
0x8b: {  	s0 =	sand.u32 $0x1, s1  }
0x8c: {  	s17 =	sshll.u32 s0, $0xA;
	s2 =	sadd.s32 s3, s2  }
0x8d: {  	s2 =	sadd.s32 s2, s17  }
0x8e: {  	[smem:$0x3FC6] =	sst s2  }
0x8f: {  	_ = 	snop  }
0x90: {  	s2 =	sld [smem:$0x3FD0];
	(tm) =	ssettm $0x1  }
0x91: {  	s18 =	sld [smem:$0x3FFB];
	_ =	sdelay $0x3  }
0x92: {  	_ =	strace s18  }
0x93: {  	s3 =	sld [smem:$0x3FFC];
	_ =	sdelay $0x3  }
0x94: {  	_ =	strace s3  }
0x95: {  	s3 =	sld [smem:$0x3FFD];
	_ =	sdelay $0x3  }
0x96: {  	_ =	strace s3  }
0x97: {  	_ =	strace $0x8FFFFFFF  }
0x98: {  	s19 =	sld [smem:$0x3FDB];
	_ =	sdelay $0x1  }
0x99: {  	s4 =	simm.s32 $_scs_section_size  }
0x9a: {  	s5 =	simm.s32 $_size__tile_overlayer_lowered;
	s6 =	simm.s32 $_tile_overlayer_lowered  }
0x9b: {  	s22 =	simm.s32 $0x1BFF;
	s21 =	sshll.u32 s6, $0x1;
	s3 =	sadd.s32 s4, s19  }
0x9c: {  	s7 =	simm.s32 $0x0;
	s20 =	sshll.u32 s5, $0x1;
	s5 =	sadd.s32 s21, s3  }
0x9d: {  	[timem:s7], [sflag:s22] =	dma.local [hbm:s5], s20  }
0x9e: {  	_ =	swait.ge [sflag:s22], s20  }
0x9f: {  	s4 =	ssub.s32 $0x0, s20;
	[sflag:s22] =	ssyncset.done $0x0  }
0xa0: {  	[sflag:s22] =	ssyncadd.s32 s4;
	_ =	sdelay $0x1  }
0xa1: {  	s23 =	simm.s32 $0x1B8B  }
0xa2: {  	_ =	swait.ge [sflag:s23], $0x1  }
0xa3: {  	[sflag:s23] =	ssyncset.done $0x0  }
0xa4: {  	s25 =	simm.s32 $0x1B8E;
	s24 =	sld [smem:$0x3FFE];
	[sflag:s23] =	ssyncadd.s32 $0xFFFFFFFF  }
0xa5: {  	s26 =	simm.s32 $execute0_lowered;
	[smem:$0x3FD2] =	sst s25  }
0xa6: {  	s5 =	sshll.u32 s26, $0x1;
	_ =	strace $0x80000046;
	[dreg:$0x1] =	wrdreg $0xFFFFFFFF  }
0xa7: {  	s28 =	simm.s32 $_size_execute0_lowered;
	s3 =	sadd.s32 s3, s5;
	[dreg:$0x0] =	wrdreg $0x0  }
0xa8: {  	s5 =	sshll.u32 s28, $0x1;
	[dreg:$0x2] =	wrdreg s3  }
0xa9: {  	[dreg:$0x3] =	wrdreg s5  }
0xaa: {  	[dreg:$0x4] =	wrdreg $0xC0  }
0xab: {  	_ =	task [dreg:s7], $0x5FFFF  }
0xac: {  	[dreg:$0x1] =	wrdreg $0xFFFFFFFF  }
0xad: {  	[dreg:$0x0] =	wrdreg $0x60  }
0xae: {  	[dreg:$0x2] =	wrdreg s24  }
0xaf: {  	[dreg:$0x3] =	wrdreg s2  }
0xb0: {  	[dreg:$0x4] =	wrdreg $0x9  }
0xb1: {  	_ =	task.clear_ibuf [dreg:s7], $0x5FFFF;
	_ =	strace $0x90000046  }
0xb2: {  	s29 =	simm.s32 $0x9;
	_ =	strace $0x80000048  }
0xb3: {  	_ =	swait.ge [sflag:s29], $0x1  }
0xb4: {  	[sflag:s29] =	ssyncadd.s32 $0xFFFFFFFF  }
0xb5: {  	_ =	strace $0x90000048  }
0xb6: {  	_ =	sfence  }
0xb7: {  	s30 =	sld [smem:$0x0];
	_ =	sdelay $0x2  }
0xb8: {  	s31 =	sshll.u32 s1, $0xD;
	s1 =	sshrl.u32 s1, $0x2  }
0xb9: {  	s3 =	sand.u32 $0x4000, s31;
	s1 =	sadd.s32 s1, s30  }
0xba: {  	s0 =	sor.u32 s3, s0;
	s1 =	sshll.u32 s1, $0x11  }
0xbb: {  	s0 =	sor.u32 s1, s0  }
0xbc: {  	s0 =	sadd.s32 $0x8F2B, s0  }
0xbd: {  	[sflag:s0] =	ssyncadd.remote.s32 $0x1  }
0xbe: {  	_ =	sfence.sel $0xFFFF  }
0xbf: {  	[dreg:$0x0] =	wrdreg $0xFFFFFFFF;
	(pc) =	sbr.abs _section_cstart, $3  }
0xc0: {  	[dreg:$0x1] =	wrdreg $0xFFFFFFFF  }
0xc1: {  	_ =	task.clear_ibuf [dreg:s7], $0x2FFFF;
	_ =	strace $0x9FFFFFFF  }
0xc2: {  	(tm) =	ssettm $0x7FFFFFFF  }
0xc3: {  	_ =	shalt  }
tec
execute0_lowered:
.L_overlay_start_1:
0x0: {  	(tag) =	ssettag $0x1  }
0x1: {  	s0 =	srdreg.scid;
	s6 =	rddreg [dreg:$0x0]  }
0x2: {  	s1 =	stileid.u32;
	s2 =	rddreg [dreg:$0x1];
	s3 =	simm.s32 $0x0  }
0x3: {  	s18 =	simm.s32 $0x7;
	s19 =	simm.s32 $0x80;
	s28 =	simm.s32 $0x8200  }
0x4: {  	s29 =	simm.s32 $0xC578;
	s30 =	simm.s32 $0x5;
	s31 =	simm.s32 $0x3  }
0x5: {  	v0 =	vlaneseq.u32;
	s20 =	simm.s32 $0x6;
	s8 =	simm.s32 $0x0;
	s0 =	sand.u32 $0x1, s0  }
0x6: {  	s1 =	sshll.u32 s1, $0x1;
	[smem:$0x7FF] =	sst s3;
	s9 =	sadd.s32 $0x430, s6;
	v0 =	vmul.u32 $0x88, v0  }
0x7: {  	v1 =	vimm.s32 $0x0;
	vm0 =	vcmask $0x300;
	s10 =	sadd.s32 $0x1000, s2;
	s11 =	sadd.s32 $0x2000, s2;
	s1 =	sor.u32 s0, s1  }
0x8: {  	v2 =	vimm.s32 $0xFFF0C000;
	s12 =	sadd.s32 $0x3000, s2;
	s13 =	sadd.s32 $0x4000, s2;
	v3 =	vsel vm0, $0x3, v1;
	s4 =	smul.u32 $0x6400, s1;
	v4 =	vadd.s32 $0x880, v0  }
0x9: {  	s14 =	sadd.s32 $0x5000, s2;
	s15 =	sadd.s32 $0x6000, s2;
	s5 =	sshll.u32 s1, $0xA;
	v5 =	vadd.s32 $0x1100, v0;
	v6 =	vadd.s32 $0x1980, v0;
	v7 =	vor.u32 $0x1, v0  }
0xa: {  	s0 =	ssub.s32 $0x2, s0;
	v8 =	vadd.s32 $0x881, v0;
	v9 =	vadd.s32 $0x1101, v0;
	v10 =	vadd.s32 $0x1981, v0;
	s5 =	sand.u32 $0xC00, s5;
	s4 =	sand.u32 $0xFF000, s4  }
0xb: {  	s16 =	sadd.s32 $0x7000, s2;
	s23 =	sshrl.u32 s0, $0x1;
	v11 =	vor.u32 $0x2, v0;
	v12 =	vadd.s32 $0x882, v0;
	v13 =	vadd.s32 $0x1102, v0;
	s4 =	sor.u32 s5, s4  }
0xc: {  	_ =	strace $0x80000047;
	v14 =	vadd.s32 $0x1982, v0;
	v15 =	vor.u32 $0x3, v0;
	v16 =	vadd.s32 $0x883, v0;
	s0 =	ssub.s32 s0, s23;
	s4 =	sshrl.u32 s4, $0x3  }
0xd: {  	v17 =	vadd.s32 $0x1103, v0;
	v18 =	vadd.s32 $0x1983, v0;
	v19 =	vor.u32 $0x4, v0;
	s0 =	smax.u32 s0, $0x1;
	s5 =	smul.u32 $0xC8, s1;
	s7 =	sadd.s32 s4, s6  }
0xe: {  	v20 =	vadd.s32 $0x884, v0;
	v21 =	vadd.s32 $0x1104, v0;
	v22 =	vadd.s32 $0x1984, v0;
	[dreg:$0x6] =	wrdreg s0;
	s1 =	simm.s32 $0x2;
	s24 =	sadd.s32 $0x400, s7  }
0xf: {  	v23 =	vor.u32 $0x5, v0;
	v24 =	vadd.s32 $0x885, v0;
	v25 =	vadd.s32 $0x1105, v0;
	s0 =	simm.s32 $0xA400;
	s25 =	sadd.s32 $0x410, s7;
	[dreg:$0x3] =	wrdreg s24  }
0x10: {  	v26 =	vadd.s32 $0x1985, v0;
	v27 =	vor.u32 $0x6, v0;
	v28 =	vadd.s32 $0x886, v0;
	s4 =	sadd.s32 $0x19400, s6;
	s26 =	sadd.s32 $0x420, s7;
	[dreg:$0x4] =	wrdreg s25  }
0x11: {  	v29 =	vadd.s32 $0x1106, v0;
	v30 =	vadd.s32 $0x1986, v0;
	v31 =	vor.u32 $0x7, v0;
	s6 =	simm.s32 $0x4;
	[dreg:$0x5] =	wrdreg s26;
	s26 =	simm.s32 $0x1  }
.LBB2_1:
0x12: {  	[dreg:$0x7] =	wrdreg s8  }
0x13: {  	s7 =	rddreg [dreg:$0x3]  }
0x14: {  	[tilespmem:s3], [sflag:$0x7] =	stream.linear.gather [hbm4b:s7+s3], $0x80, $0x38;
	[tilespmem:$0xC600] =	vst v63  }
0x15: {  	_ =	swait.ge [sflag:s18], $0x80  }
0x16: {  	[sflag:s18] =	ssyncset.done $0x0  }
0x17: {  	[sflag:s18] =	ssyncadd.s32 $0xFFFFFF80  }
0x18: {  	v32 =	vld [tilespmem:$0x0]  }
0x19: {  	v33 =	vld [tilespmem:$0x10]  }
0x1a: {  	v35 =	vld [tilespmem:$0x20]  }
0x1b: {  	v47 =	vld [tilespmem:$0x30]  }
0x1c: {  	v49 =	vld [tilespmem:$0x40]  }
0x1d: {  	v53 =	vld [tilespmem:$0x50];
	vm0 =	vgt.s32 v32, $0x79FFF;
	vm6 =	vgt.s32 v32, $0xF411F;
	v37 =	vshll.u32 v32, $0x1  }
0x1e: {  	v54 =	vld [tilespmem:$0x60];
	vm7 =	vgt.s32 v32, $0xF3FFF;
	vm8 =	vgt.s32 v33, $0x79FFF;
	vm1 =	vgt.s32 v33, $0xF411F  }
0x1f: {  	vm9 =	vgt.s32 v33, $0xF3FFF;
	v33 =	vshll.u32 v33, $0x1;
	vm10 =	vgt.s32 v35, $0x79FFF  }
0x20: {  	vm11 =	vgt.s32 v35, $0xF411F;
	vm12 =	vgt.s32 v35, $0xF3FFF;
	v35 =	vshll.u32 v35, $0x1  }
0x21: {  	vm13 =	vgt.s32 v47, $0x79FFF;
	vm14 =	vgt.s32 v47, $0xF411F;
	v40 =	vshll.u32 v47, $0x1  }
0x22: {  	vm15 =	vgt.s32 v47, $0xF3FFF;
	vm4 =	vgt.s32 v49, $0x79FFF;
	vm5 =	vgt.s32 v49, $0xF411F  }
0x23: {  	v56 =	vld [tilespmem:$0x70];
	v59 =	vshll.u32 v53, $0x1;
	v63 =	vshll.u32 v54, $0x1;
	v34 =	vsel vm0, $0xFFF0C001, v1  }
0x24: {  	v36 =	vsel vm6, $0xFFF0BDC1, v2;
	v48 =	vsel vm8, $0xFFF0C001, v1;
	v38 =	vsel vm1, $0xFFF0BDC1, v2  }
0x25: {  	v50 =	vsel vm10, $0xFFF0C001, v1;
	v51 =	vsel vm11, $0xFFF0BDC1, v2;
	v52 =	vsel vm13, $0xFFF0C001, v1  }
0x26: {  	v39 =	vsel vm14, $0xFFF0BDC1, v2;
	v55 =	vsel vm4, $0xFFF0C001, v1;
	v41 =	vsel vm5, $0xFFF0BDC1, v2  }
0x27: {  	vm6 =	vgt.s32 v49, $0xF3FFF;
	vm8 =	vgt.s32 v53, $0xF411F;
	vm10 =	vgt.s32 v54, $0x79FFF  }
0x28: {  	vm11 =	vgt.s32 v54, $0xF411F;
	vm13 =	vgt.s32 v56, $0x79FFF;
	vm14 =	vgt.s32 v56, $0xF411F  }
0x29: {  	v32 =	vsel vm7, v36, v34;
	v36 =	vsel vm9, v38, v48;
	v34 =	vsel vm15, v39, v52  }
0x2a: {  	v39 =	vsel vm6, v41, v55;
	vm7 =	vgt.s32 v53, $0x79FFF;
	v58 =	vsel vm8, $0xFFF0BDC1, v2  }
0x2b: {  	vm9 =	vgt.s32 v53, $0xF3FFF;
	v61 =	vsel vm10, $0xFFF0C001, v1;
	v32 =	vadd.s32 v37, v32  }
0x2c: {  	v62 =	vsel vm11, $0xFFF0BDC1, v2;
	vm15 =	vgt.s32 v56, $0xF3FFF;
	v33 =	vadd.s32 v33, v36;
	[tilespmem:$0x0] =	vst v32  }
0x2d: {  	v37 =	vsel vm12, v51, v50;
	v34 =	vadd.s32 v40, v34;
	v36 =	vshll.u32 v49, $0x1;
	[tilespmem:$0x10] =	vst v33  }
0x2e: {  	v57 =	vsel vm7, $0xFFF0C001, v1;
	vm12 =	vgt.s32 v54, $0xF3FFF;
	v35 =	vadd.s32 v35, v37;
	[tilespmem:$0x30] =	vst v34  }
0x2f: {  	v36 =	vadd.s32 v36, v39;
	v60 =	vsel vm9, v58, v57;
	v33 =	vsel vm12, v62, v61;
	[tilespmem:$0x20] =	vst v35  }
0x30: {  	v37 =	vsel vm14, $0xFFF0BDC1, v2;
	v32 =	vadd.s32 v59, v60;
	[tilespmem:$0x40] =	vst v36;
	v36 =	vsel vm13, $0xFFF0C001, v1  }
0x31: {  	v40 =	vshll.u32 v56, $0x1;
	v38 =	vadd.s32 v63, v33;
	[tilespmem:$0x50] =	vst v32;
	v34 =	vsel vm15, v37, v36  }
0x32: {  	[tilespmem:$0x60] =	vst v38;
	v41 =	vadd.s32 v40, v34  }
0x33: {  	s17 =	simm.s32 $0x200;
	[tilespmem:$0x70] =	vst v41  }
0x34: {  	[tilespmem:s17], [sflag:$0x1] =	stream.indirect.gather [hbm4b:s4+s19], $0x40, s3, s19, $0xb8;
	[tilespmem:$0xC600] =	vst v63  }
0x35: {  	s21 =	rddreg [dreg:$0x4]  }
0x36: {  	[tilespmem:s19], [sflag:$0x7] =	stream.linear.gather [hbm4b:s21+s3], $0x80, $0x38;
	[tilespmem:$0xC600] =	vst v63  }
0x37: {  	_ =	swait.ge [sflag:s18], $0x80  }
0x38: {  	[sflag:s18] =	ssyncset.done $0x0  }
0x39: {  	[sflag:s18] =	ssyncadd.s32 $0xFFFFFF80  }
0x3a: {  	v42 =	vld [tilespmem:$0x80]  }
0x3b: {  	v43 =	vld [tilespmem:$0x90]  }
0x3c: {  	v45 =	vld [tilespmem:$0xA0];
	_ =	sdelay $0x1  }
0x3d: {  	v48 =	vld [tilespmem:$0xB0]  }
0x3e: {  	v58 =	vld [tilespmem:$0xE0];
	vm4 =	vgt.s32 v42, $0x79FFF;
	vm5 =	vgt.s32 v42, $0xF411F;
	v47 =	vshll.u32 v42, $0x1  }
0x3f: {  	vm6 =	vgt.s32 v42, $0xF3FFF;
	vm7 =	vgt.s32 v43, $0x79FFF;
	vm8 =	vgt.s32 v43, $0xF411F  }
0x40: {  	vm9 =	vgt.s32 v43, $0xF3FFF;
	v33 =	vshll.u32 v43, $0x1;
	vm10 =	vgt.s32 v45, $0x79FFF  }
0x41: {  	v51 =	vld [tilespmem:$0xC0];
	vm11 =	vgt.s32 v45, $0xF411F;
	vm12 =	vgt.s32 v45, $0xF3FFF;
	v35 =	vshll.u32 v45, $0x1  }
0x42: {  	v55 =	vld [tilespmem:$0xD0];
	vm13 =	vgt.s32 v48, $0x79FFF;
	vm14 =	vgt.s32 v48, $0xF411F;
	v57 =	vshll.u32 v48, $0x1  }
0x43: {  	v61 =	vld [tilespmem:$0xF0];
	vm15 =	vgt.s32 v48, $0xF3FFF;
	v48 =	vshll.u32 v58, $0x1;
	v44 =	vsel vm4, $0xFFF0C001, v1  }
0x44: {  	v46 =	vsel vm5, $0xFFF0BDC1, v2;
	v49 =	vsel vm7, $0xFFF0C001, v1;
	v50 =	vsel vm8, $0xFFF0BDC1, v2  }
0x45: {  	v52 =	vsel vm10, $0xFFF0C001, v1;
	v53 =	vsel vm11, $0xFFF0BDC1, v2;
	v54 =	vsel vm13, $0xFFF0C001, v1  }
0x46: {  	v56 =	vsel vm14, $0xFFF0BDC1, v2;
	vm4 =	vgt.s32 v51, $0x79FFF;
	vm5 =	vgt.s32 v51, $0xF411F  }
0x47: {  	vm7 =	vgt.s32 v55, $0x79FFF;
	vm8 =	vgt.s32 v55, $0xF411F;
	vm10 =	vgt.s32 v58, $0x79FFF  }
0x48: {  	vm11 =	vgt.s32 v58, $0xF411F;
	vm13 =	vgt.s32 v61, $0x79FFF;
	vm14 =	vgt.s32 v61, $0xF411F  }
0x49: {  	v32 =	vsel vm6, v46, v44;
	v36 =	vsel vm9, v50, v49;
	v37 =	vsel vm12, v53, v52  }
0x4a: {  	v34 =	vsel vm15, v56, v54;
	v59 =	vsel vm4, $0xFFF0C001, v1;
	v60 =	vsel vm5, $0xFFF0BDC1, v2  }
0x4b: {  	vm6 =	vgt.s32 v51, $0xF3FFF;
	v62 =	vsel vm7, $0xFFF0C001, v1;
	v63 =	vsel vm8, $0xFFF0BDC1, v2  }
0x4c: {  	vm9 =	vgt.s32 v55, $0xF3FFF;
	v44 =	vshll.u32 v55, $0x1;
	v32 =	vadd.s32 v47, v32  }
0x4d: {  	v46 =	vsel vm10, $0xFFF0C001, v1;
	vm12 =	vgt.s32 v58, $0xF3FFF;
	v33 =	vadd.s32 v33, v36;
	[tilespmem:$0x80] =	vst v32  }
0x4e: {  	v49 =	vsel vm13, $0xFFF0C001, v1;
	v50 =	vsel vm14, $0xFFF0BDC1, v2;
	v35 =	vadd.s32 v35, v37;
	[tilespmem:$0x90] =	vst v33  }
0x4f: {  	v34 =	vadd.s32 v57, v34;
	v36 =	vshll.u32 v51, $0x1;
	v39 =	vsel vm6, v60, v59;
	[tilespmem:$0xA0] =	vst v35  }
0x50: {  	v45 =	vsel vm9, v63, v62;
	v47 =	vsel vm11, $0xFFF0BDC1, v2;
	v36 =	vadd.s32 v36, v39;
	[tilespmem:$0xB0] =	vst v34  }
0x51: {  	vm15 =	vgt.s32 v61, $0xF3FFF;
	v32 =	vadd.s32 v44, v45;
	v33 =	vsel vm12, v47, v46;
	[tilespmem:$0xC0] =	vst v36  }
0x52: {  	v52 =	vshll.u32 v61, $0x1;
	v34 =	vsel vm15, v50, v49;
	[tilespmem:$0xD0] =	vst v32;
	v51 =	vadd.s32 v48, v33  }
0x53: {  	v53 =	vadd.s32 v52, v34;
	[tilespmem:$0xE0] =	vst v51  }
0x54: {  	s22 =	simm.s32 $0x2200;
	[tilespmem:$0xF0] =	vst v53  }
0x55: {  	[tilespmem:s22], [sflag:$0x2] =	stream.indirect.gather [hbm4b:s4+s19], $0x40, s19, s19, $0xb8;
	[tilespmem:$0xC600] =	vst v63  }
0x56: {  	s24 =	simm.s32 $0x100;
	s23 =	rddreg [dreg:$0x5]  }
0x57: {  	[tilespmem:s24], [sflag:$0x7] =	stream.linear.gather [hbm4b:s23+s3], $0x80, $0x38;
	[tilespmem:$0xC600] =	vst v63  }
0x58: {  	_ =	swait.ge [sflag:s18], $0x80  }
0x59: {  	[sflag:s18] =	ssyncset.done $0x0  }
0x5a: {  	[sflag:s18] =	ssyncadd.s32 $0xFFFFFF80  }
0x5b: {  	v54 =	vld [tilespmem:$0x100]  }
0x5c: {  	v55 =	vld [tilespmem:$0x110]  }
0x5d: {  	v56 =	vld [tilespmem:$0x120]  }
0x5e: {  	v58 =	vld [tilespmem:$0x130];
	_ =	sdelay $0x1  }
0x5f: {  	v62 =	vld [tilespmem:$0x140];
	vm4 =	vgt.s32 v54, $0x79FFF;
	vm5 =	vgt.s32 v54, $0xF411F;
	vm6 =	vgt.s32 v54, $0xF3FFF  }
0x60: {  	vm7 =	vgt.s32 v55, $0x79FFF;
	vm8 =	vgt.s32 v55, $0xF411F;
	vm9 =	vgt.s32 v55, $0xF3FFF  }
0x61: {  	vm10 =	vgt.s32 v56, $0x79FFF;
	vm11 =	vgt.s32 v56, $0xF411F;
	vm12 =	vgt.s32 v56, $0xF3FFF  }
0x62: {  	v46 =	vld [tilespmem:$0x150];
	vm13 =	vgt.s32 v58, $0x79FFF;
	vm14 =	vgt.s32 v58, $0xF411F;
	v32 =	vshll.u32 v54, $0x1  }
0x63: {  	v49 =	vld [tilespmem:$0x160];
	vm15 =	vgt.s32 v58, $0xF3FFF;
	v33 =	vshll.u32 v55, $0x1;
	v34 =	vshll.u32 v56, $0x1  }
0x64: {  	v52 =	vld [tilespmem:$0x170];
	v36 =	vshll.u32 v58, $0x1;
	v54 =	vshll.u32 v62, $0x1;
	v57 =	vsel vm4, $0xFFF0C001, v1  }
0x65: {  	v59 =	vsel vm5, $0xFFF0BDC1, v2;
	v60 =	vsel vm7, $0xFFF0C001, v1;
	v61 =	vsel vm8, $0xFFF0BDC1, v2  }
0x66: {  	v63 =	vsel vm10, $0xFFF0C001, v1;
	v44 =	vsel vm11, $0xFFF0BDC1, v2;
	v45 =	vsel vm13, $0xFFF0C001, v1  }
0x67: {  	v42 =	vsel vm14, $0xFFF0BDC1, v2;
	vm4 =	vgt.s32 v62, $0x79FFF;
	vm5 =	vgt.s32 v62, $0xF411F  }
0x68: {  	vm7 =	vgt.s32 v46, $0x79FFF;
	vm8 =	vgt.s32 v46, $0xF411F;
	vm10 =	vgt.s32 v49, $0x79FFF  }
0x69: {  	vm11 =	vgt.s32 v49, $0xF411F;
	vm13 =	vgt.s32 v52, $0x79FFF;
	vm14 =	vgt.s32 v52, $0xF411F  }
0x6a: {  	v35 =	vsel vm6, v59, v57;
	v37 =	vsel vm9, v61, v60;
	v38 =	vsel vm12, v44, v63  }
0x6b: {  	v47 =	vsel vm15, v42, v45;
	v48 =	vsel vm4, $0xFFF0C001, v1;
	v50 =	vsel vm5, $0xFFF0BDC1, v2  }
0x6c: {  	vm6 =	vgt.s32 v62, $0xF3FFF;
	v51 =	vsel vm7, $0xFFF0C001, v1;
	v43 =	vsel vm8, $0xFFF0BDC1, v2  }
0x6d: {  	vm9 =	vgt.s32 v46, $0xF3FFF;
	v55 =	vsel vm10, $0xFFF0C001, v1;
	v32 =	vadd.s32 v32, v35  }
0x6e: {  	v56 =	vsel vm11, $0xFFF0BDC1, v2;
	vm12 =	vgt.s32 v49, $0xF3FFF;
	v33 =	vadd.s32 v33, v37;
	[tilespmem:$0x100] =	vst v32  }
0x6f: {  	v57 =	vshll.u32 v46, $0x1;
	v58 =	vsel vm13, $0xFFF0C001, v1;
	v34 =	vadd.s32 v34, v38;
	[tilespmem:$0x110] =	vst v33  }
0x70: {  	v60 =	vsel vm14, $0xFFF0BDC1, v2;
	v37 =	vsel vm6, v50, v48;
	v35 =	vadd.s32 v36, v47;
	[tilespmem:$0x120] =	vst v34  }
0x71: {  	vm15 =	vgt.s32 v52, $0xF3FFF;
	v53 =	vsel vm9, v43, v51;
	v32 =	vadd.s32 v54, v37;
	[tilespmem:$0x130] =	vst v35  }
0x72: {  	v62 =	vshll.u32 v52, $0x1;
	v61 =	vsel vm15, v60, v58;
	v34 =	vadd.s32 v57, v53;
	[tilespmem:$0x140] =	vst v32  }
0x73: {  	v59 =	vshll.u32 v49, $0x1;
	v33 =	vsel vm12, v56, v55;
	v63 =	vadd.s32 v62, v61;
	[tilespmem:$0x150] =	vst v34  }
0x74: {  	v32 =	vadd.s32 v59, v33;
	[tilespmem:$0x170] =	vst v63  }
0x75: {  	s25 =	simm.s32 $0x4200;
	s7 =	simm.s32 $0x0;
	[tilespmem:$0x160] =	vst v32  }
0x76: {  	[tilespmem:s25], [sflag:$0x3] =	stream.indirect.gather [hbm4b:s4+s19], $0x40, s24, s19, $0xb8;
	[tilespmem:$0xC600] =	vst v63  }
.LBB2_2:
0x77: {  	s17 =	sshll.u32 s7, $0x2  }
0x78: {  	s21 =	sadd.s32 s5, s17  }
0x79: {  	s8 =	sshll.u32 s21, $0x4  }
0x7a: {  	s22 =	simm.s32 $0x180;
	s8 =	sadd.s32 s8, s9  }
0x7b: {  	[tilespmem:s22], [sflag:$0x7] =	stream.linear.gather [hbm4b:s8+s3], $0x80, $0x38;
	[tilespmem:$0xC600] =	vst v63  }
0x7c: {  	_ =	swait.ge [sflag:s18], $0x80  }
0x7d: {  	[sflag:s18] =	ssyncset.done $0x0  }
0x7e: {  	[sflag:s18] =	ssyncadd.s32 $0xFFFFFF80  }
0x7f: {  	v32 =	vld [tilespmem:$0x180]  }
0x80: {  	v33 =	vld [tilespmem:$0x190]  }
0x81: {  	v34 =	vld [tilespmem:$0x1A0]  }
0x82: {  	v36 =	vld [tilespmem:$0x1B0]  }
0x83: {  	v39 =	vld [tilespmem:$0x1C0]  }
0x84: {  	v41 =	vld [tilespmem:$0x1D0];
	vm0 =	vgt.s32 v32, $0x79FFF;
	vm6 =	vgt.s32 v32, $0xF411F;
	vm7 =	vgt.s32 v32, $0xF3FFF  }
0x85: {  	v62 =	vld [tilespmem:$0x1F0];
	vm1 =	vgt.s32 v33, $0x79FFF;
	vm8 =	vgt.s32 v33, $0xF411F;
	vm9 =	vgt.s32 v33, $0xF3FFF  }
0x86: {  	vm10 =	vgt.s32 v34, $0x79FFF;
	vm11 =	vgt.s32 v34, $0xF411F;
	vm12 =	vgt.s32 v34, $0xF3FFF  }
0x87: {  	vm13 =	vgt.s32 v36, $0x79FFF;
	vm14 =	vgt.s32 v36, $0xF411F;
	v32 =	vshll.u32 v32, $0x1  }
0x88: {  	vm15 =	vgt.s32 v36, $0xF3FFF;
	vm4 =	vgt.s32 v39, $0x79FFF;
	v33 =	vshll.u32 v33, $0x1  }
0x89: {  	v59 =	vld [tilespmem:$0x1E0];
	vm5 =	vgt.s32 v39, $0xF411F;
	v34 =	vshll.u32 v34, $0x1;
	v36 =	vshll.u32 v36, $0x1  }
0x8a: {  	v46 =	vshll.u32 v41, $0x1;
	v50 =	vshll.u32 v62, $0x1;
	v35 =	vsel vm0, $0xFFF0C001, v1  }
0x8b: {  	v37 =	vsel vm6, $0xFFF0BDC1, v2;
	v54 =	vsel vm1, $0xFFF0C001, v1;
	v38 =	vsel vm8, $0xFFF0BDC1, v2  }
0x8c: {  	v55 =	vsel vm10, $0xFFF0C001, v1;
	v40 =	vsel vm11, $0xFFF0BDC1, v2;
	v56 =	vsel vm13, $0xFFF0C001, v1  }
0x8d: {  	v42 =	vsel vm14, $0xFFF0BDC1, v2;
	v58 =	vsel vm4, $0xFFF0C001, v1;
	v60 =	vsel vm5, $0xFFF0BDC1, v2  }
0x8e: {  	vm6 =	vgt.s32 v39, $0xF3FFF;
	vm8 =	vgt.s32 v41, $0xF411F;
	vm10 =	vgt.s32 v59, $0x79FFF  }
0x8f: {  	vm11 =	vgt.s32 v59, $0xF411F;
	vm13 =	vgt.s32 v62, $0x79FFF;
	vm14 =	vgt.s32 v62, $0xF411F  }
0x90: {  	v35 =	vsel vm7, v37, v35;
	v37 =	vsel vm9, v38, v54;
	v38 =	vsel vm12, v40, v55  }
0x91: {  	v57 =	vsel vm15, v42, v56;
	vm7 =	vgt.s32 v41, $0x79FFF;
	v43 =	vsel vm8, $0xFFF0BDC1, v2  }
0x92: {  	vm9 =	vgt.s32 v41, $0xF3FFF;
	v44 =	vsel vm10, $0xFFF0C001, v1;
	v32 =	vadd.s32 v32, v35  }
0x93: {  	v47 =	vsel vm13, $0xFFF0C001, v1;
	v49 =	vsel vm14, $0xFFF0BDC1, v2;
	v33 =	vadd.s32 v33, v37;
	[tilespmem:$0x180] =	vst v32  }
0x94: {  	vm15 =	vgt.s32 v62, $0xF3FFF;
	v37 =	vsel vm6, v60, v58;
	v34 =	vadd.s32 v34, v38;
	[tilespmem:$0x190] =	vst v33  }
0x95: {  	v61 =	vsel vm7, $0xFFF0C001, v1;
	v35 =	vadd.s32 v36, v57;
	v51 =	vsel vm15, v49, v47;
	[tilespmem:$0x1A0] =	vst v34  }
0x96: {  	v63 =	vsel vm9, v43, v61;
	v43 =	vshll.u32 v39, $0x1;
	[tilespmem:$0x1B0] =	vst v35;
	v52 =	vadd.s32 v50, v51  }
0x97: {  	v45 =	vsel vm11, $0xFFF0BDC1, v2;
	vm12 =	vgt.s32 v59, $0xF3FFF;
	v32 =	vadd.s32 v43, v37;
	[tilespmem:$0x1F0] =	vst v52  }
0x98: {  	v48 =	vshll.u32 v59, $0x1;
	v33 =	vsel vm12, v45, v44;
	v34 =	vadd.s32 v46, v63;
	[tilespmem:$0x1C0] =	vst v32  }
0x99: {  	p0 =	seq.s32 s7, $0x0;
	[tilespmem:$0x1D0] =	vst v34;
	v32 =	vadd.s32 v48, v33  }
0x9a: {  	s23 =	simm.s32 $0x6200;
	s8 =	simm.s32 @!p0 $0x5;
	[tilespmem:$0x1E0] =	vst v32  }
0x9b: {  	[tilespmem:s23], [sflag:$0x4] =	stream.indirect.gather [hbm4b:s4+s19], $0x40, s22, s19, $0xb8;
	[tilespmem:$0xC600] =	vst v63  }
0x9c: {  	_ =	swait.ge @!p0 [sflag:s8], $0x400  }
0x9d: {  	[sflag:s8] =	ssyncset.done @!p0 $0x0  }
0x9e: {  	[sflag:s8] =	ssyncadd.s32 @!p0 $0xFFFFFC00  }
0x9f: {  	_ =	swait.ge @!p0 [sflag:s8], $0x400  }
0xa0: {  	[sflag:s8] =	ssyncset.done @!p0 $0x0  }
0xa1: {  	[sflag:s8] =	ssyncadd.s32 @!p0 $0xFFFFFC00  }
0xa2: {  	_ =	swait.ge @!p0 [sflag:s8], $0x400  }
0xa3: {  	[sflag:s8] =	ssyncset.done @!p0 $0x0  }
0xa4: {  	[sflag:s8] =	ssyncadd.s32 @!p0 $0xFFFFFC00  }
0xa5: {  	_ =	swait.ge @!p0 [sflag:s8], $0x400  }
0xa6: {  	[sflag:s8] =	ssyncset.done @!p0 $0x0  }
0xa7: {  	[sflag:s8] =	ssyncadd.s32 @!p0 $0xFFFFFC00  }
0xa8: {  	_ =	swait.ge @!p0 [sflag:s8], $0x400  }
0xa9: {  	[sflag:s8] =	ssyncset.done @!p0 $0x0  }
0xaa: {  	[sflag:s8] =	ssyncadd.s32 @!p0 $0xFFFFFC00  }
0xab: {  	_ =	swait.ge @!p0 [sflag:s8], $0x400  }
0xac: {  	[sflag:s8] =	ssyncset.done @!p0 $0x0  }
0xad: {  	[sflag:s8] =	ssyncadd.s32 @!p0 $0xFFFFFC00  }
0xae: {  	_ =	swait.ge @!p0 [sflag:s8], $0x400  }
0xaf: {  	[sflag:s8] =	ssyncset.done @!p0 $0x0  }
0xb0: {  	[sflag:s8] =	ssyncadd.s32 @!p0 $0xFFFFFC00  }
0xb1: {  	s24 =	simm.s32 $0x0;
	_ =	swait.ge @!p0 [sflag:s8], $0x400  }
0xb2: {  	v53 =	vmov s24;
	[sflag:s8] =	ssyncset.done @!p0 $0x0  }
0xb3: {  	v32 =	vshrl.u32 v53, $0x3;
	[sflag:s8] =	ssyncadd.s32 @!p0 $0xFFFFFC00  }
0xb4: {  	v32 =	vshll.u32 v32, v3;
	_ =	swait.ge [sflag:s26], $0x2000  }
0xb5: {  	v32 =	vbroadcast v32, $0x0;
	[sflag:s26] =	ssyncset.done $0x0  }
0xb6: {  	s23 =	simm.s32 $0x300;
	[sflag:s26] =	ssyncadd.s32 $0xFFFFE000  }
0xb7: {  	v55 =	vadd.s32 v0, v32;
	v54 =	vld [tilespmem:s23+$0xFFFFFF00];
	_ =	sdelay $0x4  }
0xb8: {  	[tilespmem:v55+s28+$0x0] =	vst.idx.msk $0xffff, v54  }
0xb9: {  	v56 =	vadd.s32 v4, v32;
	v33 =	vld [tilespmem:s23+$0xFFFFFF10];
	_ =	sdelay $0x4  }
0xba: {  	[tilespmem:v56+s28+$0x0] =	vst.idx.msk $0xffff, v33  }
0xbb: {  	v57 =	vadd.s32 v5, v32;
	v33 =	vld [tilespmem:s23+$0xFFFFFF20];
	_ =	sdelay $0x4  }
0xbc: {  	[tilespmem:v57+s28+$0x0] =	vst.idx.msk $0xffff, v33  }
0xbd: {  	s25 =	simm.s32 $0x1;
	v32 =	vadd.s32 v6, v32;
	v33 =	vld [tilespmem:s23+$0xFFFFFF30]  }
0xbe: {  	v58 =	vmov s25  }
0xbf: {  	v34 =	vshrl.u32 v58, $0x3  }
0xc0: {  	v34 =	vshll.u32 v34, v3  }
0xc1: {  	v34 =	vbroadcast v34, $0x0  }
0xc2: {  	[tilespmem:v32+s28+$0x0] =	vst.idx.msk $0xffff, v33  }
0xc3: {  	v59 =	vadd.s32 v7, v34;
	v32 =	vld [tilespmem:s23+$0xFFFFFF40];
	_ =	sdelay $0x4  }
0xc4: {  	[tilespmem:v59+s28+$0x0] =	vst.idx.msk $0xffff, v32  }
0xc5: {  	v60 =	vadd.s32 v8, v34;
	v32 =	vld [tilespmem:s23+$0xFFFFFF50];
	_ =	sdelay $0x4  }
0xc6: {  	[tilespmem:v60+s28+$0x0] =	vst.idx.msk $0xffff, v32  }
0xc7: {  	v61 =	vadd.s32 v9, v34;
	v32 =	vld [tilespmem:s23+$0xFFFFFF60];
	_ =	sdelay $0x4  }
0xc8: {  	[tilespmem:v61+s28+$0x0] =	vst.idx.msk $0xffff, v32  }
0xc9: {  	s22 =	simm.s32 $0x2;
	v62 =	vadd.s32 v10, v34;
	v32 =	vld [tilespmem:s23+$0xFFFFFF70]  }
0xca: {  	v63 =	vmov s22  }
0xcb: {  	v34 =	vshrl.u32 v63, $0x3  }
0xcc: {  	v34 =	vshll.u32 v34, v3  }
0xcd: {  	v34 =	vbroadcast v34, $0x0  }
0xce: {  	[tilespmem:v62+s28+$0x0] =	vst.idx.msk $0xffff, v32  }
0xcf: {  	v36 =	vadd.s32 v11, v34;
	v32 =	vld [tilespmem:s23+$0xFFFFFF80];
	_ =	sdelay $0x4  }
0xd0: {  	[tilespmem:v36+s28+$0x0] =	vst.idx.msk $0xffff, v32  }
0xd1: {  	v37 =	vadd.s32 v12, v34;
	v32 =	vld [tilespmem:s23+$0xFFFFFF90];
	_ =	sdelay $0x4  }
0xd2: {  	[tilespmem:v37+s28+$0x0] =	vst.idx.msk $0xffff, v32  }
0xd3: {  	v38 =	vadd.s32 v13, v34;
	v32 =	vld [tilespmem:s23+$0xFFFFFFA0];
	_ =	sdelay $0x4  }
0xd4: {  	[tilespmem:v38+s28+$0x0] =	vst.idx.msk $0xffff, v32  }
0xd5: {  	s24 =	simm.s32 $0x3;
	v39 =	vadd.s32 v14, v34;
	v32 =	vld [tilespmem:s23+$0xFFFFFFB0]  }
0xd6: {  	v40 =	vmov s24  }
0xd7: {  	v34 =	vshrl.u32 v40, $0x3  }
0xd8: {  	v34 =	vshll.u32 v34, v3  }
0xd9: {  	v34 =	vbroadcast v34, $0x0  }
0xda: {  	[tilespmem:v39+s28+$0x0] =	vst.idx.msk $0xffff, v32  }
0xdb: {  	v41 =	vadd.s32 v15, v34;
	v32 =	vld [tilespmem:s23+$0xFFFFFFC0];
	_ =	sdelay $0x4  }
0xdc: {  	[tilespmem:v41+s28+$0x0] =	vst.idx.msk $0xffff, v32  }
0xdd: {  	v42 =	vadd.s32 v16, v34;
	v32 =	vld [tilespmem:s23+$0xFFFFFFD0];
	_ =	sdelay $0x4  }
0xde: {  	[tilespmem:v42+s28+$0x0] =	vst.idx.msk $0xffff, v32  }
0xdf: {  	v43 =	vadd.s32 v17, v34;
	v32 =	vld [tilespmem:s23+$0xFFFFFFE0];
	_ =	sdelay $0x4  }
0xe0: {  	[tilespmem:v43+s28+$0x0] =	vst.idx.msk $0xffff, v32  }
0xe1: {  	s25 =	simm.s32 $0x4;
	v44 =	vadd.s32 v18, v34;
	v32 =	vld [tilespmem:s23+$0xFFFFFFF0]  }
0xe2: {  	v45 =	vmov s25  }
0xe3: {  	v34 =	vshrl.u32 v45, $0x3  }
0xe4: {  	v34 =	vshll.u32 v34, v3  }
0xe5: {  	v34 =	vbroadcast v34, $0x0  }
0xe6: {  	[tilespmem:v44+s28+$0x0] =	vst.idx.msk $0xffff, v32  }
0xe7: {  	v46 =	vadd.s32 v19, v34;
	v32 =	vld [tilespmem:s23+$0x0];
	_ =	sdelay $0x4  }
0xe8: {  	[tilespmem:v46+s28+$0x0] =	vst.idx.msk $0xffff, v32  }
0xe9: {  	v47 =	vadd.s32 v20, v34;
	v32 =	vld [tilespmem:s23+$0x10];
	_ =	sdelay $0x4  }
0xea: {  	[tilespmem:v47+s28+$0x0] =	vst.idx.msk $0xffff, v32  }
0xeb: {  	v48 =	vadd.s32 v21, v34;
	v32 =	vld [tilespmem:s23+$0x20];
	_ =	sdelay $0x4  }
0xec: {  	[tilespmem:v48+s28+$0x0] =	vst.idx.msk $0xffff, v32  }
0xed: {  	s22 =	simm.s32 $0x5;
	v49 =	vadd.s32 v22, v34;
	v32 =	vld [tilespmem:s23+$0x30]  }
0xee: {  	v50 =	vmov s22  }
0xef: {  	v34 =	vshrl.u32 v50, $0x3  }
0xf0: {  	v34 =	vshll.u32 v34, v3  }
0xf1: {  	v34 =	vbroadcast v34, $0x0  }
0xf2: {  	[tilespmem:v49+s28+$0x0] =	vst.idx.msk $0xffff, v32  }
0xf3: {  	v51 =	vadd.s32 v23, v34;
	v32 =	vld [tilespmem:s23+$0x40];
	_ =	sdelay $0x4  }
0xf4: {  	[tilespmem:v51+s28+$0x0] =	vst.idx.msk $0xffff, v32  }
0xf5: {  	v52 =	vadd.s32 v24, v34;
	v32 =	vld [tilespmem:s23+$0x50];
	_ =	sdelay $0x4  }
0xf6: {  	[tilespmem:v52+s28+$0x0] =	vst.idx.msk $0xffff, v32  }
0xf7: {  	v53 =	vadd.s32 v25, v34;
	v32 =	vld [tilespmem:s23+$0x60];
	_ =	sdelay $0x4  }
0xf8: {  	[tilespmem:v53+s28+$0x0] =	vst.idx.msk $0xffff, v32  }
0xf9: {  	s24 =	simm.s32 $0x6;
	v54 =	vadd.s32 v26, v34;
	v32 =	vld [tilespmem:s23+$0x70]  }
0xfa: {  	v55 =	vmov s24  }
0xfb: {  	v34 =	vshrl.u32 v55, $0x3  }
0xfc: {  	v34 =	vshll.u32 v34, v3  }
0xfd: {  	v34 =	vbroadcast v34, $0x0  }
0xfe: {  	[tilespmem:v54+s28+$0x0] =	vst.idx.msk $0xffff, v32  }
0xff: {  	v56 =	vadd.s32 v27, v34;
	v32 =	vld [tilespmem:s23+$0x80];
	_ =	sdelay $0x4  }
0x100: {  	[tilespmem:v56+s28+$0x0] =	vst.idx.msk $0xffff, v32  }
0x101: {  	v57 =	vadd.s32 v28, v34;
	v32 =	vld [tilespmem:s23+$0x90];
	_ =	sdelay $0x4  }
0x102: {  	[tilespmem:v57+s28+$0x0] =	vst.idx.msk $0xffff, v32  }
0x103: {  	v58 =	vadd.s32 v29, v34;
	v32 =	vld [tilespmem:s23+$0xA0];
	_ =	sdelay $0x4  }
0x104: {  	[tilespmem:v58+s28+$0x0] =	vst.idx.msk $0xffff, v32  }
0x105: {  	s25 =	simm.s32 $0x7;
	v59 =	vadd.s32 v30, v34;
	v32 =	vld [tilespmem:s23+$0xB0]  }
0x106: {  	v60 =	vmov s25  }
0x107: {  	v34 =	vshrl.u32 v60, $0x3  }
0x108: {  	v34 =	vshll.u32 v34, v3  }
0x109: {  	v61 =	vbroadcast v34, $0x0  }
0x10a: {  	[tilespmem:v59+s28+$0x0] =	vst.idx.msk $0xffff, v32  }
0x10b: {  	v62 =	vadd.s32 v31, v61;
	v32 =	vld [tilespmem:s23+$0xC0];
	_ =	sdelay $0x4  }
0x10c: {  	[tilespmem:v62+s28+$0x0] =	vst.idx.msk $0xffff, v32;
	v32 =	vadd.s32 $0x887, v0  }
0x10d: {  	v33 =	vld [tilespmem:s23+$0xD0];
	v34 =	vadd.s32 v32, v61;
	_ =	sdelay $0x4  }
0x10e: {  	[tilespmem:v34+s28+$0x0] =	vst.idx.msk $0xffff, v33;
	v33 =	vadd.s32 $0x1107, v0  }
0x10f: {  	v34 =	vld [tilespmem:s23+$0xE0];
	v63 =	vadd.s32 v33, v61;
	_ =	sdelay $0x4  }
0x110: {  	[tilespmem:v63+s28+$0x0] =	vst.idx.msk $0xffff, v34;
	v34 =	vadd.s32 $0x1987, v0  }
0x111: {  	s25 =	simm.s32 $0x8;
	v35 =	vld [tilespmem:s23+$0xF0];
	v36 =	vadd.s32 v34, v61  }
0x112: {  	s22 =	simm.s32 $0x10;
	s8 =	sshllo.u32 s7, $0x2;
	v37 =	vmov s25  }
.LBB2_3:
0x113: {  	p0 =	slt.u32 s22, $0x78;
	v37 =	vshrl.u32 v37, $0x3  }
0x114: {  	v37 =	vshll.u32 v37, v3  }
0x115: {  	v37 =	vbroadcast v37, $0x0  }
0x116: {  	s23 =	sadd.s32 $0x200, s23;
	[tilespmem:v36+s28+$0x0] =	vst.idx.msk $0xffff, v35  }
0x117: {  	v35 =	vld [tilespmem:s23+$0xFFFFFF00];
	v36 =	vadd.s32 v0, v37;
	_ =	sdelay $0x4  }
0x118: {  	[tilespmem:v36+s28+$0x0] =	vst.idx.msk $0xffff, v35  }
0x119: {  	v36 =	vadd.s32 v4, v37;
	v35 =	vld [tilespmem:s23+$0xFFFFFF10];
	_ =	sdelay $0x4  }
0x11a: {  	[tilespmem:v36+s28+$0x0] =	vst.idx.msk $0xffff, v35  }
0x11b: {  	v36 =	vadd.s32 v5, v37;
	v35 =	vld [tilespmem:s23+$0xFFFFFF20];
	_ =	sdelay $0x4  }
0x11c: {  	[tilespmem:v36+s28+$0x0] =	vst.idx.msk $0xffff, v35  }
0x11d: {  	s24 =	sadd.s32 $0x1, s25;
	v36 =	vadd.s32 v6, v37;
	v35 =	vld [tilespmem:s23+$0xFFFFFF30]  }
0x11e: {  	v37 =	vmov s24  }
0x11f: {  	v37 =	vshrl.u32 v37, $0x3  }
0x120: {  	v37 =	vshll.u32 v37, v3  }
0x121: {  	v37 =	vbroadcast v37, $0x0  }
0x122: {  	[tilespmem:v36+s28+$0x0] =	vst.idx.msk $0xffff, v35  }
0x123: {  	v36 =	vadd.s32 v7, v37;
	v35 =	vld [tilespmem:s23+$0xFFFFFF40];
	_ =	sdelay $0x4  }
0x124: {  	[tilespmem:v36+s28+$0x0] =	vst.idx.msk $0xffff, v35  }
0x125: {  	v36 =	vadd.s32 v8, v37;
	v35 =	vld [tilespmem:s23+$0xFFFFFF50];
	_ =	sdelay $0x4  }
0x126: {  	[tilespmem:v36+s28+$0x0] =	vst.idx.msk $0xffff, v35  }
0x127: {  	v36 =	vadd.s32 v9, v37;
	v35 =	vld [tilespmem:s23+$0xFFFFFF60];
	_ =	sdelay $0x4  }
0x128: {  	[tilespmem:v36+s28+$0x0] =	vst.idx.msk $0xffff, v35  }
0x129: {  	s24 =	sadd.s32 $0x2, s25;
	v36 =	vadd.s32 v10, v37;
	v35 =	vld [tilespmem:s23+$0xFFFFFF70]  }
0x12a: {  	v37 =	vmov s24  }
0x12b: {  	v37 =	vshrl.u32 v37, $0x3  }
0x12c: {  	v37 =	vshll.u32 v37, v3  }
0x12d: {  	v37 =	vbroadcast v37, $0x0  }
0x12e: {  	[tilespmem:v36+s28+$0x0] =	vst.idx.msk $0xffff, v35  }
0x12f: {  	v36 =	vadd.s32 v11, v37;
	v35 =	vld [tilespmem:s23+$0xFFFFFF80];
	_ =	sdelay $0x4  }
0x130: {  	[tilespmem:v36+s28+$0x0] =	vst.idx.msk $0xffff, v35  }
0x131: {  	v36 =	vadd.s32 v12, v37;
	v35 =	vld [tilespmem:s23+$0xFFFFFF90];
	_ =	sdelay $0x4  }
0x132: {  	[tilespmem:v36+s28+$0x0] =	vst.idx.msk $0xffff, v35  }
0x133: {  	v36 =	vadd.s32 v13, v37;
	v35 =	vld [tilespmem:s23+$0xFFFFFFA0];
	_ =	sdelay $0x4  }
0x134: {  	[tilespmem:v36+s28+$0x0] =	vst.idx.msk $0xffff, v35  }
0x135: {  	s24 =	sadd.s32 $0x3, s25;
	v36 =	vadd.s32 v14, v37;
	v35 =	vld [tilespmem:s23+$0xFFFFFFB0]  }
0x136: {  	v37 =	vmov s24  }
0x137: {  	v37 =	vshrl.u32 v37, $0x3  }
0x138: {  	v37 =	vshll.u32 v37, v3  }
0x139: {  	v37 =	vbroadcast v37, $0x0  }
0x13a: {  	[tilespmem:v36+s28+$0x0] =	vst.idx.msk $0xffff, v35  }
0x13b: {  	v36 =	vadd.s32 v15, v37;
	v35 =	vld [tilespmem:s23+$0xFFFFFFC0];
	_ =	sdelay $0x4  }
0x13c: {  	[tilespmem:v36+s28+$0x0] =	vst.idx.msk $0xffff, v35  }
0x13d: {  	v36 =	vadd.s32 v16, v37;
	v35 =	vld [tilespmem:s23+$0xFFFFFFD0];
	_ =	sdelay $0x4  }
0x13e: {  	[tilespmem:v36+s28+$0x0] =	vst.idx.msk $0xffff, v35  }
0x13f: {  	v36 =	vadd.s32 v17, v37;
	v35 =	vld [tilespmem:s23+$0xFFFFFFE0];
	_ =	sdelay $0x4  }
0x140: {  	[tilespmem:v36+s28+$0x0] =	vst.idx.msk $0xffff, v35  }
0x141: {  	s24 =	sadd.s32 $0x4, s25;
	v36 =	vadd.s32 v18, v37;
	v35 =	vld [tilespmem:s23+$0xFFFFFFF0]  }
0x142: {  	v37 =	vmov s24  }
0x143: {  	v37 =	vshrl.u32 v37, $0x3  }
0x144: {  	v37 =	vshll.u32 v37, v3  }
0x145: {  	v37 =	vbroadcast v37, $0x0  }
0x146: {  	[tilespmem:v36+s28+$0x0] =	vst.idx.msk $0xffff, v35  }
0x147: {  	v36 =	vadd.s32 v19, v37;
	v35 =	vld [tilespmem:s23+$0x0];
	_ =	sdelay $0x4  }
0x148: {  	[tilespmem:v36+s28+$0x0] =	vst.idx.msk $0xffff, v35  }
0x149: {  	v36 =	vadd.s32 v20, v37;
	v35 =	vld [tilespmem:s23+$0x10];
	_ =	sdelay $0x4  }
0x14a: {  	[tilespmem:v36+s28+$0x0] =	vst.idx.msk $0xffff, v35  }
0x14b: {  	v36 =	vadd.s32 v21, v37;
	v35 =	vld [tilespmem:s23+$0x20];
	_ =	sdelay $0x4  }
0x14c: {  	[tilespmem:v36+s28+$0x0] =	vst.idx.msk $0xffff, v35  }
0x14d: {  	s24 =	sadd.s32 $0x5, s25;
	v36 =	vadd.s32 v22, v37;
	v35 =	vld [tilespmem:s23+$0x30]  }
0x14e: {  	v37 =	vmov s24  }
0x14f: {  	v37 =	vshrl.u32 v37, $0x3  }
0x150: {  	v37 =	vshll.u32 v37, v3  }
0x151: {  	v37 =	vbroadcast v37, $0x0  }
0x152: {  	[tilespmem:v36+s28+$0x0] =	vst.idx.msk $0xffff, v35  }
0x153: {  	v36 =	vadd.s32 v23, v37;
	v35 =	vld [tilespmem:s23+$0x40];
	_ =	sdelay $0x4  }
0x154: {  	[tilespmem:v36+s28+$0x0] =	vst.idx.msk $0xffff, v35  }
0x155: {  	v36 =	vadd.s32 v24, v37;
	v35 =	vld [tilespmem:s23+$0x50];
	_ =	sdelay $0x4  }
0x156: {  	[tilespmem:v36+s28+$0x0] =	vst.idx.msk $0xffff, v35  }
0x157: {  	v36 =	vadd.s32 v25, v37;
	v35 =	vld [tilespmem:s23+$0x60];
	_ =	sdelay $0x4  }
0x158: {  	[tilespmem:v36+s28+$0x0] =	vst.idx.msk $0xffff, v35  }
0x159: {  	s24 =	sadd.s32 $0x6, s25;
	v36 =	vadd.s32 v26, v37;
	v35 =	vld [tilespmem:s23+$0x70]  }
0x15a: {  	v37 =	vmov s24  }
0x15b: {  	v37 =	vshrl.u32 v37, $0x3  }
0x15c: {  	v37 =	vshll.u32 v37, v3  }
0x15d: {  	v37 =	vbroadcast v37, $0x0  }
0x15e: {  	[tilespmem:v36+s28+$0x0] =	vst.idx.msk $0xffff, v35  }
0x15f: {  	v36 =	vadd.s32 v27, v37;
	v35 =	vld [tilespmem:s23+$0x80];
	_ =	sdelay $0x4  }
0x160: {  	[tilespmem:v36+s28+$0x0] =	vst.idx.msk $0xffff, v35  }
0x161: {  	v36 =	vadd.s32 v28, v37;
	v35 =	vld [tilespmem:s23+$0x90];
	_ =	sdelay $0x4  }
0x162: {  	[tilespmem:v36+s28+$0x0] =	vst.idx.msk $0xffff, v35  }
0x163: {  	v36 =	vadd.s32 v29, v37;
	v35 =	vld [tilespmem:s23+$0xA0];
	_ =	sdelay $0x4  }
0x164: {  	[tilespmem:v36+s28+$0x0] =	vst.idx.msk $0xffff, v35  }
0x165: {  	s24 =	sadd.s32 $0x7, s25;
	s25 =	smov.u32 s22;
	v36 =	vadd.s32 v30, v37;
	v35 =	vld [tilespmem:s23+$0xB0]  }
0x166: {  	v37 =	vmov s24  }
0x167: {  	v37 =	vshrl.u32 v37, $0x3  }
0x168: {  	v37 =	vshll.u32 v37, v3  }
0x169: {  	v37 =	vbroadcast v37, $0x0  }
0x16a: {  	[tilespmem:v36+s28+$0x0] =	vst.idx.msk $0xffff, v35  }
0x16b: {  	v36 =	vadd.s32 v31, v37;
	v35 =	vld [tilespmem:s23+$0xC0];
	_ =	sdelay $0x4  }
0x16c: {  	[tilespmem:v36+s28+$0x0] =	vst.idx.msk $0xffff, v35  }
0x16d: {  	v36 =	vadd.s32 v32, v37;
	v35 =	vld [tilespmem:s23+$0xD0];
	_ =	sdelay $0x4  }
0x16e: {  	[tilespmem:v36+s28+$0x0] =	vst.idx.msk $0xffff, v35  }
0x16f: {  	v36 =	vadd.s32 v33, v37;
	v35 =	vld [tilespmem:s23+$0xE0];
	_ =	sdelay $0x2  }
.Ltmp0:
0x170: {  	(pc) =	sbr.rel @p0 .LBB2_3-.Ltmp0, $4  }
0x171: {  	_ = 	snop  }
0x172: {  	[tilespmem:v36+s28+$0x0] =	vst.idx.msk $0xffff, v35  }
0x173: {  	v36 =	vadd.s32 v34, v37;
	v35 =	vld [tilespmem:s23+$0xF0]  }
0x174: {  	s22 =	sadd.s32 $0x8, s22;
	v37 =	vmov s25  }
0x175: {  	_ = 	snop  }
0x176: {  	v37 =	vshrl.u32 v37, $0x3  }
0x177: {  	v37 =	vshll.u32 v37, v3  }
0x178: {  	v37 =	vbroadcast v37, $0x0  }
0x179: {  	s22 =	sadd.s32 $0x200, s23;
	[tilespmem:v36+s28+$0x0] =	vst.idx.msk $0xffff, v35  }
0x17a: {  	v35 =	vld [tilespmem:s22+$0xFFFFFF00];
	v58 =	vadd.s32 v0, v37;
	_ =	sdelay $0x4  }
0x17b: {  	[tilespmem:v58+s28+$0x0] =	vst.idx.msk $0xffff, v35  }
0x17c: {  	v59 =	vadd.s32 v4, v37;
	v35 =	vld [tilespmem:s22+$0xFFFFFF10];
	_ =	sdelay $0x4  }
0x17d: {  	[tilespmem:v59+s28+$0x0] =	vst.idx.msk $0xffff, v35  }
0x17e: {  	v60 =	vadd.s32 v5, v37;
	v35 =	vld [tilespmem:s22+$0xFFFFFF20];
	_ =	sdelay $0x4  }
0x17f: {  	[tilespmem:v60+s28+$0x0] =	vst.idx.msk $0xffff, v35  }
0x180: {  	s24 =	sadd.s32 $0x1, s25;
	v61 =	vadd.s32 v6, v37;
	v35 =	vld [tilespmem:s22+$0xFFFFFF30]  }
0x181: {  	v62 =	vmov s24  }
0x182: {  	v37 =	vshrl.u32 v62, $0x3  }
0x183: {  	v37 =	vshll.u32 v37, v3  }
0x184: {  	v37 =	vbroadcast v37, $0x0  }
0x185: {  	[tilespmem:v61+s28+$0x0] =	vst.idx.msk $0xffff, v35  }
0x186: {  	v63 =	vadd.s32 v7, v37;
	v35 =	vld [tilespmem:s22+$0xFFFFFF40];
	_ =	sdelay $0x4  }
0x187: {  	[tilespmem:v63+s28+$0x0] =	vst.idx.msk $0xffff, v35  }
0x188: {  	v40 =	vadd.s32 v8, v37;
	v35 =	vld [tilespmem:s22+$0xFFFFFF50];
	_ =	sdelay $0x4  }
0x189: {  	[tilespmem:v40+s28+$0x0] =	vst.idx.msk $0xffff, v35  }
0x18a: {  	v41 =	vadd.s32 v9, v37;
	v35 =	vld [tilespmem:s22+$0xFFFFFF60];
	_ =	sdelay $0x4  }
0x18b: {  	[tilespmem:v41+s28+$0x0] =	vst.idx.msk $0xffff, v35  }
0x18c: {  	s24 =	sadd.s32 $0x2, s25;
	v42 =	vadd.s32 v10, v37;
	v35 =	vld [tilespmem:s22+$0xFFFFFF70]  }
0x18d: {  	v43 =	vmov s24  }
0x18e: {  	v37 =	vshrl.u32 v43, $0x3  }
0x18f: {  	v37 =	vshll.u32 v37, v3  }
0x190: {  	v37 =	vbroadcast v37, $0x0  }
0x191: {  	[tilespmem:v42+s28+$0x0] =	vst.idx.msk $0xffff, v35  }
0x192: {  	v44 =	vadd.s32 v11, v37;
	v35 =	vld [tilespmem:s22+$0xFFFFFF80];
	_ =	sdelay $0x4  }
0x193: {  	[tilespmem:v44+s28+$0x0] =	vst.idx.msk $0xffff, v35  }
0x194: {  	v45 =	vadd.s32 v12, v37;
	v35 =	vld [tilespmem:s22+$0xFFFFFF90];
	_ =	sdelay $0x4  }
0x195: {  	[tilespmem:v45+s28+$0x0] =	vst.idx.msk $0xffff, v35  }
0x196: {  	v46 =	vadd.s32 v13, v37;
	v35 =	vld [tilespmem:s22+$0xFFFFFFA0];
	_ =	sdelay $0x4  }
0x197: {  	[tilespmem:v46+s28+$0x0] =	vst.idx.msk $0xffff, v35  }
0x198: {  	s24 =	sadd.s32 $0x3, s25;
	v47 =	vadd.s32 v14, v37;
	v35 =	vld [tilespmem:s22+$0xFFFFFFB0]  }
0x199: {  	v48 =	vmov s24  }
0x19a: {  	v37 =	vshrl.u32 v48, $0x3  }
0x19b: {  	v37 =	vshll.u32 v37, v3  }
0x19c: {  	v37 =	vbroadcast v37, $0x0  }
0x19d: {  	[tilespmem:v47+s28+$0x0] =	vst.idx.msk $0xffff, v35  }
0x19e: {  	v49 =	vadd.s32 v15, v37;
	v35 =	vld [tilespmem:s22+$0xFFFFFFC0];
	_ =	sdelay $0x4  }
0x19f: {  	[tilespmem:v49+s28+$0x0] =	vst.idx.msk $0xffff, v35  }
0x1a0: {  	v50 =	vadd.s32 v16, v37;
	v35 =	vld [tilespmem:s22+$0xFFFFFFD0];
	_ =	sdelay $0x4  }
0x1a1: {  	[tilespmem:v50+s28+$0x0] =	vst.idx.msk $0xffff, v35  }
0x1a2: {  	v51 =	vadd.s32 v17, v37;
	v35 =	vld [tilespmem:s22+$0xFFFFFFE0];
	_ =	sdelay $0x4  }
0x1a3: {  	[tilespmem:v51+s28+$0x0] =	vst.idx.msk $0xffff, v35  }
0x1a4: {  	s24 =	sadd.s32 $0x4, s25;
	v52 =	vadd.s32 v18, v37;
	v35 =	vld [tilespmem:s22+$0xFFFFFFF0]  }
0x1a5: {  	v53 =	vmov s24  }
0x1a6: {  	v37 =	vshrl.u32 v53, $0x3  }
0x1a7: {  	v37 =	vshll.u32 v37, v3  }
0x1a8: {  	v37 =	vbroadcast v37, $0x0  }
0x1a9: {  	[tilespmem:v52+s28+$0x0] =	vst.idx.msk $0xffff, v35  }
0x1aa: {  	v54 =	vadd.s32 v19, v37;
	v35 =	vld [tilespmem:s22+$0x0];
	_ =	sdelay $0x4  }
0x1ab: {  	[tilespmem:v54+s28+$0x0] =	vst.idx.msk $0xffff, v35  }
0x1ac: {  	v55 =	vadd.s32 v20, v37;
	v35 =	vld [tilespmem:s22+$0x10];
	_ =	sdelay $0x4  }
0x1ad: {  	[tilespmem:v55+s28+$0x0] =	vst.idx.msk $0xffff, v35  }
0x1ae: {  	v56 =	vadd.s32 v21, v37;
	v35 =	vld [tilespmem:s22+$0x20];
	_ =	sdelay $0x4  }
0x1af: {  	[tilespmem:v56+s28+$0x0] =	vst.idx.msk $0xffff, v35  }
0x1b0: {  	s24 =	sadd.s32 $0x5, s25;
	v57 =	vadd.s32 v22, v37;
	v35 =	vld [tilespmem:s22+$0x30]  }
0x1b1: {  	v58 =	vmov s24  }
0x1b2: {  	v37 =	vshrl.u32 v58, $0x3  }
0x1b3: {  	v37 =	vshll.u32 v37, v3  }
0x1b4: {  	v37 =	vbroadcast v37, $0x0  }
0x1b5: {  	[tilespmem:v57+s28+$0x0] =	vst.idx.msk $0xffff, v35  }
0x1b6: {  	v59 =	vadd.s32 v23, v37;
	v35 =	vld [tilespmem:s22+$0x40];
	_ =	sdelay $0x4  }
0x1b7: {  	[tilespmem:v59+s28+$0x0] =	vst.idx.msk $0xffff, v35  }
0x1b8: {  	v60 =	vadd.s32 v24, v37;
	v35 =	vld [tilespmem:s22+$0x50];
	_ =	sdelay $0x4  }
0x1b9: {  	[tilespmem:v60+s28+$0x0] =	vst.idx.msk $0xffff, v35  }
0x1ba: {  	v61 =	vadd.s32 v25, v37;
	v35 =	vld [tilespmem:s22+$0x60];
	_ =	sdelay $0x4  }
0x1bb: {  	[tilespmem:v61+s28+$0x0] =	vst.idx.msk $0xffff, v35  }
0x1bc: {  	s24 =	sadd.s32 $0x6, s25;
	v62 =	vadd.s32 v26, v37;
	v35 =	vld [tilespmem:s22+$0x70]  }
0x1bd: {  	v63 =	vmov s24  }
0x1be: {  	v37 =	vshrl.u32 v63, $0x3  }
0x1bf: {  	v37 =	vshll.u32 v37, v3  }
0x1c0: {  	v37 =	vbroadcast v37, $0x0  }
0x1c1: {  	[tilespmem:v62+s28+$0x0] =	vst.idx.msk $0xffff, v35  }
0x1c2: {  	v40 =	vadd.s32 v27, v37;
	v35 =	vld [tilespmem:s22+$0x80];
	_ =	sdelay $0x4  }
0x1c3: {  	[tilespmem:v40+s28+$0x0] =	vst.idx.msk $0xffff, v35  }
0x1c4: {  	v41 =	vadd.s32 v28, v37;
	v35 =	vld [tilespmem:s22+$0x90];
	_ =	sdelay $0x4  }
0x1c5: {  	[tilespmem:v41+s28+$0x0] =	vst.idx.msk $0xffff, v35  }
0x1c6: {  	v42 =	vadd.s32 v29, v37;
	v35 =	vld [tilespmem:s22+$0xA0];
	_ =	sdelay $0x4  }
0x1c7: {  	[tilespmem:v42+s28+$0x0] =	vst.idx.msk $0xffff, v35  }
0x1c8: {  	s25 =	sadd.s32 $0x7, s25;
	v43 =	vadd.s32 v30, v37;
	v35 =	vld [tilespmem:s22+$0xB0]  }
0x1c9: {  	v44 =	vmov s25  }
0x1ca: {  	v37 =	vshrl.u32 v44, $0x3  }
0x1cb: {  	v37 =	vshll.u32 v37, v3  }
0x1cc: {  	v37 =	vbroadcast v37, $0x0  }
0x1cd: {  	[tilespmem:v43+s28+$0x0] =	vst.idx.msk $0xffff, v35  }
0x1ce: {  	v45 =	vadd.s32 v31, v37;
	v35 =	vld [tilespmem:s22+$0xC0];
	_ =	sdelay $0x4  }
0x1cf: {  	[tilespmem:v45+s28+$0x0] =	vst.idx.msk $0xffff, v35  }
0x1d0: {  	v46 =	vadd.s32 v32, v37;
	v35 =	vld [tilespmem:s22+$0xD0];
	_ =	sdelay $0x4  }
0x1d1: {  	[tilespmem:v46+s28+$0x0] =	vst.idx.msk $0xffff, v35  }
0x1d2: {  	v47 =	vadd.s32 v33, v37;
	v35 =	vld [tilespmem:s22+$0xE0];
	_ =	sdelay $0x4  }
0x1d3: {  	[tilespmem:v47+s28+$0x0] =	vst.idx.msk $0xffff, v35  }
0x1d4: {  	v48 =	vadd.s32 v34, v37;
	v35 =	vld [tilespmem:s22+$0xF0];
	_ =	sdelay $0x1  }
0x1d5: {  	s23 =	sshll.u32 s21, $0xA;
	s24 =	sshll.u32 s21, $0x7  }
0x1d6: {  	s21 =	sand.u32 $0xE00, s24;
	s22 =	sand.u32 $0xFFF8000, s23  }
0x1d7: {  	s21 =	sor.u32 s21, s22  }
0x1d8: {  	s22 =	sadd.s32 s2, s21;
	[tilespmem:v48+s28+$0x0] =	vst.idx.msk $0xffff, v35  }
0x1d9: {  	[hbm4b:s22+s3] =	stream.linear.scatter [tilespmem:s28], [sflag:$0x5], $0x80, $0x38;
	[tilespmem:$0xC600] =	vst v63  }
0x1da: {  	s24 =	simm.s32 $0x8288;
	s25 =	sadd.s32 $0x10, s22  }
0x1db: {  	[hbm4b:s25+s3] =	stream.linear.scatter [tilespmem:s24], [sflag:$0x5], $0x80, $0x38;
	[tilespmem:$0xC600] =	vst v63  }
0x1dc: {  	s24 =	sadd.s32 $0x20, s22;
	s25 =	simm.s32 $0x8310  }
0x1dd: {  	[hbm4b:s24+s3] =	stream.linear.scatter [tilespmem:s25], [sflag:$0x5], $0x80, $0x38;
	[tilespmem:$0xC600] =	vst v63  }
0x1de: {  	s24 =	sadd.s32 $0x30, s22;
	s25 =	simm.s32 $0x8398  }
0x1df: {  	[hbm4b:s24+s3] =	stream.linear.scatter [tilespmem:s25], [sflag:$0x5], $0x80, $0x38;
	[tilespmem:$0xC600] =	vst v63  }
0x1e0: {  	s24 =	sadd.s32 $0x40, s22;
	s25 =	simm.s32 $0x8420  }
0x1e1: {  	[hbm4b:s24+s3] =	stream.linear.scatter [tilespmem:s25], [sflag:$0x5], $0x80, $0x38;
	[tilespmem:$0xC600] =	vst v63  }
0x1e2: {  	s24 =	sadd.s32 $0x50, s22;
	s25 =	simm.s32 $0x84A8  }
0x1e3: {  	[hbm4b:s24+s3] =	stream.linear.scatter [tilespmem:s25], [sflag:$0x5], $0x80, $0x38;
	[tilespmem:$0xC600] =	vst v63  }
0x1e4: {  	s24 =	sadd.s32 $0x60, s22;
	s25 =	simm.s32 $0x8530  }
0x1e5: {  	[hbm4b:s24+s3] =	stream.linear.scatter [tilespmem:s25], [sflag:$0x5], $0x80, $0x38;
	[tilespmem:$0xC600] =	vst v63  }
0x1e6: {  	s22 =	sadd.s32 $0x70, s22;
	s24 =	simm.s32 $0x85B8  }
0x1e7: {  	[hbm4b:s22+s3] =	stream.linear.scatter [tilespmem:s24], [sflag:$0x5], $0x80, $0x38;
	[tilespmem:$0xC600] =	vst v63  }
0x1e8: {  	s25 =	simm.s32 $0x8640;
	s22 =	sadd.s32 s21, s10  }
0x1e9: {  	[hbm4b:s22+s3] =	stream.linear.scatter [tilespmem:s25], [sflag:$0x5], $0x80, $0x38;
	[tilespmem:$0xC600] =	vst v63  }
0x1ea: {  	s24 =	sadd.s32 $0x10, s22;
	s25 =	simm.s32 $0x86C8  }
0x1eb: {  	[hbm4b:s24+s3] =	stream.linear.scatter [tilespmem:s25], [sflag:$0x5], $0x80, $0x38;
	[tilespmem:$0xC600] =	vst v63  }
0x1ec: {  	s24 =	sadd.s32 $0x20, s22;
	s25 =	simm.s32 $0x8750  }
0x1ed: {  	[hbm4b:s24+s3] =	stream.linear.scatter [tilespmem:s25], [sflag:$0x5], $0x80, $0x38;
	[tilespmem:$0xC600] =	vst v63  }
0x1ee: {  	s24 =	sadd.s32 $0x30, s22;
	s25 =	simm.s32 $0x87D8  }
0x1ef: {  	[hbm4b:s24+s3] =	stream.linear.scatter [tilespmem:s25], [sflag:$0x5], $0x80, $0x38;
	[tilespmem:$0xC600] =	vst v63  }
0x1f0: {  	s24 =	sadd.s32 $0x40, s22;
	s25 =	simm.s32 $0x8860  }
0x1f1: {  	[hbm4b:s24+s3] =	stream.linear.scatter [tilespmem:s25], [sflag:$0x5], $0x80, $0x38;
	[tilespmem:$0xC600] =	vst v63  }
0x1f2: {  	s24 =	sadd.s32 $0x50, s22;
	s25 =	simm.s32 $0x88E8  }
0x1f3: {  	[hbm4b:s24+s3] =	stream.linear.scatter [tilespmem:s25], [sflag:$0x5], $0x80, $0x38;
	[tilespmem:$0xC600] =	vst v63  }
0x1f4: {  	s24 =	sadd.s32 $0x60, s22;
	s25 =	simm.s32 $0x8970  }
0x1f5: {  	[hbm4b:s24+s3] =	stream.linear.scatter [tilespmem:s25], [sflag:$0x5], $0x80, $0x38;
	[tilespmem:$0xC600] =	vst v63  }
0x1f6: {  	s22 =	sadd.s32 $0x70, s22;
	s24 =	simm.s32 $0x89F8  }
0x1f7: {  	[hbm4b:s22+s3] =	stream.linear.scatter [tilespmem:s24], [sflag:$0x5], $0x80, $0x38;
	[tilespmem:$0xC600] =	vst v63  }
0x1f8: {  	s25 =	simm.s32 $0x8A80;
	s22 =	sadd.s32 s21, s11  }
0x1f9: {  	[hbm4b:s22+s3] =	stream.linear.scatter [tilespmem:s25], [sflag:$0x5], $0x80, $0x38;
	[tilespmem:$0xC600] =	vst v63  }
0x1fa: {  	s24 =	sadd.s32 $0x10, s22;
	s25 =	simm.s32 $0x8B08  }
0x1fb: {  	[hbm4b:s24+s3] =	stream.linear.scatter [tilespmem:s25], [sflag:$0x5], $0x80, $0x38;
	[tilespmem:$0xC600] =	vst v63  }
0x1fc: {  	s24 =	sadd.s32 $0x20, s22;
	s25 =	simm.s32 $0x8B90  }
0x1fd: {  	[hbm4b:s24+s3] =	stream.linear.scatter [tilespmem:s25], [sflag:$0x5], $0x80, $0x38;
	[tilespmem:$0xC600] =	vst v63  }
0x1fe: {  	s24 =	sadd.s32 $0x30, s22;
	s25 =	simm.s32 $0x8C18  }
0x1ff: {  	[hbm4b:s24+s3] =	stream.linear.scatter [tilespmem:s25], [sflag:$0x5], $0x80, $0x38;
	[tilespmem:$0xC600] =	vst v63  }
0x200: {  	s24 =	sadd.s32 $0x40, s22;
	s25 =	simm.s32 $0x8CA0  }
0x201: {  	[hbm4b:s24+s3] =	stream.linear.scatter [tilespmem:s25], [sflag:$0x5], $0x80, $0x38;
	[tilespmem:$0xC600] =	vst v63  }
0x202: {  	s24 =	sadd.s32 $0x50, s22;
	s25 =	simm.s32 $0x8D28  }
0x203: {  	[hbm4b:s24+s3] =	stream.linear.scatter [tilespmem:s25], [sflag:$0x5], $0x80, $0x38;
	[tilespmem:$0xC600] =	vst v63  }
0x204: {  	s24 =	sadd.s32 $0x60, s22;
	s25 =	simm.s32 $0x8DB0  }
0x205: {  	[hbm4b:s24+s3] =	stream.linear.scatter [tilespmem:s25], [sflag:$0x5], $0x80, $0x38;
	[tilespmem:$0xC600] =	vst v63  }
0x206: {  	s22 =	sadd.s32 $0x70, s22;
	s24 =	simm.s32 $0x8E38  }
0x207: {  	[hbm4b:s22+s3] =	stream.linear.scatter [tilespmem:s24], [sflag:$0x5], $0x80, $0x38;
	[tilespmem:$0xC600] =	vst v63  }
0x208: {  	s25 =	simm.s32 $0x8EC0;
	s22 =	sadd.s32 s21, s12  }
0x209: {  	[hbm4b:s22+s3] =	stream.linear.scatter [tilespmem:s25], [sflag:$0x5], $0x80, $0x38;
	[tilespmem:$0xC600] =	vst v63  }
0x20a: {  	s24 =	sadd.s32 $0x10, s22;
	s25 =	simm.s32 $0x8F48  }
0x20b: {  	[hbm4b:s24+s3] =	stream.linear.scatter [tilespmem:s25], [sflag:$0x5], $0x80, $0x38;
	[tilespmem:$0xC600] =	vst v63  }
0x20c: {  	s24 =	sadd.s32 $0x20, s22;
	s25 =	simm.s32 $0x8FD0  }
0x20d: {  	[hbm4b:s24+s3] =	stream.linear.scatter [tilespmem:s25], [sflag:$0x5], $0x80, $0x38;
	[tilespmem:$0xC600] =	vst v63  }
0x20e: {  	s24 =	sadd.s32 $0x30, s22;
	s25 =	simm.s32 $0x9058  }
0x20f: {  	[hbm4b:s24+s3] =	stream.linear.scatter [tilespmem:s25], [sflag:$0x5], $0x80, $0x38;
	[tilespmem:$0xC600] =	vst v63  }
0x210: {  	s24 =	sadd.s32 $0x40, s22;
	s25 =	simm.s32 $0x90E0  }
0x211: {  	[hbm4b:s24+s3] =	stream.linear.scatter [tilespmem:s25], [sflag:$0x5], $0x80, $0x38;
	[tilespmem:$0xC600] =	vst v63  }
0x212: {  	s24 =	sadd.s32 $0x50, s22;
	s25 =	simm.s32 $0x9168  }
0x213: {  	[hbm4b:s24+s3] =	stream.linear.scatter [tilespmem:s25], [sflag:$0x5], $0x80, $0x38;
	[tilespmem:$0xC600] =	vst v63  }
0x214: {  	s24 =	sadd.s32 $0x60, s22;
	s25 =	simm.s32 $0x91F0  }
0x215: {  	[hbm4b:s24+s3] =	stream.linear.scatter [tilespmem:s25], [sflag:$0x5], $0x80, $0x38;
	[tilespmem:$0xC600] =	vst v63  }
0x216: {  	s22 =	sadd.s32 $0x70, s22;
	s24 =	simm.s32 $0x9278  }
0x217: {  	[hbm4b:s22+s3] =	stream.linear.scatter [tilespmem:s24], [sflag:$0x5], $0x80, $0x38;
	[tilespmem:$0xC600] =	vst v63  }
0x218: {  	s25 =	simm.s32 $0x9300;
	s22 =	sadd.s32 s21, s13  }
0x219: {  	[hbm4b:s22+s3] =	stream.linear.scatter [tilespmem:s25], [sflag:$0x5], $0x80, $0x38;
	[tilespmem:$0xC600] =	vst v63  }
0x21a: {  	s24 =	sadd.s32 $0x10, s22;
	s25 =	simm.s32 $0x9388  }
0x21b: {  	[hbm4b:s24+s3] =	stream.linear.scatter [tilespmem:s25], [sflag:$0x5], $0x80, $0x38;
	[tilespmem:$0xC600] =	vst v63  }
0x21c: {  	s24 =	sadd.s32 $0x20, s22;
	s25 =	simm.s32 $0x9410  }
0x21d: {  	[hbm4b:s24+s3] =	stream.linear.scatter [tilespmem:s25], [sflag:$0x5], $0x80, $0x38;
	[tilespmem:$0xC600] =	vst v63  }
0x21e: {  	s24 =	sadd.s32 $0x30, s22;
	s25 =	simm.s32 $0x9498  }
0x21f: {  	[hbm4b:s24+s3] =	stream.linear.scatter [tilespmem:s25], [sflag:$0x5], $0x80, $0x38;
	[tilespmem:$0xC600] =	vst v63  }
0x220: {  	s24 =	sadd.s32 $0x40, s22;
	s25 =	simm.s32 $0x9520  }
0x221: {  	[hbm4b:s24+s3] =	stream.linear.scatter [tilespmem:s25], [sflag:$0x5], $0x80, $0x38;
	[tilespmem:$0xC600] =	vst v63  }
0x222: {  	s24 =	sadd.s32 $0x50, s22;
	s25 =	simm.s32 $0x95A8  }
0x223: {  	[hbm4b:s24+s3] =	stream.linear.scatter [tilespmem:s25], [sflag:$0x5], $0x80, $0x38;
	[tilespmem:$0xC600] =	vst v63  }
0x224: {  	s24 =	sadd.s32 $0x60, s22;
	s25 =	simm.s32 $0x9630  }
0x225: {  	[hbm4b:s24+s3] =	stream.linear.scatter [tilespmem:s25], [sflag:$0x5], $0x80, $0x38;
	[tilespmem:$0xC600] =	vst v63  }
0x226: {  	s22 =	sadd.s32 $0x70, s22;
	s24 =	simm.s32 $0x96B8  }
0x227: {  	[hbm4b:s22+s3] =	stream.linear.scatter [tilespmem:s24], [sflag:$0x5], $0x80, $0x38;
	[tilespmem:$0xC600] =	vst v63  }
0x228: {  	s25 =	simm.s32 $0x9740;
	s22 =	sadd.s32 s21, s14  }
0x229: {  	[hbm4b:s22+s3] =	stream.linear.scatter [tilespmem:s25], [sflag:$0x5], $0x80, $0x38;
	[tilespmem:$0xC600] =	vst v63  }
0x22a: {  	s24 =	sadd.s32 $0x10, s22;
	s25 =	simm.s32 $0x97C8  }
0x22b: {  	[hbm4b:s24+s3] =	stream.linear.scatter [tilespmem:s25], [sflag:$0x5], $0x80, $0x38;
	[tilespmem:$0xC600] =	vst v63  }
0x22c: {  	s24 =	sadd.s32 $0x20, s22;
	s25 =	simm.s32 $0x9850  }
0x22d: {  	[hbm4b:s24+s3] =	stream.linear.scatter [tilespmem:s25], [sflag:$0x5], $0x80, $0x38;
	[tilespmem:$0xC600] =	vst v63  }
0x22e: {  	s24 =	sadd.s32 $0x30, s22;
	s25 =	simm.s32 $0x98D8  }
0x22f: {  	[hbm4b:s24+s3] =	stream.linear.scatter [tilespmem:s25], [sflag:$0x5], $0x80, $0x38;
	[tilespmem:$0xC600] =	vst v63  }
0x230: {  	s24 =	sadd.s32 $0x40, s22;
	s25 =	simm.s32 $0x9960  }
0x231: {  	[hbm4b:s24+s3] =	stream.linear.scatter [tilespmem:s25], [sflag:$0x5], $0x80, $0x38;
	[tilespmem:$0xC600] =	vst v63  }
0x232: {  	s24 =	sadd.s32 $0x50, s22;
	s25 =	simm.s32 $0x99E8  }
0x233: {  	[hbm4b:s24+s3] =	stream.linear.scatter [tilespmem:s25], [sflag:$0x5], $0x80, $0x38;
	[tilespmem:$0xC600] =	vst v63  }
0x234: {  	s24 =	sadd.s32 $0x60, s22;
	s25 =	simm.s32 $0x9A70  }
0x235: {  	[hbm4b:s24+s3] =	stream.linear.scatter [tilespmem:s25], [sflag:$0x5], $0x80, $0x38;
	[tilespmem:$0xC600] =	vst v63  }
0x236: {  	s22 =	sadd.s32 $0x70, s22;
	s24 =	simm.s32 $0x9AF8  }
0x237: {  	[hbm4b:s22+s3] =	stream.linear.scatter [tilespmem:s24], [sflag:$0x5], $0x80, $0x38;
	[tilespmem:$0xC600] =	vst v63  }
0x238: {  	s25 =	simm.s32 $0x9B80;
	s22 =	sadd.s32 s21, s15  }
0x239: {  	[hbm4b:s22+s3] =	stream.linear.scatter [tilespmem:s25], [sflag:$0x5], $0x80, $0x38;
	[tilespmem:$0xC600] =	vst v63  }
0x23a: {  	s24 =	sadd.s32 $0x10, s22;
	s25 =	simm.s32 $0x9C08  }
0x23b: {  	[hbm4b:s24+s3] =	stream.linear.scatter [tilespmem:s25], [sflag:$0x5], $0x80, $0x38;
	[tilespmem:$0xC600] =	vst v63  }
0x23c: {  	s24 =	sadd.s32 $0x20, s22;
	s25 =	simm.s32 $0x9C90  }
0x23d: {  	[hbm4b:s24+s3] =	stream.linear.scatter [tilespmem:s25], [sflag:$0x5], $0x80, $0x38;
	[tilespmem:$0xC600] =	vst v63  }
0x23e: {  	s24 =	sadd.s32 $0x30, s22;
	s25 =	simm.s32 $0x9D18  }
0x23f: {  	[hbm4b:s24+s3] =	stream.linear.scatter [tilespmem:s25], [sflag:$0x5], $0x80, $0x38;
	[tilespmem:$0xC600] =	vst v63  }
0x240: {  	s24 =	sadd.s32 $0x40, s22;
	s25 =	simm.s32 $0x9DA0  }
0x241: {  	[hbm4b:s24+s3] =	stream.linear.scatter [tilespmem:s25], [sflag:$0x5], $0x80, $0x38;
	[tilespmem:$0xC600] =	vst v63  }
0x242: {  	s24 =	sadd.s32 $0x50, s22;
	s25 =	simm.s32 $0x9E28  }
0x243: {  	[hbm4b:s24+s3] =	stream.linear.scatter [tilespmem:s25], [sflag:$0x5], $0x80, $0x38;
	[tilespmem:$0xC600] =	vst v63  }
0x244: {  	s24 =	sadd.s32 $0x60, s22;
	s25 =	simm.s32 $0x9EB0  }
0x245: {  	[hbm4b:s24+s3] =	stream.linear.scatter [tilespmem:s25], [sflag:$0x5], $0x80, $0x38;
	[tilespmem:$0xC600] =	vst v63  }
0x246: {  	s22 =	sadd.s32 $0x70, s22;
	s25 =	simm.s32 $0x9F38  }
0x247: {  	[hbm4b:s22+s3] =	stream.linear.scatter [tilespmem:s25], [sflag:$0x5], $0x80, $0x38;
	[tilespmem:$0xC600] =	vst v63  }
0x248: {  	s23 =	simm.s32 $0x9FC0;
	s21 =	sadd.s32 s21, s16  }
0x249: {  	[hbm4b:s21+s3] =	stream.linear.scatter [tilespmem:s23], [sflag:$0x5], $0x80, $0x38;
	[tilespmem:$0xC600] =	vst v63  }
0x24a: {  	s24 =	sadd.s32 $0x10, s21;
	s25 =	simm.s32 $0xA048  }
0x24b: {  	[hbm4b:s24+s3] =	stream.linear.scatter [tilespmem:s25], [sflag:$0x5], $0x80, $0x38;
	[tilespmem:$0xC600] =	vst v63  }
0x24c: {  	s24 =	sadd.s32 $0x20, s21;
	s25 =	simm.s32 $0xA0D0  }
0x24d: {  	[hbm4b:s24+s3] =	stream.linear.scatter [tilespmem:s25], [sflag:$0x5], $0x80, $0x38;
	[tilespmem:$0xC600] =	vst v63  }
0x24e: {  	s24 =	sadd.s32 $0x30, s21;
	s25 =	simm.s32 $0xA158  }
0x24f: {  	[hbm4b:s24+s3] =	stream.linear.scatter [tilespmem:s25], [sflag:$0x5], $0x80, $0x38;
	[tilespmem:$0xC600] =	vst v63  }
0x250: {  	s24 =	sadd.s32 $0x40, s21;
	s25 =	simm.s32 $0xA1E0  }
0x251: {  	[hbm4b:s24+s3] =	stream.linear.scatter [tilespmem:s25], [sflag:$0x5], $0x80, $0x38;
	[tilespmem:$0xC600] =	vst v63  }
0x252: {  	s24 =	sadd.s32 $0x50, s21;
	s25 =	simm.s32 $0xA268  }
0x253: {  	[hbm4b:s24+s3] =	stream.linear.scatter [tilespmem:s25], [sflag:$0x5], $0x80, $0x38;
	[tilespmem:$0xC600] =	vst v63  }
0x254: {  	s24 =	sadd.s32 $0x60, s21;
	s25 =	simm.s32 $0xA2F0  }
0x255: {  	[hbm4b:s24+s3] =	stream.linear.scatter [tilespmem:s25], [sflag:$0x5], $0x80, $0x38;
	[tilespmem:$0xC600] =	vst v63  }
0x256: {  	s17 =	sadd.s32 s17, s5;
	s23 =	simm.s32 $0xA378;
	s21 =	sadd.s32 $0x70, s21  }
0x257: {  	[hbm4b:s21+s3] =	stream.linear.scatter [tilespmem:s23], [sflag:$0x5], $0x80, $0x38;
	[tilespmem:$0xC600] =	vst v63  }
0x258: {  	p0 =	seq.s32 s7, $0x31;
	s21 =	sadd.s32 $0x1, s17  }
0x259: {  	s22 =	sshll.u32 @!p0 s21, $0x4  }
0x25a: {  	s23 =	sadd.s32 @!p0 s9, s22;
	s22 =	simm.s32 @!p0 $0x0  }
0x25b: {  	[tilespmem:s22], [sflag:$0x7] =	stream.linear.gather @!p0 [hbm4b:s23+s22], $0x80, $0x38;
	[tilespmem:$0xC600] =	vst v63  }
0x25c: {  	s23 =	simm.s32 @!p0 $0x7  }
0x25d: {  	_ =	swait.ge @!p0 [sflag:s23], $0x80  }
0x25e: {  	[sflag:s23] =	ssyncset.done @!p0 $0x0  }
0x25f: {  	[sflag:s23] =	ssyncadd.s32 @!p0 $0xFFFFFF80  }
0x260: {  	v35 =	vld @!p0 [tilespmem:$0x0];
	_ =	sdelay $0x1  }
0x261: {  	v36 =	vld @!p0 [tilespmem:$0x10];
	_ =	sdelay $0x2  }
0x262: {  	v38 =	vimm.s32 @!p0 $0x0;
	v37 =	vld @!p0 [tilespmem:$0x20];
	vm0 =	vgt.s32 @!p0 v35, $0x79FFF  }
0x263: {  	v40 =	vimm.s32 @!p0 $0xFFF0C000;
	v39 =	vsel @!p0 vm0, $0xFFF0C001, v38;
	vm0 =	vgt.s32 @!p0 v35, $0xF411F  }
0x264: {  	v41 =	vld @!p0 [tilespmem:$0x30];
	vm1 =	vgt.s32 @!p0 v36, $0x79FFF;
	v42 =	vsel @!p0 vm0, $0xFFF0BDC1, v40;
	vm0 =	vgt.s32 @!p0 v35, $0xF3FFF  }
0x265: {  	v35 =	vshll.u32 @!p0 v35, $0x1;
	v39 =	vsel @!p0 vm0, v42, v39;
	vm0 =	vgt.s32 @!p0 v36, $0xF411F  }
0x266: {  	v44 =	vld @!p0 [tilespmem:$0x40];
	v42 =	vsel @!p0 vm1, $0xFFF0C001, v38;
	v43 =	vsel @!p0 vm0, $0xFFF0BDC1, v40;
	vm0 =	vgt.s32 @!p0 v36, $0xF3FFF  }
0x267: {  	vm1 =	vgt.s32 @!p0 v37, $0x79FFF;
	v42 =	vsel @!p0 vm0, v43, v42;
	vm0 =	vgt.s32 @!p0 v37, $0xF411F  }
0x268: {  	v43 =	vsel @!p0 vm1, $0xFFF0C001, v38;
	v45 =	vsel @!p0 vm0, $0xFFF0BDC1, v40;
	vm0 =	vgt.s32 @!p0 v37, $0xF3FFF  }
0x269: {  	v46 =	vld @!p0 [tilespmem:$0x50];
	vm1 =	vgt.s32 @!p0 v41, $0x79FFF;
	v43 =	vsel @!p0 vm0, v45, v43;
	vm0 =	vgt.s32 @!p0 v41, $0xF411F  }
0x26a: {  	v45 =	vsel @!p0 vm1, $0xFFF0C001, v38;
	v47 =	vsel @!p0 vm0, $0xFFF0BDC1, v40;
	vm0 =	vgt.s32 @!p0 v41, $0xF3FFF  }
0x26b: {  	v35 =	vadd.s32 @!p0 v35, v39;
	v39 =	vsel @!p0 vm0, v47, v45;
	vm0 =	vgt.s32 @!p0 v44, $0x79FFF  }
0x26c: {  	v36 =	vshll.u32 @!p0 v36, $0x1;
	v47 =	vld @!p0 [tilespmem:$0x60];
	v45 =	vsel @!p0 vm0, $0xFFF0C001, v38;
	vm0 =	vgt.s32 @!p0 v44, $0xF411F  }
0x26d: {  	v36 =	vadd.s32 @!p0 v36, v42;
	v42 =	vsel @!p0 vm0, $0xFFF0BDC1, v40;
	vm0 =	vgt.s32 @!p0 v44, $0xF3FFF  }
0x26e: {  	v37 =	vshll.u32 @!p0 v37, $0x1;
	v42 =	vsel @!p0 vm0, v42, v45;
	vm0 =	vgt.s32 @!p0 v46, $0x79FFF  }
0x26f: {  	v37 =	vadd.s32 @!p0 v37, v43;
	v45 =	vld @!p0 [tilespmem:$0x70];
	v43 =	vsel @!p0 vm0, $0xFFF0C001, v38;
	vm0 =	vgt.s32 @!p0 v46, $0xF411F  }
0x270: {  	v41 =	vshll.u32 @!p0 v41, $0x1;
	v48 =	vsel @!p0 vm0, $0xFFF0BDC1, v40;
	vm0 =	vgt.s32 @!p0 v46, $0xF3FFF  }
0x271: {  	[tilespmem:$0x0] =	vst @!p0 v35;
	v39 =	vadd.s32 @!p0 v41, v39;
	v41 =	vsel @!p0 vm0, v48, v43;
	vm0 =	vgt.s32 @!p0 v47, $0x79FFF  }
0x272: {  	v35 =	vshll.u32 @!p0 v44, $0x1;
	[tilespmem:$0x10] =	vst @!p0 v36;
	v43 =	vsel @!p0 vm0, $0xFFF0C001, v38;
	vm0 =	vgt.s32 @!p0 v47, $0xF411F  }
0x273: {  	[tilespmem:$0x20] =	vst @!p0 v37;
	v37 =	vshll.u32 @!p0 v46, $0x1;
	v36 =	vsel @!p0 vm0, $0xFFF0BDC1, v40;
	vm0 =	vgt.s32 @!p0 v47, $0xF3FFF  }
0x274: {  	v35 =	vadd.s32 @!p0 v35, v42;
	v36 =	vsel @!p0 vm0, v36, v43;
	vm0 =	vgt.s32 @!p0 v45, $0x79FFF  }
0x275: {  	[tilespmem:$0x40] =	vst @!p0 v35;
	v35 =	vshll.u32 @!p0 v47, $0x1;
	v38 =	vsel @!p0 vm0, $0xFFF0C001, v38;
	vm0 =	vgt.s32 @!p0 v45, $0xF411F  }
0x276: {  	[tilespmem:$0x30] =	vst @!p0 v39;
	v37 =	vadd.s32 @!p0 v37, v41;
	v39 =	vsel @!p0 vm0, $0xFFF0BDC1, v40;
	vm0 =	vgt.s32 @!p0 v45, $0xF3FFF  }
0x277: {  	[tilespmem:$0x50] =	vst @!p0 v37;
	v35 =	vadd.s32 @!p0 v35, v36;
	v36 =	vshll.u32 @!p0 v45, $0x1;
	v37 =	vsel @!p0 vm0, v39, v38  }
0x278: {  	p1 =	seq.s32 @!p0 s7, $0x0;
	[tilespmem:$0x60] =	vst @!p0 v35;
	v35 =	vadd.s32 @!p0 v36, v37  }
0x279: {  	p1 =	por p0, !p1;
	s24 =	simm.s32 @!p0 $0x200;
	s23 =	simm.s32 @!p0 $0x80;
	[tilespmem:$0x70] =	vst @!p0 v35  }
0x27a: {  	[tilespmem:s24], [sflag:$0x1] =	stream.indirect.gather @!p0 [hbm4b:s4+s23], $0x40, s22, s23, $0xb8;
	[tilespmem:$0xC600] =	vst v63  }
0x27b: {  	_ =	swait.ge @p1 [sflag:s20], $0x400  }
0x27c: {  	[sflag:s20] =	ssyncset.done @p1 $0x0  }
0x27d: {  	[sflag:s20] =	ssyncadd.s32 @p1 $0xFFFFFC00  }
0x27e: {  	_ =	swait.ge @p1 [sflag:s20], $0x400  }
0x27f: {  	[sflag:s20] =	ssyncset.done @p1 $0x0  }
0x280: {  	[sflag:s20] =	ssyncadd.s32 @p1 $0xFFFFFC00  }
0x281: {  	_ =	swait.ge @p1 [sflag:s20], $0x400  }
0x282: {  	[sflag:s20] =	ssyncset.done @p1 $0x0  }
0x283: {  	[sflag:s20] =	ssyncadd.s32 @p1 $0xFFFFFC00  }
0x284: {  	_ =	swait.ge @p1 [sflag:s20], $0x400  }
0x285: {  	[sflag:s20] =	ssyncset.done @p1 $0x0  }
0x286: {  	[sflag:s20] =	ssyncadd.s32 @p1 $0xFFFFFC00  }
0x287: {  	_ =	swait.ge @p1 [sflag:s20], $0x400  }
0x288: {  	[sflag:s20] =	ssyncset.done @p1 $0x0  }
0x289: {  	[sflag:s20] =	ssyncadd.s32 @p1 $0xFFFFFC00  }
0x28a: {  	_ =	swait.ge @p1 [sflag:s20], $0x400  }
0x28b: {  	[sflag:s20] =	ssyncset.done @p1 $0x0  }
0x28c: {  	[sflag:s20] =	ssyncadd.s32 @p1 $0xFFFFFC00  }
0x28d: {  	_ =	swait.ge @p1 [sflag:s20], $0x400  }
0x28e: {  	[sflag:s20] =	ssyncset.done @p1 $0x0  }
0x28f: {  	[sflag:s20] =	ssyncadd.s32 @p1 $0xFFFFFC00  }
0x290: {  	s24 =	simm.s32 $0x0;
	_ =	swait.ge @p1 [sflag:s20], $0x400  }
0x291: {  	v49 =	vmov s24;
	[sflag:s20] =	ssyncset.done @p1 $0x0  }
0x292: {  	v35 =	vshrl.u32 v49, $0x3;
	[sflag:s20] =	ssyncadd.s32 @p1 $0xFFFFFC00  }
0x293: {  	v35 =	vshll.u32 v35, v3;
	_ =	swait.ge [sflag:s1], $0x2000  }
0x294: {  	v35 =	vbroadcast v35, $0x0;
	[sflag:s1] =	ssyncset.done $0x0  }
0x295: {  	s23 =	simm.s32 $0x2300;
	[sflag:s1] =	ssyncadd.s32 $0xFFFFE000  }
0x296: {  	v51 =	vadd.s32 v0, v35;
	v50 =	vld [tilespmem:s23+$0xFFFFFF00];
	_ =	sdelay $0x4  }
0x297: {  	[tilespmem:v51+s0+$0x0] =	vst.idx.msk $0xffff, v50  }
0x298: {  	v52 =	vadd.s32 v4, v35;
	v36 =	vld [tilespmem:s23+$0xFFFFFF10];
	_ =	sdelay $0x4  }
0x299: {  	[tilespmem:v52+s0+$0x0] =	vst.idx.msk $0xffff, v36  }
0x29a: {  	v53 =	vadd.s32 v5, v35;
	v36 =	vld [tilespmem:s23+$0xFFFFFF20];
	_ =	sdelay $0x4  }
0x29b: {  	[tilespmem:v53+s0+$0x0] =	vst.idx.msk $0xffff, v36  }
0x29c: {  	s25 =	simm.s32 $0x1;
	v35 =	vadd.s32 v6, v35;
	v36 =	vld [tilespmem:s23+$0xFFFFFF30]  }
0x29d: {  	v54 =	vmov s25  }
0x29e: {  	v37 =	vshrl.u32 v54, $0x3  }
0x29f: {  	v37 =	vshll.u32 v37, v3  }
0x2a0: {  	v37 =	vbroadcast v37, $0x0  }
0x2a1: {  	[tilespmem:v35+s0+$0x0] =	vst.idx.msk $0xffff, v36  }
0x2a2: {  	v55 =	vadd.s32 v7, v37;
	v35 =	vld [tilespmem:s23+$0xFFFFFF40];
	_ =	sdelay $0x4  }
0x2a3: {  	[tilespmem:v55+s0+$0x0] =	vst.idx.msk $0xffff, v35  }
0x2a4: {  	v56 =	vadd.s32 v8, v37;
	v35 =	vld [tilespmem:s23+$0xFFFFFF50];
	_ =	sdelay $0x4  }
0x2a5: {  	[tilespmem:v56+s0+$0x0] =	vst.idx.msk $0xffff, v35  }
0x2a6: {  	v57 =	vadd.s32 v9, v37;
	v35 =	vld [tilespmem:s23+$0xFFFFFF60];
	_ =	sdelay $0x4  }
0x2a7: {  	[tilespmem:v57+s0+$0x0] =	vst.idx.msk $0xffff, v35  }
0x2a8: {  	s24 =	simm.s32 $0x2;
	v58 =	vadd.s32 v10, v37;
	v35 =	vld [tilespmem:s23+$0xFFFFFF70]  }
0x2a9: {  	v59 =	vmov s24  }
0x2aa: {  	v37 =	vshrl.u32 v59, $0x3  }
0x2ab: {  	v37 =	vshll.u32 v37, v3  }
0x2ac: {  	v37 =	vbroadcast v37, $0x0  }
0x2ad: {  	[tilespmem:v58+s0+$0x0] =	vst.idx.msk $0xffff, v35  }
0x2ae: {  	v60 =	vadd.s32 v11, v37;
	v35 =	vld [tilespmem:s23+$0xFFFFFF80];
	_ =	sdelay $0x4  }
0x2af: {  	[tilespmem:v60+s0+$0x0] =	vst.idx.msk $0xffff, v35  }
0x2b0: {  	v61 =	vadd.s32 v12, v37;
	v35 =	vld [tilespmem:s23+$0xFFFFFF90];
	_ =	sdelay $0x4  }
0x2b1: {  	[tilespmem:v61+s0+$0x0] =	vst.idx.msk $0xffff, v35  }
0x2b2: {  	v62 =	vadd.s32 v13, v37;
	v35 =	vld [tilespmem:s23+$0xFFFFFFA0];
	_ =	sdelay $0x4  }
0x2b3: {  	[tilespmem:v62+s0+$0x0] =	vst.idx.msk $0xffff, v35  }
0x2b4: {  	s25 =	simm.s32 $0x3;
	v63 =	vadd.s32 v14, v37;
	v35 =	vld [tilespmem:s23+$0xFFFFFFB0]  }
0x2b5: {  	v40 =	vmov s25  }
0x2b6: {  	v37 =	vshrl.u32 v40, $0x3  }
0x2b7: {  	v37 =	vshll.u32 v37, v3  }
0x2b8: {  	v37 =	vbroadcast v37, $0x0  }
0x2b9: {  	[tilespmem:v63+s0+$0x0] =	vst.idx.msk $0xffff, v35  }
0x2ba: {  	v41 =	vadd.s32 v15, v37;
	v35 =	vld [tilespmem:s23+$0xFFFFFFC0];
	_ =	sdelay $0x4  }
0x2bb: {  	[tilespmem:v41+s0+$0x0] =	vst.idx.msk $0xffff, v35  }
0x2bc: {  	v42 =	vadd.s32 v16, v37;
	v35 =	vld [tilespmem:s23+$0xFFFFFFD0];
	_ =	sdelay $0x4  }
0x2bd: {  	[tilespmem:v42+s0+$0x0] =	vst.idx.msk $0xffff, v35  }
0x2be: {  	v43 =	vadd.s32 v17, v37;
	v35 =	vld [tilespmem:s23+$0xFFFFFFE0];
	_ =	sdelay $0x4  }
0x2bf: {  	[tilespmem:v43+s0+$0x0] =	vst.idx.msk $0xffff, v35  }
0x2c0: {  	s24 =	simm.s32 $0x4;
	v44 =	vadd.s32 v18, v37;
	v35 =	vld [tilespmem:s23+$0xFFFFFFF0]  }
0x2c1: {  	v45 =	vmov s24  }
0x2c2: {  	v37 =	vshrl.u32 v45, $0x3  }
0x2c3: {  	v37 =	vshll.u32 v37, v3  }
0x2c4: {  	v37 =	vbroadcast v37, $0x0  }
0x2c5: {  	[tilespmem:v44+s0+$0x0] =	vst.idx.msk $0xffff, v35  }
0x2c6: {  	v46 =	vadd.s32 v19, v37;
	v35 =	vld [tilespmem:s23+$0x0];
	_ =	sdelay $0x4  }
0x2c7: {  	[tilespmem:v46+s0+$0x0] =	vst.idx.msk $0xffff, v35  }
0x2c8: {  	v47 =	vadd.s32 v20, v37;
	v35 =	vld [tilespmem:s23+$0x10];
	_ =	sdelay $0x4  }
0x2c9: {  	[tilespmem:v47+s0+$0x0] =	vst.idx.msk $0xffff, v35  }
0x2ca: {  	v48 =	vadd.s32 v21, v37;
	v35 =	vld [tilespmem:s23+$0x20];
	_ =	sdelay $0x4  }
0x2cb: {  	[tilespmem:v48+s0+$0x0] =	vst.idx.msk $0xffff, v35  }
0x2cc: {  	s25 =	simm.s32 $0x5;
	v49 =	vadd.s32 v22, v37;
	v35 =	vld [tilespmem:s23+$0x30]  }
0x2cd: {  	v50 =	vmov s25  }
0x2ce: {  	v37 =	vshrl.u32 v50, $0x3  }
0x2cf: {  	v37 =	vshll.u32 v37, v3  }
0x2d0: {  	v37 =	vbroadcast v37, $0x0  }
0x2d1: {  	[tilespmem:v49+s0+$0x0] =	vst.idx.msk $0xffff, v35  }
0x2d2: {  	v51 =	vadd.s32 v23, v37;
	v35 =	vld [tilespmem:s23+$0x40];
	_ =	sdelay $0x4  }
0x2d3: {  	[tilespmem:v51+s0+$0x0] =	vst.idx.msk $0xffff, v35  }
0x2d4: {  	v52 =	vadd.s32 v24, v37;
	v35 =	vld [tilespmem:s23+$0x50];
	_ =	sdelay $0x4  }
0x2d5: {  	[tilespmem:v52+s0+$0x0] =	vst.idx.msk $0xffff, v35  }
0x2d6: {  	v53 =	vadd.s32 v25, v37;
	v35 =	vld [tilespmem:s23+$0x60];
	_ =	sdelay $0x4  }
0x2d7: {  	[tilespmem:v53+s0+$0x0] =	vst.idx.msk $0xffff, v35  }
0x2d8: {  	s24 =	simm.s32 $0x6;
	v54 =	vadd.s32 v26, v37;
	v35 =	vld [tilespmem:s23+$0x70]  }
0x2d9: {  	v55 =	vmov s24  }
0x2da: {  	v37 =	vshrl.u32 v55, $0x3  }
0x2db: {  	v37 =	vshll.u32 v37, v3  }
0x2dc: {  	v37 =	vbroadcast v37, $0x0  }
0x2dd: {  	[tilespmem:v54+s0+$0x0] =	vst.idx.msk $0xffff, v35  }
0x2de: {  	v56 =	vadd.s32 v27, v37;
	v35 =	vld [tilespmem:s23+$0x80];
	_ =	sdelay $0x4  }
0x2df: {  	[tilespmem:v56+s0+$0x0] =	vst.idx.msk $0xffff, v35  }
0x2e0: {  	v57 =	vadd.s32 v28, v37;
	v35 =	vld [tilespmem:s23+$0x90];
	_ =	sdelay $0x4  }
0x2e1: {  	[tilespmem:v57+s0+$0x0] =	vst.idx.msk $0xffff, v35  }
0x2e2: {  	v58 =	vadd.s32 v29, v37;
	v35 =	vld [tilespmem:s23+$0xA0];
	_ =	sdelay $0x4  }
0x2e3: {  	[tilespmem:v58+s0+$0x0] =	vst.idx.msk $0xffff, v35  }
0x2e4: {  	s25 =	simm.s32 $0x7;
	v59 =	vadd.s32 v30, v37;
	v35 =	vld [tilespmem:s23+$0xB0]  }
0x2e5: {  	v60 =	vmov s25  }
0x2e6: {  	v37 =	vshrl.u32 v60, $0x3  }
0x2e7: {  	v37 =	vshll.u32 v37, v3  }
0x2e8: {  	v37 =	vbroadcast v37, $0x0  }
0x2e9: {  	[tilespmem:v59+s0+$0x0] =	vst.idx.msk $0xffff, v35  }
0x2ea: {  	v61 =	vadd.s32 v31, v37;
	v35 =	vld [tilespmem:s23+$0xC0];
	_ =	sdelay $0x4  }
0x2eb: {  	[tilespmem:v61+s0+$0x0] =	vst.idx.msk $0xffff, v35  }
0x2ec: {  	v62 =	vadd.s32 v32, v37;
	v35 =	vld [tilespmem:s23+$0xD0];
	_ =	sdelay $0x4  }
0x2ed: {  	[tilespmem:v62+s0+$0x0] =	vst.idx.msk $0xffff, v35  }
0x2ee: {  	v63 =	vadd.s32 v33, v37;
	v35 =	vld [tilespmem:s23+$0xE0];
	_ =	sdelay $0x4  }
0x2ef: {  	[tilespmem:v63+s0+$0x0] =	vst.idx.msk $0xffff, v35  }
0x2f0: {  	s25 =	simm.s32 $0x8;
	v36 =	vadd.s32 v34, v37;
	v35 =	vld [tilespmem:s23+$0xF0]  }
0x2f1: {  	s22 =	simm.s32 $0x10;
	v37 =	vmov s25  }
.LBB2_5:
0x2f2: {  	p1 =	slt.u32 s22, $0x78;
	v37 =	vshrl.u32 v37, $0x3  }
0x2f3: {  	v37 =	vshll.u32 v37, v3  }
0x2f4: {  	v37 =	vbroadcast v37, $0x0  }
0x2f5: {  	s23 =	sadd.s32 $0x200, s23;
	[tilespmem:v36+s0+$0x0] =	vst.idx.msk $0xffff, v35  }
0x2f6: {  	v35 =	vld [tilespmem:s23+$0xFFFFFF00];
	v36 =	vadd.s32 v0, v37;
	_ =	sdelay $0x4  }
0x2f7: {  	[tilespmem:v36+s0+$0x0] =	vst.idx.msk $0xffff, v35  }
0x2f8: {  	v36 =	vadd.s32 v4, v37;
	v35 =	vld [tilespmem:s23+$0xFFFFFF10];
	_ =	sdelay $0x4  }
0x2f9: {  	[tilespmem:v36+s0+$0x0] =	vst.idx.msk $0xffff, v35  }
0x2fa: {  	v36 =	vadd.s32 v5, v37;
	v35 =	vld [tilespmem:s23+$0xFFFFFF20];
	_ =	sdelay $0x4  }
0x2fb: {  	[tilespmem:v36+s0+$0x0] =	vst.idx.msk $0xffff, v35  }
0x2fc: {  	s24 =	sadd.s32 $0x1, s25;
	v36 =	vadd.s32 v6, v37;
	v35 =	vld [tilespmem:s23+$0xFFFFFF30]  }
0x2fd: {  	v37 =	vmov s24  }
0x2fe: {  	v37 =	vshrl.u32 v37, $0x3  }
0x2ff: {  	v37 =	vshll.u32 v37, v3  }
0x300: {  	v37 =	vbroadcast v37, $0x0  }
0x301: {  	[tilespmem:v36+s0+$0x0] =	vst.idx.msk $0xffff, v35  }
0x302: {  	v36 =	vadd.s32 v7, v37;
	v35 =	vld [tilespmem:s23+$0xFFFFFF40];
	_ =	sdelay $0x4  }
0x303: {  	[tilespmem:v36+s0+$0x0] =	vst.idx.msk $0xffff, v35  }
0x304: {  	v36 =	vadd.s32 v8, v37;
	v35 =	vld [tilespmem:s23+$0xFFFFFF50];
	_ =	sdelay $0x4  }
0x305: {  	[tilespmem:v36+s0+$0x0] =	vst.idx.msk $0xffff, v35  }
0x306: {  	v36 =	vadd.s32 v9, v37;
	v35 =	vld [tilespmem:s23+$0xFFFFFF60];
	_ =	sdelay $0x4  }
0x307: {  	[tilespmem:v36+s0+$0x0] =	vst.idx.msk $0xffff, v35  }
0x308: {  	s24 =	sadd.s32 $0x2, s25;
	v36 =	vadd.s32 v10, v37;
	v35 =	vld [tilespmem:s23+$0xFFFFFF70]  }
0x309: {  	v37 =	vmov s24  }
0x30a: {  	v37 =	vshrl.u32 v37, $0x3  }
0x30b: {  	v37 =	vshll.u32 v37, v3  }
0x30c: {  	v37 =	vbroadcast v37, $0x0  }
0x30d: {  	[tilespmem:v36+s0+$0x0] =	vst.idx.msk $0xffff, v35  }
0x30e: {  	v36 =	vadd.s32 v11, v37;
	v35 =	vld [tilespmem:s23+$0xFFFFFF80];
	_ =	sdelay $0x4  }
0x30f: {  	[tilespmem:v36+s0+$0x0] =	vst.idx.msk $0xffff, v35  }
0x310: {  	v36 =	vadd.s32 v12, v37;
	v35 =	vld [tilespmem:s23+$0xFFFFFF90];
	_ =	sdelay $0x4  }
0x311: {  	[tilespmem:v36+s0+$0x0] =	vst.idx.msk $0xffff, v35  }
0x312: {  	v36 =	vadd.s32 v13, v37;
	v35 =	vld [tilespmem:s23+$0xFFFFFFA0];
	_ =	sdelay $0x4  }
0x313: {  	[tilespmem:v36+s0+$0x0] =	vst.idx.msk $0xffff, v35  }
0x314: {  	s24 =	sadd.s32 $0x3, s25;
	v36 =	vadd.s32 v14, v37;
	v35 =	vld [tilespmem:s23+$0xFFFFFFB0]  }
0x315: {  	v37 =	vmov s24  }
0x316: {  	v37 =	vshrl.u32 v37, $0x3  }
0x317: {  	v37 =	vshll.u32 v37, v3  }
0x318: {  	v37 =	vbroadcast v37, $0x0  }
0x319: {  	[tilespmem:v36+s0+$0x0] =	vst.idx.msk $0xffff, v35  }
0x31a: {  	v36 =	vadd.s32 v15, v37;
	v35 =	vld [tilespmem:s23+$0xFFFFFFC0];
	_ =	sdelay $0x4  }
0x31b: {  	[tilespmem:v36+s0+$0x0] =	vst.idx.msk $0xffff, v35  }
0x31c: {  	v36 =	vadd.s32 v16, v37;
	v35 =	vld [tilespmem:s23+$0xFFFFFFD0];
	_ =	sdelay $0x4  }
0x31d: {  	[tilespmem:v36+s0+$0x0] =	vst.idx.msk $0xffff, v35  }
0x31e: {  	v36 =	vadd.s32 v17, v37;
	v35 =	vld [tilespmem:s23+$0xFFFFFFE0];
	_ =	sdelay $0x4  }
0x31f: {  	[tilespmem:v36+s0+$0x0] =	vst.idx.msk $0xffff, v35  }
0x320: {  	s24 =	sadd.s32 $0x4, s25;
	v36 =	vadd.s32 v18, v37;
	v35 =	vld [tilespmem:s23+$0xFFFFFFF0]  }
0x321: {  	v37 =	vmov s24  }
0x322: {  	v37 =	vshrl.u32 v37, $0x3  }
0x323: {  	v37 =	vshll.u32 v37, v3  }
0x324: {  	v37 =	vbroadcast v37, $0x0  }
0x325: {  	[tilespmem:v36+s0+$0x0] =	vst.idx.msk $0xffff, v35  }
0x326: {  	v36 =	vadd.s32 v19, v37;
	v35 =	vld [tilespmem:s23+$0x0];
	_ =	sdelay $0x4  }
0x327: {  	[tilespmem:v36+s0+$0x0] =	vst.idx.msk $0xffff, v35  }
0x328: {  	v36 =	vadd.s32 v20, v37;
	v35 =	vld [tilespmem:s23+$0x10];
	_ =	sdelay $0x4  }
0x329: {  	[tilespmem:v36+s0+$0x0] =	vst.idx.msk $0xffff, v35  }
0x32a: {  	v36 =	vadd.s32 v21, v37;
	v35 =	vld [tilespmem:s23+$0x20];
	_ =	sdelay $0x4  }
0x32b: {  	[tilespmem:v36+s0+$0x0] =	vst.idx.msk $0xffff, v35  }
0x32c: {  	s24 =	sadd.s32 $0x5, s25;
	v36 =	vadd.s32 v22, v37;
	v35 =	vld [tilespmem:s23+$0x30]  }
0x32d: {  	v37 =	vmov s24  }
0x32e: {  	v37 =	vshrl.u32 v37, $0x3  }
0x32f: {  	v37 =	vshll.u32 v37, v3  }
0x330: {  	v37 =	vbroadcast v37, $0x0  }
0x331: {  	[tilespmem:v36+s0+$0x0] =	vst.idx.msk $0xffff, v35  }
0x332: {  	v36 =	vadd.s32 v23, v37;
	v35 =	vld [tilespmem:s23+$0x40];
	_ =	sdelay $0x4  }
0x333: {  	[tilespmem:v36+s0+$0x0] =	vst.idx.msk $0xffff, v35  }
0x334: {  	v36 =	vadd.s32 v24, v37;
	v35 =	vld [tilespmem:s23+$0x50];
	_ =	sdelay $0x4  }
0x335: {  	[tilespmem:v36+s0+$0x0] =	vst.idx.msk $0xffff, v35  }
0x336: {  	v36 =	vadd.s32 v25, v37;
	v35 =	vld [tilespmem:s23+$0x60];
	_ =	sdelay $0x4  }
0x337: {  	[tilespmem:v36+s0+$0x0] =	vst.idx.msk $0xffff, v35  }
0x338: {  	s24 =	sadd.s32 $0x6, s25;
	v36 =	vadd.s32 v26, v37;
	v35 =	vld [tilespmem:s23+$0x70]  }
0x339: {  	v37 =	vmov s24  }
0x33a: {  	v37 =	vshrl.u32 v37, $0x3  }
0x33b: {  	v37 =	vshll.u32 v37, v3  }
0x33c: {  	v37 =	vbroadcast v37, $0x0  }
0x33d: {  	[tilespmem:v36+s0+$0x0] =	vst.idx.msk $0xffff, v35  }
0x33e: {  	v36 =	vadd.s32 v27, v37;
	v35 =	vld [tilespmem:s23+$0x80];
	_ =	sdelay $0x4  }
0x33f: {  	[tilespmem:v36+s0+$0x0] =	vst.idx.msk $0xffff, v35  }
0x340: {  	v36 =	vadd.s32 v28, v37;
	v35 =	vld [tilespmem:s23+$0x90];
	_ =	sdelay $0x4  }
0x341: {  	[tilespmem:v36+s0+$0x0] =	vst.idx.msk $0xffff, v35  }
0x342: {  	v36 =	vadd.s32 v29, v37;
	v35 =	vld [tilespmem:s23+$0xA0];
	_ =	sdelay $0x4  }
0x343: {  	[tilespmem:v36+s0+$0x0] =	vst.idx.msk $0xffff, v35  }
0x344: {  	s24 =	sadd.s32 $0x7, s25;
	s25 =	smov.u32 s22;
	v36 =	vadd.s32 v30, v37;
	v35 =	vld [tilespmem:s23+$0xB0]  }
0x345: {  	v37 =	vmov s24  }
0x346: {  	v37 =	vshrl.u32 v37, $0x3  }
0x347: {  	v37 =	vshll.u32 v37, v3  }
0x348: {  	v37 =	vbroadcast v37, $0x0  }
0x349: {  	[tilespmem:v36+s0+$0x0] =	vst.idx.msk $0xffff, v35  }
0x34a: {  	v36 =	vadd.s32 v31, v37;
	v35 =	vld [tilespmem:s23+$0xC0];
	_ =	sdelay $0x4  }
0x34b: {  	[tilespmem:v36+s0+$0x0] =	vst.idx.msk $0xffff, v35  }
0x34c: {  	v36 =	vadd.s32 v32, v37;
	v35 =	vld [tilespmem:s23+$0xD0];
	_ =	sdelay $0x4  }
0x34d: {  	[tilespmem:v36+s0+$0x0] =	vst.idx.msk $0xffff, v35  }
0x34e: {  	v36 =	vadd.s32 v33, v37;
	v35 =	vld [tilespmem:s23+$0xE0];
	_ =	sdelay $0x2  }
.Ltmp1:
0x34f: {  	(pc) =	sbr.rel @p1 .LBB2_5-.Ltmp1, $4  }
0x350: {  	_ = 	snop  }
0x351: {  	[tilespmem:v36+s0+$0x0] =	vst.idx.msk $0xffff, v35  }
0x352: {  	v36 =	vadd.s32 v34, v37;
	v35 =	vld [tilespmem:s23+$0xF0]  }
0x353: {  	s22 =	sadd.s32 $0x8, s22;
	v37 =	vmov s25  }
0x354: {  	_ = 	snop  }
0x355: {  	v37 =	vshrl.u32 v37, $0x3  }
0x356: {  	v37 =	vshll.u32 v37, v3  }
0x357: {  	v37 =	vbroadcast v37, $0x0  }
0x358: {  	s22 =	sadd.s32 $0x200, s23;
	[tilespmem:v36+s0+$0x0] =	vst.idx.msk $0xffff, v35  }
0x359: {  	v35 =	vld [tilespmem:s22+$0xFFFFFF00];
	v49 =	vadd.s32 v0, v37;
	_ =	sdelay $0x4  }
0x35a: {  	[tilespmem:v49+s0+$0x0] =	vst.idx.msk $0xffff, v35  }
0x35b: {  	v50 =	vadd.s32 v4, v37;
	v35 =	vld [tilespmem:s22+$0xFFFFFF10];
	_ =	sdelay $0x4  }
0x35c: {  	[tilespmem:v50+s0+$0x0] =	vst.idx.msk $0xffff, v35  }
0x35d: {  	v51 =	vadd.s32 v5, v37;
	v35 =	vld [tilespmem:s22+$0xFFFFFF20];
	_ =	sdelay $0x4  }
0x35e: {  	[tilespmem:v51+s0+$0x0] =	vst.idx.msk $0xffff, v35  }
0x35f: {  	s24 =	sadd.s32 $0x1, s25;
	v52 =	vadd.s32 v6, v37;
	v35 =	vld [tilespmem:s22+$0xFFFFFF30]  }
0x360: {  	v53 =	vmov s24  }
0x361: {  	v37 =	vshrl.u32 v53, $0x3  }
0x362: {  	v37 =	vshll.u32 v37, v3  }
0x363: {  	v37 =	vbroadcast v37, $0x0  }
0x364: {  	[tilespmem:v52+s0+$0x0] =	vst.idx.msk $0xffff, v35  }
0x365: {  	v54 =	vadd.s32 v7, v37;
	v35 =	vld [tilespmem:s22+$0xFFFFFF40];
	_ =	sdelay $0x4  }
0x366: {  	[tilespmem:v54+s0+$0x0] =	vst.idx.msk $0xffff, v35  }
0x367: {  	v55 =	vadd.s32 v8, v37;
	v35 =	vld [tilespmem:s22+$0xFFFFFF50];
	_ =	sdelay $0x4  }
0x368: {  	[tilespmem:v55+s0+$0x0] =	vst.idx.msk $0xffff, v35  }
0x369: {  	v56 =	vadd.s32 v9, v37;
	v35 =	vld [tilespmem:s22+$0xFFFFFF60];
	_ =	sdelay $0x4  }
0x36a: {  	[tilespmem:v56+s0+$0x0] =	vst.idx.msk $0xffff, v35  }
0x36b: {  	s24 =	sadd.s32 $0x2, s25;
	v57 =	vadd.s32 v10, v37;
	v35 =	vld [tilespmem:s22+$0xFFFFFF70]  }
0x36c: {  	v58 =	vmov s24  }
0x36d: {  	v37 =	vshrl.u32 v58, $0x3  }
0x36e: {  	v37 =	vshll.u32 v37, v3  }
0x36f: {  	v37 =	vbroadcast v37, $0x0  }
0x370: {  	[tilespmem:v57+s0+$0x0] =	vst.idx.msk $0xffff, v35  }
0x371: {  	v59 =	vadd.s32 v11, v37;
	v35 =	vld [tilespmem:s22+$0xFFFFFF80];
	_ =	sdelay $0x4  }
0x372: {  	[tilespmem:v59+s0+$0x0] =	vst.idx.msk $0xffff, v35  }
0x373: {  	v60 =	vadd.s32 v12, v37;
	v35 =	vld [tilespmem:s22+$0xFFFFFF90];
	_ =	sdelay $0x4  }
0x374: {  	[tilespmem:v60+s0+$0x0] =	vst.idx.msk $0xffff, v35  }
0x375: {  	v61 =	vadd.s32 v13, v37;
	v35 =	vld [tilespmem:s22+$0xFFFFFFA0];
	_ =	sdelay $0x4  }
0x376: {  	[tilespmem:v61+s0+$0x0] =	vst.idx.msk $0xffff, v35  }
0x377: {  	s24 =	sadd.s32 $0x3, s25;
	v62 =	vadd.s32 v14, v37;
	v35 =	vld [tilespmem:s22+$0xFFFFFFB0]  }
0x378: {  	v63 =	vmov s24  }
0x379: {  	v37 =	vshrl.u32 v63, $0x3  }
0x37a: {  	v37 =	vshll.u32 v37, v3  }
0x37b: {  	v37 =	vbroadcast v37, $0x0  }
0x37c: {  	[tilespmem:v62+s0+$0x0] =	vst.idx.msk $0xffff, v35  }
0x37d: {  	v40 =	vadd.s32 v15, v37;
	v35 =	vld [tilespmem:s22+$0xFFFFFFC0];
	_ =	sdelay $0x4  }
0x37e: {  	[tilespmem:v40+s0+$0x0] =	vst.idx.msk $0xffff, v35  }
0x37f: {  	v41 =	vadd.s32 v16, v37;
	v35 =	vld [tilespmem:s22+$0xFFFFFFD0];
	_ =	sdelay $0x4  }
0x380: {  	[tilespmem:v41+s0+$0x0] =	vst.idx.msk $0xffff, v35  }
0x381: {  	v42 =	vadd.s32 v17, v37;
	v35 =	vld [tilespmem:s22+$0xFFFFFFE0];
	_ =	sdelay $0x4  }
0x382: {  	[tilespmem:v42+s0+$0x0] =	vst.idx.msk $0xffff, v35  }
0x383: {  	s24 =	sadd.s32 $0x4, s25;
	v43 =	vadd.s32 v18, v37;
	v35 =	vld [tilespmem:s22+$0xFFFFFFF0]  }
0x384: {  	v44 =	vmov s24  }
0x385: {  	v37 =	vshrl.u32 v44, $0x3  }
0x386: {  	v37 =	vshll.u32 v37, v3  }
0x387: {  	v37 =	vbroadcast v37, $0x0  }
0x388: {  	[tilespmem:v43+s0+$0x0] =	vst.idx.msk $0xffff, v35  }
0x389: {  	v45 =	vadd.s32 v19, v37;
	v35 =	vld [tilespmem:s22+$0x0];
	_ =	sdelay $0x4  }
0x38a: {  	[tilespmem:v45+s0+$0x0] =	vst.idx.msk $0xffff, v35  }
0x38b: {  	v46 =	vadd.s32 v20, v37;
	v35 =	vld [tilespmem:s22+$0x10];
	_ =	sdelay $0x4  }
0x38c: {  	[tilespmem:v46+s0+$0x0] =	vst.idx.msk $0xffff, v35  }
0x38d: {  	v47 =	vadd.s32 v21, v37;
	v35 =	vld [tilespmem:s22+$0x20];
	_ =	sdelay $0x4  }
0x38e: {  	[tilespmem:v47+s0+$0x0] =	vst.idx.msk $0xffff, v35  }
0x38f: {  	s24 =	sadd.s32 $0x5, s25;
	v48 =	vadd.s32 v22, v37;
	v35 =	vld [tilespmem:s22+$0x30]  }
0x390: {  	v49 =	vmov s24  }
0x391: {  	v37 =	vshrl.u32 v49, $0x3  }
0x392: {  	v37 =	vshll.u32 v37, v3  }
0x393: {  	v37 =	vbroadcast v37, $0x0  }
0x394: {  	[tilespmem:v48+s0+$0x0] =	vst.idx.msk $0xffff, v35  }
0x395: {  	v50 =	vadd.s32 v23, v37;
	v35 =	vld [tilespmem:s22+$0x40];
	_ =	sdelay $0x4  }
0x396: {  	[tilespmem:v50+s0+$0x0] =	vst.idx.msk $0xffff, v35  }
0x397: {  	v51 =	vadd.s32 v24, v37;
	v35 =	vld [tilespmem:s22+$0x50];
	_ =	sdelay $0x4  }
0x398: {  	[tilespmem:v51+s0+$0x0] =	vst.idx.msk $0xffff, v35  }
0x399: {  	v52 =	vadd.s32 v25, v37;
	v35 =	vld [tilespmem:s22+$0x60];
	_ =	sdelay $0x4  }
0x39a: {  	[tilespmem:v52+s0+$0x0] =	vst.idx.msk $0xffff, v35  }
0x39b: {  	s24 =	sadd.s32 $0x6, s25;
	v53 =	vadd.s32 v26, v37;
	v35 =	vld [tilespmem:s22+$0x70]  }
0x39c: {  	v54 =	vmov s24  }
0x39d: {  	v37 =	vshrl.u32 v54, $0x3  }
0x39e: {  	v37 =	vshll.u32 v37, v3  }
0x39f: {  	v37 =	vbroadcast v37, $0x0  }
0x3a0: {  	[tilespmem:v53+s0+$0x0] =	vst.idx.msk $0xffff, v35  }
0x3a1: {  	v55 =	vadd.s32 v27, v37;
	v35 =	vld [tilespmem:s22+$0x80];
	_ =	sdelay $0x4  }
0x3a2: {  	[tilespmem:v55+s0+$0x0] =	vst.idx.msk $0xffff, v35  }
0x3a3: {  	v56 =	vadd.s32 v28, v37;
	v35 =	vld [tilespmem:s22+$0x90];
	_ =	sdelay $0x4  }
0x3a4: {  	[tilespmem:v56+s0+$0x0] =	vst.idx.msk $0xffff, v35  }
0x3a5: {  	v57 =	vadd.s32 v29, v37;
	v35 =	vld [tilespmem:s22+$0xA0];
	_ =	sdelay $0x4  }
0x3a6: {  	[tilespmem:v57+s0+$0x0] =	vst.idx.msk $0xffff, v35  }
0x3a7: {  	s24 =	sadd.s32 $0x7, s25;
	v58 =	vadd.s32 v30, v37;
	v35 =	vld [tilespmem:s22+$0xB0]  }
0x3a8: {  	v59 =	vmov s24  }
0x3a9: {  	v37 =	vshrl.u32 v59, $0x3  }
0x3aa: {  	v37 =	vshll.u32 v37, v3  }
0x3ab: {  	v37 =	vbroadcast v37, $0x0  }
0x3ac: {  	[tilespmem:v58+s0+$0x0] =	vst.idx.msk $0xffff, v35  }
0x3ad: {  	v60 =	vadd.s32 v31, v37;
	v35 =	vld [tilespmem:s22+$0xC0];
	_ =	sdelay $0x4  }
0x3ae: {  	[tilespmem:v60+s0+$0x0] =	vst.idx.msk $0xffff, v35  }
0x3af: {  	v61 =	vadd.s32 v32, v37;
	v35 =	vld [tilespmem:s22+$0xD0];
	_ =	sdelay $0x4  }
0x3b0: {  	[tilespmem:v61+s0+$0x0] =	vst.idx.msk $0xffff, v35  }
0x3b1: {  	v62 =	vadd.s32 v33, v37;
	v35 =	vld [tilespmem:s22+$0xE0];
	_ =	sdelay $0x4  }
0x3b2: {  	[tilespmem:v62+s0+$0x0] =	vst.idx.msk $0xffff, v35  }
0x3b3: {  	v63 =	vadd.s32 v34, v37;
	v35 =	vld [tilespmem:s22+$0xF0];
	_ =	sdelay $0x1  }
0x3b4: {  	s23 =	sshll.u32 s21, $0x7;
	s25 =	sshll.u32 s21, $0xA  }
0x3b5: {  	s21 =	sand.u32 $0xE80, s23;
	s22 =	sand.u32 $0xFFF8000, s25  }
0x3b6: {  	s21 =	sor.u32 s21, s22  }
0x3b7: {  	s22 =	sadd.s32 s2, s21;
	[tilespmem:v63+s0+$0x0] =	vst.idx.msk $0xffff, v35  }
0x3b8: {  	[hbm4b:s22+s3] =	stream.linear.scatter [tilespmem:s0], [sflag:$0x6], $0x80, $0x38;
	[tilespmem:$0xC600] =	vst v63  }
0x3b9: {  	s25 =	simm.s32 $0xA488;
	s24 =	sadd.s32 $0x10, s22  }
0x3ba: {  	[hbm4b:s24+s3] =	stream.linear.scatter [tilespmem:s25], [sflag:$0x6], $0x80, $0x38;
	[tilespmem:$0xC600] =	vst v63  }
0x3bb: {  	s23 =	sadd.s32 $0x20, s22;
	s24 =	simm.s32 $0xA510  }
0x3bc: {  	[hbm4b:s23+s3] =	stream.linear.scatter [tilespmem:s24], [sflag:$0x6], $0x80, $0x38;
	[tilespmem:$0xC600] =	vst v63  }
0x3bd: {  	s23 =	sadd.s32 $0x30, s22;
	s24 =	simm.s32 $0xA598  }
0x3be: {  	[hbm4b:s23+s3] =	stream.linear.scatter [tilespmem:s24], [sflag:$0x6], $0x80, $0x38;
	[tilespmem:$0xC600] =	vst v63  }
0x3bf: {  	s23 =	sadd.s32 $0x40, s22;
	s24 =	simm.s32 $0xA620  }
0x3c0: {  	[hbm4b:s23+s3] =	stream.linear.scatter [tilespmem:s24], [sflag:$0x6], $0x80, $0x38;
	[tilespmem:$0xC600] =	vst v63  }
0x3c1: {  	s23 =	sadd.s32 $0x50, s22;
	s24 =	simm.s32 $0xA6A8  }
0x3c2: {  	[hbm4b:s23+s3] =	stream.linear.scatter [tilespmem:s24], [sflag:$0x6], $0x80, $0x38;
	[tilespmem:$0xC600] =	vst v63  }
0x3c3: {  	s23 =	sadd.s32 $0x60, s22;
	s24 =	simm.s32 $0xA730  }
0x3c4: {  	[hbm4b:s23+s3] =	stream.linear.scatter [tilespmem:s24], [sflag:$0x6], $0x80, $0x38;
	[tilespmem:$0xC600] =	vst v63  }
0x3c5: {  	s22 =	sadd.s32 $0x70, s22;
	s24 =	simm.s32 $0xA7B8  }
0x3c6: {  	[hbm4b:s22+s3] =	stream.linear.scatter [tilespmem:s24], [sflag:$0x6], $0x80, $0x38;
	[tilespmem:$0xC600] =	vst v63  }
0x3c7: {  	s22 =	sadd.s32 s21, s10;
	s24 =	simm.s32 $0xA840  }
0x3c8: {  	[hbm4b:s22+s3] =	stream.linear.scatter [tilespmem:s24], [sflag:$0x6], $0x80, $0x38;
	[tilespmem:$0xC600] =	vst v63  }
0x3c9: {  	s23 =	sadd.s32 $0x10, s22;
	s24 =	simm.s32 $0xA8C8  }
0x3ca: {  	[hbm4b:s23+s3] =	stream.linear.scatter [tilespmem:s24], [sflag:$0x6], $0x80, $0x38;
	[tilespmem:$0xC600] =	vst v63  }
0x3cb: {  	s23 =	sadd.s32 $0x20, s22;
	s24 =	simm.s32 $0xA950  }
0x3cc: {  	[hbm4b:s23+s3] =	stream.linear.scatter [tilespmem:s24], [sflag:$0x6], $0x80, $0x38;
	[tilespmem:$0xC600] =	vst v63  }
0x3cd: {  	s23 =	sadd.s32 $0x30, s22;
	s24 =	simm.s32 $0xA9D8  }
0x3ce: {  	[hbm4b:s23+s3] =	stream.linear.scatter [tilespmem:s24], [sflag:$0x6], $0x80, $0x38;
	[tilespmem:$0xC600] =	vst v63  }
0x3cf: {  	s23 =	sadd.s32 $0x40, s22;
	s24 =	simm.s32 $0xAA60  }
0x3d0: {  	[hbm4b:s23+s3] =	stream.linear.scatter [tilespmem:s24], [sflag:$0x6], $0x80, $0x38;
	[tilespmem:$0xC600] =	vst v63  }
0x3d1: {  	s23 =	sadd.s32 $0x50, s22;
	s24 =	simm.s32 $0xAAE8  }
0x3d2: {  	[hbm4b:s23+s3] =	stream.linear.scatter [tilespmem:s24], [sflag:$0x6], $0x80, $0x38;
	[tilespmem:$0xC600] =	vst v63  }
0x3d3: {  	s23 =	sadd.s32 $0x60, s22;
	s24 =	simm.s32 $0xAB70  }
0x3d4: {  	[hbm4b:s23+s3] =	stream.linear.scatter [tilespmem:s24], [sflag:$0x6], $0x80, $0x38;
	[tilespmem:$0xC600] =	vst v63  }
0x3d5: {  	s22 =	sadd.s32 $0x70, s22;
	s24 =	simm.s32 $0xABF8  }
0x3d6: {  	[hbm4b:s22+s3] =	stream.linear.scatter [tilespmem:s24], [sflag:$0x6], $0x80, $0x38;
	[tilespmem:$0xC600] =	vst v63  }
0x3d7: {  	s22 =	sadd.s32 s21, s11;
	s24 =	simm.s32 $0xAC80  }
0x3d8: {  	[hbm4b:s22+s3] =	stream.linear.scatter [tilespmem:s24], [sflag:$0x6], $0x80, $0x38;
	[tilespmem:$0xC600] =	vst v63  }
0x3d9: {  	s23 =	sadd.s32 $0x10, s22;
	s24 =	simm.s32 $0xAD08  }
0x3da: {  	[hbm4b:s23+s3] =	stream.linear.scatter [tilespmem:s24], [sflag:$0x6], $0x80, $0x38;
	[tilespmem:$0xC600] =	vst v63  }
0x3db: {  	s23 =	sadd.s32 $0x20, s22;
	s24 =	simm.s32 $0xAD90  }
0x3dc: {  	[hbm4b:s23+s3] =	stream.linear.scatter [tilespmem:s24], [sflag:$0x6], $0x80, $0x38;
	[tilespmem:$0xC600] =	vst v63  }
0x3dd: {  	s23 =	sadd.s32 $0x30, s22;
	s24 =	simm.s32 $0xAE18  }
0x3de: {  	[hbm4b:s23+s3] =	stream.linear.scatter [tilespmem:s24], [sflag:$0x6], $0x80, $0x38;
	[tilespmem:$0xC600] =	vst v63  }
0x3df: {  	s23 =	sadd.s32 $0x40, s22;
	s24 =	simm.s32 $0xAEA0  }
0x3e0: {  	[hbm4b:s23+s3] =	stream.linear.scatter [tilespmem:s24], [sflag:$0x6], $0x80, $0x38;
	[tilespmem:$0xC600] =	vst v63  }
0x3e1: {  	s23 =	sadd.s32 $0x50, s22;
	s24 =	simm.s32 $0xAF28  }
0x3e2: {  	[hbm4b:s23+s3] =	stream.linear.scatter [tilespmem:s24], [sflag:$0x6], $0x80, $0x38;
	[tilespmem:$0xC600] =	vst v63  }
0x3e3: {  	s23 =	sadd.s32 $0x60, s22;
	s24 =	simm.s32 $0xAFB0  }
0x3e4: {  	[hbm4b:s23+s3] =	stream.linear.scatter [tilespmem:s24], [sflag:$0x6], $0x80, $0x38;
	[tilespmem:$0xC600] =	vst v63  }
0x3e5: {  	s22 =	sadd.s32 $0x70, s22;
	s24 =	simm.s32 $0xB038  }
0x3e6: {  	[hbm4b:s22+s3] =	stream.linear.scatter [tilespmem:s24], [sflag:$0x6], $0x80, $0x38;
	[tilespmem:$0xC600] =	vst v63  }
0x3e7: {  	s22 =	sadd.s32 s21, s12;
	s24 =	simm.s32 $0xB0C0  }
0x3e8: {  	[hbm4b:s22+s3] =	stream.linear.scatter [tilespmem:s24], [sflag:$0x6], $0x80, $0x38;
	[tilespmem:$0xC600] =	vst v63  }
0x3e9: {  	s23 =	sadd.s32 $0x10, s22;
	s24 =	simm.s32 $0xB148  }
0x3ea: {  	[hbm4b:s23+s3] =	stream.linear.scatter [tilespmem:s24], [sflag:$0x6], $0x80, $0x38;
	[tilespmem:$0xC600] =	vst v63  }
0x3eb: {  	s23 =	sadd.s32 $0x20, s22;
	s24 =	simm.s32 $0xB1D0  }
0x3ec: {  	[hbm4b:s23+s3] =	stream.linear.scatter [tilespmem:s24], [sflag:$0x6], $0x80, $0x38;
	[tilespmem:$0xC600] =	vst v63  }
0x3ed: {  	s23 =	sadd.s32 $0x30, s22;
	s24 =	simm.s32 $0xB258  }
0x3ee: {  	[hbm4b:s23+s3] =	stream.linear.scatter [tilespmem:s24], [sflag:$0x6], $0x80, $0x38;
	[tilespmem:$0xC600] =	vst v63  }
0x3ef: {  	s23 =	sadd.s32 $0x40, s22;
	s24 =	simm.s32 $0xB2E0  }
0x3f0: {  	[hbm4b:s23+s3] =	stream.linear.scatter [tilespmem:s24], [sflag:$0x6], $0x80, $0x38;
	[tilespmem:$0xC600] =	vst v63  }
0x3f1: {  	s23 =	sadd.s32 $0x50, s22;
	s24 =	simm.s32 $0xB368  }
0x3f2: {  	[hbm4b:s23+s3] =	stream.linear.scatter [tilespmem:s24], [sflag:$0x6], $0x80, $0x38;
	[tilespmem:$0xC600] =	vst v63  }
0x3f3: {  	s23 =	sadd.s32 $0x60, s22;
	s24 =	simm.s32 $0xB3F0  }
0x3f4: {  	[hbm4b:s23+s3] =	stream.linear.scatter [tilespmem:s24], [sflag:$0x6], $0x80, $0x38;
	[tilespmem:$0xC600] =	vst v63  }
0x3f5: {  	s22 =	sadd.s32 $0x70, s22;
	s24 =	simm.s32 $0xB478  }
0x3f6: {  	[hbm4b:s22+s3] =	stream.linear.scatter [tilespmem:s24], [sflag:$0x6], $0x80, $0x38;
	[tilespmem:$0xC600] =	vst v63  }
0x3f7: {  	s22 =	sadd.s32 s21, s13;
	s24 =	simm.s32 $0xB500  }
0x3f8: {  	[hbm4b:s22+s3] =	stream.linear.scatter [tilespmem:s24], [sflag:$0x6], $0x80, $0x38;
	[tilespmem:$0xC600] =	vst v63  }
0x3f9: {  	s23 =	sadd.s32 $0x10, s22;
	s24 =	simm.s32 $0xB588  }
0x3fa: {  	[hbm4b:s23+s3] =	stream.linear.scatter [tilespmem:s24], [sflag:$0x6], $0x80, $0x38;
	[tilespmem:$0xC600] =	vst v63  }
0x3fb: {  	s23 =	sadd.s32 $0x20, s22;
	s24 =	simm.s32 $0xB610  }
0x3fc: {  	[hbm4b:s23+s3] =	stream.linear.scatter [tilespmem:s24], [sflag:$0x6], $0x80, $0x38;
	[tilespmem:$0xC600] =	vst v63  }
0x3fd: {  	s23 =	sadd.s32 $0x30, s22;
	s24 =	simm.s32 $0xB698  }
0x3fe: {  	[hbm4b:s23+s3] =	stream.linear.scatter [tilespmem:s24], [sflag:$0x6], $0x80, $0x38;
	[tilespmem:$0xC600] =	vst v63  }
0x3ff: {  	s23 =	sadd.s32 $0x40, s22;
	s24 =	simm.s32 $0xB720  }
0x400: {  	[hbm4b:s23+s3] =	stream.linear.scatter [tilespmem:s24], [sflag:$0x6], $0x80, $0x38;
	[tilespmem:$0xC600] =	vst v63  }
0x401: {  	s23 =	sadd.s32 $0x50, s22;
	s24 =	simm.s32 $0xB7A8  }
0x402: {  	[hbm4b:s23+s3] =	stream.linear.scatter [tilespmem:s24], [sflag:$0x6], $0x80, $0x38;
	[tilespmem:$0xC600] =	vst v63  }
0x403: {  	s23 =	sadd.s32 $0x60, s22;
	s24 =	simm.s32 $0xB830  }
0x404: {  	[hbm4b:s23+s3] =	stream.linear.scatter [tilespmem:s24], [sflag:$0x6], $0x80, $0x38;
	[tilespmem:$0xC600] =	vst v63  }
0x405: {  	s22 =	sadd.s32 $0x70, s22;
	s24 =	simm.s32 $0xB8B8  }
0x406: {  	[hbm4b:s22+s3] =	stream.linear.scatter [tilespmem:s24], [sflag:$0x6], $0x80, $0x38;
	[tilespmem:$0xC600] =	vst v63  }
0x407: {  	s22 =	sadd.s32 s21, s14;
	s24 =	simm.s32 $0xB940  }
0x408: {  	[hbm4b:s22+s3] =	stream.linear.scatter [tilespmem:s24], [sflag:$0x6], $0x80, $0x38;
	[tilespmem:$0xC600] =	vst v63  }
0x409: {  	s23 =	sadd.s32 $0x10, s22;
	s24 =	simm.s32 $0xB9C8  }
0x40a: {  	[hbm4b:s23+s3] =	stream.linear.scatter [tilespmem:s24], [sflag:$0x6], $0x80, $0x38;
	[tilespmem:$0xC600] =	vst v63  }
0x40b: {  	s23 =	sadd.s32 $0x20, s22;
	s24 =	simm.s32 $0xBA50  }
0x40c: {  	[hbm4b:s23+s3] =	stream.linear.scatter [tilespmem:s24], [sflag:$0x6], $0x80, $0x38;
	[tilespmem:$0xC600] =	vst v63  }
0x40d: {  	s23 =	sadd.s32 $0x30, s22;
	s24 =	simm.s32 $0xBAD8  }
0x40e: {  	[hbm4b:s23+s3] =	stream.linear.scatter [tilespmem:s24], [sflag:$0x6], $0x80, $0x38;
	[tilespmem:$0xC600] =	vst v63  }
0x40f: {  	s23 =	sadd.s32 $0x40, s22;
	s24 =	simm.s32 $0xBB60  }
0x410: {  	[hbm4b:s23+s3] =	stream.linear.scatter [tilespmem:s24], [sflag:$0x6], $0x80, $0x38;
	[tilespmem:$0xC600] =	vst v63  }
0x411: {  	s23 =	sadd.s32 $0x50, s22;
	s24 =	simm.s32 $0xBBE8  }
0x412: {  	[hbm4b:s23+s3] =	stream.linear.scatter [tilespmem:s24], [sflag:$0x6], $0x80, $0x38;
	[tilespmem:$0xC600] =	vst v63  }
0x413: {  	s23 =	sadd.s32 $0x60, s22;
	s24 =	simm.s32 $0xBC70  }
0x414: {  	[hbm4b:s23+s3] =	stream.linear.scatter [tilespmem:s24], [sflag:$0x6], $0x80, $0x38;
	[tilespmem:$0xC600] =	vst v63  }
0x415: {  	s22 =	sadd.s32 $0x70, s22;
	s24 =	simm.s32 $0xBCF8  }
0x416: {  	[hbm4b:s22+s3] =	stream.linear.scatter [tilespmem:s24], [sflag:$0x6], $0x80, $0x38;
	[tilespmem:$0xC600] =	vst v63  }
0x417: {  	s22 =	sadd.s32 s21, s15;
	s24 =	simm.s32 $0xBD80  }
0x418: {  	[hbm4b:s22+s3] =	stream.linear.scatter [tilespmem:s24], [sflag:$0x6], $0x80, $0x38;
	[tilespmem:$0xC600] =	vst v63  }
0x419: {  	s23 =	sadd.s32 $0x10, s22;
	s24 =	simm.s32 $0xBE08  }
0x41a: {  	[hbm4b:s23+s3] =	stream.linear.scatter [tilespmem:s24], [sflag:$0x6], $0x80, $0x38;
	[tilespmem:$0xC600] =	vst v63  }
0x41b: {  	s23 =	sadd.s32 $0x20, s22;
	s24 =	simm.s32 $0xBE90  }
0x41c: {  	[hbm4b:s23+s3] =	stream.linear.scatter [tilespmem:s24], [sflag:$0x6], $0x80, $0x38;
	[tilespmem:$0xC600] =	vst v63  }
0x41d: {  	s23 =	sadd.s32 $0x30, s22;
	s24 =	simm.s32 $0xBF18  }
0x41e: {  	[hbm4b:s23+s3] =	stream.linear.scatter [tilespmem:s24], [sflag:$0x6], $0x80, $0x38;
	[tilespmem:$0xC600] =	vst v63  }
0x41f: {  	s23 =	sadd.s32 $0x40, s22;
	s24 =	simm.s32 $0xBFA0  }
0x420: {  	[hbm4b:s23+s3] =	stream.linear.scatter [tilespmem:s24], [sflag:$0x6], $0x80, $0x38;
	[tilespmem:$0xC600] =	vst v63  }
0x421: {  	s23 =	sadd.s32 $0x50, s22;
	s24 =	simm.s32 $0xC028  }
0x422: {  	[hbm4b:s23+s3] =	stream.linear.scatter [tilespmem:s24], [sflag:$0x6], $0x80, $0x38;
	[tilespmem:$0xC600] =	vst v63  }
0x423: {  	s23 =	sadd.s32 $0x60, s22;
	s24 =	simm.s32 $0xC0B0  }
0x424: {  	[hbm4b:s23+s3] =	stream.linear.scatter [tilespmem:s24], [sflag:$0x6], $0x80, $0x38;
	[tilespmem:$0xC600] =	vst v63  }
0x425: {  	s22 =	sadd.s32 $0x70, s22;
	s24 =	simm.s32 $0xC138  }
0x426: {  	[hbm4b:s22+s3] =	stream.linear.scatter [tilespmem:s24], [sflag:$0x6], $0x80, $0x38;
	[tilespmem:$0xC600] =	vst v63  }
0x427: {  	s21 =	sadd.s32 s21, s16;
	s24 =	simm.s32 $0xC1C0  }
0x428: {  	[hbm4b:s21+s3] =	stream.linear.scatter [tilespmem:s24], [sflag:$0x6], $0x80, $0x38;
	[tilespmem:$0xC600] =	vst v63  }
0x429: {  	s23 =	sadd.s32 $0x10, s21;
	s24 =	simm.s32 $0xC248  }
0x42a: {  	[hbm4b:s23+s3] =	stream.linear.scatter [tilespmem:s24], [sflag:$0x6], $0x80, $0x38;
	[tilespmem:$0xC600] =	vst v63  }
0x42b: {  	s23 =	sadd.s32 $0x20, s21;
	s24 =	simm.s32 $0xC2D0  }
0x42c: {  	[hbm4b:s23+s3] =	stream.linear.scatter [tilespmem:s24], [sflag:$0x6], $0x80, $0x38;
	[tilespmem:$0xC600] =	vst v63  }
0x42d: {  	s23 =	sadd.s32 $0x30, s21;
	s24 =	simm.s32 $0xC358  }
0x42e: {  	[hbm4b:s23+s3] =	stream.linear.scatter [tilespmem:s24], [sflag:$0x6], $0x80, $0x38;
	[tilespmem:$0xC600] =	vst v63  }
0x42f: {  	s23 =	sadd.s32 $0x40, s21;
	s24 =	simm.s32 $0xC3E0  }
0x430: {  	[hbm4b:s23+s3] =	stream.linear.scatter [tilespmem:s24], [sflag:$0x6], $0x80, $0x38;
	[tilespmem:$0xC600] =	vst v63  }
0x431: {  	s23 =	sadd.s32 $0x50, s21;
	s24 =	simm.s32 $0xC468  }
0x432: {  	[hbm4b:s23+s3] =	stream.linear.scatter [tilespmem:s24], [sflag:$0x6], $0x80, $0x38;
	[tilespmem:$0xC600] =	vst v63  }
.Ltmp2:
0x433: {  	_ = 	snop;
	(pc) =	sbr.rel @p0 .LBB2_8-.Ltmp2, $4  }
0x434: {  	s23 =	sadd.s32 $0x60, s21;
	s24 =	simm.s32 $0xC4F0  }
0x435: {  	[hbm4b:s23+s3] =	stream.linear.scatter [tilespmem:s24], [sflag:$0x6], $0x80, $0x38;
	[tilespmem:$0xC600] =	vst v63  }
0x436: {  	s17 =	sadd.s32 $0x2, s17;
	s21 =	sadd.s32 $0x70, s21  }
0x437: {  	[hbm4b:s21+s3] =	stream.linear.scatter [tilespmem:s29], [sflag:$0x6], $0x80, $0x38;
	[tilespmem:$0xC600] =	vst v63  }
0x438: {  	s21 =	sshll.u32 s17, $0x4  }
0x439: {  	s21 =	sadd.s32 s9, s21  }
0x43a: {  	[tilespmem:s19], [sflag:$0x7] =	stream.linear.gather [hbm4b:s21+s3], $0x80, $0x38;
	[tilespmem:$0xC600] =	vst v63  }
0x43b: {  	_ =	swait.ge [sflag:s18], $0x80  }
0x43c: {  	[sflag:s18] =	ssyncset.done $0x0  }
0x43d: {  	[sflag:s18] =	ssyncadd.s32 $0xFFFFFF80  }
0x43e: {  	v35 =	vld [tilespmem:$0x80]  }
0x43f: {  	v36 =	vld [tilespmem:$0x90]  }
0x440: {  	v37 =	vld [tilespmem:$0xA0]  }
0x441: {  	v39 =	vld [tilespmem:$0xB0]  }
0x442: {  	v42 =	vld [tilespmem:$0xC0]  }
0x443: {  	vm0 =	vgt.s32 v35, $0x79FFF;
	vm6 =	vgt.s32 v35, $0xF411F;
	vm7 =	vgt.s32 v35, $0xF3FFF  }
0x444: {  	v44 =	vld [tilespmem:$0xD0];
	vm1 =	vgt.s32 v36, $0x79FFF;
	vm8 =	vgt.s32 v36, $0xF411F;
	vm9 =	vgt.s32 v36, $0xF3FFF  }
0x445: {  	vm10 =	vgt.s32 v37, $0x79FFF;
	vm11 =	vgt.s32 v37, $0xF411F;
	vm12 =	vgt.s32 v37, $0xF3FFF  }
0x446: {  	vm13 =	vgt.s32 v39, $0x79FFF;
	vm14 =	vgt.s32 v39, $0xF411F;
	v35 =	vshll.u32 v35, $0x1  }
0x447: {  	vm15 =	vgt.s32 v39, $0xF3FFF;
	vm4 =	vgt.s32 v42, $0x79FFF;
	v36 =	vshll.u32 v36, $0x1  }
0x448: {  	v49 =	vld [tilespmem:$0xE0];
	vm5 =	vgt.s32 v42, $0xF411F;
	v37 =	vshll.u32 v37, $0x1;
	v39 =	vshll.u32 v39, $0x1  }
0x449: {  	v52 =	vld [tilespmem:$0xF0];
	v54 =	vshll.u32 v42, $0x1;
	v57 =	vshll.u32 v44, $0x1;
	v38 =	vsel vm0, $0xFFF0C001, v1  }
0x44a: {  	v40 =	vsel vm6, $0xFFF0BDC1, v2;
	v60 =	vsel vm1, $0xFFF0C001, v1;
	v41 =	vsel vm8, $0xFFF0BDC1, v2  }
0x44b: {  	v61 =	vsel vm10, $0xFFF0C001, v1;
	v43 =	vsel vm11, $0xFFF0BDC1, v2;
	v62 =	vsel vm13, $0xFFF0C001, v1  }
0x44c: {  	v45 =	vsel vm14, $0xFFF0BDC1, v2;
	v48 =	vsel vm4, $0xFFF0C001, v1;
	v50 =	vsel vm5, $0xFFF0BDC1, v2  }
0x44d: {  	vm6 =	vgt.s32 v42, $0xF3FFF;
	vm8 =	vgt.s32 v44, $0xF411F;
	vm10 =	vgt.s32 v49, $0x79FFF  }
0x44e: {  	vm11 =	vgt.s32 v49, $0xF411F;
	vm13 =	vgt.s32 v52, $0x79FFF;
	vm14 =	vgt.s32 v52, $0xF411F  }
0x44f: {  	v38 =	vsel vm7, v40, v38;
	v40 =	vsel vm9, v41, v60;
	v41 =	vsel vm12, v43, v61  }
0x450: {  	v63 =	vsel vm15, v45, v62;
	vm7 =	vgt.s32 v44, $0x79FFF;
	v46 =	vsel vm8, $0xFFF0BDC1, v2  }
0x451: {  	vm9 =	vgt.s32 v44, $0xF3FFF;
	v55 =	vsel vm10, $0xFFF0C001, v1;
	v35 =	vadd.s32 v35, v38  }
0x452: {  	v56 =	vsel vm11, $0xFFF0BDC1, v2;
	v58 =	vsel vm13, $0xFFF0C001, v1;
	v36 =	vadd.s32 v36, v40;
	[tilespmem:$0x80] =	vst v35  }
0x453: {  	v60 =	vsel vm14, $0xFFF0BDC1, v2;
	vm15 =	vgt.s32 v52, $0xF3FFF;
	v37 =	vadd.s32 v37, v41;
	[tilespmem:$0x90] =	vst v36  }
0x454: {  	v62 =	vshll.u32 v52, $0x1;
	v40 =	vsel vm6, v50, v48;
	v38 =	vadd.s32 v39, v63;
	[tilespmem:$0xA0] =	vst v37  }
0x455: {  	v51 =	vsel vm7, $0xFFF0C001, v1;
	v61 =	vsel vm15, v60, v58;
	v35 =	vadd.s32 v54, v40;
	[tilespmem:$0xB0] =	vst v38  }
0x456: {  	vm12 =	vgt.s32 v49, $0xF3FFF;
	v53 =	vsel vm9, v46, v51;
	v63 =	vadd.s32 v62, v61;
	[tilespmem:$0xC0] =	vst v35  }
0x457: {  	v59 =	vshll.u32 v49, $0x1;
	v36 =	vsel vm12, v56, v55;
	v37 =	vadd.s32 v57, v53;
	[tilespmem:$0xF0] =	vst v63  }
0x458: {  	v35 =	vadd.s32 v59, v36;
	[tilespmem:$0xD0] =	vst v37  }
0x459: {  	s24 =	simm.s32 $0x2200;
	[tilespmem:$0xE0] =	vst v35  }
0x45a: {  	[tilespmem:s24], [sflag:$0x2] =	stream.indirect.gather [hbm4b:s4+s19], $0x40, s19, s19, $0xb8;
	[tilespmem:$0xC600] =	vst v63  }
.LBB2_8:
0x45b: {  	_ =	swait.ge [sflag:s30], $0x400  }
0x45c: {  	[sflag:s30] =	ssyncset.done $0x0  }
0x45d: {  	[sflag:s30] =	ssyncadd.s32 $0xFFFFFC00  }
0x45e: {  	_ =	swait.ge [sflag:s30], $0x400  }
0x45f: {  	[sflag:s30] =	ssyncset.done $0x0  }
0x460: {  	[sflag:s30] =	ssyncadd.s32 $0xFFFFFC00  }
0x461: {  	_ =	swait.ge [sflag:s30], $0x400  }
0x462: {  	[sflag:s30] =	ssyncset.done $0x0  }
0x463: {  	[sflag:s30] =	ssyncadd.s32 $0xFFFFFC00  }
0x464: {  	_ =	swait.ge [sflag:s30], $0x400  }
0x465: {  	[sflag:s30] =	ssyncset.done $0x0  }
0x466: {  	[sflag:s30] =	ssyncadd.s32 $0xFFFFFC00  }
0x467: {  	_ =	swait.ge [sflag:s30], $0x400  }
0x468: {  	[sflag:s30] =	ssyncset.done $0x0  }
0x469: {  	[sflag:s30] =	ssyncadd.s32 $0xFFFFFC00  }
0x46a: {  	_ =	swait.ge [sflag:s30], $0x400  }
0x46b: {  	[sflag:s30] =	ssyncset.done $0x0  }
0x46c: {  	[sflag:s30] =	ssyncadd.s32 $0xFFFFFC00  }
0x46d: {  	_ =	swait.ge [sflag:s30], $0x400  }
0x46e: {  	[sflag:s30] =	ssyncset.done $0x0  }
0x46f: {  	[sflag:s30] =	ssyncadd.s32 $0xFFFFFC00  }
0x470: {  	s21 =	simm.s32 $0x0;
	_ =	swait.ge [sflag:s30], $0x400  }
0x471: {  	v35 =	vmov s21;
	[sflag:s30] =	ssyncset.done $0x0  }
0x472: {  	v35 =	vshrl.u32 v35, $0x3;
	[sflag:s30] =	ssyncadd.s32 $0xFFFFFC00  }
0x473: {  	v35 =	vshll.u32 v35, v3;
	_ =	swait.ge [sflag:s31], $0x2000  }
0x474: {  	v35 =	vbroadcast v35, $0x0;
	[sflag:s31] =	ssyncset.done $0x0  }
0x475: {  	s21 =	simm.s32 $0x4300;
	[sflag:s31] =	ssyncadd.s32 $0xFFFFE000  }
0x476: {  	v37 =	vadd.s32 v0, v35;
	v36 =	vld [tilespmem:s21+$0xFFFFFF00];
	_ =	sdelay $0x4  }
0x477: {  	[tilespmem:v37+s28+$0x0] =	vst.idx.msk $0xffff, v36  }
0x478: {  	v52 =	vadd.s32 v4, v35;
	v36 =	vld [tilespmem:s21+$0xFFFFFF10];
	_ =	sdelay $0x4  }
0x479: {  	[tilespmem:v52+s28+$0x0] =	vst.idx.msk $0xffff, v36  }
0x47a: {  	v53 =	vadd.s32 v5, v35;
	v36 =	vld [tilespmem:s21+$0xFFFFFF20];
	_ =	sdelay $0x4  }
0x47b: {  	[tilespmem:v53+s28+$0x0] =	vst.idx.msk $0xffff, v36  }
0x47c: {  	s22 =	simm.s32 $0x1;
	v35 =	vadd.s32 v6, v35;
	v36 =	vld [tilespmem:s21+$0xFFFFFF30]  }
0x47d: {  	v54 =	vmov s22  }
0x47e: {  	v37 =	vshrl.u32 v54, $0x3  }
0x47f: {  	v37 =	vshll.u32 v37, v3  }
0x480: {  	v37 =	vbroadcast v37, $0x0  }
0x481: {  	[tilespmem:v35+s28+$0x0] =	vst.idx.msk $0xffff, v36  }
0x482: {  	v55 =	vadd.s32 v7, v37;
	v35 =	vld [tilespmem:s21+$0xFFFFFF40];
	_ =	sdelay $0x4  }
0x483: {  	[tilespmem:v55+s28+$0x0] =	vst.idx.msk $0xffff, v35  }
0x484: {  	v56 =	vadd.s32 v8, v37;
	v35 =	vld [tilespmem:s21+$0xFFFFFF50];
	_ =	sdelay $0x4  }
0x485: {  	[tilespmem:v56+s28+$0x0] =	vst.idx.msk $0xffff, v35  }
0x486: {  	v57 =	vadd.s32 v9, v37;
	v35 =	vld [tilespmem:s21+$0xFFFFFF60];
	_ =	sdelay $0x4  }
0x487: {  	[tilespmem:v57+s28+$0x0] =	vst.idx.msk $0xffff, v35  }
0x488: {  	s23 =	simm.s32 $0x2;
	v58 =	vadd.s32 v10, v37;
	v35 =	vld [tilespmem:s21+$0xFFFFFF70]  }
0x489: {  	v59 =	vmov s23  }
0x48a: {  	v37 =	vshrl.u32 v59, $0x3  }
0x48b: {  	v37 =	vshll.u32 v37, v3  }
0x48c: {  	v37 =	vbroadcast v37, $0x0  }
0x48d: {  	[tilespmem:v58+s28+$0x0] =	vst.idx.msk $0xffff, v35  }
0x48e: {  	v60 =	vadd.s32 v11, v37;
	v35 =	vld [tilespmem:s21+$0xFFFFFF80];
	_ =	sdelay $0x4  }
0x48f: {  	[tilespmem:v60+s28+$0x0] =	vst.idx.msk $0xffff, v35  }
0x490: {  	v61 =	vadd.s32 v12, v37;
	v35 =	vld [tilespmem:s21+$0xFFFFFF90];
	_ =	sdelay $0x4  }
0x491: {  	[tilespmem:v61+s28+$0x0] =	vst.idx.msk $0xffff, v35  }
0x492: {  	v62 =	vadd.s32 v13, v37;
	v35 =	vld [tilespmem:s21+$0xFFFFFFA0];
	_ =	sdelay $0x4  }
0x493: {  	[tilespmem:v62+s28+$0x0] =	vst.idx.msk $0xffff, v35  }
0x494: {  	s24 =	simm.s32 $0x3;
	v63 =	vadd.s32 v14, v37;
	v35 =	vld [tilespmem:s21+$0xFFFFFFB0]  }
0x495: {  	v40 =	vmov s24  }
0x496: {  	v37 =	vshrl.u32 v40, $0x3  }
0x497: {  	v37 =	vshll.u32 v37, v3  }
0x498: {  	v37 =	vbroadcast v37, $0x0  }
0x499: {  	[tilespmem:v63+s28+$0x0] =	vst.idx.msk $0xffff, v35  }
0x49a: {  	v41 =	vadd.s32 v15, v37;
	v35 =	vld [tilespmem:s21+$0xFFFFFFC0];
	_ =	sdelay $0x4  }
0x49b: {  	[tilespmem:v41+s28+$0x0] =	vst.idx.msk $0xffff, v35  }
0x49c: {  	v42 =	vadd.s32 v16, v37;
	v35 =	vld [tilespmem:s21+$0xFFFFFFD0];
	_ =	sdelay $0x4  }
0x49d: {  	[tilespmem:v42+s28+$0x0] =	vst.idx.msk $0xffff, v35  }
0x49e: {  	v43 =	vadd.s32 v17, v37;
	v35 =	vld [tilespmem:s21+$0xFFFFFFE0];
	_ =	sdelay $0x4  }
0x49f: {  	[tilespmem:v43+s28+$0x0] =	vst.idx.msk $0xffff, v35  }
0x4a0: {  	s23 =	simm.s32 $0x4;
	v44 =	vadd.s32 v18, v37;
	v35 =	vld [tilespmem:s21+$0xFFFFFFF0]  }
0x4a1: {  	v45 =	vmov s23  }
0x4a2: {  	v37 =	vshrl.u32 v45, $0x3  }
0x4a3: {  	v37 =	vshll.u32 v37, v3  }
0x4a4: {  	v37 =	vbroadcast v37, $0x0  }
0x4a5: {  	[tilespmem:v44+s28+$0x0] =	vst.idx.msk $0xffff, v35  }
0x4a6: {  	v46 =	vadd.s32 v19, v37;
	v35 =	vld [tilespmem:s21+$0x0];
	_ =	sdelay $0x4  }
0x4a7: {  	[tilespmem:v46+s28+$0x0] =	vst.idx.msk $0xffff, v35  }
0x4a8: {  	v47 =	vadd.s32 v20, v37;
	v35 =	vld [tilespmem:s21+$0x10];
	_ =	sdelay $0x4  }
0x4a9: {  	[tilespmem:v47+s28+$0x0] =	vst.idx.msk $0xffff, v35  }
0x4aa: {  	v48 =	vadd.s32 v21, v37;
	v35 =	vld [tilespmem:s21+$0x20];
	_ =	sdelay $0x4  }
0x4ab: {  	[tilespmem:v48+s28+$0x0] =	vst.idx.msk $0xffff, v35  }
0x4ac: {  	s24 =	simm.s32 $0x5;
	v49 =	vadd.s32 v22, v37;
	v35 =	vld [tilespmem:s21+$0x30]  }
0x4ad: {  	v50 =	vmov s24  }
0x4ae: {  	v37 =	vshrl.u32 v50, $0x3  }
0x4af: {  	v37 =	vshll.u32 v37, v3  }
0x4b0: {  	v37 =	vbroadcast v37, $0x0  }
0x4b1: {  	[tilespmem:v49+s28+$0x0] =	vst.idx.msk $0xffff, v35  }
0x4b2: {  	v51 =	vadd.s32 v23, v37;
	v35 =	vld [tilespmem:s21+$0x40];
	_ =	sdelay $0x4  }
0x4b3: {  	[tilespmem:v51+s28+$0x0] =	vst.idx.msk $0xffff, v35  }
0x4b4: {  	v52 =	vadd.s32 v24, v37;
	v35 =	vld [tilespmem:s21+$0x50];
	_ =	sdelay $0x4  }
0x4b5: {  	[tilespmem:v52+s28+$0x0] =	vst.idx.msk $0xffff, v35  }
0x4b6: {  	v53 =	vadd.s32 v25, v37;
	v35 =	vld [tilespmem:s21+$0x60];
	_ =	sdelay $0x4  }
0x4b7: {  	[tilespmem:v53+s28+$0x0] =	vst.idx.msk $0xffff, v35  }
0x4b8: {  	s23 =	simm.s32 $0x6;
	v54 =	vadd.s32 v26, v37;
	v35 =	vld [tilespmem:s21+$0x70]  }
0x4b9: {  	v55 =	vmov s23  }
0x4ba: {  	v37 =	vshrl.u32 v55, $0x3  }
0x4bb: {  	v37 =	vshll.u32 v37, v3  }
0x4bc: {  	v37 =	vbroadcast v37, $0x0  }
0x4bd: {  	[tilespmem:v54+s28+$0x0] =	vst.idx.msk $0xffff, v35  }
0x4be: {  	v56 =	vadd.s32 v27, v37;
	v35 =	vld [tilespmem:s21+$0x80];
	_ =	sdelay $0x4  }
0x4bf: {  	[tilespmem:v56+s28+$0x0] =	vst.idx.msk $0xffff, v35  }
0x4c0: {  	v57 =	vadd.s32 v28, v37;
	v35 =	vld [tilespmem:s21+$0x90];
	_ =	sdelay $0x4  }
0x4c1: {  	[tilespmem:v57+s28+$0x0] =	vst.idx.msk $0xffff, v35  }
0x4c2: {  	v58 =	vadd.s32 v29, v37;
	v35 =	vld [tilespmem:s21+$0xA0];
	_ =	sdelay $0x4  }
0x4c3: {  	[tilespmem:v58+s28+$0x0] =	vst.idx.msk $0xffff, v35  }
0x4c4: {  	s24 =	simm.s32 $0x7;
	v59 =	vadd.s32 v30, v37;
	v35 =	vld [tilespmem:s21+$0xB0]  }
0x4c5: {  	v60 =	vmov s24  }
0x4c6: {  	v37 =	vshrl.u32 v60, $0x3  }
0x4c7: {  	v37 =	vshll.u32 v37, v3  }
0x4c8: {  	v37 =	vbroadcast v37, $0x0  }
0x4c9: {  	[tilespmem:v59+s28+$0x0] =	vst.idx.msk $0xffff, v35  }
0x4ca: {  	v61 =	vadd.s32 v31, v37;
	v35 =	vld [tilespmem:s21+$0xC0];
	_ =	sdelay $0x4  }
0x4cb: {  	[tilespmem:v61+s28+$0x0] =	vst.idx.msk $0xffff, v35  }
0x4cc: {  	v62 =	vadd.s32 v32, v37;
	v35 =	vld [tilespmem:s21+$0xD0];
	_ =	sdelay $0x4  }
0x4cd: {  	[tilespmem:v62+s28+$0x0] =	vst.idx.msk $0xffff, v35  }
0x4ce: {  	v63 =	vadd.s32 v33, v37;
	v35 =	vld [tilespmem:s21+$0xE0];
	_ =	sdelay $0x4  }
0x4cf: {  	[tilespmem:v63+s28+$0x0] =	vst.idx.msk $0xffff, v35  }
0x4d0: {  	s23 =	simm.s32 $0x8;
	v36 =	vadd.s32 v34, v37;
	v35 =	vld [tilespmem:s21+$0xF0]  }
0x4d1: {  	s22 =	simm.s32 $0x10;
	v37 =	vmov s23  }
.LBB2_9:
0x4d2: {  	p1 =	slt.u32 s22, $0x78;
	v37 =	vshrl.u32 v37, $0x3  }
0x4d3: {  	v37 =	vshll.u32 v37, v3  }
0x4d4: {  	v37 =	vbroadcast v37, $0x0  }
0x4d5: {  	s21 =	sadd.s32 $0x200, s21;
	[tilespmem:v36+s28+$0x0] =	vst.idx.msk $0xffff, v35  }
0x4d6: {  	v35 =	vld [tilespmem:s21+$0xFFFFFF00];
	v36 =	vadd.s32 v0, v37;
	_ =	sdelay $0x4  }
0x4d7: {  	[tilespmem:v36+s28+$0x0] =	vst.idx.msk $0xffff, v35  }
0x4d8: {  	v36 =	vadd.s32 v4, v37;
	v35 =	vld [tilespmem:s21+$0xFFFFFF10];
	_ =	sdelay $0x4  }
0x4d9: {  	[tilespmem:v36+s28+$0x0] =	vst.idx.msk $0xffff, v35  }
0x4da: {  	v36 =	vadd.s32 v5, v37;
	v35 =	vld [tilespmem:s21+$0xFFFFFF20];
	_ =	sdelay $0x4  }
0x4db: {  	[tilespmem:v36+s28+$0x0] =	vst.idx.msk $0xffff, v35  }
0x4dc: {  	s24 =	sadd.s32 $0x1, s23;
	v36 =	vadd.s32 v6, v37;
	v35 =	vld [tilespmem:s21+$0xFFFFFF30]  }
0x4dd: {  	v37 =	vmov s24  }
0x4de: {  	v37 =	vshrl.u32 v37, $0x3  }
0x4df: {  	v37 =	vshll.u32 v37, v3  }
0x4e0: {  	v37 =	vbroadcast v37, $0x0  }
0x4e1: {  	[tilespmem:v36+s28+$0x0] =	vst.idx.msk $0xffff, v35  }
0x4e2: {  	v36 =	vadd.s32 v7, v37;
	v35 =	vld [tilespmem:s21+$0xFFFFFF40];
	_ =	sdelay $0x4  }
0x4e3: {  	[tilespmem:v36+s28+$0x0] =	vst.idx.msk $0xffff, v35  }
0x4e4: {  	v36 =	vadd.s32 v8, v37;
	v35 =	vld [tilespmem:s21+$0xFFFFFF50];
	_ =	sdelay $0x4  }
0x4e5: {  	[tilespmem:v36+s28+$0x0] =	vst.idx.msk $0xffff, v35  }
0x4e6: {  	v36 =	vadd.s32 v9, v37;
	v35 =	vld [tilespmem:s21+$0xFFFFFF60];
	_ =	sdelay $0x4  }
0x4e7: {  	[tilespmem:v36+s28+$0x0] =	vst.idx.msk $0xffff, v35  }
0x4e8: {  	s24 =	sadd.s32 $0x2, s23;
	v36 =	vadd.s32 v10, v37;
	v35 =	vld [tilespmem:s21+$0xFFFFFF70]  }
0x4e9: {  	v37 =	vmov s24  }
0x4ea: {  	v37 =	vshrl.u32 v37, $0x3  }
0x4eb: {  	v37 =	vshll.u32 v37, v3  }
0x4ec: {  	v37 =	vbroadcast v37, $0x0  }
0x4ed: {  	[tilespmem:v36+s28+$0x0] =	vst.idx.msk $0xffff, v35  }
0x4ee: {  	v36 =	vadd.s32 v11, v37;
	v35 =	vld [tilespmem:s21+$0xFFFFFF80];
	_ =	sdelay $0x4  }
0x4ef: {  	[tilespmem:v36+s28+$0x0] =	vst.idx.msk $0xffff, v35  }
0x4f0: {  	v36 =	vadd.s32 v12, v37;
	v35 =	vld [tilespmem:s21+$0xFFFFFF90];
	_ =	sdelay $0x4  }
0x4f1: {  	[tilespmem:v36+s28+$0x0] =	vst.idx.msk $0xffff, v35  }
0x4f2: {  	v36 =	vadd.s32 v13, v37;
	v35 =	vld [tilespmem:s21+$0xFFFFFFA0];
	_ =	sdelay $0x4  }
0x4f3: {  	[tilespmem:v36+s28+$0x0] =	vst.idx.msk $0xffff, v35  }
0x4f4: {  	s24 =	sadd.s32 $0x3, s23;
	v36 =	vadd.s32 v14, v37;
	v35 =	vld [tilespmem:s21+$0xFFFFFFB0]  }
0x4f5: {  	v37 =	vmov s24  }
0x4f6: {  	v37 =	vshrl.u32 v37, $0x3  }
0x4f7: {  	v37 =	vshll.u32 v37, v3  }
0x4f8: {  	v37 =	vbroadcast v37, $0x0  }
0x4f9: {  	[tilespmem:v36+s28+$0x0] =	vst.idx.msk $0xffff, v35  }
0x4fa: {  	v36 =	vadd.s32 v15, v37;
	v35 =	vld [tilespmem:s21+$0xFFFFFFC0];
	_ =	sdelay $0x4  }
0x4fb: {  	[tilespmem:v36+s28+$0x0] =	vst.idx.msk $0xffff, v35  }
0x4fc: {  	v36 =	vadd.s32 v16, v37;
	v35 =	vld [tilespmem:s21+$0xFFFFFFD0];
	_ =	sdelay $0x4  }
0x4fd: {  	[tilespmem:v36+s28+$0x0] =	vst.idx.msk $0xffff, v35  }
0x4fe: {  	v36 =	vadd.s32 v17, v37;
	v35 =	vld [tilespmem:s21+$0xFFFFFFE0];
	_ =	sdelay $0x4  }
0x4ff: {  	[tilespmem:v36+s28+$0x0] =	vst.idx.msk $0xffff, v35  }
0x500: {  	s24 =	sadd.s32 $0x4, s23;
	v36 =	vadd.s32 v18, v37;
	v35 =	vld [tilespmem:s21+$0xFFFFFFF0]  }
0x501: {  	v37 =	vmov s24  }
0x502: {  	v37 =	vshrl.u32 v37, $0x3  }
0x503: {  	v37 =	vshll.u32 v37, v3  }
0x504: {  	v37 =	vbroadcast v37, $0x0  }
0x505: {  	[tilespmem:v36+s28+$0x0] =	vst.idx.msk $0xffff, v35  }
0x506: {  	v36 =	vadd.s32 v19, v37;
	v35 =	vld [tilespmem:s21+$0x0];
	_ =	sdelay $0x4  }
0x507: {  	[tilespmem:v36+s28+$0x0] =	vst.idx.msk $0xffff, v35  }
0x508: {  	v36 =	vadd.s32 v20, v37;
	v35 =	vld [tilespmem:s21+$0x10];
	_ =	sdelay $0x4  }
0x509: {  	[tilespmem:v36+s28+$0x0] =	vst.idx.msk $0xffff, v35  }
0x50a: {  	v36 =	vadd.s32 v21, v37;
	v35 =	vld [tilespmem:s21+$0x20];
	_ =	sdelay $0x4  }
0x50b: {  	[tilespmem:v36+s28+$0x0] =	vst.idx.msk $0xffff, v35  }
0x50c: {  	s24 =	sadd.s32 $0x5, s23;
	v36 =	vadd.s32 v22, v37;
	v35 =	vld [tilespmem:s21+$0x30]  }
0x50d: {  	v37 =	vmov s24  }
0x50e: {  	v37 =	vshrl.u32 v37, $0x3  }
0x50f: {  	v37 =	vshll.u32 v37, v3  }
0x510: {  	v37 =	vbroadcast v37, $0x0  }
0x511: {  	[tilespmem:v36+s28+$0x0] =	vst.idx.msk $0xffff, v35  }
0x512: {  	v36 =	vadd.s32 v23, v37;
	v35 =	vld [tilespmem:s21+$0x40];
	_ =	sdelay $0x4  }
0x513: {  	[tilespmem:v36+s28+$0x0] =	vst.idx.msk $0xffff, v35  }
0x514: {  	v36 =	vadd.s32 v24, v37;
	v35 =	vld [tilespmem:s21+$0x50];
	_ =	sdelay $0x4  }
0x515: {  	[tilespmem:v36+s28+$0x0] =	vst.idx.msk $0xffff, v35  }
0x516: {  	v36 =	vadd.s32 v25, v37;
	v35 =	vld [tilespmem:s21+$0x60];
	_ =	sdelay $0x4  }
0x517: {  	[tilespmem:v36+s28+$0x0] =	vst.idx.msk $0xffff, v35  }
0x518: {  	s24 =	sadd.s32 $0x6, s23;
	v36 =	vadd.s32 v26, v37;
	v35 =	vld [tilespmem:s21+$0x70]  }
0x519: {  	v37 =	vmov s24  }
0x51a: {  	v37 =	vshrl.u32 v37, $0x3  }
0x51b: {  	v37 =	vshll.u32 v37, v3  }
0x51c: {  	v37 =	vbroadcast v37, $0x0  }
0x51d: {  	[tilespmem:v36+s28+$0x0] =	vst.idx.msk $0xffff, v35  }
0x51e: {  	v36 =	vadd.s32 v27, v37;
	v35 =	vld [tilespmem:s21+$0x80];
	_ =	sdelay $0x4  }
0x51f: {  	[tilespmem:v36+s28+$0x0] =	vst.idx.msk $0xffff, v35  }
0x520: {  	v36 =	vadd.s32 v28, v37;
	v35 =	vld [tilespmem:s21+$0x90];
	_ =	sdelay $0x4  }
0x521: {  	[tilespmem:v36+s28+$0x0] =	vst.idx.msk $0xffff, v35  }
0x522: {  	v36 =	vadd.s32 v29, v37;
	v35 =	vld [tilespmem:s21+$0xA0];
	_ =	sdelay $0x4  }
0x523: {  	[tilespmem:v36+s28+$0x0] =	vst.idx.msk $0xffff, v35  }
0x524: {  	s24 =	sadd.s32 $0x7, s23;
	s23 =	smov.u32 s22;
	v36 =	vadd.s32 v30, v37;
	v35 =	vld [tilespmem:s21+$0xB0]  }
0x525: {  	v37 =	vmov s24  }
0x526: {  	v37 =	vshrl.u32 v37, $0x3  }
0x527: {  	v37 =	vshll.u32 v37, v3  }
0x528: {  	v37 =	vbroadcast v37, $0x0  }
0x529: {  	[tilespmem:v36+s28+$0x0] =	vst.idx.msk $0xffff, v35  }
0x52a: {  	v36 =	vadd.s32 v31, v37;
	v35 =	vld [tilespmem:s21+$0xC0];
	_ =	sdelay $0x4  }
0x52b: {  	[tilespmem:v36+s28+$0x0] =	vst.idx.msk $0xffff, v35  }
0x52c: {  	v36 =	vadd.s32 v32, v37;
	v35 =	vld [tilespmem:s21+$0xD0];
	_ =	sdelay $0x4  }
0x52d: {  	[tilespmem:v36+s28+$0x0] =	vst.idx.msk $0xffff, v35  }
0x52e: {  	v36 =	vadd.s32 v33, v37;
	v35 =	vld [tilespmem:s21+$0xE0];
	_ =	sdelay $0x2  }
.Ltmp3:
0x52f: {  	(pc) =	sbr.rel @p1 .LBB2_9-.Ltmp3, $4  }
0x530: {  	_ = 	snop  }
0x531: {  	[tilespmem:v36+s28+$0x0] =	vst.idx.msk $0xffff, v35  }
0x532: {  	v36 =	vadd.s32 v34, v37;
	v35 =	vld [tilespmem:s21+$0xF0]  }
0x533: {  	s22 =	sadd.s32 $0x8, s22;
	v37 =	vmov s23  }
0x534: {  	_ = 	snop  }
0x535: {  	v37 =	vshrl.u32 v37, $0x3  }
0x536: {  	v37 =	vshll.u32 v37, v3  }
0x537: {  	v37 =	vbroadcast v37, $0x0  }
0x538: {  	s21 =	sadd.s32 $0x200, s21;
	[tilespmem:v36+s28+$0x0] =	vst.idx.msk $0xffff, v35  }
0x539: {  	v35 =	vld [tilespmem:s21+$0xFFFFFF00];
	v49 =	vadd.s32 v0, v37;
	_ =	sdelay $0x4  }
0x53a: {  	[tilespmem:v49+s28+$0x0] =	vst.idx.msk $0xffff, v35  }
0x53b: {  	v50 =	vadd.s32 v4, v37;
	v35 =	vld [tilespmem:s21+$0xFFFFFF10];
	_ =	sdelay $0x4  }
0x53c: {  	[tilespmem:v50+s28+$0x0] =	vst.idx.msk $0xffff, v35  }
0x53d: {  	v51 =	vadd.s32 v5, v37;
	v35 =	vld [tilespmem:s21+$0xFFFFFF20];
	_ =	sdelay $0x4  }
0x53e: {  	[tilespmem:v51+s28+$0x0] =	vst.idx.msk $0xffff, v35  }
0x53f: {  	s22 =	sadd.s32 $0x1, s23;
	v52 =	vadd.s32 v6, v37;
	v35 =	vld [tilespmem:s21+$0xFFFFFF30]  }
0x540: {  	v53 =	vmov s22  }
0x541: {  	v37 =	vshrl.u32 v53, $0x3  }
0x542: {  	v37 =	vshll.u32 v37, v3  }
0x543: {  	v37 =	vbroadcast v37, $0x0  }
0x544: {  	[tilespmem:v52+s28+$0x0] =	vst.idx.msk $0xffff, v35  }
0x545: {  	v54 =	vadd.s32 v7, v37;
	v35 =	vld [tilespmem:s21+$0xFFFFFF40];
	_ =	sdelay $0x4  }
0x546: {  	[tilespmem:v54+s28+$0x0] =	vst.idx.msk $0xffff, v35  }
0x547: {  	v55 =	vadd.s32 v8, v37;
	v35 =	vld [tilespmem:s21+$0xFFFFFF50];
	_ =	sdelay $0x4  }
0x548: {  	[tilespmem:v55+s28+$0x0] =	vst.idx.msk $0xffff, v35  }
0x549: {  	v56 =	vadd.s32 v9, v37;
	v35 =	vld [tilespmem:s21+$0xFFFFFF60];
	_ =	sdelay $0x4  }
0x54a: {  	[tilespmem:v56+s28+$0x0] =	vst.idx.msk $0xffff, v35  }
0x54b: {  	s24 =	sadd.s32 $0x2, s23;
	v57 =	vadd.s32 v10, v37;
	v35 =	vld [tilespmem:s21+$0xFFFFFF70]  }
0x54c: {  	v58 =	vmov s24  }
0x54d: {  	v37 =	vshrl.u32 v58, $0x3  }
0x54e: {  	v37 =	vshll.u32 v37, v3  }
0x54f: {  	v37 =	vbroadcast v37, $0x0  }
0x550: {  	[tilespmem:v57+s28+$0x0] =	vst.idx.msk $0xffff, v35  }
0x551: {  	v59 =	vadd.s32 v11, v37;
	v35 =	vld [tilespmem:s21+$0xFFFFFF80];
	_ =	sdelay $0x4  }
0x552: {  	[tilespmem:v59+s28+$0x0] =	vst.idx.msk $0xffff, v35  }
0x553: {  	v60 =	vadd.s32 v12, v37;
	v35 =	vld [tilespmem:s21+$0xFFFFFF90];
	_ =	sdelay $0x4  }
0x554: {  	[tilespmem:v60+s28+$0x0] =	vst.idx.msk $0xffff, v35  }
0x555: {  	v61 =	vadd.s32 v13, v37;
	v35 =	vld [tilespmem:s21+$0xFFFFFFA0];
	_ =	sdelay $0x4  }
0x556: {  	[tilespmem:v61+s28+$0x0] =	vst.idx.msk $0xffff, v35  }
0x557: {  	s24 =	sadd.s32 $0x3, s23;
	v62 =	vadd.s32 v14, v37;
	v35 =	vld [tilespmem:s21+$0xFFFFFFB0]  }
0x558: {  	v63 =	vmov s24  }
0x559: {  	v37 =	vshrl.u32 v63, $0x3  }
0x55a: {  	v37 =	vshll.u32 v37, v3  }
0x55b: {  	v37 =	vbroadcast v37, $0x0  }
0x55c: {  	[tilespmem:v62+s28+$0x0] =	vst.idx.msk $0xffff, v35  }
0x55d: {  	v40 =	vadd.s32 v15, v37;
	v35 =	vld [tilespmem:s21+$0xFFFFFFC0];
	_ =	sdelay $0x4  }
0x55e: {  	[tilespmem:v40+s28+$0x0] =	vst.idx.msk $0xffff, v35  }
0x55f: {  	v41 =	vadd.s32 v16, v37;
	v35 =	vld [tilespmem:s21+$0xFFFFFFD0];
	_ =	sdelay $0x4  }
0x560: {  	[tilespmem:v41+s28+$0x0] =	vst.idx.msk $0xffff, v35  }
0x561: {  	v42 =	vadd.s32 v17, v37;
	v35 =	vld [tilespmem:s21+$0xFFFFFFE0];
	_ =	sdelay $0x4  }
0x562: {  	[tilespmem:v42+s28+$0x0] =	vst.idx.msk $0xffff, v35  }
0x563: {  	s24 =	sadd.s32 $0x4, s23;
	v43 =	vadd.s32 v18, v37;
	v35 =	vld [tilespmem:s21+$0xFFFFFFF0]  }
0x564: {  	v44 =	vmov s24  }
0x565: {  	v37 =	vshrl.u32 v44, $0x3  }
0x566: {  	v37 =	vshll.u32 v37, v3  }
0x567: {  	v37 =	vbroadcast v37, $0x0  }
0x568: {  	[tilespmem:v43+s28+$0x0] =	vst.idx.msk $0xffff, v35  }
0x569: {  	v45 =	vadd.s32 v19, v37;
	v35 =	vld [tilespmem:s21+$0x0];
	_ =	sdelay $0x4  }
0x56a: {  	[tilespmem:v45+s28+$0x0] =	vst.idx.msk $0xffff, v35  }
0x56b: {  	v46 =	vadd.s32 v20, v37;
	v35 =	vld [tilespmem:s21+$0x10];
	_ =	sdelay $0x4  }
0x56c: {  	[tilespmem:v46+s28+$0x0] =	vst.idx.msk $0xffff, v35  }
0x56d: {  	v47 =	vadd.s32 v21, v37;
	v35 =	vld [tilespmem:s21+$0x20];
	_ =	sdelay $0x4  }
0x56e: {  	[tilespmem:v47+s28+$0x0] =	vst.idx.msk $0xffff, v35  }
0x56f: {  	s24 =	sadd.s32 $0x5, s23;
	v48 =	vadd.s32 v22, v37;
	v35 =	vld [tilespmem:s21+$0x30]  }
0x570: {  	v49 =	vmov s24  }
0x571: {  	v37 =	vshrl.u32 v49, $0x3  }
0x572: {  	v37 =	vshll.u32 v37, v3  }
0x573: {  	v37 =	vbroadcast v37, $0x0  }
0x574: {  	[tilespmem:v48+s28+$0x0] =	vst.idx.msk $0xffff, v35  }
0x575: {  	v50 =	vadd.s32 v23, v37;
	v35 =	vld [tilespmem:s21+$0x40];
	_ =	sdelay $0x4  }
0x576: {  	[tilespmem:v50+s28+$0x0] =	vst.idx.msk $0xffff, v35  }
0x577: {  	v51 =	vadd.s32 v24, v37;
	v35 =	vld [tilespmem:s21+$0x50];
	_ =	sdelay $0x4  }
0x578: {  	[tilespmem:v51+s28+$0x0] =	vst.idx.msk $0xffff, v35  }
0x579: {  	v52 =	vadd.s32 v25, v37;
	v35 =	vld [tilespmem:s21+$0x60];
	_ =	sdelay $0x4  }
0x57a: {  	[tilespmem:v52+s28+$0x0] =	vst.idx.msk $0xffff, v35  }
0x57b: {  	s24 =	sadd.s32 $0x6, s23;
	v53 =	vadd.s32 v26, v37;
	v35 =	vld [tilespmem:s21+$0x70]  }
0x57c: {  	v54 =	vmov s24  }
0x57d: {  	v37 =	vshrl.u32 v54, $0x3  }
0x57e: {  	v37 =	vshll.u32 v37, v3  }
0x57f: {  	v37 =	vbroadcast v37, $0x0  }
0x580: {  	[tilespmem:v53+s28+$0x0] =	vst.idx.msk $0xffff, v35  }
0x581: {  	v55 =	vadd.s32 v27, v37;
	v35 =	vld [tilespmem:s21+$0x80];
	_ =	sdelay $0x4  }
0x582: {  	[tilespmem:v55+s28+$0x0] =	vst.idx.msk $0xffff, v35  }
0x583: {  	v56 =	vadd.s32 v28, v37;
	v35 =	vld [tilespmem:s21+$0x90];
	_ =	sdelay $0x4  }
0x584: {  	[tilespmem:v56+s28+$0x0] =	vst.idx.msk $0xffff, v35  }
0x585: {  	v57 =	vadd.s32 v29, v37;
	v35 =	vld [tilespmem:s21+$0xA0];
	_ =	sdelay $0x4  }
0x586: {  	[tilespmem:v57+s28+$0x0] =	vst.idx.msk $0xffff, v35  }
0x587: {  	s23 =	sadd.s32 $0x7, s23;
	v58 =	vadd.s32 v30, v37;
	v35 =	vld [tilespmem:s21+$0xB0]  }
0x588: {  	v59 =	vmov s23  }
0x589: {  	v37 =	vshrl.u32 v59, $0x3  }
0x58a: {  	v37 =	vshll.u32 v37, v3  }
0x58b: {  	v37 =	vbroadcast v37, $0x0  }
0x58c: {  	[tilespmem:v58+s28+$0x0] =	vst.idx.msk $0xffff, v35  }
0x58d: {  	v60 =	vadd.s32 v31, v37;
	v35 =	vld [tilespmem:s21+$0xC0];
	_ =	sdelay $0x4  }
0x58e: {  	[tilespmem:v60+s28+$0x0] =	vst.idx.msk $0xffff, v35  }
0x58f: {  	v61 =	vadd.s32 v32, v37;
	v35 =	vld [tilespmem:s21+$0xD0];
	_ =	sdelay $0x4  }
0x590: {  	[tilespmem:v61+s28+$0x0] =	vst.idx.msk $0xffff, v35  }
0x591: {  	v62 =	vadd.s32 v33, v37;
	v35 =	vld [tilespmem:s21+$0xE0];
	_ =	sdelay $0x4  }
0x592: {  	[tilespmem:v62+s28+$0x0] =	vst.idx.msk $0xffff, v35  }
0x593: {  	v63 =	vadd.s32 v34, v37;
	v35 =	vld [tilespmem:s21+$0xF0];
	_ =	sdelay $0x1  }
0x594: {  	s22 =	sshll.u32 s17, $0x7;
	s24 =	sshll.u32 s17, $0xA  }
0x595: {  	s17 =	sand.u32 $0xF00, s22;
	s21 =	sand.u32 $0xFFF8000, s24  }
0x596: {  	s17 =	sor.u32 s17, s21  }
0x597: {  	s21 =	sadd.s32 s2, s17;
	[tilespmem:v63+s28+$0x0] =	vst.idx.msk $0xffff, v35  }
0x598: {  	[hbm4b:s21+s3] =	stream.linear.scatter [tilespmem:s28], [sflag:$0x5], $0x80, $0x38;
	[tilespmem:$0xC600] =	vst v63  }
0x599: {  	s24 =	simm.s32 $0x8288;
	s23 =	sadd.s32 $0x10, s21  }
0x59a: {  	[hbm4b:s23+s3] =	stream.linear.scatter [tilespmem:s24], [sflag:$0x5], $0x80, $0x38;
	[tilespmem:$0xC600] =	vst v63  }
0x59b: {  	s23 =	sadd.s32 $0x20, s21;
	s24 =	simm.s32 $0x8310  }
0x59c: {  	[hbm4b:s23+s3] =	stream.linear.scatter [tilespmem:s24], [sflag:$0x5], $0x80, $0x38;
	[tilespmem:$0xC600] =	vst v63  }
0x59d: {  	s23 =	sadd.s32 $0x30, s21;
	s24 =	simm.s32 $0x8398  }
0x59e: {  	[hbm4b:s23+s3] =	stream.linear.scatter [tilespmem:s24], [sflag:$0x5], $0x80, $0x38;
	[tilespmem:$0xC600] =	vst v63  }
0x59f: {  	s23 =	sadd.s32 $0x40, s21;
	s24 =	simm.s32 $0x8420  }
0x5a0: {  	[hbm4b:s23+s3] =	stream.linear.scatter [tilespmem:s24], [sflag:$0x5], $0x80, $0x38;
	[tilespmem:$0xC600] =	vst v63  }
0x5a1: {  	s23 =	sadd.s32 $0x50, s21;
	s24 =	simm.s32 $0x84A8  }
0x5a2: {  	[hbm4b:s23+s3] =	stream.linear.scatter [tilespmem:s24], [sflag:$0x5], $0x80, $0x38;
	[tilespmem:$0xC600] =	vst v63  }
0x5a3: {  	s23 =	sadd.s32 $0x60, s21;
	s24 =	simm.s32 $0x8530  }
0x5a4: {  	[hbm4b:s23+s3] =	stream.linear.scatter [tilespmem:s24], [sflag:$0x5], $0x80, $0x38;
	[tilespmem:$0xC600] =	vst v63  }
0x5a5: {  	s21 =	sadd.s32 $0x70, s21;
	s23 =	simm.s32 $0x85B8  }
0x5a6: {  	[hbm4b:s21+s3] =	stream.linear.scatter [tilespmem:s23], [sflag:$0x5], $0x80, $0x38;
	[tilespmem:$0xC600] =	vst v63  }
0x5a7: {  	s24 =	simm.s32 $0x8640;
	s21 =	sadd.s32 s17, s10  }
0x5a8: {  	[hbm4b:s21+s3] =	stream.linear.scatter [tilespmem:s24], [sflag:$0x5], $0x80, $0x38;
	[tilespmem:$0xC600] =	vst v63  }
0x5a9: {  	s23 =	sadd.s32 $0x10, s21;
	s24 =	simm.s32 $0x86C8  }
0x5aa: {  	[hbm4b:s23+s3] =	stream.linear.scatter [tilespmem:s24], [sflag:$0x5], $0x80, $0x38;
	[tilespmem:$0xC600] =	vst v63  }
0x5ab: {  	s23 =	sadd.s32 $0x20, s21;
	s24 =	simm.s32 $0x8750  }
0x5ac: {  	[hbm4b:s23+s3] =	stream.linear.scatter [tilespmem:s24], [sflag:$0x5], $0x80, $0x38;
	[tilespmem:$0xC600] =	vst v63  }
0x5ad: {  	s23 =	sadd.s32 $0x30, s21;
	s24 =	simm.s32 $0x87D8  }
0x5ae: {  	[hbm4b:s23+s3] =	stream.linear.scatter [tilespmem:s24], [sflag:$0x5], $0x80, $0x38;
	[tilespmem:$0xC600] =	vst v63  }
0x5af: {  	s23 =	sadd.s32 $0x40, s21;
	s24 =	simm.s32 $0x8860  }
0x5b0: {  	[hbm4b:s23+s3] =	stream.linear.scatter [tilespmem:s24], [sflag:$0x5], $0x80, $0x38;
	[tilespmem:$0xC600] =	vst v63  }
0x5b1: {  	s23 =	sadd.s32 $0x50, s21;
	s24 =	simm.s32 $0x88E8  }
0x5b2: {  	[hbm4b:s23+s3] =	stream.linear.scatter [tilespmem:s24], [sflag:$0x5], $0x80, $0x38;
	[tilespmem:$0xC600] =	vst v63  }
0x5b3: {  	s23 =	sadd.s32 $0x60, s21;
	s24 =	simm.s32 $0x8970  }
0x5b4: {  	[hbm4b:s23+s3] =	stream.linear.scatter [tilespmem:s24], [sflag:$0x5], $0x80, $0x38;
	[tilespmem:$0xC600] =	vst v63  }
0x5b5: {  	s21 =	sadd.s32 $0x70, s21;
	s23 =	simm.s32 $0x89F8  }
0x5b6: {  	[hbm4b:s21+s3] =	stream.linear.scatter [tilespmem:s23], [sflag:$0x5], $0x80, $0x38;
	[tilespmem:$0xC600] =	vst v63  }
0x5b7: {  	s24 =	simm.s32 $0x8A80;
	s21 =	sadd.s32 s17, s11  }
0x5b8: {  	[hbm4b:s21+s3] =	stream.linear.scatter [tilespmem:s24], [sflag:$0x5], $0x80, $0x38;
	[tilespmem:$0xC600] =	vst v63  }
0x5b9: {  	s23 =	sadd.s32 $0x10, s21;
	s24 =	simm.s32 $0x8B08  }
0x5ba: {  	[hbm4b:s23+s3] =	stream.linear.scatter [tilespmem:s24], [sflag:$0x5], $0x80, $0x38;
	[tilespmem:$0xC600] =	vst v63  }
0x5bb: {  	s23 =	sadd.s32 $0x20, s21;
	s24 =	simm.s32 $0x8B90  }
0x5bc: {  	[hbm4b:s23+s3] =	stream.linear.scatter [tilespmem:s24], [sflag:$0x5], $0x80, $0x38;
	[tilespmem:$0xC600] =	vst v63  }
0x5bd: {  	s23 =	sadd.s32 $0x30, s21;
	s24 =	simm.s32 $0x8C18  }
0x5be: {  	[hbm4b:s23+s3] =	stream.linear.scatter [tilespmem:s24], [sflag:$0x5], $0x80, $0x38;
	[tilespmem:$0xC600] =	vst v63  }
0x5bf: {  	s23 =	sadd.s32 $0x40, s21;
	s24 =	simm.s32 $0x8CA0  }
0x5c0: {  	[hbm4b:s23+s3] =	stream.linear.scatter [tilespmem:s24], [sflag:$0x5], $0x80, $0x38;
	[tilespmem:$0xC600] =	vst v63  }
0x5c1: {  	s23 =	sadd.s32 $0x50, s21;
	s24 =	simm.s32 $0x8D28  }
0x5c2: {  	[hbm4b:s23+s3] =	stream.linear.scatter [tilespmem:s24], [sflag:$0x5], $0x80, $0x38;
	[tilespmem:$0xC600] =	vst v63  }
0x5c3: {  	s23 =	sadd.s32 $0x60, s21;
	s24 =	simm.s32 $0x8DB0  }
0x5c4: {  	[hbm4b:s23+s3] =	stream.linear.scatter [tilespmem:s24], [sflag:$0x5], $0x80, $0x38;
	[tilespmem:$0xC600] =	vst v63  }
0x5c5: {  	s21 =	sadd.s32 $0x70, s21;
	s23 =	simm.s32 $0x8E38  }
0x5c6: {  	[hbm4b:s21+s3] =	stream.linear.scatter [tilespmem:s23], [sflag:$0x5], $0x80, $0x38;
	[tilespmem:$0xC600] =	vst v63  }
0x5c7: {  	s24 =	simm.s32 $0x8EC0;
	s21 =	sadd.s32 s17, s12  }
0x5c8: {  	[hbm4b:s21+s3] =	stream.linear.scatter [tilespmem:s24], [sflag:$0x5], $0x80, $0x38;
	[tilespmem:$0xC600] =	vst v63  }
0x5c9: {  	s23 =	sadd.s32 $0x10, s21;
	s24 =	simm.s32 $0x8F48  }
0x5ca: {  	[hbm4b:s23+s3] =	stream.linear.scatter [tilespmem:s24], [sflag:$0x5], $0x80, $0x38;
	[tilespmem:$0xC600] =	vst v63  }
0x5cb: {  	s23 =	sadd.s32 $0x20, s21;
	s24 =	simm.s32 $0x8FD0  }
0x5cc: {  	[hbm4b:s23+s3] =	stream.linear.scatter [tilespmem:s24], [sflag:$0x5], $0x80, $0x38;
	[tilespmem:$0xC600] =	vst v63  }
0x5cd: {  	s23 =	sadd.s32 $0x30, s21;
	s24 =	simm.s32 $0x9058  }
0x5ce: {  	[hbm4b:s23+s3] =	stream.linear.scatter [tilespmem:s24], [sflag:$0x5], $0x80, $0x38;
	[tilespmem:$0xC600] =	vst v63  }
0x5cf: {  	s23 =	sadd.s32 $0x40, s21;
	s24 =	simm.s32 $0x90E0  }
0x5d0: {  	[hbm4b:s23+s3] =	stream.linear.scatter [tilespmem:s24], [sflag:$0x5], $0x80, $0x38;
	[tilespmem:$0xC600] =	vst v63  }
0x5d1: {  	s23 =	sadd.s32 $0x50, s21;
	s24 =	simm.s32 $0x9168  }
0x5d2: {  	[hbm4b:s23+s3] =	stream.linear.scatter [tilespmem:s24], [sflag:$0x5], $0x80, $0x38;
	[tilespmem:$0xC600] =	vst v63  }
0x5d3: {  	s23 =	sadd.s32 $0x60, s21;
	s24 =	simm.s32 $0x91F0  }
0x5d4: {  	[hbm4b:s23+s3] =	stream.linear.scatter [tilespmem:s24], [sflag:$0x5], $0x80, $0x38;
	[tilespmem:$0xC600] =	vst v63  }
0x5d5: {  	s21 =	sadd.s32 $0x70, s21;
	s23 =	simm.s32 $0x9278  }
0x5d6: {  	[hbm4b:s21+s3] =	stream.linear.scatter [tilespmem:s23], [sflag:$0x5], $0x80, $0x38;
	[tilespmem:$0xC600] =	vst v63  }
0x5d7: {  	s24 =	simm.s32 $0x9300;
	s21 =	sadd.s32 s17, s13  }
0x5d8: {  	[hbm4b:s21+s3] =	stream.linear.scatter [tilespmem:s24], [sflag:$0x5], $0x80, $0x38;
	[tilespmem:$0xC600] =	vst v63  }
0x5d9: {  	s23 =	sadd.s32 $0x10, s21;
	s24 =	simm.s32 $0x9388  }
0x5da: {  	[hbm4b:s23+s3] =	stream.linear.scatter [tilespmem:s24], [sflag:$0x5], $0x80, $0x38;
	[tilespmem:$0xC600] =	vst v63  }
0x5db: {  	s23 =	sadd.s32 $0x20, s21;
	s24 =	simm.s32 $0x9410  }
0x5dc: {  	[hbm4b:s23+s3] =	stream.linear.scatter [tilespmem:s24], [sflag:$0x5], $0x80, $0x38;
	[tilespmem:$0xC600] =	vst v63  }
0x5dd: {  	s23 =	sadd.s32 $0x30, s21;
	s24 =	simm.s32 $0x9498  }
0x5de: {  	[hbm4b:s23+s3] =	stream.linear.scatter [tilespmem:s24], [sflag:$0x5], $0x80, $0x38;
	[tilespmem:$0xC600] =	vst v63  }
0x5df: {  	s23 =	sadd.s32 $0x40, s21;
	s24 =	simm.s32 $0x9520  }
0x5e0: {  	[hbm4b:s23+s3] =	stream.linear.scatter [tilespmem:s24], [sflag:$0x5], $0x80, $0x38;
	[tilespmem:$0xC600] =	vst v63  }
0x5e1: {  	s23 =	sadd.s32 $0x50, s21;
	s24 =	simm.s32 $0x95A8  }
0x5e2: {  	[hbm4b:s23+s3] =	stream.linear.scatter [tilespmem:s24], [sflag:$0x5], $0x80, $0x38;
	[tilespmem:$0xC600] =	vst v63  }
0x5e3: {  	s23 =	sadd.s32 $0x60, s21;
	s24 =	simm.s32 $0x9630  }
0x5e4: {  	[hbm4b:s23+s3] =	stream.linear.scatter [tilespmem:s24], [sflag:$0x5], $0x80, $0x38;
	[tilespmem:$0xC600] =	vst v63  }
0x5e5: {  	s21 =	sadd.s32 $0x70, s21;
	s23 =	simm.s32 $0x96B8  }
0x5e6: {  	[hbm4b:s21+s3] =	stream.linear.scatter [tilespmem:s23], [sflag:$0x5], $0x80, $0x38;
	[tilespmem:$0xC600] =	vst v63  }
0x5e7: {  	s24 =	simm.s32 $0x9740;
	s21 =	sadd.s32 s17, s14  }
0x5e8: {  	[hbm4b:s21+s3] =	stream.linear.scatter [tilespmem:s24], [sflag:$0x5], $0x80, $0x38;
	[tilespmem:$0xC600] =	vst v63  }
0x5e9: {  	s23 =	sadd.s32 $0x10, s21;
	s24 =	simm.s32 $0x97C8  }
0x5ea: {  	[hbm4b:s23+s3] =	stream.linear.scatter [tilespmem:s24], [sflag:$0x5], $0x80, $0x38;
	[tilespmem:$0xC600] =	vst v63  }
0x5eb: {  	s23 =	sadd.s32 $0x20, s21;
	s24 =	simm.s32 $0x9850  }
0x5ec: {  	[hbm4b:s23+s3] =	stream.linear.scatter [tilespmem:s24], [sflag:$0x5], $0x80, $0x38;
	[tilespmem:$0xC600] =	vst v63  }
0x5ed: {  	s23 =	sadd.s32 $0x30, s21;
	s24 =	simm.s32 $0x98D8  }
0x5ee: {  	[hbm4b:s23+s3] =	stream.linear.scatter [tilespmem:s24], [sflag:$0x5], $0x80, $0x38;
	[tilespmem:$0xC600] =	vst v63  }
0x5ef: {  	s23 =	sadd.s32 $0x40, s21;
	s24 =	simm.s32 $0x9960  }
0x5f0: {  	[hbm4b:s23+s3] =	stream.linear.scatter [tilespmem:s24], [sflag:$0x5], $0x80, $0x38;
	[tilespmem:$0xC600] =	vst v63  }
0x5f1: {  	s23 =	sadd.s32 $0x50, s21;
	s24 =	simm.s32 $0x99E8  }
0x5f2: {  	[hbm4b:s23+s3] =	stream.linear.scatter [tilespmem:s24], [sflag:$0x5], $0x80, $0x38;
	[tilespmem:$0xC600] =	vst v63  }
0x5f3: {  	s23 =	sadd.s32 $0x60, s21;
	s24 =	simm.s32 $0x9A70  }
0x5f4: {  	[hbm4b:s23+s3] =	stream.linear.scatter [tilespmem:s24], [sflag:$0x5], $0x80, $0x38;
	[tilespmem:$0xC600] =	vst v63  }
0x5f5: {  	s21 =	sadd.s32 $0x70, s21;
	s23 =	simm.s32 $0x9AF8  }
0x5f6: {  	[hbm4b:s21+s3] =	stream.linear.scatter [tilespmem:s23], [sflag:$0x5], $0x80, $0x38;
	[tilespmem:$0xC600] =	vst v63  }
0x5f7: {  	s24 =	simm.s32 $0x9B80;
	s21 =	sadd.s32 s17, s15  }
0x5f8: {  	[hbm4b:s21+s3] =	stream.linear.scatter [tilespmem:s24], [sflag:$0x5], $0x80, $0x38;
	[tilespmem:$0xC600] =	vst v63  }
0x5f9: {  	s23 =	sadd.s32 $0x10, s21;
	s24 =	simm.s32 $0x9C08  }
0x5fa: {  	[hbm4b:s23+s3] =	stream.linear.scatter [tilespmem:s24], [sflag:$0x5], $0x80, $0x38;
	[tilespmem:$0xC600] =	vst v63  }
0x5fb: {  	s23 =	sadd.s32 $0x20, s21;
	s24 =	simm.s32 $0x9C90  }
0x5fc: {  	[hbm4b:s23+s3] =	stream.linear.scatter [tilespmem:s24], [sflag:$0x5], $0x80, $0x38;
	[tilespmem:$0xC600] =	vst v63  }
0x5fd: {  	s23 =	sadd.s32 $0x30, s21;
	s24 =	simm.s32 $0x9D18  }
0x5fe: {  	[hbm4b:s23+s3] =	stream.linear.scatter [tilespmem:s24], [sflag:$0x5], $0x80, $0x38;
	[tilespmem:$0xC600] =	vst v63  }
0x5ff: {  	s23 =	sadd.s32 $0x40, s21;
	s24 =	simm.s32 $0x9DA0  }
0x600: {  	[hbm4b:s23+s3] =	stream.linear.scatter [tilespmem:s24], [sflag:$0x5], $0x80, $0x38;
	[tilespmem:$0xC600] =	vst v63  }
0x601: {  	s23 =	sadd.s32 $0x50, s21;
	s24 =	simm.s32 $0x9E28  }
0x602: {  	[hbm4b:s23+s3] =	stream.linear.scatter [tilespmem:s24], [sflag:$0x5], $0x80, $0x38;
	[tilespmem:$0xC600] =	vst v63  }
0x603: {  	s23 =	sadd.s32 $0x60, s21;
	s24 =	simm.s32 $0x9EB0  }
0x604: {  	[hbm4b:s23+s3] =	stream.linear.scatter [tilespmem:s24], [sflag:$0x5], $0x80, $0x38;
	[tilespmem:$0xC600] =	vst v63  }
0x605: {  	s21 =	sadd.s32 $0x70, s21;
	s24 =	simm.s32 $0x9F38  }
0x606: {  	[hbm4b:s21+s3] =	stream.linear.scatter [tilespmem:s24], [sflag:$0x5], $0x80, $0x38;
	[tilespmem:$0xC600] =	vst v63  }
0x607: {  	s22 =	simm.s32 $0x9FC0;
	s17 =	sadd.s32 s17, s16  }
0x608: {  	[hbm4b:s17+s3] =	stream.linear.scatter [tilespmem:s22], [sflag:$0x5], $0x80, $0x38;
	[tilespmem:$0xC600] =	vst v63  }
0x609: {  	s23 =	sadd.s32 $0x10, s17;
	s24 =	simm.s32 $0xA048  }
0x60a: {  	[hbm4b:s23+s3] =	stream.linear.scatter [tilespmem:s24], [sflag:$0x5], $0x80, $0x38;
	[tilespmem:$0xC600] =	vst v63  }
0x60b: {  	s23 =	sadd.s32 $0x20, s17;
	s24 =	simm.s32 $0xA0D0  }
0x60c: {  	[hbm4b:s23+s3] =	stream.linear.scatter [tilespmem:s24], [sflag:$0x5], $0x80, $0x38;
	[tilespmem:$0xC600] =	vst v63  }
0x60d: {  	s23 =	sadd.s32 $0x30, s17;
	s24 =	simm.s32 $0xA158  }
0x60e: {  	[hbm4b:s23+s3] =	stream.linear.scatter [tilespmem:s24], [sflag:$0x5], $0x80, $0x38;
	[tilespmem:$0xC600] =	vst v63  }
0x60f: {  	s23 =	sadd.s32 $0x40, s17;
	s24 =	simm.s32 $0xA1E0  }
0x610: {  	[hbm4b:s23+s3] =	stream.linear.scatter [tilespmem:s24], [sflag:$0x5], $0x80, $0x38;
	[tilespmem:$0xC600] =	vst v63  }
0x611: {  	s23 =	sadd.s32 $0x50, s17;
	s24 =	simm.s32 $0xA268  }
0x612: {  	[hbm4b:s23+s3] =	stream.linear.scatter [tilespmem:s24], [sflag:$0x5], $0x80, $0x38;
	[tilespmem:$0xC600] =	vst v63  }
.Ltmp4:
0x613: {  	_ = 	snop;
	(pc) =	sbr.rel @p0 .LBB2_12-.Ltmp4, $4  }
0x614: {  	s22 =	sadd.s32 $0x60, s17;
	s23 =	simm.s32 $0xA2F0  }
0x615: {  	[hbm4b:s22+s3] =	stream.linear.scatter [tilespmem:s23], [sflag:$0x5], $0x80, $0x38;
	[tilespmem:$0xC600] =	vst v63  }
0x616: {  	s8 =	sadd.s32 s5, s8;
	s17 =	sadd.s32 $0x70, s17;
	s24 =	simm.s32 $0xA378  }
0x617: {  	[hbm4b:s17+s3] =	stream.linear.scatter [tilespmem:s24], [sflag:$0x5], $0x80, $0x38;
	[tilespmem:$0xC600] =	vst v63  }
0x618: {  	s17 =	sshll.u32 s8, $0x4  }
0x619: {  	s21 =	simm.s32 $0x100;
	s17 =	sadd.s32 s9, s17  }
0x61a: {  	[tilespmem:s21], [sflag:$0x7] =	stream.linear.gather [hbm4b:s17+s3], $0x80, $0x38;
	[tilespmem:$0xC600] =	vst v63  }
0x61b: {  	_ =	swait.ge [sflag:s18], $0x80  }
0x61c: {  	[sflag:s18] =	ssyncset.done $0x0  }
0x61d: {  	[sflag:s18] =	ssyncadd.s32 $0xFFFFFF80  }
0x61e: {  	v35 =	vld [tilespmem:$0x100]  }
0x61f: {  	v36 =	vld [tilespmem:$0x110]  }
0x620: {  	v37 =	vld [tilespmem:$0x120]  }
0x621: {  	v39 =	vld [tilespmem:$0x130]  }
0x622: {  	v42 =	vld [tilespmem:$0x140]  }
0x623: {  	vm0 =	vgt.s32 v35, $0x79FFF;
	vm6 =	vgt.s32 v35, $0xF411F;
	vm7 =	vgt.s32 v35, $0xF3FFF  }
0x624: {  	v44 =	vld [tilespmem:$0x150];
	vm1 =	vgt.s32 v36, $0x79FFF;
	vm8 =	vgt.s32 v36, $0xF411F;
	vm9 =	vgt.s32 v36, $0xF3FFF  }
0x625: {  	vm10 =	vgt.s32 v37, $0x79FFF;
	vm11 =	vgt.s32 v37, $0xF411F;
	vm12 =	vgt.s32 v37, $0xF3FFF  }
0x626: {  	vm13 =	vgt.s32 v39, $0x79FFF;
	vm14 =	vgt.s32 v39, $0xF411F;
	v35 =	vshll.u32 v35, $0x1  }
0x627: {  	vm15 =	vgt.s32 v39, $0xF3FFF;
	vm4 =	vgt.s32 v42, $0x79FFF;
	v36 =	vshll.u32 v36, $0x1  }
0x628: {  	v49 =	vld [tilespmem:$0x160];
	vm5 =	vgt.s32 v42, $0xF411F;
	v37 =	vshll.u32 v37, $0x1;
	v39 =	vshll.u32 v39, $0x1  }
0x629: {  	v52 =	vld [tilespmem:$0x170];
	v54 =	vshll.u32 v42, $0x1;
	v57 =	vshll.u32 v44, $0x1;
	v38 =	vsel vm0, $0xFFF0C001, v1  }
0x62a: {  	v40 =	vsel vm6, $0xFFF0BDC1, v2;
	v60 =	vsel vm1, $0xFFF0C001, v1;
	v41 =	vsel vm8, $0xFFF0BDC1, v2  }
0x62b: {  	v61 =	vsel vm10, $0xFFF0C001, v1;
	v43 =	vsel vm11, $0xFFF0BDC1, v2;
	v62 =	vsel vm13, $0xFFF0C001, v1  }
0x62c: {  	v45 =	vsel vm14, $0xFFF0BDC1, v2;
	v48 =	vsel vm4, $0xFFF0C001, v1;
	v50 =	vsel vm5, $0xFFF0BDC1, v2  }
0x62d: {  	vm6 =	vgt.s32 v42, $0xF3FFF;
	vm8 =	vgt.s32 v44, $0xF411F;
	vm10 =	vgt.s32 v49, $0x79FFF  }
0x62e: {  	vm11 =	vgt.s32 v49, $0xF411F;
	vm13 =	vgt.s32 v52, $0x79FFF;
	vm14 =	vgt.s32 v52, $0xF411F  }
0x62f: {  	v38 =	vsel vm7, v40, v38;
	v40 =	vsel vm9, v41, v60;
	v41 =	vsel vm12, v43, v61  }
0x630: {  	v63 =	vsel vm15, v45, v62;
	vm7 =	vgt.s32 v44, $0x79FFF;
	v46 =	vsel vm8, $0xFFF0BDC1, v2  }
0x631: {  	vm9 =	vgt.s32 v44, $0xF3FFF;
	v55 =	vsel vm10, $0xFFF0C001, v1;
	v35 =	vadd.s32 v35, v38  }
0x632: {  	v56 =	vsel vm11, $0xFFF0BDC1, v2;
	v58 =	vsel vm13, $0xFFF0C001, v1;
	v36 =	vadd.s32 v36, v40;
	[tilespmem:$0x100] =	vst v35  }
0x633: {  	v60 =	vsel vm14, $0xFFF0BDC1, v2;
	vm15 =	vgt.s32 v52, $0xF3FFF;
	v37 =	vadd.s32 v37, v41;
	[tilespmem:$0x110] =	vst v36  }
0x634: {  	v62 =	vshll.u32 v52, $0x1;
	v40 =	vsel vm6, v50, v48;
	v38 =	vadd.s32 v39, v63;
	[tilespmem:$0x120] =	vst v37  }
0x635: {  	v51 =	vsel vm7, $0xFFF0C001, v1;
	v61 =	vsel vm15, v60, v58;
	v35 =	vadd.s32 v54, v40;
	[tilespmem:$0x130] =	vst v38  }
0x636: {  	vm12 =	vgt.s32 v49, $0xF3FFF;
	v53 =	vsel vm9, v46, v51;
	v63 =	vadd.s32 v62, v61;
	[tilespmem:$0x140] =	vst v35  }
0x637: {  	v59 =	vshll.u32 v49, $0x1;
	v36 =	vsel vm12, v56, v55;
	v37 =	vadd.s32 v57, v53;
	[tilespmem:$0x170] =	vst v63  }
0x638: {  	v35 =	vadd.s32 v59, v36;
	[tilespmem:$0x150] =	vst v37  }
0x639: {  	s24 =	simm.s32 $0x4200;
	[tilespmem:$0x160] =	vst v35  }
0x63a: {  	[tilespmem:s24], [sflag:$0x3] =	stream.indirect.gather [hbm4b:s4+s19], $0x40, s21, s19, $0xb8;
	[tilespmem:$0xC600] =	vst v63  }
.LBB2_12:
0x63b: {  	_ =	swait.ge [sflag:s20], $0x400  }
0x63c: {  	[sflag:s20] =	ssyncset.done $0x0  }
0x63d: {  	[sflag:s20] =	ssyncadd.s32 $0xFFFFFC00  }
0x63e: {  	_ =	swait.ge [sflag:s20], $0x400  }
0x63f: {  	[sflag:s20] =	ssyncset.done $0x0  }
0x640: {  	[sflag:s20] =	ssyncadd.s32 $0xFFFFFC00  }
0x641: {  	_ =	swait.ge [sflag:s20], $0x400  }
0x642: {  	[sflag:s20] =	ssyncset.done $0x0  }
0x643: {  	[sflag:s20] =	ssyncadd.s32 $0xFFFFFC00  }
0x644: {  	_ =	swait.ge [sflag:s20], $0x400  }
0x645: {  	[sflag:s20] =	ssyncset.done $0x0  }
0x646: {  	[sflag:s20] =	ssyncadd.s32 $0xFFFFFC00  }
0x647: {  	_ =	swait.ge [sflag:s20], $0x400  }
0x648: {  	[sflag:s20] =	ssyncset.done $0x0  }
0x649: {  	[sflag:s20] =	ssyncadd.s32 $0xFFFFFC00  }
0x64a: {  	_ =	swait.ge [sflag:s20], $0x400  }
0x64b: {  	[sflag:s20] =	ssyncset.done $0x0  }
0x64c: {  	[sflag:s20] =	ssyncadd.s32 $0xFFFFFC00  }
0x64d: {  	_ =	swait.ge [sflag:s20], $0x400  }
0x64e: {  	[sflag:s20] =	ssyncset.done $0x0  }
0x64f: {  	[sflag:s20] =	ssyncadd.s32 $0xFFFFFC00  }
0x650: {  	s17 =	simm.s32 $0x0;
	_ =	swait.ge [sflag:s20], $0x400  }
0x651: {  	v35 =	vmov s17;
	[sflag:s20] =	ssyncset.done $0x0  }
0x652: {  	v35 =	vshrl.u32 v35, $0x3;
	[sflag:s20] =	ssyncadd.s32 $0xFFFFFC00  }
0x653: {  	v35 =	vshll.u32 v35, v3;
	_ =	swait.ge [sflag:s6], $0x2000  }
0x654: {  	v35 =	vbroadcast v35, $0x0;
	[sflag:s6] =	ssyncset.done $0x0  }
0x655: {  	s17 =	simm.s32 $0x6300;
	[sflag:s6] =	ssyncadd.s32 $0xFFFFE000  }
0x656: {  	v37 =	vadd.s32 v0, v35;
	v36 =	vld [tilespmem:s17+$0xFFFFFF00];
	_ =	sdelay $0x4  }
0x657: {  	[tilespmem:v37+s0+$0x0] =	vst.idx.msk $0xffff, v36  }
0x658: {  	v52 =	vadd.s32 v4, v35;
	v36 =	vld [tilespmem:s17+$0xFFFFFF10];
	_ =	sdelay $0x4  }
0x659: {  	[tilespmem:v52+s0+$0x0] =	vst.idx.msk $0xffff, v36  }
0x65a: {  	v53 =	vadd.s32 v5, v35;
	v36 =	vld [tilespmem:s17+$0xFFFFFF20];
	_ =	sdelay $0x4  }
0x65b: {  	[tilespmem:v53+s0+$0x0] =	vst.idx.msk $0xffff, v36  }
0x65c: {  	s21 =	simm.s32 $0x1;
	v35 =	vadd.s32 v6, v35;
	v36 =	vld [tilespmem:s17+$0xFFFFFF30]  }
0x65d: {  	v54 =	vmov s21  }
0x65e: {  	v37 =	vshrl.u32 v54, $0x3  }
0x65f: {  	v37 =	vshll.u32 v37, v3  }
0x660: {  	v37 =	vbroadcast v37, $0x0  }
0x661: {  	[tilespmem:v35+s0+$0x0] =	vst.idx.msk $0xffff, v36  }
0x662: {  	v55 =	vadd.s32 v7, v37;
	v35 =	vld [tilespmem:s17+$0xFFFFFF40];
	_ =	sdelay $0x4  }
0x663: {  	[tilespmem:v55+s0+$0x0] =	vst.idx.msk $0xffff, v35  }
0x664: {  	v56 =	vadd.s32 v8, v37;
	v35 =	vld [tilespmem:s17+$0xFFFFFF50];
	_ =	sdelay $0x4  }
0x665: {  	[tilespmem:v56+s0+$0x0] =	vst.idx.msk $0xffff, v35  }
0x666: {  	v57 =	vadd.s32 v9, v37;
	v35 =	vld [tilespmem:s17+$0xFFFFFF60];
	_ =	sdelay $0x4  }
0x667: {  	[tilespmem:v57+s0+$0x0] =	vst.idx.msk $0xffff, v35  }
0x668: {  	s22 =	simm.s32 $0x2;
	v58 =	vadd.s32 v10, v37;
	v35 =	vld [tilespmem:s17+$0xFFFFFF70]  }
0x669: {  	v59 =	vmov s22  }
0x66a: {  	v37 =	vshrl.u32 v59, $0x3  }
0x66b: {  	v37 =	vshll.u32 v37, v3  }
0x66c: {  	v37 =	vbroadcast v37, $0x0  }
0x66d: {  	[tilespmem:v58+s0+$0x0] =	vst.idx.msk $0xffff, v35  }
0x66e: {  	v60 =	vadd.s32 v11, v37;
	v35 =	vld [tilespmem:s17+$0xFFFFFF80];
	_ =	sdelay $0x4  }
0x66f: {  	[tilespmem:v60+s0+$0x0] =	vst.idx.msk $0xffff, v35  }
0x670: {  	v61 =	vadd.s32 v12, v37;
	v35 =	vld [tilespmem:s17+$0xFFFFFF90];
	_ =	sdelay $0x4  }
0x671: {  	[tilespmem:v61+s0+$0x0] =	vst.idx.msk $0xffff, v35  }
0x672: {  	v62 =	vadd.s32 v13, v37;
	v35 =	vld [tilespmem:s17+$0xFFFFFFA0];
	_ =	sdelay $0x4  }
0x673: {  	[tilespmem:v62+s0+$0x0] =	vst.idx.msk $0xffff, v35  }
0x674: {  	s23 =	simm.s32 $0x3;
	v63 =	vadd.s32 v14, v37;
	v35 =	vld [tilespmem:s17+$0xFFFFFFB0]  }
0x675: {  	v40 =	vmov s23  }
0x676: {  	v37 =	vshrl.u32 v40, $0x3  }
0x677: {  	v37 =	vshll.u32 v37, v3  }
0x678: {  	v37 =	vbroadcast v37, $0x0  }
0x679: {  	[tilespmem:v63+s0+$0x0] =	vst.idx.msk $0xffff, v35  }
0x67a: {  	v41 =	vadd.s32 v15, v37;
	v35 =	vld [tilespmem:s17+$0xFFFFFFC0];
	_ =	sdelay $0x4  }
0x67b: {  	[tilespmem:v41+s0+$0x0] =	vst.idx.msk $0xffff, v35  }
0x67c: {  	v42 =	vadd.s32 v16, v37;
	v35 =	vld [tilespmem:s17+$0xFFFFFFD0];
	_ =	sdelay $0x4  }
0x67d: {  	[tilespmem:v42+s0+$0x0] =	vst.idx.msk $0xffff, v35  }
0x67e: {  	v43 =	vadd.s32 v17, v37;
	v35 =	vld [tilespmem:s17+$0xFFFFFFE0];
	_ =	sdelay $0x4  }
0x67f: {  	[tilespmem:v43+s0+$0x0] =	vst.idx.msk $0xffff, v35  }
0x680: {  	s24 =	simm.s32 $0x4;
	v44 =	vadd.s32 v18, v37;
	v35 =	vld [tilespmem:s17+$0xFFFFFFF0]  }
0x681: {  	v45 =	vmov s24  }
0x682: {  	v37 =	vshrl.u32 v45, $0x3  }
0x683: {  	v37 =	vshll.u32 v37, v3  }
0x684: {  	v37 =	vbroadcast v37, $0x0  }
0x685: {  	[tilespmem:v44+s0+$0x0] =	vst.idx.msk $0xffff, v35  }
0x686: {  	v46 =	vadd.s32 v19, v37;
	v35 =	vld [tilespmem:s17+$0x0];
	_ =	sdelay $0x4  }
0x687: {  	[tilespmem:v46+s0+$0x0] =	vst.idx.msk $0xffff, v35  }
0x688: {  	v47 =	vadd.s32 v20, v37;
	v35 =	vld [tilespmem:s17+$0x10];
	_ =	sdelay $0x4  }
0x689: {  	[tilespmem:v47+s0+$0x0] =	vst.idx.msk $0xffff, v35  }
0x68a: {  	v48 =	vadd.s32 v21, v37;
	v35 =	vld [tilespmem:s17+$0x20];
	_ =	sdelay $0x4  }
0x68b: {  	[tilespmem:v48+s0+$0x0] =	vst.idx.msk $0xffff, v35  }
0x68c: {  	s22 =	simm.s32 $0x5;
	v49 =	vadd.s32 v22, v37;
	v35 =	vld [tilespmem:s17+$0x30]  }
0x68d: {  	v50 =	vmov s22  }
0x68e: {  	v37 =	vshrl.u32 v50, $0x3  }
0x68f: {  	v37 =	vshll.u32 v37, v3  }
0x690: {  	v37 =	vbroadcast v37, $0x0  }
0x691: {  	[tilespmem:v49+s0+$0x0] =	vst.idx.msk $0xffff, v35  }
0x692: {  	v51 =	vadd.s32 v23, v37;
	v35 =	vld [tilespmem:s17+$0x40];
	_ =	sdelay $0x4  }
0x693: {  	[tilespmem:v51+s0+$0x0] =	vst.idx.msk $0xffff, v35  }
0x694: {  	v52 =	vadd.s32 v24, v37;
	v35 =	vld [tilespmem:s17+$0x50];
	_ =	sdelay $0x4  }
0x695: {  	[tilespmem:v52+s0+$0x0] =	vst.idx.msk $0xffff, v35  }
0x696: {  	v53 =	vadd.s32 v25, v37;
	v35 =	vld [tilespmem:s17+$0x60];
	_ =	sdelay $0x4  }
0x697: {  	[tilespmem:v53+s0+$0x0] =	vst.idx.msk $0xffff, v35  }
0x698: {  	s23 =	simm.s32 $0x6;
	v54 =	vadd.s32 v26, v37;
	v35 =	vld [tilespmem:s17+$0x70]  }
0x699: {  	v55 =	vmov s23  }
0x69a: {  	v37 =	vshrl.u32 v55, $0x3  }
0x69b: {  	v37 =	vshll.u32 v37, v3  }
0x69c: {  	v37 =	vbroadcast v37, $0x0  }
0x69d: {  	[tilespmem:v54+s0+$0x0] =	vst.idx.msk $0xffff, v35  }
0x69e: {  	v56 =	vadd.s32 v27, v37;
	v35 =	vld [tilespmem:s17+$0x80];
	_ =	sdelay $0x4  }
0x69f: {  	[tilespmem:v56+s0+$0x0] =	vst.idx.msk $0xffff, v35  }
0x6a0: {  	v57 =	vadd.s32 v28, v37;
	v35 =	vld [tilespmem:s17+$0x90];
	_ =	sdelay $0x4  }
0x6a1: {  	[tilespmem:v57+s0+$0x0] =	vst.idx.msk $0xffff, v35  }
0x6a2: {  	v58 =	vadd.s32 v29, v37;
	v35 =	vld [tilespmem:s17+$0xA0];
	_ =	sdelay $0x4  }
0x6a3: {  	[tilespmem:v58+s0+$0x0] =	vst.idx.msk $0xffff, v35  }
0x6a4: {  	s24 =	simm.s32 $0x7;
	v59 =	vadd.s32 v30, v37;
	v35 =	vld [tilespmem:s17+$0xB0]  }
0x6a5: {  	v60 =	vmov s24  }
0x6a6: {  	v37 =	vshrl.u32 v60, $0x3  }
0x6a7: {  	v37 =	vshll.u32 v37, v3  }
0x6a8: {  	v37 =	vbroadcast v37, $0x0  }
0x6a9: {  	[tilespmem:v59+s0+$0x0] =	vst.idx.msk $0xffff, v35  }
0x6aa: {  	v61 =	vadd.s32 v31, v37;
	v35 =	vld [tilespmem:s17+$0xC0];
	_ =	sdelay $0x4  }
0x6ab: {  	[tilespmem:v61+s0+$0x0] =	vst.idx.msk $0xffff, v35  }
0x6ac: {  	v62 =	vadd.s32 v32, v37;
	v35 =	vld [tilespmem:s17+$0xD0];
	_ =	sdelay $0x4  }
0x6ad: {  	[tilespmem:v62+s0+$0x0] =	vst.idx.msk $0xffff, v35  }
0x6ae: {  	v63 =	vadd.s32 v33, v37;
	v35 =	vld [tilespmem:s17+$0xE0];
	_ =	sdelay $0x4  }
0x6af: {  	[tilespmem:v63+s0+$0x0] =	vst.idx.msk $0xffff, v35  }
0x6b0: {  	s21 =	simm.s32 $0x8;
	v36 =	vadd.s32 v34, v37;
	v35 =	vld [tilespmem:s17+$0xF0]  }
0x6b1: {  	s22 =	simm.s32 $0x10;
	v37 =	vmov s21  }
.LBB2_13:
0x6b2: {  	p0 =	slt.u32 s22, $0x78;
	v37 =	vshrl.u32 v37, $0x3  }
0x6b3: {  	v37 =	vshll.u32 v37, v3  }
0x6b4: {  	v37 =	vbroadcast v37, $0x0  }
0x6b5: {  	s17 =	sadd.s32 $0x200, s17;
	[tilespmem:v36+s0+$0x0] =	vst.idx.msk $0xffff, v35  }
0x6b6: {  	v35 =	vld [tilespmem:s17+$0xFFFFFF00];
	v36 =	vadd.s32 v0, v37;
	_ =	sdelay $0x4  }
0x6b7: {  	[tilespmem:v36+s0+$0x0] =	vst.idx.msk $0xffff, v35  }
0x6b8: {  	v36 =	vadd.s32 v4, v37;
	v35 =	vld [tilespmem:s17+$0xFFFFFF10];
	_ =	sdelay $0x4  }
0x6b9: {  	[tilespmem:v36+s0+$0x0] =	vst.idx.msk $0xffff, v35  }
0x6ba: {  	v36 =	vadd.s32 v5, v37;
	v35 =	vld [tilespmem:s17+$0xFFFFFF20];
	_ =	sdelay $0x4  }
0x6bb: {  	[tilespmem:v36+s0+$0x0] =	vst.idx.msk $0xffff, v35  }
0x6bc: {  	s23 =	sadd.s32 $0x1, s21;
	v36 =	vadd.s32 v6, v37;
	v35 =	vld [tilespmem:s17+$0xFFFFFF30]  }
0x6bd: {  	v37 =	vmov s23  }
0x6be: {  	v37 =	vshrl.u32 v37, $0x3  }
0x6bf: {  	v37 =	vshll.u32 v37, v3  }
0x6c0: {  	v37 =	vbroadcast v37, $0x0  }
0x6c1: {  	[tilespmem:v36+s0+$0x0] =	vst.idx.msk $0xffff, v35  }
0x6c2: {  	v36 =	vadd.s32 v7, v37;
	v35 =	vld [tilespmem:s17+$0xFFFFFF40];
	_ =	sdelay $0x4  }
0x6c3: {  	[tilespmem:v36+s0+$0x0] =	vst.idx.msk $0xffff, v35  }
0x6c4: {  	v36 =	vadd.s32 v8, v37;
	v35 =	vld [tilespmem:s17+$0xFFFFFF50];
	_ =	sdelay $0x4  }
0x6c5: {  	[tilespmem:v36+s0+$0x0] =	vst.idx.msk $0xffff, v35  }
0x6c6: {  	v36 =	vadd.s32 v9, v37;
	v35 =	vld [tilespmem:s17+$0xFFFFFF60];
	_ =	sdelay $0x4  }
0x6c7: {  	[tilespmem:v36+s0+$0x0] =	vst.idx.msk $0xffff, v35  }
0x6c8: {  	s23 =	sadd.s32 $0x2, s21;
	v36 =	vadd.s32 v10, v37;
	v35 =	vld [tilespmem:s17+$0xFFFFFF70]  }
0x6c9: {  	v37 =	vmov s23  }
0x6ca: {  	v37 =	vshrl.u32 v37, $0x3  }
0x6cb: {  	v37 =	vshll.u32 v37, v3  }
0x6cc: {  	v37 =	vbroadcast v37, $0x0  }
0x6cd: {  	[tilespmem:v36+s0+$0x0] =	vst.idx.msk $0xffff, v35  }
0x6ce: {  	v36 =	vadd.s32 v11, v37;
	v35 =	vld [tilespmem:s17+$0xFFFFFF80];
	_ =	sdelay $0x4  }
0x6cf: {  	[tilespmem:v36+s0+$0x0] =	vst.idx.msk $0xffff, v35  }
0x6d0: {  	v36 =	vadd.s32 v12, v37;
	v35 =	vld [tilespmem:s17+$0xFFFFFF90];
	_ =	sdelay $0x4  }
0x6d1: {  	[tilespmem:v36+s0+$0x0] =	vst.idx.msk $0xffff, v35  }
0x6d2: {  	v36 =	vadd.s32 v13, v37;
	v35 =	vld [tilespmem:s17+$0xFFFFFFA0];
	_ =	sdelay $0x4  }
0x6d3: {  	[tilespmem:v36+s0+$0x0] =	vst.idx.msk $0xffff, v35  }
0x6d4: {  	s23 =	sadd.s32 $0x3, s21;
	v36 =	vadd.s32 v14, v37;
	v35 =	vld [tilespmem:s17+$0xFFFFFFB0]  }
0x6d5: {  	v37 =	vmov s23  }
0x6d6: {  	v37 =	vshrl.u32 v37, $0x3  }
0x6d7: {  	v37 =	vshll.u32 v37, v3  }
0x6d8: {  	v37 =	vbroadcast v37, $0x0  }
0x6d9: {  	[tilespmem:v36+s0+$0x0] =	vst.idx.msk $0xffff, v35  }
0x6da: {  	v36 =	vadd.s32 v15, v37;
	v35 =	vld [tilespmem:s17+$0xFFFFFFC0];
	_ =	sdelay $0x4  }
0x6db: {  	[tilespmem:v36+s0+$0x0] =	vst.idx.msk $0xffff, v35  }
0x6dc: {  	v36 =	vadd.s32 v16, v37;
	v35 =	vld [tilespmem:s17+$0xFFFFFFD0];
	_ =	sdelay $0x4  }
0x6dd: {  	[tilespmem:v36+s0+$0x0] =	vst.idx.msk $0xffff, v35  }
0x6de: {  	v36 =	vadd.s32 v17, v37;
	v35 =	vld [tilespmem:s17+$0xFFFFFFE0];
	_ =	sdelay $0x4  }
0x6df: {  	[tilespmem:v36+s0+$0x0] =	vst.idx.msk $0xffff, v35  }
0x6e0: {  	s23 =	sadd.s32 $0x4, s21;
	v36 =	vadd.s32 v18, v37;
	v35 =	vld [tilespmem:s17+$0xFFFFFFF0]  }
0x6e1: {  	v37 =	vmov s23  }
0x6e2: {  	v37 =	vshrl.u32 v37, $0x3  }
0x6e3: {  	v37 =	vshll.u32 v37, v3  }
0x6e4: {  	v37 =	vbroadcast v37, $0x0  }
0x6e5: {  	[tilespmem:v36+s0+$0x0] =	vst.idx.msk $0xffff, v35  }
0x6e6: {  	v36 =	vadd.s32 v19, v37;
	v35 =	vld [tilespmem:s17+$0x0];
	_ =	sdelay $0x4  }
0x6e7: {  	[tilespmem:v36+s0+$0x0] =	vst.idx.msk $0xffff, v35  }
0x6e8: {  	v36 =	vadd.s32 v20, v37;
	v35 =	vld [tilespmem:s17+$0x10];
	_ =	sdelay $0x4  }
0x6e9: {  	[tilespmem:v36+s0+$0x0] =	vst.idx.msk $0xffff, v35  }
0x6ea: {  	v36 =	vadd.s32 v21, v37;
	v35 =	vld [tilespmem:s17+$0x20];
	_ =	sdelay $0x4  }
0x6eb: {  	[tilespmem:v36+s0+$0x0] =	vst.idx.msk $0xffff, v35  }
0x6ec: {  	s23 =	sadd.s32 $0x5, s21;
	v36 =	vadd.s32 v22, v37;
	v35 =	vld [tilespmem:s17+$0x30]  }
0x6ed: {  	v37 =	vmov s23  }
0x6ee: {  	v37 =	vshrl.u32 v37, $0x3  }
0x6ef: {  	v37 =	vshll.u32 v37, v3  }
0x6f0: {  	v37 =	vbroadcast v37, $0x0  }
0x6f1: {  	[tilespmem:v36+s0+$0x0] =	vst.idx.msk $0xffff, v35  }
0x6f2: {  	v36 =	vadd.s32 v23, v37;
	v35 =	vld [tilespmem:s17+$0x40];
	_ =	sdelay $0x4  }
0x6f3: {  	[tilespmem:v36+s0+$0x0] =	vst.idx.msk $0xffff, v35  }
0x6f4: {  	v36 =	vadd.s32 v24, v37;
	v35 =	vld [tilespmem:s17+$0x50];
	_ =	sdelay $0x4  }
0x6f5: {  	[tilespmem:v36+s0+$0x0] =	vst.idx.msk $0xffff, v35  }
0x6f6: {  	v36 =	vadd.s32 v25, v37;
	v35 =	vld [tilespmem:s17+$0x60];
	_ =	sdelay $0x4  }
0x6f7: {  	[tilespmem:v36+s0+$0x0] =	vst.idx.msk $0xffff, v35  }
0x6f8: {  	s23 =	sadd.s32 $0x6, s21;
	v36 =	vadd.s32 v26, v37;
	v35 =	vld [tilespmem:s17+$0x70]  }
0x6f9: {  	v37 =	vmov s23  }
0x6fa: {  	v37 =	vshrl.u32 v37, $0x3  }
0x6fb: {  	v37 =	vshll.u32 v37, v3  }
0x6fc: {  	v37 =	vbroadcast v37, $0x0  }
0x6fd: {  	[tilespmem:v36+s0+$0x0] =	vst.idx.msk $0xffff, v35  }
0x6fe: {  	v36 =	vadd.s32 v27, v37;
	v35 =	vld [tilespmem:s17+$0x80];
	_ =	sdelay $0x4  }
0x6ff: {  	[tilespmem:v36+s0+$0x0] =	vst.idx.msk $0xffff, v35  }
0x700: {  	v36 =	vadd.s32 v28, v37;
	v35 =	vld [tilespmem:s17+$0x90];
	_ =	sdelay $0x4  }
0x701: {  	[tilespmem:v36+s0+$0x0] =	vst.idx.msk $0xffff, v35  }
0x702: {  	v36 =	vadd.s32 v29, v37;
	v35 =	vld [tilespmem:s17+$0xA0];
	_ =	sdelay $0x4  }
0x703: {  	[tilespmem:v36+s0+$0x0] =	vst.idx.msk $0xffff, v35  }
0x704: {  	s23 =	sadd.s32 $0x7, s21;
	s21 =	smov.u32 s22;
	v36 =	vadd.s32 v30, v37;
	v35 =	vld [tilespmem:s17+$0xB0]  }
0x705: {  	v37 =	vmov s23  }
0x706: {  	v37 =	vshrl.u32 v37, $0x3  }
0x707: {  	v37 =	vshll.u32 v37, v3  }
0x708: {  	v37 =	vbroadcast v37, $0x0  }
0x709: {  	[tilespmem:v36+s0+$0x0] =	vst.idx.msk $0xffff, v35  }
0x70a: {  	v36 =	vadd.s32 v31, v37;
	v35 =	vld [tilespmem:s17+$0xC0];
	_ =	sdelay $0x4  }
0x70b: {  	[tilespmem:v36+s0+$0x0] =	vst.idx.msk $0xffff, v35  }
0x70c: {  	v36 =	vadd.s32 v32, v37;
	v35 =	vld [tilespmem:s17+$0xD0];
	_ =	sdelay $0x4  }
0x70d: {  	[tilespmem:v36+s0+$0x0] =	vst.idx.msk $0xffff, v35  }
0x70e: {  	v36 =	vadd.s32 v33, v37;
	v35 =	vld [tilespmem:s17+$0xE0];
	_ =	sdelay $0x2  }
.Ltmp5:
0x70f: {  	(pc) =	sbr.rel @p0 .LBB2_13-.Ltmp5, $4  }
0x710: {  	_ = 	snop  }
0x711: {  	[tilespmem:v36+s0+$0x0] =	vst.idx.msk $0xffff, v35  }
0x712: {  	v36 =	vadd.s32 v34, v37;
	v35 =	vld [tilespmem:s17+$0xF0]  }
0x713: {  	s22 =	sadd.s32 $0x8, s22;
	v37 =	vmov s21  }
0x714: {  	_ = 	snop  }
0x715: {  	v37 =	vshrl.u32 v37, $0x3  }
0x716: {  	v37 =	vshll.u32 v37, v3  }
0x717: {  	v37 =	vbroadcast v37, $0x0  }
0x718: {  	s17 =	sadd.s32 $0x200, s17;
	[tilespmem:v36+s0+$0x0] =	vst.idx.msk $0xffff, v35  }
0x719: {  	v35 =	vld [tilespmem:s17+$0xFFFFFF00];
	v51 =	vadd.s32 v0, v37;
	_ =	sdelay $0x4  }
0x71a: {  	[tilespmem:v51+s0+$0x0] =	vst.idx.msk $0xffff, v35  }
0x71b: {  	v52 =	vadd.s32 v4, v37;
	v35 =	vld [tilespmem:s17+$0xFFFFFF10];
	_ =	sdelay $0x4  }
0x71c: {  	[tilespmem:v52+s0+$0x0] =	vst.idx.msk $0xffff, v35  }
0x71d: {  	v53 =	vadd.s32 v5, v37;
	v35 =	vld [tilespmem:s17+$0xFFFFFF20];
	_ =	sdelay $0x4  }
0x71e: {  	[tilespmem:v53+s0+$0x0] =	vst.idx.msk $0xffff, v35  }
0x71f: {  	s22 =	sadd.s32 $0x1, s21;
	v54 =	vadd.s32 v6, v37;
	v35 =	vld [tilespmem:s17+$0xFFFFFF30]  }
0x720: {  	v55 =	vmov s22  }
0x721: {  	v37 =	vshrl.u32 v55, $0x3  }
0x722: {  	v37 =	vshll.u32 v37, v3  }
0x723: {  	v37 =	vbroadcast v37, $0x0  }
0x724: {  	[tilespmem:v54+s0+$0x0] =	vst.idx.msk $0xffff, v35  }
0x725: {  	v56 =	vadd.s32 v7, v37;
	v35 =	vld [tilespmem:s17+$0xFFFFFF40];
	_ =	sdelay $0x4  }
0x726: {  	[tilespmem:v56+s0+$0x0] =	vst.idx.msk $0xffff, v35  }
0x727: {  	v57 =	vadd.s32 v8, v37;
	v35 =	vld [tilespmem:s17+$0xFFFFFF50];
	_ =	sdelay $0x4  }
0x728: {  	[tilespmem:v57+s0+$0x0] =	vst.idx.msk $0xffff, v35  }
0x729: {  	v58 =	vadd.s32 v9, v37;
	v35 =	vld [tilespmem:s17+$0xFFFFFF60];
	_ =	sdelay $0x4  }
0x72a: {  	[tilespmem:v58+s0+$0x0] =	vst.idx.msk $0xffff, v35  }
0x72b: {  	s23 =	sadd.s32 $0x2, s21;
	v59 =	vadd.s32 v10, v37;
	v35 =	vld [tilespmem:s17+$0xFFFFFF70]  }
0x72c: {  	v60 =	vmov s23  }
0x72d: {  	v37 =	vshrl.u32 v60, $0x3  }
0x72e: {  	v37 =	vshll.u32 v37, v3  }
0x72f: {  	v37 =	vbroadcast v37, $0x0  }
0x730: {  	[tilespmem:v59+s0+$0x0] =	vst.idx.msk $0xffff, v35  }
0x731: {  	v61 =	vadd.s32 v11, v37;
	v35 =	vld [tilespmem:s17+$0xFFFFFF80];
	_ =	sdelay $0x4  }
0x732: {  	[tilespmem:v61+s0+$0x0] =	vst.idx.msk $0xffff, v35  }
0x733: {  	v62 =	vadd.s32 v12, v37;
	v35 =	vld [tilespmem:s17+$0xFFFFFF90];
	_ =	sdelay $0x4  }
0x734: {  	[tilespmem:v62+s0+$0x0] =	vst.idx.msk $0xffff, v35  }
0x735: {  	v63 =	vadd.s32 v13, v37;
	v35 =	vld [tilespmem:s17+$0xFFFFFFA0];
	_ =	sdelay $0x4  }
0x736: {  	[tilespmem:v63+s0+$0x0] =	vst.idx.msk $0xffff, v35  }
0x737: {  	s24 =	sadd.s32 $0x3, s21;
	v40 =	vadd.s32 v14, v37;
	v35 =	vld [tilespmem:s17+$0xFFFFFFB0]  }
0x738: {  	v41 =	vmov s24  }
0x739: {  	v37 =	vshrl.u32 v41, $0x3  }
0x73a: {  	v37 =	vshll.u32 v37, v3  }
0x73b: {  	v37 =	vbroadcast v37, $0x0  }
0x73c: {  	[tilespmem:v40+s0+$0x0] =	vst.idx.msk $0xffff, v35  }
0x73d: {  	v42 =	vadd.s32 v15, v37;
	v35 =	vld [tilespmem:s17+$0xFFFFFFC0];
	_ =	sdelay $0x4  }
0x73e: {  	[tilespmem:v42+s0+$0x0] =	vst.idx.msk $0xffff, v35  }
0x73f: {  	v43 =	vadd.s32 v16, v37;
	v35 =	vld [tilespmem:s17+$0xFFFFFFD0];
	_ =	sdelay $0x4  }
0x740: {  	[tilespmem:v43+s0+$0x0] =	vst.idx.msk $0xffff, v35  }
0x741: {  	v44 =	vadd.s32 v17, v37;
	v35 =	vld [tilespmem:s17+$0xFFFFFFE0];
	_ =	sdelay $0x4  }
0x742: {  	[tilespmem:v44+s0+$0x0] =	vst.idx.msk $0xffff, v35  }
0x743: {  	s23 =	sadd.s32 $0x4, s21;
	v45 =	vadd.s32 v18, v37;
	v35 =	vld [tilespmem:s17+$0xFFFFFFF0]  }
0x744: {  	v46 =	vmov s23  }
0x745: {  	v37 =	vshrl.u32 v46, $0x3  }
0x746: {  	v37 =	vshll.u32 v37, v3  }
0x747: {  	v37 =	vbroadcast v37, $0x0  }
0x748: {  	[tilespmem:v45+s0+$0x0] =	vst.idx.msk $0xffff, v35  }
0x749: {  	v47 =	vadd.s32 v19, v37;
	v35 =	vld [tilespmem:s17+$0x0];
	_ =	sdelay $0x4  }
0x74a: {  	[tilespmem:v47+s0+$0x0] =	vst.idx.msk $0xffff, v35  }
0x74b: {  	v48 =	vadd.s32 v20, v37;
	v35 =	vld [tilespmem:s17+$0x10];
	_ =	sdelay $0x4  }
0x74c: {  	[tilespmem:v48+s0+$0x0] =	vst.idx.msk $0xffff, v35  }
0x74d: {  	v49 =	vadd.s32 v21, v37;
	v35 =	vld [tilespmem:s17+$0x20];
	_ =	sdelay $0x4  }
0x74e: {  	[tilespmem:v49+s0+$0x0] =	vst.idx.msk $0xffff, v35  }
0x74f: {  	s24 =	sadd.s32 $0x5, s21;
	v50 =	vadd.s32 v22, v37;
	v35 =	vld [tilespmem:s17+$0x30]  }
0x750: {  	v51 =	vmov s24  }
0x751: {  	v37 =	vshrl.u32 v51, $0x3  }
0x752: {  	v37 =	vshll.u32 v37, v3  }
0x753: {  	v37 =	vbroadcast v37, $0x0  }
0x754: {  	[tilespmem:v50+s0+$0x0] =	vst.idx.msk $0xffff, v35  }
0x755: {  	v52 =	vadd.s32 v23, v37;
	v35 =	vld [tilespmem:s17+$0x40];
	_ =	sdelay $0x4  }
0x756: {  	[tilespmem:v52+s0+$0x0] =	vst.idx.msk $0xffff, v35  }
0x757: {  	v53 =	vadd.s32 v24, v37;
	v35 =	vld [tilespmem:s17+$0x50];
	_ =	sdelay $0x4  }
0x758: {  	[tilespmem:v53+s0+$0x0] =	vst.idx.msk $0xffff, v35  }
0x759: {  	v54 =	vadd.s32 v25, v37;
	v35 =	vld [tilespmem:s17+$0x60];
	_ =	sdelay $0x4  }
0x75a: {  	[tilespmem:v54+s0+$0x0] =	vst.idx.msk $0xffff, v35  }
0x75b: {  	s23 =	sadd.s32 $0x6, s21;
	v55 =	vadd.s32 v26, v37;
	v35 =	vld [tilespmem:s17+$0x70]  }
0x75c: {  	v56 =	vmov s23  }
0x75d: {  	v37 =	vshrl.u32 v56, $0x3  }
0x75e: {  	v37 =	vshll.u32 v37, v3  }
0x75f: {  	v37 =	vbroadcast v37, $0x0  }
0x760: {  	[tilespmem:v55+s0+$0x0] =	vst.idx.msk $0xffff, v35  }
0x761: {  	v57 =	vadd.s32 v27, v37;
	v35 =	vld [tilespmem:s17+$0x80];
	_ =	sdelay $0x4  }
0x762: {  	[tilespmem:v57+s0+$0x0] =	vst.idx.msk $0xffff, v35  }
0x763: {  	v58 =	vadd.s32 v28, v37;
	v35 =	vld [tilespmem:s17+$0x90];
	_ =	sdelay $0x4  }
0x764: {  	[tilespmem:v58+s0+$0x0] =	vst.idx.msk $0xffff, v35  }
0x765: {  	v59 =	vadd.s32 v29, v37;
	v35 =	vld [tilespmem:s17+$0xA0];
	_ =	sdelay $0x4  }
0x766: {  	[tilespmem:v59+s0+$0x0] =	vst.idx.msk $0xffff, v35  }
0x767: {  	s24 =	sadd.s32 $0x7, s21;
	v60 =	vadd.s32 v30, v37;
	v35 =	vld [tilespmem:s17+$0xB0]  }
0x768: {  	v61 =	vmov s24  }
0x769: {  	v37 =	vshrl.u32 v61, $0x3  }
0x76a: {  	v37 =	vshll.u32 v37, v3  }
0x76b: {  	v37 =	vbroadcast v37, $0x0  }
0x76c: {  	[tilespmem:v60+s0+$0x0] =	vst.idx.msk $0xffff, v35  }
0x76d: {  	v62 =	vadd.s32 v31, v37;
	v35 =	vld [tilespmem:s17+$0xC0];
	_ =	sdelay $0x4  }
0x76e: {  	[tilespmem:v62+s0+$0x0] =	vst.idx.msk $0xffff, v35  }
0x76f: {  	v32 =	vadd.s32 v32, v37;
	v35 =	vld [tilespmem:s17+$0xD0];
	_ =	sdelay $0x4  }
0x770: {  	[tilespmem:v32+s0+$0x0] =	vst.idx.msk $0xffff, v35  }
0x771: {  	v33 =	vadd.s32 v33, v37;
	v32 =	vld [tilespmem:s17+$0xE0];
	_ =	sdelay $0x4  }
0x772: {  	[tilespmem:v33+s0+$0x0] =	vst.idx.msk $0xffff, v32  }
0x773: {  	v63 =	vadd.s32 v34, v37;
	v32 =	vld [tilespmem:s17+$0xF0];
	_ =	sdelay $0x1  }
0x774: {  	s22 =	sshll.u32 s8, $0xA;
	s23 =	sshll.u32 s8, $0x7  }
0x775: {  	s8 =	sand.u32 $0xF80, s23;
	s17 =	sand.u32 $0xFFF8000, s22  }
0x776: {  	s8 =	sor.u32 s8, s17  }
0x777: {  	s17 =	sadd.s32 s2, s8;
	[tilespmem:v63+s0+$0x0] =	vst.idx.msk $0xffff, v32  }
0x778: {  	[hbm4b:s17+s3] =	stream.linear.scatter [tilespmem:s0], [sflag:$0x6], $0x80, $0x38;
	[tilespmem:$0xC600] =	vst v63  }
0x779: {  	s24 =	sadd.s32 $0x10, s17  }
0x77a: {  	[hbm4b:s24+s3] =	stream.linear.scatter [tilespmem:s25], [sflag:$0x6], $0x80, $0x38;
	[tilespmem:$0xC600] =	vst v63  }
0x77b: {  	s23 =	simm.s32 $0xA510;
	s22 =	sadd.s32 $0x20, s17  }
0x77c: {  	[hbm4b:s22+s3] =	stream.linear.scatter [tilespmem:s23], [sflag:$0x6], $0x80, $0x38;
	[tilespmem:$0xC600] =	vst v63  }
0x77d: {  	s24 =	sadd.s32 $0x30, s17;
	s25 =	simm.s32 $0xA598  }
0x77e: {  	[hbm4b:s24+s3] =	stream.linear.scatter [tilespmem:s25], [sflag:$0x6], $0x80, $0x38;
	[tilespmem:$0xC600] =	vst v63  }
0x77f: {  	s22 =	sadd.s32 $0x40, s17;
	s23 =	simm.s32 $0xA620  }
0x780: {  	[hbm4b:s22+s3] =	stream.linear.scatter [tilespmem:s23], [sflag:$0x6], $0x80, $0x38;
	[tilespmem:$0xC600] =	vst v63  }
0x781: {  	s24 =	sadd.s32 $0x50, s17;
	s25 =	simm.s32 $0xA6A8  }
0x782: {  	[hbm4b:s24+s3] =	stream.linear.scatter [tilespmem:s25], [sflag:$0x6], $0x80, $0x38;
	[tilespmem:$0xC600] =	vst v63  }
0x783: {  	s22 =	sadd.s32 $0x60, s17;
	s23 =	simm.s32 $0xA730  }
0x784: {  	[hbm4b:s22+s3] =	stream.linear.scatter [tilespmem:s23], [sflag:$0x6], $0x80, $0x38;
	[tilespmem:$0xC600] =	vst v63  }
0x785: {  	s17 =	sadd.s32 $0x70, s17;
	s24 =	simm.s32 $0xA7B8  }
0x786: {  	[hbm4b:s17+s3] =	stream.linear.scatter [tilespmem:s24], [sflag:$0x6], $0x80, $0x38;
	[tilespmem:$0xC600] =	vst v63  }
0x787: {  	s25 =	simm.s32 $0xA840;
	s17 =	sadd.s32 s8, s10  }
0x788: {  	[hbm4b:s17+s3] =	stream.linear.scatter [tilespmem:s25], [sflag:$0x6], $0x80, $0x38;
	[tilespmem:$0xC600] =	vst v63  }
0x789: {  	s23 =	simm.s32 $0xA8C8;
	s22 =	sadd.s32 $0x10, s17  }
0x78a: {  	[hbm4b:s22+s3] =	stream.linear.scatter [tilespmem:s23], [sflag:$0x6], $0x80, $0x38;
	[tilespmem:$0xC600] =	vst v63  }
0x78b: {  	s24 =	sadd.s32 $0x20, s17;
	s25 =	simm.s32 $0xA950  }
0x78c: {  	[hbm4b:s24+s3] =	stream.linear.scatter [tilespmem:s25], [sflag:$0x6], $0x80, $0x38;
	[tilespmem:$0xC600] =	vst v63  }
0x78d: {  	s22 =	sadd.s32 $0x30, s17;
	s23 =	simm.s32 $0xA9D8  }
0x78e: {  	[hbm4b:s22+s3] =	stream.linear.scatter [tilespmem:s23], [sflag:$0x6], $0x80, $0x38;
	[tilespmem:$0xC600] =	vst v63  }
0x78f: {  	s24 =	sadd.s32 $0x40, s17;
	s25 =	simm.s32 $0xAA60  }
0x790: {  	[hbm4b:s24+s3] =	stream.linear.scatter [tilespmem:s25], [sflag:$0x6], $0x80, $0x38;
	[tilespmem:$0xC600] =	vst v63  }
0x791: {  	s22 =	sadd.s32 $0x50, s17;
	s23 =	simm.s32 $0xAAE8  }
0x792: {  	[hbm4b:s22+s3] =	stream.linear.scatter [tilespmem:s23], [sflag:$0x6], $0x80, $0x38;
	[tilespmem:$0xC600] =	vst v63  }
0x793: {  	s24 =	sadd.s32 $0x60, s17;
	s25 =	simm.s32 $0xAB70  }
0x794: {  	[hbm4b:s24+s3] =	stream.linear.scatter [tilespmem:s25], [sflag:$0x6], $0x80, $0x38;
	[tilespmem:$0xC600] =	vst v63  }
0x795: {  	s17 =	sadd.s32 $0x70, s17;
	s22 =	simm.s32 $0xABF8  }
0x796: {  	[hbm4b:s17+s3] =	stream.linear.scatter [tilespmem:s22], [sflag:$0x6], $0x80, $0x38;
	[tilespmem:$0xC600] =	vst v63  }
0x797: {  	s23 =	simm.s32 $0xAC80;
	s17 =	sadd.s32 s8, s11  }
0x798: {  	[hbm4b:s17+s3] =	stream.linear.scatter [tilespmem:s23], [sflag:$0x6], $0x80, $0x38;
	[tilespmem:$0xC600] =	vst v63  }
0x799: {  	s25 =	simm.s32 $0xAD08;
	s24 =	sadd.s32 $0x10, s17  }
0x79a: {  	[hbm4b:s24+s3] =	stream.linear.scatter [tilespmem:s25], [sflag:$0x6], $0x80, $0x38;
	[tilespmem:$0xC600] =	vst v63  }
0x79b: {  	s22 =	sadd.s32 $0x20, s17;
	s23 =	simm.s32 $0xAD90  }
0x79c: {  	[hbm4b:s22+s3] =	stream.linear.scatter [tilespmem:s23], [sflag:$0x6], $0x80, $0x38;
	[tilespmem:$0xC600] =	vst v63  }
0x79d: {  	s24 =	sadd.s32 $0x30, s17;
	s25 =	simm.s32 $0xAE18  }
0x79e: {  	[hbm4b:s24+s3] =	stream.linear.scatter [tilespmem:s25], [sflag:$0x6], $0x80, $0x38;
	[tilespmem:$0xC600] =	vst v63  }
0x79f: {  	s22 =	sadd.s32 $0x40, s17;
	s23 =	simm.s32 $0xAEA0  }
0x7a0: {  	[hbm4b:s22+s3] =	stream.linear.scatter [tilespmem:s23], [sflag:$0x6], $0x80, $0x38;
	[tilespmem:$0xC600] =	vst v63  }
0x7a1: {  	s24 =	sadd.s32 $0x50, s17;
	s25 =	simm.s32 $0xAF28  }
0x7a2: {  	[hbm4b:s24+s3] =	stream.linear.scatter [tilespmem:s25], [sflag:$0x6], $0x80, $0x38;
	[tilespmem:$0xC600] =	vst v63  }
0x7a3: {  	s22 =	sadd.s32 $0x60, s17;
	s23 =	simm.s32 $0xAFB0  }
0x7a4: {  	[hbm4b:s22+s3] =	stream.linear.scatter [tilespmem:s23], [sflag:$0x6], $0x80, $0x38;
	[tilespmem:$0xC600] =	vst v63  }
0x7a5: {  	s17 =	sadd.s32 $0x70, s17;
	s24 =	simm.s32 $0xB038  }
0x7a6: {  	[hbm4b:s17+s3] =	stream.linear.scatter [tilespmem:s24], [sflag:$0x6], $0x80, $0x38;
	[tilespmem:$0xC600] =	vst v63  }
0x7a7: {  	s25 =	simm.s32 $0xB0C0;
	s17 =	sadd.s32 s8, s12  }
0x7a8: {  	[hbm4b:s17+s3] =	stream.linear.scatter [tilespmem:s25], [sflag:$0x6], $0x80, $0x38;
	[tilespmem:$0xC600] =	vst v63  }
0x7a9: {  	s23 =	simm.s32 $0xB148;
	s22 =	sadd.s32 $0x10, s17  }
0x7aa: {  	[hbm4b:s22+s3] =	stream.linear.scatter [tilespmem:s23], [sflag:$0x6], $0x80, $0x38;
	[tilespmem:$0xC600] =	vst v63  }
0x7ab: {  	s24 =	sadd.s32 $0x20, s17;
	s25 =	simm.s32 $0xB1D0  }
0x7ac: {  	[hbm4b:s24+s3] =	stream.linear.scatter [tilespmem:s25], [sflag:$0x6], $0x80, $0x38;
	[tilespmem:$0xC600] =	vst v63  }
0x7ad: {  	s22 =	sadd.s32 $0x30, s17;
	s23 =	simm.s32 $0xB258  }
0x7ae: {  	[hbm4b:s22+s3] =	stream.linear.scatter [tilespmem:s23], [sflag:$0x6], $0x80, $0x38;
	[tilespmem:$0xC600] =	vst v63  }
0x7af: {  	s24 =	sadd.s32 $0x40, s17;
	s25 =	simm.s32 $0xB2E0  }
0x7b0: {  	[hbm4b:s24+s3] =	stream.linear.scatter [tilespmem:s25], [sflag:$0x6], $0x80, $0x38;
	[tilespmem:$0xC600] =	vst v63  }
0x7b1: {  	s22 =	sadd.s32 $0x50, s17;
	s23 =	simm.s32 $0xB368  }
0x7b2: {  	[hbm4b:s22+s3] =	stream.linear.scatter [tilespmem:s23], [sflag:$0x6], $0x80, $0x38;
	[tilespmem:$0xC600] =	vst v63  }
0x7b3: {  	s24 =	sadd.s32 $0x60, s17;
	s25 =	simm.s32 $0xB3F0  }
0x7b4: {  	[hbm4b:s24+s3] =	stream.linear.scatter [tilespmem:s25], [sflag:$0x6], $0x80, $0x38;
	[tilespmem:$0xC600] =	vst v63  }
0x7b5: {  	s17 =	sadd.s32 $0x70, s17;
	s22 =	simm.s32 $0xB478  }
0x7b6: {  	[hbm4b:s17+s3] =	stream.linear.scatter [tilespmem:s22], [sflag:$0x6], $0x80, $0x38;
	[tilespmem:$0xC600] =	vst v63  }
0x7b7: {  	s23 =	simm.s32 $0xB500;
	s17 =	sadd.s32 s8, s13  }
0x7b8: {  	[hbm4b:s17+s3] =	stream.linear.scatter [tilespmem:s23], [sflag:$0x6], $0x80, $0x38;
	[tilespmem:$0xC600] =	vst v63  }
0x7b9: {  	s25 =	simm.s32 $0xB588;
	s24 =	sadd.s32 $0x10, s17  }
0x7ba: {  	[hbm4b:s24+s3] =	stream.linear.scatter [tilespmem:s25], [sflag:$0x6], $0x80, $0x38;
	[tilespmem:$0xC600] =	vst v63  }
0x7bb: {  	s22 =	sadd.s32 $0x20, s17;
	s23 =	simm.s32 $0xB610  }
0x7bc: {  	[hbm4b:s22+s3] =	stream.linear.scatter [tilespmem:s23], [sflag:$0x6], $0x80, $0x38;
	[tilespmem:$0xC600] =	vst v63  }
0x7bd: {  	s24 =	sadd.s32 $0x30, s17;
	s25 =	simm.s32 $0xB698  }
0x7be: {  	[hbm4b:s24+s3] =	stream.linear.scatter [tilespmem:s25], [sflag:$0x6], $0x80, $0x38;
	[tilespmem:$0xC600] =	vst v63  }
0x7bf: {  	s22 =	sadd.s32 $0x40, s17;
	s23 =	simm.s32 $0xB720  }
0x7c0: {  	[hbm4b:s22+s3] =	stream.linear.scatter [tilespmem:s23], [sflag:$0x6], $0x80, $0x38;
	[tilespmem:$0xC600] =	vst v63  }
0x7c1: {  	s24 =	sadd.s32 $0x50, s17;
	s25 =	simm.s32 $0xB7A8  }
0x7c2: {  	[hbm4b:s24+s3] =	stream.linear.scatter [tilespmem:s25], [sflag:$0x6], $0x80, $0x38;
	[tilespmem:$0xC600] =	vst v63  }
0x7c3: {  	s22 =	sadd.s32 $0x60, s17;
	s23 =	simm.s32 $0xB830  }
0x7c4: {  	[hbm4b:s22+s3] =	stream.linear.scatter [tilespmem:s23], [sflag:$0x6], $0x80, $0x38;
	[tilespmem:$0xC600] =	vst v63  }
0x7c5: {  	s17 =	sadd.s32 $0x70, s17;
	s24 =	simm.s32 $0xB8B8  }
0x7c6: {  	[hbm4b:s17+s3] =	stream.linear.scatter [tilespmem:s24], [sflag:$0x6], $0x80, $0x38;
	[tilespmem:$0xC600] =	vst v63  }
0x7c7: {  	s25 =	simm.s32 $0xB940;
	s17 =	sadd.s32 s8, s14  }
0x7c8: {  	[hbm4b:s17+s3] =	stream.linear.scatter [tilespmem:s25], [sflag:$0x6], $0x80, $0x38;
	[tilespmem:$0xC600] =	vst v63  }
0x7c9: {  	s23 =	simm.s32 $0xB9C8;
	s22 =	sadd.s32 $0x10, s17  }
0x7ca: {  	[hbm4b:s22+s3] =	stream.linear.scatter [tilespmem:s23], [sflag:$0x6], $0x80, $0x38;
	[tilespmem:$0xC600] =	vst v63  }
0x7cb: {  	s24 =	sadd.s32 $0x20, s17;
	s25 =	simm.s32 $0xBA50  }
0x7cc: {  	[hbm4b:s24+s3] =	stream.linear.scatter [tilespmem:s25], [sflag:$0x6], $0x80, $0x38;
	[tilespmem:$0xC600] =	vst v63  }
0x7cd: {  	s22 =	sadd.s32 $0x30, s17;
	s23 =	simm.s32 $0xBAD8  }
0x7ce: {  	[hbm4b:s22+s3] =	stream.linear.scatter [tilespmem:s23], [sflag:$0x6], $0x80, $0x38;
	[tilespmem:$0xC600] =	vst v63  }
0x7cf: {  	s24 =	sadd.s32 $0x40, s17;
	s25 =	simm.s32 $0xBB60  }
0x7d0: {  	[hbm4b:s24+s3] =	stream.linear.scatter [tilespmem:s25], [sflag:$0x6], $0x80, $0x38;
	[tilespmem:$0xC600] =	vst v63  }
0x7d1: {  	s22 =	sadd.s32 $0x50, s17;
	s23 =	simm.s32 $0xBBE8  }
0x7d2: {  	[hbm4b:s22+s3] =	stream.linear.scatter [tilespmem:s23], [sflag:$0x6], $0x80, $0x38;
	[tilespmem:$0xC600] =	vst v63  }
0x7d3: {  	s24 =	sadd.s32 $0x60, s17;
	s25 =	simm.s32 $0xBC70  }
0x7d4: {  	[hbm4b:s24+s3] =	stream.linear.scatter [tilespmem:s25], [sflag:$0x6], $0x80, $0x38;
	[tilespmem:$0xC600] =	vst v63  }
0x7d5: {  	s17 =	sadd.s32 $0x70, s17;
	s22 =	simm.s32 $0xBCF8  }
0x7d6: {  	[hbm4b:s17+s3] =	stream.linear.scatter [tilespmem:s22], [sflag:$0x6], $0x80, $0x38;
	[tilespmem:$0xC600] =	vst v63  }
0x7d7: {  	s23 =	simm.s32 $0xBD80;
	s17 =	sadd.s32 s8, s15  }
0x7d8: {  	[hbm4b:s17+s3] =	stream.linear.scatter [tilespmem:s23], [sflag:$0x6], $0x80, $0x38;
	[tilespmem:$0xC600] =	vst v63  }
0x7d9: {  	s25 =	simm.s32 $0xBE08;
	s24 =	sadd.s32 $0x10, s17  }
0x7da: {  	[hbm4b:s24+s3] =	stream.linear.scatter [tilespmem:s25], [sflag:$0x6], $0x80, $0x38;
	[tilespmem:$0xC600] =	vst v63  }
0x7db: {  	s22 =	sadd.s32 $0x20, s17;
	s23 =	simm.s32 $0xBE90  }
0x7dc: {  	[hbm4b:s22+s3] =	stream.linear.scatter [tilespmem:s23], [sflag:$0x6], $0x80, $0x38;
	[tilespmem:$0xC600] =	vst v63  }
0x7dd: {  	s24 =	sadd.s32 $0x30, s17;
	s25 =	simm.s32 $0xBF18  }
0x7de: {  	[hbm4b:s24+s3] =	stream.linear.scatter [tilespmem:s25], [sflag:$0x6], $0x80, $0x38;
	[tilespmem:$0xC600] =	vst v63  }
0x7df: {  	s22 =	sadd.s32 $0x40, s17;
	s23 =	simm.s32 $0xBFA0  }
0x7e0: {  	[hbm4b:s22+s3] =	stream.linear.scatter [tilespmem:s23], [sflag:$0x6], $0x80, $0x38;
	[tilespmem:$0xC600] =	vst v63  }
0x7e1: {  	s24 =	sadd.s32 $0x50, s17;
	s25 =	simm.s32 $0xC028  }
0x7e2: {  	[hbm4b:s24+s3] =	stream.linear.scatter [tilespmem:s25], [sflag:$0x6], $0x80, $0x38;
	[tilespmem:$0xC600] =	vst v63  }
0x7e3: {  	s23 =	sadd.s32 $0x60, s17;
	s24 =	simm.s32 $0xC0B0  }
0x7e4: {  	[hbm4b:s23+s3] =	stream.linear.scatter [tilespmem:s24], [sflag:$0x6], $0x80, $0x38;
	[tilespmem:$0xC600] =	vst v63  }
0x7e5: {  	s17 =	sadd.s32 $0x70, s17;
	s25 =	simm.s32 $0xC138  }
0x7e6: {  	[hbm4b:s17+s3] =	stream.linear.scatter [tilespmem:s25], [sflag:$0x6], $0x80, $0x38;
	[tilespmem:$0xC600] =	vst v63  }
0x7e7: {  	s21 =	simm.s32 $0xC1C0;
	s8 =	sadd.s32 s8, s16  }
0x7e8: {  	[hbm4b:s8+s3] =	stream.linear.scatter [tilespmem:s21], [sflag:$0x6], $0x80, $0x38;
	[tilespmem:$0xC600] =	vst v63  }
0x7e9: {  	s22 =	sadd.s32 $0x10, s8;
	s23 =	simm.s32 $0xC248  }
0x7ea: {  	[hbm4b:s22+s3] =	stream.linear.scatter [tilespmem:s23], [sflag:$0x6], $0x80, $0x38;
	[tilespmem:$0xC600] =	vst v63  }
0x7eb: {  	s24 =	sadd.s32 $0x20, s8;
	s25 =	simm.s32 $0xC2D0  }
0x7ec: {  	[hbm4b:s24+s3] =	stream.linear.scatter [tilespmem:s25], [sflag:$0x6], $0x80, $0x38;
	[tilespmem:$0xC600] =	vst v63  }
0x7ed: {  	s22 =	sadd.s32 $0x30, s8;
	s23 =	simm.s32 $0xC358  }
0x7ee: {  	[hbm4b:s22+s3] =	stream.linear.scatter [tilespmem:s23], [sflag:$0x6], $0x80, $0x38;
	[tilespmem:$0xC600] =	vst v63  }
0x7ef: {  	s7 =	sadd.s32 $0x1, s7;
	s24 =	sadd.s32 $0x40, s8;
	s25 =	simm.s32 $0xC3E0  }
0x7f0: {  	[hbm4b:s24+s3] =	stream.linear.scatter [tilespmem:s25], [sflag:$0x6], $0x80, $0x38;
	[tilespmem:$0xC600] =	vst v63  }
0x7f1: {  	p0 =	sne.s32 s7, $0x32;
	s22 =	sadd.s32 $0x50, s8;
	s23 =	simm.s32 $0xC468  }
0x7f2: {  	[hbm4b:s22+s3] =	stream.linear.scatter [tilespmem:s23], [sflag:$0x6], $0x80, $0x38;
	[tilespmem:$0xC600] =	vst v63  }
.Ltmp6:
0x7f3: {  	_ = 	snop;
	(pc) =	sbr.rel @p0 .LBB2_2-.Ltmp6, $4  }
0x7f4: {  	s24 =	sadd.s32 $0x60, s8;
	s25 =	simm.s32 $0xC4F0  }
0x7f5: {  	[hbm4b:s24+s3] =	stream.linear.scatter [tilespmem:s25], [sflag:$0x6], $0x80, $0x38;
	[tilespmem:$0xC600] =	vst v63  }
0x7f6: {  	s8 =	sadd.s32 $0x70, s8  }
0x7f7: {  	[hbm4b:s8+s3] =	stream.linear.scatter [tilespmem:s29], [sflag:$0x6], $0x80, $0x38;
	[tilespmem:$0xC600] =	vst v63  }
0x7f8: {  	_ =	swait.ge [sflag:s30], $0x400  }
0x7f9: {  	[sflag:s30] =	ssyncset.done $0x0  }
0x7fa: {  	[sflag:s30] =	ssyncadd.s32 $0xFFFFFC00  }
0x7fb: {  	_ =	swait.ge [sflag:s30], $0x400  }
0x7fc: {  	[sflag:s30] =	ssyncset.done $0x0  }
0x7fd: {  	[sflag:s30] =	ssyncadd.s32 $0xFFFFFC00  }
0x7fe: {  	_ =	swait.ge [sflag:s30], $0x400  }
0x7ff: {  	[sflag:s30] =	ssyncset.done $0x0  }
0x800: {  	[sflag:s30] =	ssyncadd.s32 $0xFFFFFC00  }
0x801: {  	_ =	swait.ge [sflag:s30], $0x400  }
0x802: {  	[sflag:s30] =	ssyncset.done $0x0  }
0x803: {  	[sflag:s30] =	ssyncadd.s32 $0xFFFFFC00  }
0x804: {  	_ =	swait.ge [sflag:s30], $0x400  }
0x805: {  	[sflag:s30] =	ssyncset.done $0x0  }
0x806: {  	[sflag:s30] =	ssyncadd.s32 $0xFFFFFC00  }
0x807: {  	_ =	swait.ge [sflag:s30], $0x400  }
0x808: {  	[sflag:s30] =	ssyncset.done $0x0  }
0x809: {  	[sflag:s30] =	ssyncadd.s32 $0xFFFFFC00  }
0x80a: {  	_ =	swait.ge [sflag:s30], $0x400  }
0x80b: {  	[sflag:s30] =	ssyncset.done $0x0  }
0x80c: {  	[sflag:s30] =	ssyncadd.s32 $0xFFFFFC00  }
0x80d: {  	_ =	swait.ge [sflag:s30], $0x400  }
0x80e: {  	[sflag:s30] =	ssyncset.done $0x0  }
0x80f: {  	[sflag:s30] =	ssyncadd.s32 $0xFFFFFC00  }
0x810: {  	_ =	swait.ge [sflag:s20], $0x400  }
0x811: {  	[sflag:s20] =	ssyncset.done $0x0  }
0x812: {  	[sflag:s20] =	ssyncadd.s32 $0xFFFFFC00  }
0x813: {  	_ =	swait.ge [sflag:s20], $0x400  }
0x814: {  	[sflag:s20] =	ssyncset.done $0x0  }
0x815: {  	[sflag:s20] =	ssyncadd.s32 $0xFFFFFC00  }
0x816: {  	_ =	swait.ge [sflag:s20], $0x400  }
0x817: {  	[sflag:s20] =	ssyncset.done $0x0  }
0x818: {  	[sflag:s20] =	ssyncadd.s32 $0xFFFFFC00  }
0x819: {  	_ =	swait.ge [sflag:s20], $0x400  }
0x81a: {  	[sflag:s20] =	ssyncset.done $0x0  }
0x81b: {  	[sflag:s20] =	ssyncadd.s32 $0xFFFFFC00  }
0x81c: {  	_ =	swait.ge [sflag:s20], $0x400  }
0x81d: {  	[sflag:s20] =	ssyncset.done $0x0  }
0x81e: {  	[sflag:s20] =	ssyncadd.s32 $0xFFFFFC00  }
0x81f: {  	_ =	swait.ge [sflag:s20], $0x400  }
0x820: {  	[sflag:s20] =	ssyncset.done $0x0  }
0x821: {  	[sflag:s20] =	ssyncadd.s32 $0xFFFFFC00  }
0x822: {  	_ =	swait.ge [sflag:s20], $0x400  }
0x823: {  	[sflag:s20] =	ssyncset.done $0x0  }
0x824: {  	[sflag:s20] =	ssyncadd.s32 $0xFFFFFC00  }
0x825: {  	_ =	swait.ge [sflag:s20], $0x400  }
0x826: {  	s8 =	rddreg [dreg:$0x7]  }
0x827: {  	s7 =	rddreg [dreg:$0x6];
	s8 =	sadd.s32 $0x1, s8  }
0x828: {  	p0 =	sne.s32 s8, s7  }
.Ltmp7:
0x829: {  	_ = 	snop;
	(pc) =	sbr.rel @p0 .LBB2_1-.Ltmp7, $3  }
0x82a: {  	_ =	sdelay $0x1  }
0x82b: {  	[sflag:s20] =	ssyncset.done $0x0  }
0x82c: {  	[sflag:s20] =	ssyncadd.s32 $0xFFFFFC00  }
0x82d: {  	_ =	sfence.sel $0x180000  }
0x82e: {  	[bflag:$0x0] =	sbarrier.arrive $0xFFFF  }
0x82f: {  	_ =	strace $0x90000047  }
0x830: {  	s0 =	stileid.u32;
	[bflag:$0x2] =	sbarrier.arrive $0xFFFF  }
0x831: {  	p0 =	sne.s32 s0, $0x0;
	s0 =	rddreg [dreg:$0x2]  }
0x832: {  	s0 =	sadd.s32 @!p0 $0x100000, s0  }
0x833: {  	[sflag:s0] =	ssyncadd.tile.s32 @!p0 $0x1;
	_ =	shalt  }
.Lfunc_end2:
_tile_overlayer_lowered:
.L_overlay_start_2:
0x834: {  	(tag) =	ssettag $0x2  }
0x835: {  	s0 =	rddreg [dreg:$0x0];
	s2 =	stileid.u32  }
0x836: {  	s1 =	rddreg [dreg:$0x1];
	p0 =	sne.s32 s2, $0x0  }
0x837: {  	s3 =	rddreg [dreg:$0x2];
	[bflag:$0x3] =	sbarrier.arrive $0xFFFF;
	s2 =	simm.s32 @!p0 $0x1C07  }
0x838: {  	[timem:s3], [sflag:s2] =	dma.local @!p0 [hbm:s0], s1  }
0x839: {  	s0 =	simm.s32 @!p0 $0x7  }
0x83a: {  	_ =	swait.ge @!p0 [sflag:s0], s1  }
0x83b: {  	s1 =	ssub.s32 @!p0 $0x0, s1;
	[sflag:s0] =	ssyncset.done @!p0 $0x0  }
0x83c: {  	[sflag:s0] =	ssyncadd.s32 @!p0 s1  }
0x83d: {  	[bflag:$0x3] =	sbarrier.arrive $0xFFFF  }
0x83e: {  	_ =	shalt  }

</sc_bundles>
